<compile_context>
chip_gen: v7x
topology: tpu7x:2x2x1
jax: 0.10.2.dev20260603
libtpu: 0.0.44.dev20260713+nightly
codegen_flags: <defaults>
</compile_context>

<pallas_src>
import functools

import jax
import jax.numpy as jnp
from jax import lax
from jax.experimental import pallas as pl
from jax.experimental.pallas import tpu as pltpu
from jax.experimental.pallas import tpu_sc as plsc

H, W = 512, 512
TILE = 16
NBINS = 256
CLIP_LIMIT = 4.0
LANES = 16

_NC = 2
_NS = 16
_NW = _NC * _NS
_STRIP = TILE * W
_CHUNKS = NBINS // LANES
_ROWS = TILE
_NTW = W // TILE


def _clahe_body(img_hbm, map_hbm, out_hbm, imgbuf, outbuf, mapbuf,
                lutbuf_a, histbuf_a, lutbuf_b, histbuf_b,
                lutbuf_c, histbuf_c, lutbuf_d, histbuf_d, sem_in):
    wid = lax.axis_index("s") * _NC + lax.axis_index("c")
    base = wid * _STRIP
    incopy = pltpu.make_async_copy(img_hbm.at[pl.ds(base, _STRIP)], imgbuf,
                                   sem_in)
    incopy.start()
    pltpu.sync_copy(map_hbm, mapbuf)

    sigs = []
    for j in range(_CHUNKS):
        m = mapbuf[pl.ds(j * LANES, LANES)]
        sigs.append(1.0 / (1.0 + jnp.exp(-m)))

    ones = jnp.ones((LANES,), jnp.float32)
    zeros = jnp.zeros((LANES,), jnp.float32)
    iota_f = lax.iota(jnp.int32, LANES).astype(jnp.float32)

    def process_tile(colbase, histbuf, lutbuf):
        for j in range(_CHUNKS):
            histbuf[pl.ds(j * LANES, LANES)] = zeros
        vis = []
        for r in range(_ROWS):
            v = imgbuf[pl.ds(r * W + colbase, LANES)]
            vi = v.astype(jnp.int32)
            vis.append(vi)
            plsc.addupdate_scatter(histbuf, [vi], ones)

        pcs = []
        for j in range(_CHUNKS):
            h = histbuf[pl.ds(j * LANES, LANES)]
            pcs.append(plsc.cumsum(jnp.minimum(h, CLIP_LIMIT)))
        offs = [jnp.float32(0.0)]
        for j in range(_CHUNKS - 1):
            offs.append(offs[j] + pcs[j][LANES - 1])
        carry = offs[-1] + pcs[-1][LANES - 1]
        c00 = pcs[0][0]

        e = (256.0 - carry) * (1.0 / 256.0)
        cmin = c00 + e
        denom = jnp.maximum(256.0 - cmin, 1e-7)
        scale_v = 255.0 / jnp.full((LANES,), denom, jnp.float32)

        iota_e = iota_f * e
        for j in range(_CHUNKS):
            aj = jnp.float32(1 + LANES * j) * e + (offs[j] - cmin)
            cdf = (pcs[j] + iota_e) + aj
            lut = cdf * scale_v * sigs[j]
            lutbuf[pl.ds(j * LANES, LANES)] = lut

        for r in range(_ROWS):
            o = plsc.load_gather(lutbuf, [vis[r]])
            outbuf[pl.ds(r * W + colbase, LANES)] = o

    def quad_body(i, carry_unused):
        colbase = i * (4 * TILE)
        process_tile(colbase, histbuf_a, lutbuf_a)
        process_tile(colbase + TILE, histbuf_b, lutbuf_b)
        process_tile(colbase + 2 * TILE, histbuf_c, lutbuf_c)
        process_tile(colbase + 3 * TILE, histbuf_d, lutbuf_d)
        return carry_unused

    incopy.wait()
    lax.fori_loop(0, _NTW // 4, quad_body, jnp.int32(0))
    pltpu.sync_copy(outbuf, out_hbm.at[pl.ds(base, _STRIP)])


_clahe_sc = pl.kernel(
    _clahe_body,
    out_type=jax.ShapeDtypeStruct((H * W,), jnp.float32),
    mesh=plsc.VectorSubcoreMesh(core_axis_name="c", subcore_axis_name="s"),
    compiler_params=pltpu.CompilerParams(needs_layout_passes=False),
    scratch_types=[
        pltpu.VMEM((_STRIP,), jnp.float32),
        pltpu.VMEM((_STRIP,), jnp.float32),
        pltpu.VMEM((NBINS,), jnp.float32),
        pltpu.VMEM((NBINS,), jnp.float32),
        pltpu.VMEM((NBINS,), jnp.float32),
        pltpu.VMEM((NBINS,), jnp.float32),
        pltpu.VMEM((NBINS,), jnp.float32),
        pltpu.VMEM((NBINS,), jnp.float32),
        pltpu.VMEM((NBINS,), jnp.float32),
        pltpu.VMEM((NBINS,), jnp.float32),
        pltpu.VMEM((NBINS,), jnp.float32),
        pltpu.SemaphoreType.DMA,
    ],
)


@jax.jit
def kernel(inputs, mapping_kernel):
    flat = inputs.astype(jnp.float32).reshape(H * W)
    out = _clahe_sc(flat, mapping_kernel)
    return out.reshape(H, W, 1)

# --- scband reference (transcript-rebuilt; emitter-appended) ---
"""Pipeline reference for scband-clahe-87625922773270 (READ-ONLY COPY).

The authoritative reference and input builder live on the scoring server;
editing this copy changes nothing except your own understanding.
"""

import jax, jax.numpy as jnp
import numpy as np

H, W = 512, 512
TILE = 16
NBINS = 256
CLIP_LIMIT = 4.0


def setup_inputs(seed: int = 0) -> dict:
    key = jax.random.key(seed)
    k1, k2 = jax.random.split(key)
    inputs = jax.random.randint(k1, (H, W, 1), 0, 256).astype(jnp.float32)
    mapping_kernel = jax.random.normal(k2, (NBINS,), dtype=jnp.float32) * 0.05
    return {"inputs": inputs, "mapping_kernel": mapping_kernel}


def reference(inputs, mapping_kernel):
    x = inputs.astype(jnp.float32)
    nth, ntw = H // TILE, W // TILE
    nt = nth * ntw
    # (H, W) -> (nt, TILE*TILE) tiles
    img = x[..., 0]
    tiles = img.reshape(nth, TILE, ntw, TILE).transpose(0, 2, 1, 3).reshape(nt, TILE * TILE)
    # histogram_fixed_width over [0, 255] with NBINS bins (non-differentiable int path)
    bins = jnp.clip(jnp.floor(tiles * (NBINS / 255.0)).astype(jnp.int32), 0, NBINS - 1)
    flat = (jnp.arange(nt, dtype=jnp.int32)[:, None] * NBINS + bins).reshape(-1)
    hist = jnp.bincount(flat, length=nt * NBINS).reshape(nt, NBINS).astype(jnp.float32)
    # contrast limiting
    clip = CLIP_LIMIT * jnp.mean(hist, axis=1, keepdims=True)
    hist_clipped = jnp.minimum(hist, clip)
    excess = jnp.sum(hist - hist_clipped, axis=1, keepdims=True)
    hist_redistributed = hist_clipped + excess / float(NBINS)
    # cdf and normalization
    cdf = jnp.cumsum(hist_redistributed, axis=1)
    cdf_min = jnp.min(cdf, axis=1, keepdims=True)
    denom = jnp.maximum(jnp.max(cdf, axis=1, keepdims=True) - cdf_min, 1e-7)
    cdf_normalized = (cdf - cdf_min) * 255.0 / denom
    cdf_mapped = cdf_normalized * jax.nn.sigmoid(mapping_kernel)[None, :]
    # gather mapped values per pixel
    idx = tiles.astype(jnp.int32)
    out_tiles = jnp.take_along_axis(cdf_mapped, idx, axis=1)
    out = out_tiles.reshape(nth, ntw, TILE, TILE).transpose(0, 2, 1, 3).reshape(H, W, 1)
    return out

if __name__ == "__main__":
    import jax
    _d = setup_inputs()
    print(jax.jit(kernel)(*tuple(_d.values())))

</pallas_src>

<mosaic_0001>
#map = affine_map<(d0, d1) -> (0)>
module attributes {stable_mosaic.version = 14 : i64} {
  func.func @_clahe_body(%arg0: i32, %arg1: i32, %arg2: memref<262144xf32, #tpu.memory_space<hbm>>, %arg3: memref<256xf32, #tpu.memory_space<hbm>>, %arg4: memref<262144xf32, #tpu.memory_space<hbm>>, %arg5: memref<8192xf32, #tpu.memory_space<vmem>>, %arg6: memref<8192xf32, #tpu.memory_space<vmem>>, %arg7: memref<256xf32, #tpu.memory_space<vmem>>, %arg8: memref<256xf32, #tpu.memory_space<vmem>>, %arg9: memref<256xf32, #tpu.memory_space<vmem>>, %arg10: memref<256xf32, #tpu.memory_space<vmem>>, %arg11: memref<256xf32, #tpu.memory_space<vmem>>, %arg12: memref<256xf32, #tpu.memory_space<vmem>>, %arg13: memref<256xf32, #tpu.memory_space<vmem>>, %arg14: memref<256xf32, #tpu.memory_space<vmem>>, %arg15: memref<256xf32, #tpu.memory_space<vmem>>, %arg16: memref<!tpu.dma_semaphore, #tpu.memory_space<semaphore_mem>>) attributes {dimension_semantics = [#tpu.dimension_semantics<core_parallel>, #tpu.dimension_semantics<subcore_parallel>], iteration_bounds = array<i64: 2, 16>, scalar_prefetch = 0 : i64, scratch_operands = 12 : i64, tpu.core_type = #tpu.core_type<sc_vector_subcore>, window_params = [{transform_indices = #map}, {transform_indices = #map}, {transform_indices = #map}]} {
    %mul3A = arith.constant 2 : i32
    %mul3A_0 = arith.muli %arg1, %mul3A : i32
    %add3A = arith.addi %mul3A_0, %arg0 : i32
    %mul3A_1 = arith.constant 8192 : i32
    %mul3A_2 = arith.muli %add3A, %mul3A_1 : i32
    %dma_start3A = tpu.memref_slice %arg2[%mul3A_2] : memref<262144xf32, #tpu.memory_space<hbm>> -> memref<8192xf32, #tpu.memory_space<hbm>>
    %dma_start3A_3 = tpu.memref_slice %arg2[%mul3A_2] : memref<262144xf32, #tpu.memory_space<hbm>> -> memref<8192xf32, #tpu.memory_space<hbm>>
    tpu.enqueue_dma source(%dma_start3A_3 : memref<8192xf32, #tpu.memory_space<hbm>>) target(%arg5 : memref<8192xf32, #tpu.memory_space<vmem>>) target_semaphore(%arg16 : memref<!tpu.dma_semaphore, #tpu.memory_space<semaphore_mem>>)
    "tpu.region"() ({
      %run_scoped3A = tpu.sem_alloc : memref<!tpu.dma_semaphore, #tpu.memory_space<semaphore_mem>>
      tpu.enqueue_dma source(%arg3 : memref<256xf32, #tpu.memory_space<hbm>>) target(%arg7 : memref<256xf32, #tpu.memory_space<vmem>>) target_semaphore(%run_scoped3A : memref<!tpu.dma_semaphore, #tpu.memory_space<semaphore_mem>>)
      tpu.wait_dma2 semaphore(%run_scoped3A : memref<!tpu.dma_semaphore, #tpu.memory_space<semaphore_mem>>) src(%arg3 : memref<256xf32, #tpu.memory_space<hbm>>) dst(%arg7 : memref<256xf32, #tpu.memory_space<vmem>>)
      tpu.yield
    }) : () -> ()
    %get3A = arith.constant 0 : index
    %get3A_4 = tpu.vector_load %arg7[%get3A] {strides = array<i32>} : memref<256xf32, #tpu.memory_space<vmem>>, vector<16xf32>,
    %neg3A = arith.constant 0.000000e+00 : f32
    %neg3A_5 = vector.broadcast %neg3A : f32 to vector<16xf32>
    %neg3A_6 = arith.subf %neg3A_5, %get3A_4 : vector<16xf32>
    %exp3A = math.exp %neg3A_6 : vector<16xf32>
    %add3A_7 = arith.constant 1.000000e+00 : f32
    %add3A_8 = vector.broadcast %add3A_7 : f32 to vector<16xf32>
    %add3A_9 = arith.addf %add3A_8, %exp3A : vector<16xf32>
    %div3A = arith.constant 1.000000e+00 : f32
    %div3A_10 = vector.broadcast %div3A : f32 to vector<16xf32>
    %div3A_11 = arith.divf %div3A_10, %add3A_9 : vector<16xf32>
    %get3A_12 = arith.constant 16 : index
    %get3A_13 = tpu.vector_load %arg7[%get3A_12] {strides = array<i32>} : memref<256xf32, #tpu.memory_space<vmem>>, vector<16xf32>,
    %neg3A_14 = arith.constant 0.000000e+00 : f32
    %neg3A_15 = vector.broadcast %neg3A_14 : f32 to vector<16xf32>
    %neg3A_16 = arith.subf %neg3A_15, %get3A_13 : vector<16xf32>
    %exp3A_17 = math.exp %neg3A_16 : vector<16xf32>
    %add3A_18 = arith.constant 1.000000e+00 : f32
    %add3A_19 = vector.broadcast %add3A_18 : f32 to vector<16xf32>
    %add3A_20 = arith.addf %add3A_19, %exp3A_17 : vector<16xf32>
    %div3A_21 = arith.constant 1.000000e+00 : f32
    %div3A_22 = vector.broadcast %div3A_21 : f32 to vector<16xf32>
    %div3A_23 = arith.divf %div3A_22, %add3A_20 : vector<16xf32>
    %get3A_24 = arith.constant 32 : index
    %get3A_25 = tpu.vector_load %arg7[%get3A_24] {strides = array<i32>} : memref<256xf32, #tpu.memory_space<vmem>>, vector<16xf32>,
    %neg3A_26 = arith.constant 0.000000e+00 : f32
    %neg3A_27 = vector.broadcast %neg3A_26 : f32 to vector<16xf32>
    %neg3A_28 = arith.subf %neg3A_27, %get3A_25 : vector<16xf32>
    %exp3A_29 = math.exp %neg3A_28 : vector<16xf32>
    %add3A_30 = arith.constant 1.000000e+00 : f32
    %add3A_31 = vector.broadcast %add3A_30 : f32 to vector<16xf32>
    %add3A_32 = arith.addf %add3A_31, %exp3A_29 : vector<16xf32>
    %div3A_33 = arith.constant 1.000000e+00 : f32
    %div3A_34 = vector.broadcast %div3A_33 : f32 to vector<16xf32>
    %div3A_35 = arith.divf %div3A_34, %add3A_32 : vector<16xf32>
    %get3A_36 = arith.constant 48 : index
    %get3A_37 = tpu.vector_load %arg7[%get3A_36] {strides = array<i32>} : memref<256xf32, #tpu.memory_space<vmem>>, vector<16xf32>,
    %neg3A_38 = arith.constant 0.000000e+00 : f32
    %neg3A_39 = vector.broadcast %neg3A_38 : f32 to vector<16xf32>
    %neg3A_40 = arith.subf %neg3A_39, %get3A_37 : vector<16xf32>
    %exp3A_41 = math.exp %neg3A_40 : vector<16xf32>
    %add3A_42 = arith.constant 1.000000e+00 : f32
    %add3A_43 = vector.broadcast %add3A_42 : f32 to vector<16xf32>
    %add3A_44 = arith.addf %add3A_43, %exp3A_41 : vector<16xf32>
    %div3A_45 = arith.constant 1.000000e+00 : f32
    %div3A_46 = vector.broadcast %div3A_45 : f32 to vector<16xf32>
    %div3A_47 = arith.divf %div3A_46, %add3A_44 : vector<16xf32>
    %get3A_48 = arith.constant 64 : index
    %get3A_49 = tpu.vector_load %arg7[%get3A_48] {strides = array<i32>} : memref<256xf32, #tpu.memory_space<vmem>>, vector<16xf32>,
    %neg3A_50 = arith.constant 0.000000e+00 : f32
    %neg3A_51 = vector.broadcast %neg3A_50 : f32 to vector<16xf32>
    %neg3A_52 = arith.subf %neg3A_51, %get3A_49 : vector<16xf32>
    %exp3A_53 = math.exp %neg3A_52 : vector<16xf32>
    %add3A_54 = arith.constant 1.000000e+00 : f32
    %add3A_55 = vector.broadcast %add3A_54 : f32 to vector<16xf32>
    %add3A_56 = arith.addf %add3A_55, %exp3A_53 : vector<16xf32>
    %div3A_57 = arith.constant 1.000000e+00 : f32
    %div3A_58 = vector.broadcast %div3A_57 : f32 to vector<16xf32>
    %div3A_59 = arith.divf %div3A_58, %add3A_56 : vector<16xf32>
    %get3A_60 = arith.constant 80 : index
    %get3A_61 = tpu.vector_load %arg7[%get3A_60] {strides = array<i32>} : memref<256xf32, #tpu.memory_space<vmem>>, vector<16xf32>,
    %neg3A_62 = arith.constant 0.000000e+00 : f32
    %neg3A_63 = vector.broadcast %neg3A_62 : f32 to vector<16xf32>
    %neg3A_64 = arith.subf %neg3A_63, %get3A_61 : vector<16xf32>
    %exp3A_65 = math.exp %neg3A_64 : vector<16xf32>
    %add3A_66 = arith.constant 1.000000e+00 : f32
    %add3A_67 = vector.broadcast %add3A_66 : f32 to vector<16xf32>
    %add3A_68 = arith.addf %add3A_67, %exp3A_65 : vector<16xf32>
    %div3A_69 = arith.constant 1.000000e+00 : f32
    %div3A_70 = vector.broadcast %div3A_69 : f32 to vector<16xf32>
    %div3A_71 = arith.divf %div3A_70, %add3A_68 : vector<16xf32>
    %get3A_72 = arith.constant 96 : index
    %get3A_73 = tpu.vector_load %arg7[%get3A_72] {strides = array<i32>} : memref<256xf32, #tpu.memory_space<vmem>>, vector<16xf32>,
    %neg3A_74 = arith.constant 0.000000e+00 : f32
    %neg3A_75 = vector.broadcast %neg3A_74 : f32 to vector<16xf32>
    %neg3A_76 = arith.subf %neg3A_75, %get3A_73 : vector<16xf32>
    %exp3A_77 = math.exp %neg3A_76 : vector<16xf32>
    %add3A_78 = arith.constant 1.000000e+00 : f32
    %add3A_79 = vector.broadcast %add3A_78 : f32 to vector<16xf32>
    %add3A_80 = arith.addf %add3A_79, %exp3A_77 : vector<16xf32>
    %div3A_81 = arith.constant 1.000000e+00 : f32
    %div3A_82 = vector.broadcast %div3A_81 : f32 to vector<16xf32>
    %div3A_83 = arith.divf %div3A_82, %add3A_80 : vector<16xf32>
    %get3A_84 = arith.constant 112 : index
    %get3A_85 = tpu.vector_load %arg7[%get3A_84] {strides = array<i32>} : memref<256xf32, #tpu.memory_space<vmem>>, vector<16xf32>,
    %neg3A_86 = arith.constant 0.000000e+00 : f32
    %neg3A_87 = vector.broadcast %neg3A_86 : f32 to vector<16xf32>
    %neg3A_88 = arith.subf %neg3A_87, %get3A_85 : vector<16xf32>
    %exp3A_89 = math.exp %neg3A_88 : vector<16xf32>
    %add3A_90 = arith.constant 1.000000e+00 : f32
    %add3A_91 = vector.broadcast %add3A_90 : f32 to vector<16xf32>
    %add3A_92 = arith.addf %add3A_91, %exp3A_89 : vector<16xf32>
    %div3A_93 = arith.constant 1.000000e+00 : f32
    %div3A_94 = vector.broadcast %div3A_93 : f32 to vector<16xf32>
    %div3A_95 = arith.divf %div3A_94, %add3A_92 : vector<16xf32>
    %get3A_96 = arith.constant 128 : index
    %get3A_97 = tpu.vector_load %arg7[%get3A_96] {strides = array<i32>} : memref<256xf32, #tpu.memory_space<vmem>>, vector<16xf32>,
    %neg3A_98 = arith.constant 0.000000e+00 : f32
    %neg3A_99 = vector.broadcast %neg3A_98 : f32 to vector<16xf32>
    %neg3A_100 = arith.subf %neg3A_99, %get3A_97 : vector<16xf32>
    %exp3A_101 = math.exp %neg3A_100 : vector<16xf32>
    %add3A_102 = arith.constant 1.000000e+00 : f32
    %add3A_103 = vector.broadcast %add3A_102 : f32 to vector<16xf32>
    %add3A_104 = arith.addf %add3A_103, %exp3A_101 : vector<16xf32>
    %div3A_105 = arith.constant 1.000000e+00 : f32
    %div3A_106 = vector.broadcast %div3A_105 : f32 to vector<16xf32>
    %div3A_107 = arith.divf %div3A_106, %add3A_104 : vector<16xf32>
    %get3A_108 = arith.constant 144 : index
    %get3A_109 = tpu.vector_load %arg7[%get3A_108] {strides = array<i32>} : memref<256xf32, #tpu.memory_space<vmem>>, vector<16xf32>,
    %neg3A_110 = arith.constant 0.000000e+00 : f32
    %neg3A_111 = vector.broadcast %neg3A_110 : f32 to vector<16xf32>
    %neg3A_112 = arith.subf %neg3A_111, %get3A_109 : vector<16xf32>
    %exp3A_113 = math.exp %neg3A_112 : vector<16xf32>
    %add3A_114 = arith.constant 1.000000e+00 : f32
    %add3A_115 = vector.broadcast %add3A_114 : f32 to vector<16xf32>
    %add3A_116 = arith.addf %add3A_115, %exp3A_113 : vector<16xf32>
    %div3A_117 = arith.constant 1.000000e+00 : f32
    %div3A_118 = vector.broadcast %div3A_117 : f32 to vector<16xf32>
    %div3A_119 = arith.divf %div3A_118, %add3A_116 : vector<16xf32>
    %get3A_120 = arith.constant 160 : index
    %get3A_121 = tpu.vector_load %arg7[%get3A_120] {strides = array<i32>} : memref<256xf32, #tpu.memory_space<vmem>>, vector<16xf32>,
    %neg3A_122 = arith.constant 0.000000e+00 : f32
    %neg3A_123 = vector.broadcast %neg3A_122 : f32 to vector<16xf32>
    %neg3A_124 = arith.subf %neg3A_123, %get3A_121 : vector<16xf32>
    %exp3A_125 = math.exp %neg3A_124 : vector<16xf32>
    %add3A_126 = arith.constant 1.000000e+00 : f32
    %add3A_127 = vector.broadcast %add3A_126 : f32 to vector<16xf32>
    %add3A_128 = arith.addf %add3A_127, %exp3A_125 : vector<16xf32>
    %div3A_129 = arith.constant 1.000000e+00 : f32
    %div3A_130 = vector.broadcast %div3A_129 : f32 to vector<16xf32>
    %div3A_131 = arith.divf %div3A_130, %add3A_128 : vector<16xf32>
    %get3A_132 = arith.constant 176 : index
    %get3A_133 = tpu.vector_load %arg7[%get3A_132] {strides = array<i32>} : memref<256xf32, #tpu.memory_space<vmem>>, vector<16xf32>,
    %neg3A_134 = arith.constant 0.000000e+00 : f32
    %neg3A_135 = vector.broadcast %neg3A_134 : f32 to vector<16xf32>
    %neg3A_136 = arith.subf %neg3A_135, %get3A_133 : vector<16xf32>
    %exp3A_137 = math.exp %neg3A_136 : vector<16xf32>
    %add3A_138 = arith.constant 1.000000e+00 : f32
    %add3A_139 = vector.broadcast %add3A_138 : f32 to vector<16xf32>
    %add3A_140 = arith.addf %add3A_139, %exp3A_137 : vector<16xf32>
    %div3A_141 = arith.constant 1.000000e+00 : f32
    %div3A_142 = vector.broadcast %div3A_141 : f32 to vector<16xf32>
    %div3A_143 = arith.divf %div3A_142, %add3A_140 : vector<16xf32>
    %get3A_144 = arith.constant 192 : index
    %get3A_145 = tpu.vector_load %arg7[%get3A_144] {strides = array<i32>} : memref<256xf32, #tpu.memory_space<vmem>>, vector<16xf32>,
    %neg3A_146 = arith.constant 0.000000e+00 : f32
    %neg3A_147 = vector.broadcast %neg3A_146 : f32 to vector<16xf32>
    %neg3A_148 = arith.subf %neg3A_147, %get3A_145 : vector<16xf32>
    %exp3A_149 = math.exp %neg3A_148 : vector<16xf32>
    %add3A_150 = arith.constant 1.000000e+00 : f32
    %add3A_151 = vector.broadcast %add3A_150 : f32 to vector<16xf32>
    %add3A_152 = arith.addf %add3A_151, %exp3A_149 : vector<16xf32>
    %div3A_153 = arith.constant 1.000000e+00 : f32
    %div3A_154 = vector.broadcast %div3A_153 : f32 to vector<16xf32>
    %div3A_155 = arith.divf %div3A_154, %add3A_152 : vector<16xf32>
    %get3A_156 = arith.constant 208 : index
    %get3A_157 = tpu.vector_load %arg7[%get3A_156] {strides = array<i32>} : memref<256xf32, #tpu.memory_space<vmem>>, vector<16xf32>,
    %neg3A_158 = arith.constant 0.000000e+00 : f32
    %neg3A_159 = vector.broadcast %neg3A_158 : f32 to vector<16xf32>
    %neg3A_160 = arith.subf %neg3A_159, %get3A_157 : vector<16xf32>
    %exp3A_161 = math.exp %neg3A_160 : vector<16xf32>
    %add3A_162 = arith.constant 1.000000e+00 : f32
    %add3A_163 = vector.broadcast %add3A_162 : f32 to vector<16xf32>
    %add3A_164 = arith.addf %add3A_163, %exp3A_161 : vector<16xf32>
    %div3A_165 = arith.constant 1.000000e+00 : f32
    %div3A_166 = vector.broadcast %div3A_165 : f32 to vector<16xf32>
    %div3A_167 = arith.divf %div3A_166, %add3A_164 : vector<16xf32>
    %get3A_168 = arith.constant 224 : index
    %get3A_169 = tpu.vector_load %arg7[%get3A_168] {strides = array<i32>} : memref<256xf32, #tpu.memory_space<vmem>>, vector<16xf32>,
    %neg3A_170 = arith.constant 0.000000e+00 : f32
    %neg3A_171 = vector.broadcast %neg3A_170 : f32 to vector<16xf32>
    %neg3A_172 = arith.subf %neg3A_171, %get3A_169 : vector<16xf32>
    %exp3A_173 = math.exp %neg3A_172 : vector<16xf32>
    %add3A_174 = arith.constant 1.000000e+00 : f32
    %add3A_175 = vector.broadcast %add3A_174 : f32 to vector<16xf32>
    %add3A_176 = arith.addf %add3A_175, %exp3A_173 : vector<16xf32>
    %div3A_177 = arith.constant 1.000000e+00 : f32
    %div3A_178 = vector.broadcast %div3A_177 : f32 to vector<16xf32>
    %div3A_179 = arith.divf %div3A_178, %add3A_176 : vector<16xf32>
    %get3A_180 = arith.constant 240 : index
    %get3A_181 = tpu.vector_load %arg7[%get3A_180] {strides = array<i32>} : memref<256xf32, #tpu.memory_space<vmem>>, vector<16xf32>,
    %neg3A_182 = arith.constant 0.000000e+00 : f32
    %neg3A_183 = vector.broadcast %neg3A_182 : f32 to vector<16xf32>
    %neg3A_184 = arith.subf %neg3A_183, %get3A_181 : vector<16xf32>
    %exp3A_185 = math.exp %neg3A_184 : vector<16xf32>
    %add3A_186 = arith.constant 1.000000e+00 : f32
    %add3A_187 = vector.broadcast %add3A_186 : f32 to vector<16xf32>
    %add3A_188 = arith.addf %add3A_187, %exp3A_185 : vector<16xf32>
    %div3A_189 = arith.constant 1.000000e+00 : f32
    %div3A_190 = vector.broadcast %div3A_189 : f32 to vector<16xf32>
    %div3A_191 = arith.divf %div3A_190, %add3A_188 : vector<16xf32>
    %broadcast_in_dim3A = arith.constant 1.000000e+00 : f32
    %broadcast_in_dim3A_192 = vector.broadcast %broadcast_in_dim3A : f32 to vector<16xf32>
    %broadcast_in_dim3A_193 = arith.constant 0.000000e+00 : f32
    %broadcast_in_dim3A_194 = vector.broadcast %broadcast_in_dim3A_193 : f32 to vector<16xf32>
    %iota3A = tpu.iota {dimensions = array<i32: 0>} : vector<16xi32>
    %convert_element_type3A = arith.sitofp %iota3A : vector<16xi32> to vector<16xf32>
    %dma_wait3A = tpu.memref_slice %arg2[%mul3A_2] : memref<262144xf32, #tpu.memory_space<hbm>> -> memref<8192xf32, #tpu.memory_space<hbm>>
    %dma_wait3A_195 = tpu.memref_slice %arg2[%mul3A_2] : memref<262144xf32, #tpu.memory_space<hbm>> -> memref<8192xf32, #tpu.memory_space<hbm>>
    tpu.wait_dma2 semaphore(%arg16 : memref<!tpu.dma_semaphore, #tpu.memory_space<semaphore_mem>>) src(%dma_wait3A_195 : memref<8192xf32, #tpu.memory_space<hbm>>) dst(%arg5 : memref<8192xf32, #tpu.memory_space<vmem>>)
    %scan3A = arith.constant 0 : i32
    %scan3A_196 = arith.constant 0 : i32
    %scan3A_197 = arith.constant 8 : i32
    %scan3A_198 = arith.addi %scan3A_196, %scan3A_197 : i32
    %scan3A_199 = arith.constant 1 : i32
    scf.for %scan3A_201 = %scan3A_196 to %scan3A_198 step %scan3A_199  : i32 {
      %mul3A_202 = arith.constant 64 : i32
      %mul3A_203 = arith.muli %scan3A_201, %mul3A_202 : i32
      %swap3A = arith.constant 0 : index
      %swap3A_204 = tpu.vector_load %arg9[%swap3A] {strides = array<i32>} : memref<256xf32, #tpu.memory_space<vmem>>, vector<16xf32>,
      tpu.vector_store %arg9[%swap3A], %broadcast_in_dim3A_194 {strides = array<i32>} : memref<256xf32, #tpu.memory_space<vmem>>, vector<16xf32>,
      %swap3A_205 = arith.constant 16 : index
      %swap3A_206 = tpu.vector_load %arg9[%swap3A_205] {strides = array<i32>} : memref<256xf32, #tpu.memory_space<vmem>>, vector<16xf32>,
      tpu.vector_store %arg9[%swap3A_205], %broadcast_in_dim3A_194 {strides = array<i32>} : memref<256xf32, #tpu.memory_space<vmem>>, vector<16xf32>,
      %swap3A_207 = arith.constant 32 : index
      %swap3A_208 = tpu.vector_load %arg9[%swap3A_207] {strides = array<i32>} : memref<256xf32, #tpu.memory_space<vmem>>, vector<16xf32>,
      tpu.vector_store %arg9[%swap3A_207], %broadcast_in_dim3A_194 {strides = array<i32>} : memref<256xf32, #tpu.memory_space<vmem>>, vector<16xf32>,
      %swap3A_209 = arith.constant 48 : index
      %swap3A_210 = tpu.vector_load %arg9[%swap3A_209] {strides = array<i32>} : memref<256xf32, #tpu.memory_space<vmem>>, vector<16xf32>,
      tpu.vector_store %arg9[%swap3A_209], %broadcast_in_dim3A_194 {strides = array<i32>} : memref<256xf32, #tpu.memory_space<vmem>>, vector<16xf32>,
      %swap3A_211 = arith.constant 64 : index
      %swap3A_212 = tpu.vector_load %arg9[%swap3A_211] {strides = array<i32>} : memref<256xf32, #tpu.memory_space<vmem>>, vector<16xf32>,
      tpu.vector_store %arg9[%swap3A_211], %broadcast_in_dim3A_194 {strides = array<i32>} : memref<256xf32, #tpu.memory_space<vmem>>, vector<16xf32>,
      %swap3A_213 = arith.constant 80 : index
      %swap3A_214 = tpu.vector_load %arg9[%swap3A_213] {strides = array<i32>} : memref<256xf32, #tpu.memory_space<vmem>>, vector<16xf32>,
      tpu.vector_store %arg9[%swap3A_213], %broadcast_in_dim3A_194 {strides = array<i32>} : memref<256xf32, #tpu.memory_space<vmem>>, vector<16xf32>,
      %swap3A_215 = arith.constant 96 : index
      %swap3A_216 = tpu.vector_load %arg9[%swap3A_215] {strides = array<i32>} : memref<256xf32, #tpu.memory_space<vmem>>, vector<16xf32>,
      tpu.vector_store %arg9[%swap3A_215], %broadcast_in_dim3A_194 {strides = array<i32>} : memref<256xf32, #tpu.memory_space<vmem>>, vector<16xf32>,
      %swap3A_217 = arith.constant 112 : index
      %swap3A_218 = tpu.vector_load %arg9[%swap3A_217] {strides = array<i32>} : memref<256xf32, #tpu.memory_space<vmem>>, vector<16xf32>,
      tpu.vector_store %arg9[%swap3A_217], %broadcast_in_dim3A_194 {strides = array<i32>} : memref<256xf32, #tpu.memory_space<vmem>>, vector<16xf32>,
      %swap3A_219 = arith.constant 128 : index
      %swap3A_220 = tpu.vector_load %arg9[%swap3A_219] {strides = array<i32>} : memref<256xf32, #tpu.memory_space<vmem>>, vector<16xf32>,
      tpu.vector_store %arg9[%swap3A_219], %broadcast_in_dim3A_194 {strides = array<i32>} : memref<256xf32, #tpu.memory_space<vmem>>, vector<16xf32>,
      %swap3A_221 = arith.constant 144 : index
      %swap3A_222 = tpu.vector_load %arg9[%swap3A_221] {strides = array<i32>} : memref<256xf32, #tpu.memory_space<vmem>>, vector<16xf32>,
      tpu.vector_store %arg9[%swap3A_221], %broadcast_in_dim3A_194 {strides = array<i32>} : memref<256xf32, #tpu.memory_space<vmem>>, vector<16xf32>,
      %swap3A_223 = arith.constant 160 : index
      %swap3A_224 = tpu.vector_load %arg9[%swap3A_223] {strides = array<i32>} : memref<256xf32, #tpu.memory_space<vmem>>, vector<16xf32>,
      tpu.vector_store %arg9[%swap3A_223], %broadcast_in_dim3A_194 {strides = array<i32>} : memref<256xf32, #tpu.memory_space<vmem>>, vector<16xf32>,
      %swap3A_225 = arith.constant 176 : index
      %swap3A_226 = tpu.vector_load %arg9[%swap3A_225] {strides = array<i32>} : memref<256xf32, #tpu.memory_space<vmem>>, vector<16xf32>,
      tpu.vector_store %arg9[%swap3A_225], %broadcast_in_dim3A_194 {strides = array<i32>} : memref<256xf32, #tpu.memory_space<vmem>>, vector<16xf32>,
      %swap3A_227 = arith.constant 192 : index
      %swap3A_228 = tpu.vector_load %arg9[%swap3A_227] {strides = array<i32>} : memref<256xf32, #tpu.memory_space<vmem>>, vector<16xf32>,
      tpu.vector_store %arg9[%swap3A_227], %broadcast_in_dim3A_194 {strides = array<i32>} : memref<256xf32, #tpu.memory_space<vmem>>, vector<16xf32>,
      %swap3A_229 = arith.constant 208 : index
      %swap3A_230 = tpu.vector_load %arg9[%swap3A_229] {strides = array<i32>} : memref<256xf32, #tpu.memory_space<vmem>>, vector<16xf32>,
      tpu.vector_store %arg9[%swap3A_229], %broadcast_in_dim3A_194 {strides = array<i32>} : memref<256xf32, #tpu.memory_space<vmem>>, vector<16xf32>,
      %swap3A_231 = arith.constant 224 : index
      %swap3A_232 = tpu.vector_load %arg9[%swap3A_231] {strides = array<i32>} : memref<256xf32, #tpu.memory_space<vmem>>, vector<16xf32>,
      tpu.vector_store %arg9[%swap3A_231], %broadcast_in_dim3A_194 {strides = array<i32>} : memref<256xf32, #tpu.memory_space<vmem>>, vector<16xf32>,
      %swap3A_233 = arith.constant 240 : index
      %swap3A_234 = tpu.vector_load %arg9[%swap3A_233] {strides = array<i32>} : memref<256xf32, #tpu.memory_space<vmem>>, vector<16xf32>,
      tpu.vector_store %arg9[%swap3A_233], %broadcast_in_dim3A_194 {strides = array<i32>} : memref<256xf32, #tpu.memory_space<vmem>>, vector<16xf32>,
      %add3A_235 = arith.constant 0 : i32
      %add3A_236 = arith.addi %add3A_235, %mul3A_203 : i32
      %get3A_237 = arith.index_cast %add3A_236 : i32 to index
      %get3A_238 = tpu.vector_load %arg5[%get3A_237] {strides = array<i32>} : memref<8192xf32, #tpu.memory_space<vmem>>, vector<16xf32>,
      %convert_element_type3A_239 = arith.fptosi %get3A_238 : vector<16xf32> to vector<16xi32>
      tpu.vector_store_idx %arg9[%convert_element_type3A_239], %broadcast_in_dim3A_192 {add = true} : memref<256xf32, #tpu.memory_space<vmem>>[vector<16xi32>], vector<16xf32>,
      %add3A_240 = arith.constant 512 : i32
      %add3A_241 = arith.addi %add3A_240, %mul3A_203 : i32
      %get3A_242 = arith.index_cast %add3A_241 : i32 to index
      %get3A_243 = tpu.vector_load %arg5[%get3A_242] {strides = array<i32>} : memref<8192xf32, #tpu.memory_space<vmem>>, vector<16xf32>,
      %convert_element_type3A_244 = arith.fptosi %get3A_243 : vector<16xf32> to vector<16xi32>
      tpu.vector_store_idx %arg9[%convert_element_type3A_244], %broadcast_in_dim3A_192 {add = true} : memref<256xf32, #tpu.memory_space<vmem>>[vector<16xi32>], vector<16xf32>,
      %add3A_245 = arith.constant 1024 : i32
      %add3A_246 = arith.addi %add3A_245, %mul3A_203 : i32
      %get3A_247 = arith.index_cast %add3A_246 : i32 to index
      %get3A_248 = tpu.vector_load %arg5[%get3A_247] {strides = array<i32>} : memref<8192xf32, #tpu.memory_space<vmem>>, vector<16xf32>,
      %convert_element_type3A_249 = arith.fptosi %get3A_248 : vector<16xf32> to vector<16xi32>
      tpu.vector_store_idx %arg9[%convert_element_type3A_249], %broadcast_in_dim3A_192 {add = true} : memref<256xf32, #tpu.memory_space<vmem>>[vector<16xi32>], vector<16xf32>,
      %add3A_250 = arith.constant 1536 : i32
      %add3A_251 = arith.addi %add3A_250, %mul3A_203 : i32
      %get3A_252 = arith.index_cast %add3A_251 : i32 to index
      %get3A_253 = tpu.vector_load %arg5[%get3A_252] {strides = array<i32>} : memref<8192xf32, #tpu.memory_space<vmem>>, vector<16xf32>,
      %convert_element_type3A_254 = arith.fptosi %get3A_253 : vector<16xf32> to vector<16xi32>
      tpu.vector_store_idx %arg9[%convert_element_type3A_254], %broadcast_in_dim3A_192 {add = true} : memref<256xf32, #tpu.memory_space<vmem>>[vector<16xi32>], vector<16xf32>,
      %add3A_255 = arith.constant 2048 : i32
      %add3A_256 = arith.addi %add3A_255, %mul3A_203 : i32
      %get3A_257 = arith.index_cast %add3A_256 : i32 to index
      %get3A_258 = tpu.vector_load %arg5[%get3A_257] {strides = array<i32>} : memref<8192xf32, #tpu.memory_space<vmem>>, vector<16xf32>,
      %convert_element_type3A_259 = arith.fptosi %get3A_258 : vector<16xf32> to vector<16xi32>
      tpu.vector_store_idx %arg9[%convert_element_type3A_259], %broadcast_in_dim3A_192 {add = true} : memref<256xf32, #tpu.memory_space<vmem>>[vector<16xi32>], vector<16xf32>,
      %add3A_260 = arith.constant 2560 : i32
      %add3A_261 = arith.addi %add3A_260, %mul3A_203 : i32
      %get3A_262 = arith.index_cast %add3A_261 : i32 to index
      %get3A_263 = tpu.vector_load %arg5[%get3A_262] {strides = array<i32>} : memref<8192xf32, #tpu.memory_space<vmem>>, vector<16xf32>,
      %convert_element_type3A_264 = arith.fptosi %get3A_263 : vector<16xf32> to vector<16xi32>
      tpu.vector_store_idx %arg9[%convert_element_type3A_264], %broadcast_in_dim3A_192 {add = true} : memref<256xf32, #tpu.memory_space<vmem>>[vector<16xi32>], vector<16xf32>,
      %add3A_265 = arith.constant 3072 : i32
      %add3A_266 = arith.addi %add3A_265, %mul3A_203 : i32
      %get3A_267 = arith.index_cast %add3A_266 : i32 to index
      %get3A_268 = tpu.vector_load %arg5[%get3A_267] {strides = array<i32>} : memref<8192xf32, #tpu.memory_space<vmem>>, vector<16xf32>,
      %convert_element_type3A_269 = arith.fptosi %get3A_268 : vector<16xf32> to vector<16xi32>
      tpu.vector_store_idx %arg9[%convert_element_type3A_269], %broadcast_in_dim3A_192 {add = true} : memref<256xf32, #tpu.memory_space<vmem>>[vector<16xi32>], vector<16xf32>,
      %add3A_270 = arith.constant 3584 : i32
      %add3A_271 = arith.addi %add3A_270, %mul3A_203 : i32
      %get3A_272 = arith.index_cast %add3A_271 : i32 to index
      %get3A_273 = tpu.vector_load %arg5[%get3A_272] {strides = array<i32>} : memref<8192xf32, #tpu.memory_space<vmem>>, vector<16xf32>,
      %convert_element_type3A_274 = arith.fptosi %get3A_273 : vector<16xf32> to vector<16xi32>
      tpu.vector_store_idx %arg9[%convert_element_type3A_274], %broadcast_in_dim3A_192 {add = true} : memref<256xf32, #tpu.memory_space<vmem>>[vector<16xi32>], vector<16xf32>,
      %add3A_275 = arith.constant 4096 : i32
      %add3A_276 = arith.addi %add3A_275, %mul3A_203 : i32
      %get3A_277 = arith.index_cast %add3A_276 : i32 to index
      %get3A_278 = tpu.vector_load %arg5[%get3A_277] {strides = array<i32>} : memref<8192xf32, #tpu.memory_space<vmem>>, vector<16xf32>,
      %convert_element_type3A_279 = arith.fptosi %get3A_278 : vector<16xf32> to vector<16xi32>
      tpu.vector_store_idx %arg9[%convert_element_type3A_279], %broadcast_in_dim3A_192 {add = true} : memref<256xf32, #tpu.memory_space<vmem>>[vector<16xi32>], vector<16xf32>,
      %add3A_280 = arith.constant 4608 : i32
      %add3A_281 = arith.addi %add3A_280, %mul3A_203 : i32
      %get3A_282 = arith.index_cast %add3A_281 : i32 to index
      %get3A_283 = tpu.vector_load %arg5[%get3A_282] {strides = array<i32>} : memref<8192xf32, #tpu.memory_space<vmem>>, vector<16xf32>,
      %convert_element_type3A_284 = arith.fptosi %get3A_283 : vector<16xf32> to vector<16xi32>
      tpu.vector_store_idx %arg9[%convert_element_type3A_284], %broadcast_in_dim3A_192 {add = true} : memref<256xf32, #tpu.memory_space<vmem>>[vector<16xi32>], vector<16xf32>,
      %add3A_285 = arith.constant 5120 : i32
      %add3A_286 = arith.addi %add3A_285, %mul3A_203 : i32
      %get3A_287 = arith.index_cast %add3A_286 : i32 to index
      %get3A_288 = tpu.vector_load %arg5[%get3A_287] {strides = array<i32>} : memref<8192xf32, #tpu.memory_space<vmem>>, vector<16xf32>,
      %convert_element_type3A_289 = arith.fptosi %get3A_288 : vector<16xf32> to vector<16xi32>
      tpu.vector_store_idx %arg9[%convert_element_type3A_289], %broadcast_in_dim3A_192 {add = true} : memref<256xf32, #tpu.memory_space<vmem>>[vector<16xi32>], vector<16xf32>,
      %add3A_290 = arith.constant 5632 : i32
      %add3A_291 = arith.addi %add3A_290, %mul3A_203 : i32
      %get3A_292 = arith.index_cast %add3A_291 : i32 to index
      %get3A_293 = tpu.vector_load %arg5[%get3A_292] {strides = array<i32>} : memref<8192xf32, #tpu.memory_space<vmem>>, vector<16xf32>,
      %convert_element_type3A_294 = arith.fptosi %get3A_293 : vector<16xf32> to vector<16xi32>
      tpu.vector_store_idx %arg9[%convert_element_type3A_294], %broadcast_in_dim3A_192 {add = true} : memref<256xf32, #tpu.memory_space<vmem>>[vector<16xi32>], vector<16xf32>,
      %add3A_295 = arith.constant 6144 : i32
      %add3A_296 = arith.addi %add3A_295, %mul3A_203 : i32
      %get3A_297 = arith.index_cast %add3A_296 : i32 to index
      %get3A_298 = tpu.vector_load %arg5[%get3A_297] {strides = array<i32>} : memref<8192xf32, #tpu.memory_space<vmem>>, vector<16xf32>,
      %convert_element_type3A_299 = arith.fptosi %get3A_298 : vector<16xf32> to vector<16xi32>
      tpu.vector_store_idx %arg9[%convert_element_type3A_299], %broadcast_in_dim3A_192 {add = true} : memref<256xf32, #tpu.memory_space<vmem>>[vector<16xi32>], vector<16xf32>,
      %add3A_300 = arith.constant 6656 : i32
      %add3A_301 = arith.addi %add3A_300, %mul3A_203 : i32
      %get3A_302 = arith.index_cast %add3A_301 : i32 to index
      %get3A_303 = tpu.vector_load %arg5[%get3A_302] {strides = array<i32>} : memref<8192xf32, #tpu.memory_space<vmem>>, vector<16xf32>,
      %convert_element_type3A_304 = arith.fptosi %get3A_303 : vector<16xf32> to vector<16xi32>
      tpu.vector_store_idx %arg9[%convert_element_type3A_304], %broadcast_in_dim3A_192 {add = true} : memref<256xf32, #tpu.memory_space<vmem>>[vector<16xi32>], vector<16xf32>,
      %add3A_305 = arith.constant 7168 : i32
      %add3A_306 = arith.addi %add3A_305, %mul3A_203 : i32
      %get3A_307 = arith.index_cast %add3A_306 : i32 to index
      %get3A_308 = tpu.vector_load %arg5[%get3A_307] {strides = array<i32>} : memref<8192xf32, #tpu.memory_space<vmem>>, vector<16xf32>,
      %convert_element_type3A_309 = arith.fptosi %get3A_308 : vector<16xf32> to vector<16xi32>
      tpu.vector_store_idx %arg9[%convert_element_type3A_309], %broadcast_in_dim3A_192 {add = true} : memref<256xf32, #tpu.memory_space<vmem>>[vector<16xi32>], vector<16xf32>,
      %add3A_310 = arith.constant 7680 : i32
      %add3A_311 = arith.addi %add3A_310, %mul3A_203 : i32
      %get3A_312 = arith.index_cast %add3A_311 : i32 to index
      %get3A_313 = tpu.vector_load %arg5[%get3A_312] {strides = array<i32>} : memref<8192xf32, #tpu.memory_space<vmem>>, vector<16xf32>,
      %convert_element_type3A_314 = arith.fptosi %get3A_313 : vector<16xf32> to vector<16xi32>
      tpu.vector_store_idx %arg9[%convert_element_type3A_314], %broadcast_in_dim3A_192 {add = true} : memref<256xf32, #tpu.memory_space<vmem>>[vector<16xi32>], vector<16xf32>,
      %get3A_315 = arith.constant 0 : index
      %get3A_316 = tpu.vector_load %arg9[%get3A_315] {strides = array<i32>} : memref<256xf32, #tpu.memory_space<vmem>>, vector<16xf32>,
      %min3A = arith.constant 4.000000e+00 : f32
      %min3A_317 = vector.broadcast %min3A : f32 to vector<16xf32>
      %min3A_318 = arith.minimumf %get3A_316, %min3A_317 : vector<16xf32>
      %broadcast_in_dim3A_319 = arith.constant true
      %broadcast_in_dim3A_320 = vector.broadcast %broadcast_in_dim3A_319 : i1 to vector<16xi1>
      %masked_cumsum3A = tpu.scan <sum>, %min3A_318 masked %broadcast_in_dim3A_320 : vector<16xf32>, vector<16xi1> -> vector<16xf32>
      %get3A_321 = arith.constant 16 : index
      %get3A_322 = tpu.vector_load %arg9[%get3A_321] {strides = array<i32>} : memref<256xf32, #tpu.memory_space<vmem>>, vector<16xf32>,
      %min3A_323 = arith.constant 4.000000e+00 : f32
      %min3A_324 = vector.broadcast %min3A_323 : f32 to vector<16xf32>
      %min3A_325 = arith.minimumf %get3A_322, %min3A_324 : vector<16xf32>
      %broadcast_in_dim3A_326 = arith.constant true
      %broadcast_in_dim3A_327 = vector.broadcast %broadcast_in_dim3A_326 : i1 to vector<16xi1>
      %masked_cumsum3A_328 = tpu.scan <sum>, %min3A_325 masked %broadcast_in_dim3A_327 : vector<16xf32>, vector<16xi1> -> vector<16xf32>
      %get3A_329 = arith.constant 32 : index
      %get3A_330 = tpu.vector_load %arg9[%get3A_329] {strides = array<i32>} : memref<256xf32, #tpu.memory_space<vmem>>, vector<16xf32>,
      %min3A_331 = arith.constant 4.000000e+00 : f32
      %min3A_332 = vector.broadcast %min3A_331 : f32 to vector<16xf32>
      %min3A_333 = arith.minimumf %get3A_330, %min3A_332 : vector<16xf32>
      %broadcast_in_dim3A_334 = arith.constant true
      %broadcast_in_dim3A_335 = vector.broadcast %broadcast_in_dim3A_334 : i1 to vector<16xi1>
      %masked_cumsum3A_336 = tpu.scan <sum>, %min3A_333 masked %broadcast_in_dim3A_335 : vector<16xf32>, vector<16xi1> -> vector<16xf32>
      %get3A_337 = arith.constant 48 : index
      %get3A_338 = tpu.vector_load %arg9[%get3A_337] {strides = array<i32>} : memref<256xf32, #tpu.memory_space<vmem>>, vector<16xf32>,
      %min3A_339 = arith.constant 4.000000e+00 : f32
      %min3A_340 = vector.broadcast %min3A_339 : f32 to vector<16xf32>
      %min3A_341 = arith.minimumf %get3A_338, %min3A_340 : vector<16xf32>
      %broadcast_in_dim3A_342 = arith.constant true
      %broadcast_in_dim3A_343 = vector.broadcast %broadcast_in_dim3A_342 : i1 to vector<16xi1>
      %masked_cumsum3A_344 = tpu.scan <sum>, %min3A_341 masked %broadcast_in_dim3A_343 : vector<16xf32>, vector<16xi1> -> vector<16xf32>
      %get3A_345 = arith.constant 64 : index
      %get3A_346 = tpu.vector_load %arg9[%get3A_345] {strides = array<i32>} : memref<256xf32, #tpu.memory_space<vmem>>, vector<16xf32>,
      %min3A_347 = arith.constant 4.000000e+00 : f32
      %min3A_348 = vector.broadcast %min3A_347 : f32 to vector<16xf32>
      %min3A_349 = arith.minimumf %get3A_346, %min3A_348 : vector<16xf32>
      %broadcast_in_dim3A_350 = arith.constant true
      %broadcast_in_dim3A_351 = vector.broadcast %broadcast_in_dim3A_350 : i1 to vector<16xi1>
      %masked_cumsum3A_352 = tpu.scan <sum>, %min3A_349 masked %broadcast_in_dim3A_351 : vector<16xf32>, vector<16xi1> -> vector<16xf32>
      %get3A_353 = arith.constant 80 : index
      %get3A_354 = tpu.vector_load %arg9[%get3A_353] {strides = array<i32>} : memref<256xf32, #tpu.memory_space<vmem>>, vector<16xf32>,
      %min3A_355 = arith.constant 4.000000e+00 : f32
      %min3A_356 = vector.broadcast %min3A_355 : f32 to vector<16xf32>
      %min3A_357 = arith.minimumf %get3A_354, %min3A_356 : vector<16xf32>
      %broadcast_in_dim3A_358 = arith.constant true
      %broadcast_in_dim3A_359 = vector.broadcast %broadcast_in_dim3A_358 : i1 to vector<16xi1>
      %masked_cumsum3A_360 = tpu.scan <sum>, %min3A_357 masked %broadcast_in_dim3A_359 : vector<16xf32>, vector<16xi1> -> vector<16xf32>
      %get3A_361 = arith.constant 96 : index
      %get3A_362 = tpu.vector_load %arg9[%get3A_361] {strides = array<i32>} : memref<256xf32, #tpu.memory_space<vmem>>, vector<16xf32>,
      %min3A_363 = arith.constant 4.000000e+00 : f32
      %min3A_364 = vector.broadcast %min3A_363 : f32 to vector<16xf32>
      %min3A_365 = arith.minimumf %get3A_362, %min3A_364 : vector<16xf32>
      %broadcast_in_dim3A_366 = arith.constant true
      %broadcast_in_dim3A_367 = vector.broadcast %broadcast_in_dim3A_366 : i1 to vector<16xi1>
      %masked_cumsum3A_368 = tpu.scan <sum>, %min3A_365 masked %broadcast_in_dim3A_367 : vector<16xf32>, vector<16xi1> -> vector<16xf32>
      %get3A_369 = arith.constant 112 : index
      %get3A_370 = tpu.vector_load %arg9[%get3A_369] {strides = array<i32>} : memref<256xf32, #tpu.memory_space<vmem>>, vector<16xf32>,
      %min3A_371 = arith.constant 4.000000e+00 : f32
      %min3A_372 = vector.broadcast %min3A_371 : f32 to vector<16xf32>
      %min3A_373 = arith.minimumf %get3A_370, %min3A_372 : vector<16xf32>
      %broadcast_in_dim3A_374 = arith.constant true
      %broadcast_in_dim3A_375 = vector.broadcast %broadcast_in_dim3A_374 : i1 to vector<16xi1>
      %masked_cumsum3A_376 = tpu.scan <sum>, %min3A_373 masked %broadcast_in_dim3A_375 : vector<16xf32>, vector<16xi1> -> vector<16xf32>
      %get3A_377 = arith.constant 128 : index
      %get3A_378 = tpu.vector_load %arg9[%get3A_377] {strides = array<i32>} : memref<256xf32, #tpu.memory_space<vmem>>, vector<16xf32>,
      %min3A_379 = arith.constant 4.000000e+00 : f32
      %min3A_380 = vector.broadcast %min3A_379 : f32 to vector<16xf32>
      %min3A_381 = arith.minimumf %get3A_378, %min3A_380 : vector<16xf32>
      %broadcast_in_dim3A_382 = arith.constant true
      %broadcast_in_dim3A_383 = vector.broadcast %broadcast_in_dim3A_382 : i1 to vector<16xi1>
      %masked_cumsum3A_384 = tpu.scan <sum>, %min3A_381 masked %broadcast_in_dim3A_383 : vector<16xf32>, vector<16xi1> -> vector<16xf32>
      %get3A_385 = arith.constant 144 : index
      %get3A_386 = tpu.vector_load %arg9[%get3A_385] {strides = array<i32>} : memref<256xf32, #tpu.memory_space<vmem>>, vector<16xf32>,
      %min3A_387 = arith.constant 4.000000e+00 : f32
      %min3A_388 = vector.broadcast %min3A_387 : f32 to vector<16xf32>
      %min3A_389 = arith.minimumf %get3A_386, %min3A_388 : vector<16xf32>
      %broadcast_in_dim3A_390 = arith.constant true
      %broadcast_in_dim3A_391 = vector.broadcast %broadcast_in_dim3A_390 : i1 to vector<16xi1>
      %masked_cumsum3A_392 = tpu.scan <sum>, %min3A_389 masked %broadcast_in_dim3A_391 : vector<16xf32>, vector<16xi1> -> vector<16xf32>
      %get3A_393 = arith.constant 160 : index
      %get3A_394 = tpu.vector_load %arg9[%get3A_393] {strides = array<i32>} : memref<256xf32, #tpu.memory_space<vmem>>, vector<16xf32>,
      %min3A_395 = arith.constant 4.000000e+00 : f32
      %min3A_396 = vector.broadcast %min3A_395 : f32 to vector<16xf32>
      %min3A_397 = arith.minimumf %get3A_394, %min3A_396 : vector<16xf32>
      %broadcast_in_dim3A_398 = arith.constant true
      %broadcast_in_dim3A_399 = vector.broadcast %broadcast_in_dim3A_398 : i1 to vector<16xi1>
      %masked_cumsum3A_400 = tpu.scan <sum>, %min3A_397 masked %broadcast_in_dim3A_399 : vector<16xf32>, vector<16xi1> -> vector<16xf32>
      %get3A_401 = arith.constant 176 : index
      %get3A_402 = tpu.vector_load %arg9[%get3A_401] {strides = array<i32>} : memref<256xf32, #tpu.memory_space<vmem>>, vector<16xf32>,
      %min3A_403 = arith.constant 4.000000e+00 : f32
      %min3A_404 = vector.broadcast %min3A_403 : f32 to vector<16xf32>
      %min3A_405 = arith.minimumf %get3A_402, %min3A_404 : vector<16xf32>
      %broadcast_in_dim3A_406 = arith.constant true
      %broadcast_in_dim3A_407 = vector.broadcast %broadcast_in_dim3A_406 : i1 to vector<16xi1>
      %masked_cumsum3A_408 = tpu.scan <sum>, %min3A_405 masked %broadcast_in_dim3A_407 : vector<16xf32>, vector<16xi1> -> vector<16xf32>
      %get3A_409 = arith.constant 192 : index
      %get3A_410 = tpu.vector_load %arg9[%get3A_409] {strides = array<i32>} : memref<256xf32, #tpu.memory_space<vmem>>, vector<16xf32>,
      %min3A_411 = arith.constant 4.000000e+00 : f32
      %min3A_412 = vector.broadcast %min3A_411 : f32 to vector<16xf32>
      %min3A_413 = arith.minimumf %get3A_410, %min3A_412 : vector<16xf32>
      %broadcast_in_dim3A_414 = arith.constant true
      %broadcast_in_dim3A_415 = vector.broadcast %broadcast_in_dim3A_414 : i1 to vector<16xi1>
      %masked_cumsum3A_416 = tpu.scan <sum>, %min3A_413 masked %broadcast_in_dim3A_415 : vector<16xf32>, vector<16xi1> -> vector<16xf32>
      %get3A_417 = arith.constant 208 : index
      %get3A_418 = tpu.vector_load %arg9[%get3A_417] {strides = array<i32>} : memref<256xf32, #tpu.memory_space<vmem>>, vector<16xf32>,
      %min3A_419 = arith.constant 4.000000e+00 : f32
      %min3A_420 = vector.broadcast %min3A_419 : f32 to vector<16xf32>
      %min3A_421 = arith.minimumf %get3A_418, %min3A_420 : vector<16xf32>
      %broadcast_in_dim3A_422 = arith.constant true
      %broadcast_in_dim3A_423 = vector.broadcast %broadcast_in_dim3A_422 : i1 to vector<16xi1>
      %masked_cumsum3A_424 = tpu.scan <sum>, %min3A_421 masked %broadcast_in_dim3A_423 : vector<16xf32>, vector<16xi1> -> vector<16xf32>
      %get3A_425 = arith.constant 224 : index
      %get3A_426 = tpu.vector_load %arg9[%get3A_425] {strides = array<i32>} : memref<256xf32, #tpu.memory_space<vmem>>, vector<16xf32>,
      %min3A_427 = arith.constant 4.000000e+00 : f32
      %min3A_428 = vector.broadcast %min3A_427 : f32 to vector<16xf32>
      %min3A_429 = arith.minimumf %get3A_426, %min3A_428 : vector<16xf32>
      %broadcast_in_dim3A_430 = arith.constant true
      %broadcast_in_dim3A_431 = vector.broadcast %broadcast_in_dim3A_430 : i1 to vector<16xi1>
      %masked_cumsum3A_432 = tpu.scan <sum>, %min3A_429 masked %broadcast_in_dim3A_431 : vector<16xf32>, vector<16xi1> -> vector<16xf32>
      %get3A_433 = arith.constant 240 : index
      %get3A_434 = tpu.vector_load %arg9[%get3A_433] {strides = array<i32>} : memref<256xf32, #tpu.memory_space<vmem>>, vector<16xf32>,
      %min3A_435 = arith.constant 4.000000e+00 : f32
      %min3A_436 = vector.broadcast %min3A_435 : f32 to vector<16xf32>
      %min3A_437 = arith.minimumf %get3A_434, %min3A_436 : vector<16xf32>
      %broadcast_in_dim3A_438 = arith.constant true
      %broadcast_in_dim3A_439 = vector.broadcast %broadcast_in_dim3A_438 : i1 to vector<16xi1>
      %masked_cumsum3A_440 = tpu.scan <sum>, %min3A_437 masked %broadcast_in_dim3A_439 : vector<16xf32>, vector<16xi1> -> vector<16xf32>
      %slice3A = vector.extract_strided_slice %masked_cumsum3A {offsets = [15], sizes = [1], strides = [1]} : vector<16xf32> to vector<1xf32>
      %squeeze3A = vector.extract %slice3A[0] : f32 from vector<1xf32>
      %add3A_441 = arith.constant 0.000000e+00 : f32
      %add3A_442 = arith.addf %add3A_441, %squeeze3A : f32
      %slice3A_443 = vector.extract_strided_slice %masked_cumsum3A_328 {offsets = [15], sizes = [1], strides = [1]} : vector<16xf32> to vector<1xf32>
      %squeeze3A_444 = vector.extract %slice3A_443[0] : f32 from vector<1xf32>
      %add3A_445 = arith.addf %add3A_442, %squeeze3A_444 : f32
      %slice3A_446 = vector.extract_strided_slice %masked_cumsum3A_336 {offsets = [15], sizes = [1], strides = [1]} : vector<16xf32> to vector<1xf32>
      %squeeze3A_447 = vector.extract %slice3A_446[0] : f32 from vector<1xf32>
      %add3A_448 = arith.addf %add3A_445, %squeeze3A_447 : f32
      %slice3A_449 = vector.extract_strided_slice %masked_cumsum3A_344 {offsets = [15], sizes = [1], strides = [1]} : vector<16xf32> to vector<1xf32>
      %squeeze3A_450 = vector.extract %slice3A_449[0] : f32 from vector<1xf32>
      %add3A_451 = arith.addf %add3A_448, %squeeze3A_450 : f32
      %slice3A_452 = vector.extract_strided_slice %masked_cumsum3A_352 {offsets = [15], sizes = [1], strides = [1]} : vector<16xf32> to vector<1xf32>
      %squeeze3A_453 = vector.extract %slice3A_452[0] : f32 from vector<1xf32>
      %add3A_454 = arith.addf %add3A_451, %squeeze3A_453 : f32
      %slice3A_455 = vector.extract_strided_slice %masked_cumsum3A_360 {offsets = [15], sizes = [1], strides = [1]} : vector<16xf32> to vector<1xf32>
      %squeeze3A_456 = vector.extract %slice3A_455[0] : f32 from vector<1xf32>
      %add3A_457 = arith.addf %add3A_454, %squeeze3A_456 : f32
      %slice3A_458 = vector.extract_strided_slice %masked_cumsum3A_368 {offsets = [15], sizes = [1], strides = [1]} : vector<16xf32> to vector<1xf32>
      %squeeze3A_459 = vector.extract %slice3A_458[0] : f32 from vector<1xf32>
      %add3A_460 = arith.addf %add3A_457, %squeeze3A_459 : f32
      %slice3A_461 = vector.extract_strided_slice %masked_cumsum3A_376 {offsets = [15], sizes = [1], strides = [1]} : vector<16xf32> to vector<1xf32>
      %squeeze3A_462 = vector.extract %slice3A_461[0] : f32 from vector<1xf32>
      %add3A_463 = arith.addf %add3A_460, %squeeze3A_462 : f32
      %slice3A_464 = vector.extract_strided_slice %masked_cumsum3A_384 {offsets = [15], sizes = [1], strides = [1]} : vector<16xf32> to vector<1xf32>
      %squeeze3A_465 = vector.extract %slice3A_464[0] : f32 from vector<1xf32>
      %add3A_466 = arith.addf %add3A_463, %squeeze3A_465 : f32
      %slice3A_467 = vector.extract_strided_slice %masked_cumsum3A_392 {offsets = [15], sizes = [1], strides = [1]} : vector<16xf32> to vector<1xf32>
      %squeeze3A_468 = vector.extract %slice3A_467[0] : f32 from vector<1xf32>
      %add3A_469 = arith.addf %add3A_466, %squeeze3A_468 : f32
      %slice3A_470 = vector.extract_strided_slice %masked_cumsum3A_400 {offsets = [15], sizes = [1], strides = [1]} : vector<16xf32> to vector<1xf32>
      %squeeze3A_471 = vector.extract %slice3A_470[0] : f32 from vector<1xf32>
      %add3A_472 = arith.addf %add3A_469, %squeeze3A_471 : f32
      %slice3A_473 = vector.extract_strided_slice %masked_cumsum3A_408 {offsets = [15], sizes = [1], strides = [1]} : vector<16xf32> to vector<1xf32>
      %squeeze3A_474 = vector.extract %slice3A_473[0] : f32 from vector<1xf32>
      %add3A_475 = arith.addf %add3A_472, %squeeze3A_474 : f32
      %slice3A_476 = vector.extract_strided_slice %masked_cumsum3A_416 {offsets = [15], sizes = [1], strides = [1]} : vector<16xf32> to vector<1xf32>
      %squeeze3A_477 = vector.extract %slice3A_476[0] : f32 from vector<1xf32>
      %add3A_478 = arith.addf %add3A_475, %squeeze3A_477 : f32
      %slice3A_479 = vector.extract_strided_slice %masked_cumsum3A_424 {offsets = [15], sizes = [1], strides = [1]} : vector<16xf32> to vector<1xf32>
      %squeeze3A_480 = vector.extract %slice3A_479[0] : f32 from vector<1xf32>
      %add3A_481 = arith.addf %add3A_478, %squeeze3A_480 : f32
      %slice3A_482 = vector.extract_strided_slice %masked_cumsum3A_432 {offsets = [15], sizes = [1], strides = [1]} : vector<16xf32> to vector<1xf32>
      %squeeze3A_483 = vector.extract %slice3A_482[0] : f32 from vector<1xf32>
      %add3A_484 = arith.addf %add3A_481, %squeeze3A_483 : f32
      %slice3A_485 = vector.extract_strided_slice %masked_cumsum3A_440 {offsets = [15], sizes = [1], strides = [1]} : vector<16xf32> to vector<1xf32>
      %squeeze3A_486 = vector.extract %slice3A_485[0] : f32 from vector<1xf32>
      %add3A_487 = arith.addf %add3A_484, %squeeze3A_486 : f32
      %slice3A_488 = vector.extract_strided_slice %masked_cumsum3A {offsets = [0], sizes = [1], strides = [1]} : vector<16xf32> to vector<1xf32>
      %squeeze3A_489 = vector.extract %slice3A_488[0] : f32 from vector<1xf32>
      %sub3A = arith.constant 2.560000e+02 : f32
      %sub3A_490 = arith.subf %sub3A, %add3A_487 : f32
      %mul3A_491 = arith.constant 3.906250e-03 : f32
      %mul3A_492 = arith.mulf %sub3A_490, %mul3A_491 : f32
      %add3A_493 = arith.addf %squeeze3A_489, %mul3A_492 : f32
      %sub3A_494 = arith.constant 2.560000e+02 : f32
      %sub3A_495 = arith.subf %sub3A_494, %add3A_493 : f32
      %max3A = arith.constant 1.000000e-07 : f32
      %max3A_496 = arith.maximumf %sub3A_495, %max3A : f32
      %broadcast_in_dim3A_497 = vector.broadcast %max3A_496 : f32 to vector<16xf32>
      %div3A_498 = arith.constant 2.550000e+02 : f32
      %div3A_499 = vector.broadcast %div3A_498 : f32 to vector<16xf32>
      %div3A_500 = arith.divf %div3A_499, %broadcast_in_dim3A_497 : vector<16xf32>
      %mul3A_501 = vector.broadcast %mul3A_492 : f32 to vector<16xf32>
      %mul3A_502 = arith.mulf %convert_element_type3A, %mul3A_501 : vector<16xf32>
      %mul3A_503 = arith.constant 1.000000e+00 : f32
      %mul3A_504 = arith.mulf %mul3A_503, %mul3A_492 : f32
      %sub3A_505 = arith.constant 0.000000e+00 : f32
      %sub3A_506 = arith.subf %sub3A_505, %add3A_493 : f32
      %add3A_507 = arith.addf %mul3A_504, %sub3A_506 : f32
      %add3A_508 = arith.addf %masked_cumsum3A, %mul3A_502 : vector<16xf32>
      %add3A_509 = vector.broadcast %add3A_507 : f32 to vector<16xf32>
      %add3A_510 = arith.addf %add3A_508, %add3A_509 : vector<16xf32>
      %mul3A_511 = arith.mulf %add3A_510, %div3A_500 : vector<16xf32>
      %mul3A_512 = arith.mulf %mul3A_511, %div3A_11 : vector<16xf32>
      %swap3A_513 = arith.constant 0 : index
      %swap3A_514 = tpu.vector_load %arg8[%swap3A_513] {strides = array<i32>} : memref<256xf32, #tpu.memory_space<vmem>>, vector<16xf32>,
      tpu.vector_store %arg8[%swap3A_513], %mul3A_512 {strides = array<i32>} : memref<256xf32, #tpu.memory_space<vmem>>, vector<16xf32>,
      %mul3A_515 = arith.constant 1.700000e+01 : f32
      %mul3A_516 = arith.mulf %mul3A_515, %mul3A_492 : f32
      %sub3A_517 = arith.subf %add3A_442, %add3A_493 : f32
      %add3A_518 = arith.addf %mul3A_516, %sub3A_517 : f32
      %add3A_519 = arith.addf %masked_cumsum3A_328, %mul3A_502 : vector<16xf32>
      %add3A_520 = vector.broadcast %add3A_518 : f32 to vector<16xf32>
      %add3A_521 = arith.addf %add3A_519, %add3A_520 : vector<16xf32>
      %mul3A_522 = arith.mulf %add3A_521, %div3A_500 : vector<16xf32>
      %mul3A_523 = arith.mulf %mul3A_522, %div3A_23 : vector<16xf32>
      %swap3A_524 = arith.constant 16 : index
      %swap3A_525 = tpu.vector_load %arg8[%swap3A_524] {strides = array<i32>} : memref<256xf32, #tpu.memory_space<vmem>>, vector<16xf32>,
      tpu.vector_store %arg8[%swap3A_524], %mul3A_523 {strides = array<i32>} : memref<256xf32, #tpu.memory_space<vmem>>, vector<16xf32>,
      %mul3A_526 = arith.constant 3.300000e+01 : f32
      %mul3A_527 = arith.mulf %mul3A_526, %mul3A_492 : f32
      %sub3A_528 = arith.subf %add3A_445, %add3A_493 : f32
      %add3A_529 = arith.addf %mul3A_527, %sub3A_528 : f32
      %add3A_530 = arith.addf %masked_cumsum3A_336, %mul3A_502 : vector<16xf32>
      %add3A_531 = vector.broadcast %add3A_529 : f32 to vector<16xf32>
      %add3A_532 = arith.addf %add3A_530, %add3A_531 : vector<16xf32>
      %mul3A_533 = arith.mulf %add3A_532, %div3A_500 : vector<16xf32>
      %mul3A_534 = arith.mulf %mul3A_533, %div3A_35 : vector<16xf32>
      %swap3A_535 = arith.constant 32 : index
      %swap3A_536 = tpu.vector_load %arg8[%swap3A_535] {strides = array<i32>} : memref<256xf32, #tpu.memory_space<vmem>>, vector<16xf32>,
      tpu.vector_store %arg8[%swap3A_535], %mul3A_534 {strides = array<i32>} : memref<256xf32, #tpu.memory_space<vmem>>, vector<16xf32>,
      %mul3A_537 = arith.constant 4.900000e+01 : f32
      %mul3A_538 = arith.mulf %mul3A_537, %mul3A_492 : f32
      %sub3A_539 = arith.subf %add3A_448, %add3A_493 : f32
      %add3A_540 = arith.addf %mul3A_538, %sub3A_539 : f32
      %add3A_541 = arith.addf %masked_cumsum3A_344, %mul3A_502 : vector<16xf32>
      %add3A_542 = vector.broadcast %add3A_540 : f32 to vector<16xf32>
      %add3A_543 = arith.addf %add3A_541, %add3A_542 : vector<16xf32>
      %mul3A_544 = arith.mulf %add3A_543, %div3A_500 : vector<16xf32>
      %mul3A_545 = arith.mulf %mul3A_544, %div3A_47 : vector<16xf32>
      %swap3A_546 = arith.constant 48 : index
      %swap3A_547 = tpu.vector_load %arg8[%swap3A_546] {strides = array<i32>} : memref<256xf32, #tpu.memory_space<vmem>>, vector<16xf32>,
      tpu.vector_store %arg8[%swap3A_546], %mul3A_545 {strides = array<i32>} : memref<256xf32, #tpu.memory_space<vmem>>, vector<16xf32>,
      %mul3A_548 = arith.constant 6.500000e+01 : f32
      %mul3A_549 = arith.mulf %mul3A_548, %mul3A_492 : f32
      %sub3A_550 = arith.subf %add3A_451, %add3A_493 : f32
      %add3A_551 = arith.addf %mul3A_549, %sub3A_550 : f32
      %add3A_552 = arith.addf %masked_cumsum3A_352, %mul3A_502 : vector<16xf32>
      %add3A_553 = vector.broadcast %add3A_551 : f32 to vector<16xf32>
      %add3A_554 = arith.addf %add3A_552, %add3A_553 : vector<16xf32>
      %mul3A_555 = arith.mulf %add3A_554, %div3A_500 : vector<16xf32>
      %mul3A_556 = arith.mulf %mul3A_555, %div3A_59 : vector<16xf32>
      %swap3A_557 = arith.constant 64 : index
      %swap3A_558 = tpu.vector_load %arg8[%swap3A_557] {strides = array<i32>} : memref<256xf32, #tpu.memory_space<vmem>>, vector<16xf32>,
      tpu.vector_store %arg8[%swap3A_557], %mul3A_556 {strides = array<i32>} : memref<256xf32, #tpu.memory_space<vmem>>, vector<16xf32>,
      %mul3A_559 = arith.constant 8.100000e+01 : f32
      %mul3A_560 = arith.mulf %mul3A_559, %mul3A_492 : f32
      %sub3A_561 = arith.subf %add3A_454, %add3A_493 : f32
      %add3A_562 = arith.addf %mul3A_560, %sub3A_561 : f32
      %add3A_563 = arith.addf %masked_cumsum3A_360, %mul3A_502 : vector<16xf32>
      %add3A_564 = vector.broadcast %add3A_562 : f32 to vector<16xf32>
      %add3A_565 = arith.addf %add3A_563, %add3A_564 : vector<16xf32>
      %mul3A_566 = arith.mulf %add3A_565, %div3A_500 : vector<16xf32>
      %mul3A_567 = arith.mulf %mul3A_566, %div3A_71 : vector<16xf32>
      %swap3A_568 = arith.constant 80 : index
      %swap3A_569 = tpu.vector_load %arg8[%swap3A_568] {strides = array<i32>} : memref<256xf32, #tpu.memory_space<vmem>>, vector<16xf32>,
      tpu.vector_store %arg8[%swap3A_568], %mul3A_567 {strides = array<i32>} : memref<256xf32, #tpu.memory_space<vmem>>, vector<16xf32>,
      %mul3A_570 = arith.constant 9.700000e+01 : f32
      %mul3A_571 = arith.mulf %mul3A_570, %mul3A_492 : f32
      %sub3A_572 = arith.subf %add3A_457, %add3A_493 : f32
      %add3A_573 = arith.addf %mul3A_571, %sub3A_572 : f32
      %add3A_574 = arith.addf %masked_cumsum3A_368, %mul3A_502 : vector<16xf32>
      %add3A_575 = vector.broadcast %add3A_573 : f32 to vector<16xf32>
      %add3A_576 = arith.addf %add3A_574, %add3A_575 : vector<16xf32>
      %mul3A_577 = arith.mulf %add3A_576, %div3A_500 : vector<16xf32>
      %mul3A_578 = arith.mulf %mul3A_577, %div3A_83 : vector<16xf32>
      %swap3A_579 = arith.constant 96 : index
      %swap3A_580 = tpu.vector_load %arg8[%swap3A_579] {strides = array<i32>} : memref<256xf32, #tpu.memory_space<vmem>>, vector<16xf32>,
      tpu.vector_store %arg8[%swap3A_579], %mul3A_578 {strides = array<i32>} : memref<256xf32, #tpu.memory_space<vmem>>, vector<16xf32>,
      %mul3A_581 = arith.constant 1.130000e+02 : f32
      %mul3A_582 = arith.mulf %mul3A_581, %mul3A_492 : f32
      %sub3A_583 = arith.subf %add3A_460, %add3A_493 : f32
      %add3A_584 = arith.addf %mul3A_582, %sub3A_583 : f32
      %add3A_585 = arith.addf %masked_cumsum3A_376, %mul3A_502 : vector<16xf32>
      %add3A_586 = vector.broadcast %add3A_584 : f32 to vector<16xf32>
      %add3A_587 = arith.addf %add3A_585, %add3A_586 : vector<16xf32>
      %mul3A_588 = arith.mulf %add3A_587, %div3A_500 : vector<16xf32>
      %mul3A_589 = arith.mulf %mul3A_588, %div3A_95 : vector<16xf32>
      %swap3A_590 = arith.constant 112 : index
      %swap3A_591 = tpu.vector_load %arg8[%swap3A_590] {strides = array<i32>} : memref<256xf32, #tpu.memory_space<vmem>>, vector<16xf32>,
      tpu.vector_store %arg8[%swap3A_590], %mul3A_589 {strides = array<i32>} : memref<256xf32, #tpu.memory_space<vmem>>, vector<16xf32>,
      %mul3A_592 = arith.constant 1.290000e+02 : f32
      %mul3A_593 = arith.mulf %mul3A_592, %mul3A_492 : f32
      %sub3A_594 = arith.subf %add3A_463, %add3A_493 : f32
      %add3A_595 = arith.addf %mul3A_593, %sub3A_594 : f32
      %add3A_596 = arith.addf %masked_cumsum3A_384, %mul3A_502 : vector<16xf32>
      %add3A_597 = vector.broadcast %add3A_595 : f32 to vector<16xf32>
      %add3A_598 = arith.addf %add3A_596, %add3A_597 : vector<16xf32>
      %mul3A_599 = arith.mulf %add3A_598, %div3A_500 : vector<16xf32>
      %mul3A_600 = arith.mulf %mul3A_599, %div3A_107 : vector<16xf32>
      %swap3A_601 = arith.constant 128 : index
      %swap3A_602 = tpu.vector_load %arg8[%swap3A_601] {strides = array<i32>} : memref<256xf32, #tpu.memory_space<vmem>>, vector<16xf32>,
      tpu.vector_store %arg8[%swap3A_601], %mul3A_600 {strides = array<i32>} : memref<256xf32, #tpu.memory_space<vmem>>, vector<16xf32>,
      %mul3A_603 = arith.constant 1.450000e+02 : f32
      %mul3A_604 = arith.mulf %mul3A_603, %mul3A_492 : f32
      %sub3A_605 = arith.subf %add3A_466, %add3A_493 : f32
      %add3A_606 = arith.addf %mul3A_604, %sub3A_605 : f32
      %add3A_607 = arith.addf %masked_cumsum3A_392, %mul3A_502 : vector<16xf32>
      %add3A_608 = vector.broadcast %add3A_606 : f32 to vector<16xf32>
      %add3A_609 = arith.addf %add3A_607, %add3A_608 : vector<16xf32>
      %mul3A_610 = arith.mulf %add3A_609, %div3A_500 : vector<16xf32>
      %mul3A_611 = arith.mulf %mul3A_610, %div3A_119 : vector<16xf32>
      %swap3A_612 = arith.constant 144 : index
      %swap3A_613 = tpu.vector_load %arg8[%swap3A_612] {strides = array<i32>} : memref<256xf32, #tpu.memory_space<vmem>>, vector<16xf32>,
      tpu.vector_store %arg8[%swap3A_612], %mul3A_611 {strides = array<i32>} : memref<256xf32, #tpu.memory_space<vmem>>, vector<16xf32>,
      %mul3A_614 = arith.constant 1.610000e+02 : f32
      %mul3A_615 = arith.mulf %mul3A_614, %mul3A_492 : f32
      %sub3A_616 = arith.subf %add3A_469, %add3A_493 : f32
      %add3A_617 = arith.addf %mul3A_615, %sub3A_616 : f32
      %add3A_618 = arith.addf %masked_cumsum3A_400, %mul3A_502 : vector<16xf32>
      %add3A_619 = vector.broadcast %add3A_617 : f32 to vector<16xf32>
      %add3A_620 = arith.addf %add3A_618, %add3A_619 : vector<16xf32>
      %mul3A_621 = arith.mulf %add3A_620, %div3A_500 : vector<16xf32>
      %mul3A_622 = arith.mulf %mul3A_621, %div3A_131 : vector<16xf32>
      %swap3A_623 = arith.constant 160 : index
      %swap3A_624 = tpu.vector_load %arg8[%swap3A_623] {strides = array<i32>} : memref<256xf32, #tpu.memory_space<vmem>>, vector<16xf32>,
      tpu.vector_store %arg8[%swap3A_623], %mul3A_622 {strides = array<i32>} : memref<256xf32, #tpu.memory_space<vmem>>, vector<16xf32>,
      %mul3A_625 = arith.constant 1.770000e+02 : f32
      %mul3A_626 = arith.mulf %mul3A_625, %mul3A_492 : f32
      %sub3A_627 = arith.subf %add3A_472, %add3A_493 : f32
      %add3A_628 = arith.addf %mul3A_626, %sub3A_627 : f32
      %add3A_629 = arith.addf %masked_cumsum3A_408, %mul3A_502 : vector<16xf32>
      %add3A_630 = vector.broadcast %add3A_628 : f32 to vector<16xf32>
      %add3A_631 = arith.addf %add3A_629, %add3A_630 : vector<16xf32>
      %mul3A_632 = arith.mulf %add3A_631, %div3A_500 : vector<16xf32>
      %mul3A_633 = arith.mulf %mul3A_632, %div3A_143 : vector<16xf32>
      %swap3A_634 = arith.constant 176 : index
      %swap3A_635 = tpu.vector_load %arg8[%swap3A_634] {strides = array<i32>} : memref<256xf32, #tpu.memory_space<vmem>>, vector<16xf32>,
      tpu.vector_store %arg8[%swap3A_634], %mul3A_633 {strides = array<i32>} : memref<256xf32, #tpu.memory_space<vmem>>, vector<16xf32>,
      %mul3A_636 = arith.constant 1.930000e+02 : f32
      %mul3A_637 = arith.mulf %mul3A_636, %mul3A_492 : f32
      %sub3A_638 = arith.subf %add3A_475, %add3A_493 : f32
      %add3A_639 = arith.addf %mul3A_637, %sub3A_638 : f32
      %add3A_640 = arith.addf %masked_cumsum3A_416, %mul3A_502 : vector<16xf32>
      %add3A_641 = vector.broadcast %add3A_639 : f32 to vector<16xf32>
      %add3A_642 = arith.addf %add3A_640, %add3A_641 : vector<16xf32>
      %mul3A_643 = arith.mulf %add3A_642, %div3A_500 : vector<16xf32>
      %mul3A_644 = arith.mulf %mul3A_643, %div3A_155 : vector<16xf32>
      %swap3A_645 = arith.constant 192 : index
      %swap3A_646 = tpu.vector_load %arg8[%swap3A_645] {strides = array<i32>} : memref<256xf32, #tpu.memory_space<vmem>>, vector<16xf32>,
      tpu.vector_store %arg8[%swap3A_645], %mul3A_644 {strides = array<i32>} : memref<256xf32, #tpu.memory_space<vmem>>, vector<16xf32>,
      %mul3A_647 = arith.constant 2.090000e+02 : f32
      %mul3A_648 = arith.mulf %mul3A_647, %mul3A_492 : f32
      %sub3A_649 = arith.subf %add3A_478, %add3A_493 : f32
      %add3A_650 = arith.addf %mul3A_648, %sub3A_649 : f32
      %add3A_651 = arith.addf %masked_cumsum3A_424, %mul3A_502 : vector<16xf32>
      %add3A_652 = vector.broadcast %add3A_650 : f32 to vector<16xf32>
      %add3A_653 = arith.addf %add3A_651, %add3A_652 : vector<16xf32>
      %mul3A_654 = arith.mulf %add3A_653, %div3A_500 : vector<16xf32>
      %mul3A_655 = arith.mulf %mul3A_654, %div3A_167 : vector<16xf32>
      %swap3A_656 = arith.constant 208 : index
      %swap3A_657 = tpu.vector_load %arg8[%swap3A_656] {strides = array<i32>} : memref<256xf32, #tpu.memory_space<vmem>>, vector<16xf32>,
      tpu.vector_store %arg8[%swap3A_656], %mul3A_655 {strides = array<i32>} : memref<256xf32, #tpu.memory_space<vmem>>, vector<16xf32>,
      %mul3A_658 = arith.constant 2.250000e+02 : f32
      %mul3A_659 = arith.mulf %mul3A_658, %mul3A_492 : f32
      %sub3A_660 = arith.subf %add3A_481, %add3A_493 : f32
      %add3A_661 = arith.addf %mul3A_659, %sub3A_660 : f32
      %add3A_662 = arith.addf %masked_cumsum3A_432, %mul3A_502 : vector<16xf32>
      %add3A_663 = vector.broadcast %add3A_661 : f32 to vector<16xf32>
      %add3A_664 = arith.addf %add3A_662, %add3A_663 : vector<16xf32>
      %mul3A_665 = arith.mulf %add3A_664, %div3A_500 : vector<16xf32>
      %mul3A_666 = arith.mulf %mul3A_665, %div3A_179 : vector<16xf32>
      %swap3A_667 = arith.constant 224 : index
      %swap3A_668 = tpu.vector_load %arg8[%swap3A_667] {strides = array<i32>} : memref<256xf32, #tpu.memory_space<vmem>>, vector<16xf32>,
      tpu.vector_store %arg8[%swap3A_667], %mul3A_666 {strides = array<i32>} : memref<256xf32, #tpu.memory_space<vmem>>, vector<16xf32>,
      %mul3A_669 = arith.constant 2.410000e+02 : f32
      %mul3A_670 = arith.mulf %mul3A_669, %mul3A_492 : f32
      %sub3A_671 = arith.subf %add3A_484, %add3A_493 : f32
      %add3A_672 = arith.addf %mul3A_670, %sub3A_671 : f32
      %add3A_673 = arith.addf %masked_cumsum3A_440, %mul3A_502 : vector<16xf32>
      %add3A_674 = vector.broadcast %add3A_672 : f32 to vector<16xf32>
      %add3A_675 = arith.addf %add3A_673, %add3A_674 : vector<16xf32>
      %mul3A_676 = arith.mulf %add3A_675, %div3A_500 : vector<16xf32>
      %mul3A_677 = arith.mulf %mul3A_676, %div3A_191 : vector<16xf32>
      %swap3A_678 = arith.constant 240 : index
      %swap3A_679 = tpu.vector_load %arg8[%swap3A_678] {strides = array<i32>} : memref<256xf32, #tpu.memory_space<vmem>>, vector<16xf32>,
      tpu.vector_store %arg8[%swap3A_678], %mul3A_677 {strides = array<i32>} : memref<256xf32, #tpu.memory_space<vmem>>, vector<16xf32>,
      %gather3A = tpu.vector_load_idx %arg8[%convert_element_type3A_239] : memref<256xf32, #tpu.memory_space<vmem>>[vector<16xi32>], vector<16xf32>,
      %add3A_680 = arith.constant 0 : i32
      %add3A_681 = arith.addi %add3A_680, %mul3A_203 : i32
      %swap3A_682 = arith.index_cast %add3A_681 : i32 to index
      %swap3A_683 = tpu.vector_load %arg6[%swap3A_682] {strides = array<i32>} : memref<8192xf32, #tpu.memory_space<vmem>>, vector<16xf32>,
      tpu.vector_store %arg6[%swap3A_682], %gather3A {strides = array<i32>} : memref<8192xf32, #tpu.memory_space<vmem>>, vector<16xf32>,
      %gather3A_684 = tpu.vector_load_idx %arg8[%convert_element_type3A_244] : memref<256xf32, #tpu.memory_space<vmem>>[vector<16xi32>], vector<16xf32>,
      %add3A_685 = arith.constant 512 : i32
      %add3A_686 = arith.addi %add3A_685, %mul3A_203 : i32
      %swap3A_687 = arith.index_cast %add3A_686 : i32 to index
      %swap3A_688 = tpu.vector_load %arg6[%swap3A_687] {strides = array<i32>} : memref<8192xf32, #tpu.memory_space<vmem>>, vector<16xf32>,
      tpu.vector_store %arg6[%swap3A_687], %gather3A_684 {strides = array<i32>} : memref<8192xf32, #tpu.memory_space<vmem>>, vector<16xf32>,
      %gather3A_689 = tpu.vector_load_idx %arg8[%convert_element_type3A_249] : memref<256xf32, #tpu.memory_space<vmem>>[vector<16xi32>], vector<16xf32>,
      %add3A_690 = arith.constant 1024 : i32
      %add3A_691 = arith.addi %add3A_690, %mul3A_203 : i32
      %swap3A_692 = arith.index_cast %add3A_691 : i32 to index
      %swap3A_693 = tpu.vector_load %arg6[%swap3A_692] {strides = array<i32>} : memref<8192xf32, #tpu.memory_space<vmem>>, vector<16xf32>,
      tpu.vector_store %arg6[%swap3A_692], %gather3A_689 {strides = array<i32>} : memref<8192xf32, #tpu.memory_space<vmem>>, vector<16xf32>,
      %gather3A_694 = tpu.vector_load_idx %arg8[%convert_element_type3A_254] : memref<256xf32, #tpu.memory_space<vmem>>[vector<16xi32>], vector<16xf32>,
      %add3A_695 = arith.constant 1536 : i32
      %add3A_696 = arith.addi %add3A_695, %mul3A_203 : i32
      %swap3A_697 = arith.index_cast %add3A_696 : i32 to index
      %swap3A_698 = tpu.vector_load %arg6[%swap3A_697] {strides = array<i32>} : memref<8192xf32, #tpu.memory_space<vmem>>, vector<16xf32>,
      tpu.vector_store %arg6[%swap3A_697], %gather3A_694 {strides = array<i32>} : memref<8192xf32, #tpu.memory_space<vmem>>, vector<16xf32>,
      %gather3A_699 = tpu.vector_load_idx %arg8[%convert_element_type3A_259] : memref<256xf32, #tpu.memory_space<vmem>>[vector<16xi32>], vector<16xf32>,
      %add3A_700 = arith.constant 2048 : i32
      %add3A_701 = arith.addi %add3A_700, %mul3A_203 : i32
      %swap3A_702 = arith.index_cast %add3A_701 : i32 to index
      %swap3A_703 = tpu.vector_load %arg6[%swap3A_702] {strides = array<i32>} : memref<8192xf32, #tpu.memory_space<vmem>>, vector<16xf32>,
      tpu.vector_store %arg6[%swap3A_702], %gather3A_699 {strides = array<i32>} : memref<8192xf32, #tpu.memory_space<vmem>>, vector<16xf32>,
      %gather3A_704 = tpu.vector_load_idx %arg8[%convert_element_type3A_264] : memref<256xf32, #tpu.memory_space<vmem>>[vector<16xi32>], vector<16xf32>,
      %add3A_705 = arith.constant 2560 : i32
      %add3A_706 = arith.addi %add3A_705, %mul3A_203 : i32
      %swap3A_707 = arith.index_cast %add3A_706 : i32 to index
      %swap3A_708 = tpu.vector_load %arg6[%swap3A_707] {strides = array<i32>} : memref<8192xf32, #tpu.memory_space<vmem>>, vector<16xf32>,
      tpu.vector_store %arg6[%swap3A_707], %gather3A_704 {strides = array<i32>} : memref<8192xf32, #tpu.memory_space<vmem>>, vector<16xf32>,
      %gather3A_709 = tpu.vector_load_idx %arg8[%convert_element_type3A_269] : memref<256xf32, #tpu.memory_space<vmem>>[vector<16xi32>], vector<16xf32>,
      %add3A_710 = arith.constant 3072 : i32
      %add3A_711 = arith.addi %add3A_710, %mul3A_203 : i32
      %swap3A_712 = arith.index_cast %add3A_711 : i32 to index
      %swap3A_713 = tpu.vector_load %arg6[%swap3A_712] {strides = array<i32>} : memref<8192xf32, #tpu.memory_space<vmem>>, vector<16xf32>,
      tpu.vector_store %arg6[%swap3A_712], %gather3A_709 {strides = array<i32>} : memref<8192xf32, #tpu.memory_space<vmem>>, vector<16xf32>,
      %gather3A_714 = tpu.vector_load_idx %arg8[%convert_element_type3A_274] : memref<256xf32, #tpu.memory_space<vmem>>[vector<16xi32>], vector<16xf32>,
      %add3A_715 = arith.constant 3584 : i32
      %add3A_716 = arith.addi %add3A_715, %mul3A_203 : i32
      %swap3A_717 = arith.index_cast %add3A_716 : i32 to index
      %swap3A_718 = tpu.vector_load %arg6[%swap3A_717] {strides = array<i32>} : memref<8192xf32, #tpu.memory_space<vmem>>, vector<16xf32>,
      tpu.vector_store %arg6[%swap3A_717], %gather3A_714 {strides = array<i32>} : memref<8192xf32, #tpu.memory_space<vmem>>, vector<16xf32>,
      %gather3A_719 = tpu.vector_load_idx %arg8[%convert_element_type3A_279] : memref<256xf32, #tpu.memory_space<vmem>>[vector<16xi32>], vector<16xf32>,
      %add3A_720 = arith.constant 4096 : i32
      %add3A_721 = arith.addi %add3A_720, %mul3A_203 : i32
      %swap3A_722 = arith.index_cast %add3A_721 : i32 to index
      %swap3A_723 = tpu.vector_load %arg6[%swap3A_722] {strides = array<i32>} : memref<8192xf32, #tpu.memory_space<vmem>>, vector<16xf32>,
      tpu.vector_store %arg6[%swap3A_722], %gather3A_719 {strides = array<i32>} : memref<8192xf32, #tpu.memory_space<vmem>>, vector<16xf32>,
      %gather3A_724 = tpu.vector_load_idx %arg8[%convert_element_type3A_284] : memref<256xf32, #tpu.memory_space<vmem>>[vector<16xi32>], vector<16xf32>,
      %add3A_725 = arith.constant 4608 : i32
      %add3A_726 = arith.addi %add3A_725, %mul3A_203 : i32
      %swap3A_727 = arith.index_cast %add3A_726 : i32 to index
      %swap3A_728 = tpu.vector_load %arg6[%swap3A_727] {strides = array<i32>} : memref<8192xf32, #tpu.memory_space<vmem>>, vector<16xf32>,
      tpu.vector_store %arg6[%swap3A_727], %gather3A_724 {strides = array<i32>} : memref<8192xf32, #tpu.memory_space<vmem>>, vector<16xf32>,
      %gather3A_729 = tpu.vector_load_idx %arg8[%convert_element_type3A_289] : memref<256xf32, #tpu.memory_space<vmem>>[vector<16xi32>], vector<16xf32>,
      %add3A_730 = arith.constant 5120 : i32
      %add3A_731 = arith.addi %add3A_730, %mul3A_203 : i32
      %swap3A_732 = arith.index_cast %add3A_731 : i32 to index
      %swap3A_733 = tpu.vector_load %arg6[%swap3A_732] {strides = array<i32>} : memref<8192xf32, #tpu.memory_space<vmem>>, vector<16xf32>,
      tpu.vector_store %arg6[%swap3A_732], %gather3A_729 {strides = array<i32>} : memref<8192xf32, #tpu.memory_space<vmem>>, vector<16xf32>,
      %gather3A_734 = tpu.vector_load_idx %arg8[%convert_element_type3A_294] : memref<256xf32, #tpu.memory_space<vmem>>[vector<16xi32>], vector<16xf32>,
      %add3A_735 = arith.constant 5632 : i32
      %add3A_736 = arith.addi %add3A_735, %mul3A_203 : i32
      %swap3A_737 = arith.index_cast %add3A_736 : i32 to index
      %swap3A_738 = tpu.vector_load %arg6[%swap3A_737] {strides = array<i32>} : memref<8192xf32, #tpu.memory_space<vmem>>, vector<16xf32>,
      tpu.vector_store %arg6[%swap3A_737], %gather3A_734 {strides = array<i32>} : memref<8192xf32, #tpu.memory_space<vmem>>, vector<16xf32>,
      %gather3A_739 = tpu.vector_load_idx %arg8[%convert_element_type3A_299] : memref<256xf32, #tpu.memory_space<vmem>>[vector<16xi32>], vector<16xf32>,
      %add3A_740 = arith.constant 6144 : i32
      %add3A_741 = arith.addi %add3A_740, %mul3A_203 : i32
      %swap3A_742 = arith.index_cast %add3A_741 : i32 to index
      %swap3A_743 = tpu.vector_load %arg6[%swap3A_742] {strides = array<i32>} : memref<8192xf32, #tpu.memory_space<vmem>>, vector<16xf32>,
      tpu.vector_store %arg6[%swap3A_742], %gather3A_739 {strides = array<i32>} : memref<8192xf32, #tpu.memory_space<vmem>>, vector<16xf32>,
      %gather3A_744 = tpu.vector_load_idx %arg8[%convert_element_type3A_304] : memref<256xf32, #tpu.memory_space<vmem>>[vector<16xi32>], vector<16xf32>,
      %add3A_745 = arith.constant 6656 : i32
      %add3A_746 = arith.addi %add3A_745, %mul3A_203 : i32
      %swap3A_747 = arith.index_cast %add3A_746 : i32 to index
      %swap3A_748 = tpu.vector_load %arg6[%swap3A_747] {strides = array<i32>} : memref<8192xf32, #tpu.memory_space<vmem>>, vector<16xf32>,
      tpu.vector_store %arg6[%swap3A_747], %gather3A_744 {strides = array<i32>} : memref<8192xf32, #tpu.memory_space<vmem>>, vector<16xf32>,
      %gather3A_749 = tpu.vector_load_idx %arg8[%convert_element_type3A_309] : memref<256xf32, #tpu.memory_space<vmem>>[vector<16xi32>], vector<16xf32>,
      %add3A_750 = arith.constant 7168 : i32
      %add3A_751 = arith.addi %add3A_750, %mul3A_203 : i32
      %swap3A_752 = arith.index_cast %add3A_751 : i32 to index
      %swap3A_753 = tpu.vector_load %arg6[%swap3A_752] {strides = array<i32>} : memref<8192xf32, #tpu.memory_space<vmem>>, vector<16xf32>,
      tpu.vector_store %arg6[%swap3A_752], %gather3A_749 {strides = array<i32>} : memref<8192xf32, #tpu.memory_space<vmem>>, vector<16xf32>,
      %gather3A_754 = tpu.vector_load_idx %arg8[%convert_element_type3A_314] : memref<256xf32, #tpu.memory_space<vmem>>[vector<16xi32>], vector<16xf32>,
      %add3A_755 = arith.constant 7680 : i32
      %add3A_756 = arith.addi %add3A_755, %mul3A_203 : i32
      %swap3A_757 = arith.index_cast %add3A_756 : i32 to index
      %swap3A_758 = tpu.vector_load %arg6[%swap3A_757] {strides = array<i32>} : memref<8192xf32, #tpu.memory_space<vmem>>, vector<16xf32>,
      tpu.vector_store %arg6[%swap3A_757], %gather3A_754 {strides = array<i32>} : memref<8192xf32, #tpu.memory_space<vmem>>, vector<16xf32>,
      %add3A_759 = arith.constant 16 : i32
      %add3A_760 = arith.addi %mul3A_203, %add3A_759 : i32
      %swap3A_761 = arith.constant 0 : index
      %swap3A_762 = tpu.vector_load %arg11[%swap3A_761] {strides = array<i32>} : memref<256xf32, #tpu.memory_space<vmem>>, vector<16xf32>,
      tpu.vector_store %arg11[%swap3A_761], %broadcast_in_dim3A_194 {strides = array<i32>} : memref<256xf32, #tpu.memory_space<vmem>>, vector<16xf32>,
      %swap3A_763 = arith.constant 16 : index
      %swap3A_764 = tpu.vector_load %arg11[%swap3A_763] {strides = array<i32>} : memref<256xf32, #tpu.memory_space<vmem>>, vector<16xf32>,
      tpu.vector_store %arg11[%swap3A_763], %broadcast_in_dim3A_194 {strides = array<i32>} : memref<256xf32, #tpu.memory_space<vmem>>, vector<16xf32>,
      %swap3A_765 = arith.constant 32 : index
      %swap3A_766 = tpu.vector_load %arg11[%swap3A_765] {strides = array<i32>} : memref<256xf32, #tpu.memory_space<vmem>>, vector<16xf32>,
      tpu.vector_store %arg11[%swap3A_765], %broadcast_in_dim3A_194 {strides = array<i32>} : memref<256xf32, #tpu.memory_space<vmem>>, vector<16xf32>,
      %swap3A_767 = arith.constant 48 : index
      %swap3A_768 = tpu.vector_load %arg11[%swap3A_767] {strides = array<i32>} : memref<256xf32, #tpu.memory_space<vmem>>, vector<16xf32>,
      tpu.vector_store %arg11[%swap3A_767], %broadcast_in_dim3A_194 {strides = array<i32>} : memref<256xf32, #tpu.memory_space<vmem>>, vector<16xf32>,
      %swap3A_769 = arith.constant 64 : index
      %swap3A_770 = tpu.vector_load %arg11[%swap3A_769] {strides = array<i32>} : memref<256xf32, #tpu.memory_space<vmem>>, vector<16xf32>,
      tpu.vector_store %arg11[%swap3A_769], %broadcast_in_dim3A_194 {strides = array<i32>} : memref<256xf32, #tpu.memory_space<vmem>>, vector<16xf32>,
      %swap3A_771 = arith.constant 80 : index
      %swap3A_772 = tpu.vector_load %arg11[%swap3A_771] {strides = array<i32>} : memref<256xf32, #tpu.memory_space<vmem>>, vector<16xf32>,
      tpu.vector_store %arg11[%swap3A_771], %broadcast_in_dim3A_194 {strides = array<i32>} : memref<256xf32, #tpu.memory_space<vmem>>, vector<16xf32>,
      %swap3A_773 = arith.constant 96 : index
      %swap3A_774 = tpu.vector_load %arg11[%swap3A_773] {strides = array<i32>} : memref<256xf32, #tpu.memory_space<vmem>>, vector<16xf32>,
      tpu.vector_store %arg11[%swap3A_773], %broadcast_in_dim3A_194 {strides = array<i32>} : memref<256xf32, #tpu.memory_space<vmem>>, vector<16xf32>,
      %swap3A_775 = arith.constant 112 : index
      %swap3A_776 = tpu.vector_load %arg11[%swap3A_775] {strides = array<i32>} : memref<256xf32, #tpu.memory_space<vmem>>, vector<16xf32>,
      tpu.vector_store %arg11[%swap3A_775], %broadcast_in_dim3A_194 {strides = array<i32>} : memref<256xf32, #tpu.memory_space<vmem>>, vector<16xf32>,
      %swap3A_777 = arith.constant 128 : index
      %swap3A_778 = tpu.vector_load %arg11[%swap3A_777] {strides = array<i32>} : memref<256xf32, #tpu.memory_space<vmem>>, vector<16xf32>,
      tpu.vector_store %arg11[%swap3A_777], %broadcast_in_dim3A_194 {strides = array<i32>} : memref<256xf32, #tpu.memory_space<vmem>>, vector<16xf32>,
      %swap3A_779 = arith.constant 144 : index
      %swap3A_780 = tpu.vector_load %arg11[%swap3A_779] {strides = array<i32>} : memref<256xf32, #tpu.memory_space<vmem>>, vector<16xf32>,
      tpu.vector_store %arg11[%swap3A_779], %broadcast_in_dim3A_194 {strides = array<i32>} : memref<256xf32, #tpu.memory_space<vmem>>, vector<16xf32>,
      %swap3A_781 = arith.constant 160 : index
      %swap3A_782 = tpu.vector_load %arg11[%swap3A_781] {strides = array<i32>} : memref<256xf32, #tpu.memory_space<vmem>>, vector<16xf32>,
      tpu.vector_store %arg11[%swap3A_781], %broadcast_in_dim3A_194 {strides = array<i32>} : memref<256xf32, #tpu.memory_space<vmem>>, vector<16xf32>,
      %swap3A_783 = arith.constant 176 : index
      %swap3A_784 = tpu.vector_load %arg11[%swap3A_783] {strides = array<i32>} : memref<256xf32, #tpu.memory_space<vmem>>, vector<16xf32>,
      tpu.vector_store %arg11[%swap3A_783], %broadcast_in_dim3A_194 {strides = array<i32>} : memref<256xf32, #tpu.memory_space<vmem>>, vector<16xf32>,
      %swap3A_785 = arith.constant 192 : index
      %swap3A_786 = tpu.vector_load %arg11[%swap3A_785] {strides = array<i32>} : memref<256xf32, #tpu.memory_space<vmem>>, vector<16xf32>,
      tpu.vector_store %arg11[%swap3A_785], %broadcast_in_dim3A_194 {strides = array<i32>} : memref<256xf32, #tpu.memory_space<vmem>>, vector<16xf32>,
      %swap3A_787 = arith.constant 208 : index
      %swap3A_788 = tpu.vector_load %arg11[%swap3A_787] {strides = array<i32>} : memref<256xf32, #tpu.memory_space<vmem>>, vector<16xf32>,
      tpu.vector_store %arg11[%swap3A_787], %broadcast_in_dim3A_194 {strides = array<i32>} : memref<256xf32, #tpu.memory_space<vmem>>, vector<16xf32>,
      %swap3A_789 = arith.constant 224 : index
      %swap3A_790 = tpu.vector_load %arg11[%swap3A_789] {strides = array<i32>} : memref<256xf32, #tpu.memory_space<vmem>>, vector<16xf32>,
      tpu.vector_store %arg11[%swap3A_789], %broadcast_in_dim3A_194 {strides = array<i32>} : memref<256xf32, #tpu.memory_space<vmem>>, vector<16xf32>,
      %swap3A_791 = arith.constant 240 : index
      %swap3A_792 = tpu.vector_load %arg11[%swap3A_791] {strides = array<i32>} : memref<256xf32, #tpu.memory_space<vmem>>, vector<16xf32>,
      tpu.vector_store %arg11[%swap3A_791], %broadcast_in_dim3A_194 {strides = array<i32>} : memref<256xf32, #tpu.memory_space<vmem>>, vector<16xf32>,
      %add3A_793 = arith.constant 0 : i32
      %add3A_794 = arith.addi %add3A_793, %add3A_760 : i32
      %get3A_795 = arith.index_cast %add3A_794 : i32 to index
      %get3A_796 = tpu.vector_load %arg5[%get3A_795] {strides = array<i32>} : memref<8192xf32, #tpu.memory_space<vmem>>, vector<16xf32>,
      %convert_element_type3A_797 = arith.fptosi %get3A_796 : vector<16xf32> to vector<16xi32>
      tpu.vector_store_idx %arg11[%convert_element_type3A_797], %broadcast_in_dim3A_192 {add = true} : memref<256xf32, #tpu.memory_space<vmem>>[vector<16xi32>], vector<16xf32>,
      %add3A_798 = arith.constant 512 : i32
      %add3A_799 = arith.addi %add3A_798, %add3A_760 : i32
      %get3A_800 = arith.index_cast %add3A_799 : i32 to index
      %get3A_801 = tpu.vector_load %arg5[%get3A_800] {strides = array<i32>} : memref<8192xf32, #tpu.memory_space<vmem>>, vector<16xf32>,
      %convert_element_type3A_802 = arith.fptosi %get3A_801 : vector<16xf32> to vector<16xi32>
      tpu.vector_store_idx %arg11[%convert_element_type3A_802], %broadcast_in_dim3A_192 {add = true} : memref<256xf32, #tpu.memory_space<vmem>>[vector<16xi32>], vector<16xf32>,
      %add3A_803 = arith.constant 1024 : i32
      %add3A_804 = arith.addi %add3A_803, %add3A_760 : i32
      %get3A_805 = arith.index_cast %add3A_804 : i32 to index
      %get3A_806 = tpu.vector_load %arg5[%get3A_805] {strides = array<i32>} : memref<8192xf32, #tpu.memory_space<vmem>>, vector<16xf32>,
      %convert_element_type3A_807 = arith.fptosi %get3A_806 : vector<16xf32> to vector<16xi32>
      tpu.vector_store_idx %arg11[%convert_element_type3A_807], %broadcast_in_dim3A_192 {add = true} : memref<256xf32, #tpu.memory_space<vmem>>[vector<16xi32>], vector<16xf32>,
      %add3A_808 = arith.constant 1536 : i32
      %add3A_809 = arith.addi %add3A_808, %add3A_760 : i32
      %get3A_810 = arith.index_cast %add3A_809 : i32 to index
      %get3A_811 = tpu.vector_load %arg5[%get3A_810] {strides = array<i32>} : memref<8192xf32, #tpu.memory_space<vmem>>, vector<16xf32>,
      %convert_element_type3A_812 = arith.fptosi %get3A_811 : vector<16xf32> to vector<16xi32>
      tpu.vector_store_idx %arg11[%convert_element_type3A_812], %broadcast_in_dim3A_192 {add = true} : memref<256xf32, #tpu.memory_space<vmem>>[vector<16xi32>], vector<16xf32>,
      %add3A_813 = arith.constant 2048 : i32
      %add3A_814 = arith.addi %add3A_813, %add3A_760 : i32
      %get3A_815 = arith.index_cast %add3A_814 : i32 to index
      %get3A_816 = tpu.vector_load %arg5[%get3A_815] {strides = array<i32>} : memref<8192xf32, #tpu.memory_space<vmem>>, vector<16xf32>,
      %convert_element_type3A_817 = arith.fptosi %get3A_816 : vector<16xf32> to vector<16xi32>
      tpu.vector_store_idx %arg11[%convert_element_type3A_817], %broadcast_in_dim3A_192 {add = true} : memref<256xf32, #tpu.memory_space<vmem>>[vector<16xi32>], vector<16xf32>,
      %add3A_818 = arith.constant 2560 : i32
      %add3A_819 = arith.addi %add3A_818, %add3A_760 : i32
      %get3A_820 = arith.index_cast %add3A_819 : i32 to index
      %get3A_821 = tpu.vector_load %arg5[%get3A_820] {strides = array<i32>} : memref<8192xf32, #tpu.memory_space<vmem>>, vector<16xf32>,
      %convert_element_type3A_822 = arith.fptosi %get3A_821 : vector<16xf32> to vector<16xi32>
      tpu.vector_store_idx %arg11[%convert_element_type3A_822], %broadcast_in_dim3A_192 {add = true} : memref<256xf32, #tpu.memory_space<vmem>>[vector<16xi32>], vector<16xf32>,
      %add3A_823 = arith.constant 3072 : i32
      %add3A_824 = arith.addi %add3A_823, %add3A_760 : i32
      %get3A_825 = arith.index_cast %add3A_824 : i32 to index
      %get3A_826 = tpu.vector_load %arg5[%get3A_825] {strides = array<i32>} : memref<8192xf32, #tpu.memory_space<vmem>>, vector<16xf32>,
      %convert_element_type3A_827 = arith.fptosi %get3A_826 : vector<16xf32> to vector<16xi32>
      tpu.vector_store_idx %arg11[%convert_element_type3A_827], %broadcast_in_dim3A_192 {add = true} : memref<256xf32, #tpu.memory_space<vmem>>[vector<16xi32>], vector<16xf32>,
      %add3A_828 = arith.constant 3584 : i32
      %add3A_829 = arith.addi %add3A_828, %add3A_760 : i32
      %get3A_830 = arith.index_cast %add3A_829 : i32 to index
      %get3A_831 = tpu.vector_load %arg5[%get3A_830] {strides = array<i32>} : memref<8192xf32, #tpu.memory_space<vmem>>, vector<16xf32>,
      %convert_element_type3A_832 = arith.fptosi %get3A_831 : vector<16xf32> to vector<16xi32>
      tpu.vector_store_idx %arg11[%convert_element_type3A_832], %broadcast_in_dim3A_192 {add = true} : memref<256xf32, #tpu.memory_space<vmem>>[vector<16xi32>], vector<16xf32>,
      %add3A_833 = arith.constant 4096 : i32
      %add3A_834 = arith.addi %add3A_833, %add3A_760 : i32
      %get3A_835 = arith.index_cast %add3A_834 : i32 to index
      %get3A_836 = tpu.vector_load %arg5[%get3A_835] {strides = array<i32>} : memref<8192xf32, #tpu.memory_space<vmem>>, vector<16xf32>,
      %convert_element_type3A_837 = arith.fptosi %get3A_836 : vector<16xf32> to vector<16xi32>
      tpu.vector_store_idx %arg11[%convert_element_type3A_837], %broadcast_in_dim3A_192 {add = true} : memref<256xf32, #tpu.memory_space<vmem>>[vector<16xi32>], vector<16xf32>,
      %add3A_838 = arith.constant 4608 : i32
      %add3A_839 = arith.addi %add3A_838, %add3A_760 : i32
      %get3A_840 = arith.index_cast %add3A_839 : i32 to index
      %get3A_841 = tpu.vector_load %arg5[%get3A_840] {strides = array<i32>} : memref<8192xf32, #tpu.memory_space<vmem>>, vector<16xf32>,
      %convert_element_type3A_842 = arith.fptosi %get3A_841 : vector<16xf32> to vector<16xi32>
      tpu.vector_store_idx %arg11[%convert_element_type3A_842], %broadcast_in_dim3A_192 {add = true} : memref<256xf32, #tpu.memory_space<vmem>>[vector<16xi32>], vector<16xf32>,
      %add3A_843 = arith.constant 5120 : i32
      %add3A_844 = arith.addi %add3A_843, %add3A_760 : i32
      %get3A_845 = arith.index_cast %add3A_844 : i32 to index
      %get3A_846 = tpu.vector_load %arg5[%get3A_845] {strides = array<i32>} : memref<8192xf32, #tpu.memory_space<vmem>>, vector<16xf32>,
      %convert_element_type3A_847 = arith.fptosi %get3A_846 : vector<16xf32> to vector<16xi32>
      tpu.vector_store_idx %arg11[%convert_element_type3A_847], %broadcast_in_dim3A_192 {add = true} : memref<256xf32, #tpu.memory_space<vmem>>[vector<16xi32>], vector<16xf32>,
      %add3A_848 = arith.constant 5632 : i32
      %add3A_849 = arith.addi %add3A_848, %add3A_760 : i32
      %get3A_850 = arith.index_cast %add3A_849 : i32 to index
      %get3A_851 = tpu.vector_load %arg5[%get3A_850] {strides = array<i32>} : memref<8192xf32, #tpu.memory_space<vmem>>, vector<16xf32>,
      %convert_element_type3A_852 = arith.fptosi %get3A_851 : vector<16xf32> to vector<16xi32>
      tpu.vector_store_idx %arg11[%convert_element_type3A_852], %broadcast_in_dim3A_192 {add = true} : memref<256xf32, #tpu.memory_space<vmem>>[vector<16xi32>], vector<16xf32>,
      %add3A_853 = arith.constant 6144 : i32
      %add3A_854 = arith.addi %add3A_853, %add3A_760 : i32
      %get3A_855 = arith.index_cast %add3A_854 : i32 to index
      %get3A_856 = tpu.vector_load %arg5[%get3A_855] {strides = array<i32>} : memref<8192xf32, #tpu.memory_space<vmem>>, vector<16xf32>,
      %convert_element_type3A_857 = arith.fptosi %get3A_856 : vector<16xf32> to vector<16xi32>
      tpu.vector_store_idx %arg11[%convert_element_type3A_857], %broadcast_in_dim3A_192 {add = true} : memref<256xf32, #tpu.memory_space<vmem>>[vector<16xi32>], vector<16xf32>,
      %add3A_858 = arith.constant 6656 : i32
      %add3A_859 = arith.addi %add3A_858, %add3A_760 : i32
      %get3A_860 = arith.index_cast %add3A_859 : i32 to index
      %get3A_861 = tpu.vector_load %arg5[%get3A_860] {strides = array<i32>} : memref<8192xf32, #tpu.memory_space<vmem>>, vector<16xf32>,
      %convert_element_type3A_862 = arith.fptosi %get3A_861 : vector<16xf32> to vector<16xi32>
      tpu.vector_store_idx %arg11[%convert_element_type3A_862], %broadcast_in_dim3A_192 {add = true} : memref<256xf32, #tpu.memory_space<vmem>>[vector<16xi32>], vector<16xf32>,
      %add3A_863 = arith.constant 7168 : i32
      %add3A_864 = arith.addi %add3A_863, %add3A_760 : i32
      %get3A_865 = arith.index_cast %add3A_864 : i32 to index
      %get3A_866 = tpu.vector_load %arg5[%get3A_865] {strides = array<i32>} : memref<8192xf32, #tpu.memory_space<vmem>>, vector<16xf32>,
      %convert_element_type3A_867 = arith.fptosi %get3A_866 : vector<16xf32> to vector<16xi32>
      tpu.vector_store_idx %arg11[%convert_element_type3A_867], %broadcast_in_dim3A_192 {add = true} : memref<256xf32, #tpu.memory_space<vmem>>[vector<16xi32>], vector<16xf32>,
      %add3A_868 = arith.constant 7680 : i32
      %add3A_869 = arith.addi %add3A_868, %add3A_760 : i32
      %get3A_870 = arith.index_cast %add3A_869 : i32 to index
      %get3A_871 = tpu.vector_load %arg5[%get3A_870] {strides = array<i32>} : memref<8192xf32, #tpu.memory_space<vmem>>, vector<16xf32>,
      %convert_element_type3A_872 = arith.fptosi %get3A_871 : vector<16xf32> to vector<16xi32>
      tpu.vector_store_idx %arg11[%convert_element_type3A_872], %broadcast_in_dim3A_192 {add = true} : memref<256xf32, #tpu.memory_space<vmem>>[vector<16xi32>], vector<16xf32>,
      %get3A_873 = arith.constant 0 : index
      %get3A_874 = tpu.vector_load %arg11[%get3A_873] {strides = array<i32>} : memref<256xf32, #tpu.memory_space<vmem>>, vector<16xf32>,
      %min3A_875 = arith.constant 4.000000e+00 : f32
      %min3A_876 = vector.broadcast %min3A_875 : f32 to vector<16xf32>
      %min3A_877 = arith.minimumf %get3A_874, %min3A_876 : vector<16xf32>
      %broadcast_in_dim3A_878 = arith.constant true
      %broadcast_in_dim3A_879 = vector.broadcast %broadcast_in_dim3A_878 : i1 to vector<16xi1>
      %masked_cumsum3A_880 = tpu.scan <sum>, %min3A_877 masked %broadcast_in_dim3A_879 : vector<16xf32>, vector<16xi1> -> vector<16xf32>
      %get3A_881 = arith.constant 16 : index
      %get3A_882 = tpu.vector_load %arg11[%get3A_881] {strides = array<i32>} : memref<256xf32, #tpu.memory_space<vmem>>, vector<16xf32>,
      %min3A_883 = arith.constant 4.000000e+00 : f32
      %min3A_884 = vector.broadcast %min3A_883 : f32 to vector<16xf32>
      %min3A_885 = arith.minimumf %get3A_882, %min3A_884 : vector<16xf32>
      %broadcast_in_dim3A_886 = arith.constant true
      %broadcast_in_dim3A_887 = vector.broadcast %broadcast_in_dim3A_886 : i1 to vector<16xi1>
      %masked_cumsum3A_888 = tpu.scan <sum>, %min3A_885 masked %broadcast_in_dim3A_887 : vector<16xf32>, vector<16xi1> -> vector<16xf32>
      %get3A_889 = arith.constant 32 : index
      %get3A_890 = tpu.vector_load %arg11[%get3A_889] {strides = array<i32>} : memref<256xf32, #tpu.memory_space<vmem>>, vector<16xf32>,
      %min3A_891 = arith.constant 4.000000e+00 : f32
      %min3A_892 = vector.broadcast %min3A_891 : f32 to vector<16xf32>
      %min3A_893 = arith.minimumf %get3A_890, %min3A_892 : vector<16xf32>
      %broadcast_in_dim3A_894 = arith.constant true
      %broadcast_in_dim3A_895 = vector.broadcast %broadcast_in_dim3A_894 : i1 to vector<16xi1>
      %masked_cumsum3A_896 = tpu.scan <sum>, %min3A_893 masked %broadcast_in_dim3A_895 : vector<16xf32>, vector<16xi1> -> vector<16xf32>
      %get3A_897 = arith.constant 48 : index
      %get3A_898 = tpu.vector_load %arg11[%get3A_897] {strides = array<i32>} : memref<256xf32, #tpu.memory_space<vmem>>, vector<16xf32>,
      %min3A_899 = arith.constant 4.000000e+00 : f32
      %min3A_900 = vector.broadcast %min3A_899 : f32 to vector<16xf32>
      %min3A_901 = arith.minimumf %get3A_898, %min3A_900 : vector<16xf32>
      %broadcast_in_dim3A_902 = arith.constant true
      %broadcast_in_dim3A_903 = vector.broadcast %broadcast_in_dim3A_902 : i1 to vector<16xi1>
      %masked_cumsum3A_904 = tpu.scan <sum>, %min3A_901 masked %broadcast_in_dim3A_903 : vector<16xf32>, vector<16xi1> -> vector<16xf32>
      %get3A_905 = arith.constant 64 : index
      %get3A_906 = tpu.vector_load %arg11[%get3A_905] {strides = array<i32>} : memref<256xf32, #tpu.memory_space<vmem>>, vector<16xf32>,
      %min3A_907 = arith.constant 4.000000e+00 : f32
      %min3A_908 = vector.broadcast %min3A_907 : f32 to vector<16xf32>
      %min3A_909 = arith.minimumf %get3A_906, %min3A_908 : vector<16xf32>
      %broadcast_in_dim3A_910 = arith.constant true
      %broadcast_in_dim3A_911 = vector.broadcast %broadcast_in_dim3A_910 : i1 to vector<16xi1>
      %masked_cumsum3A_912 = tpu.scan <sum>, %min3A_909 masked %broadcast_in_dim3A_911 : vector<16xf32>, vector<16xi1> -> vector<16xf32>
      %get3A_913 = arith.constant 80 : index
      %get3A_914 = tpu.vector_load %arg11[%get3A_913] {strides = array<i32>} : memref<256xf32, #tpu.memory_space<vmem>>, vector<16xf32>,
      %min3A_915 = arith.constant 4.000000e+00 : f32
      %min3A_916 = vector.broadcast %min3A_915 : f32 to vector<16xf32>
      %min3A_917 = arith.minimumf %get3A_914, %min3A_916 : vector<16xf32>
      %broadcast_in_dim3A_918 = arith.constant true
      %broadcast_in_dim3A_919 = vector.broadcast %broadcast_in_dim3A_918 : i1 to vector<16xi1>
      %masked_cumsum3A_920 = tpu.scan <sum>, %min3A_917 masked %broadcast_in_dim3A_919 : vector<16xf32>, vector<16xi1> -> vector<16xf32>
      %get3A_921 = arith.constant 96 : index
      %get3A_922 = tpu.vector_load %arg11[%get3A_921] {strides = array<i32>} : memref<256xf32, #tpu.memory_space<vmem>>, vector<16xf32>,
      %min3A_923 = arith.constant 4.000000e+00 : f32
      %min3A_924 = vector.broadcast %min3A_923 : f32 to vector<16xf32>
      %min3A_925 = arith.minimumf %get3A_922, %min3A_924 : vector<16xf32>
      %broadcast_in_dim3A_926 = arith.constant true
      %broadcast_in_dim3A_927 = vector.broadcast %broadcast_in_dim3A_926 : i1 to vector<16xi1>
      %masked_cumsum3A_928 = tpu.scan <sum>, %min3A_925 masked %broadcast_in_dim3A_927 : vector<16xf32>, vector<16xi1> -> vector<16xf32>
      %get3A_929 = arith.constant 112 : index
      %get3A_930 = tpu.vector_load %arg11[%get3A_929] {strides = array<i32>} : memref<256xf32, #tpu.memory_space<vmem>>, vector<16xf32>,
      %min3A_931 = arith.constant 4.000000e+00 : f32
      %min3A_932 = vector.broadcast %min3A_931 : f32 to vector<16xf32>
      %min3A_933 = arith.minimumf %get3A_930, %min3A_932 : vector<16xf32>
      %broadcast_in_dim3A_934 = arith.constant true
      %broadcast_in_dim3A_935 = vector.broadcast %broadcast_in_dim3A_934 : i1 to vector<16xi1>
      %masked_cumsum3A_936 = tpu.scan <sum>, %min3A_933 masked %broadcast_in_dim3A_935 : vector<16xf32>, vector<16xi1> -> vector<16xf32>
      %get3A_937 = arith.constant 128 : index
      %get3A_938 = tpu.vector_load %arg11[%get3A_937] {strides = array<i32>} : memref<256xf32, #tpu.memory_space<vmem>>, vector<16xf32>,
      %min3A_939 = arith.constant 4.000000e+00 : f32
      %min3A_940 = vector.broadcast %min3A_939 : f32 to vector<16xf32>
      %min3A_941 = arith.minimumf %get3A_938, %min3A_940 : vector<16xf32>
      %broadcast_in_dim3A_942 = arith.constant true
      %broadcast_in_dim3A_943 = vector.broadcast %broadcast_in_dim3A_942 : i1 to vector<16xi1>
      %masked_cumsum3A_944 = tpu.scan <sum>, %min3A_941 masked %broadcast_in_dim3A_943 : vector<16xf32>, vector<16xi1> -> vector<16xf32>
      %get3A_945 = arith.constant 144 : index
      %get3A_946 = tpu.vector_load %arg11[%get3A_945] {strides = array<i32>} : memref<256xf32, #tpu.memory_space<vmem>>, vector<16xf32>,
      %min3A_947 = arith.constant 4.000000e+00 : f32
      %min3A_948 = vector.broadcast %min3A_947 : f32 to vector<16xf32>
      %min3A_949 = arith.minimumf %get3A_946, %min3A_948 : vector<16xf32>
      %broadcast_in_dim3A_950 = arith.constant true
      %broadcast_in_dim3A_951 = vector.broadcast %broadcast_in_dim3A_950 : i1 to vector<16xi1>
      %masked_cumsum3A_952 = tpu.scan <sum>, %min3A_949 masked %broadcast_in_dim3A_951 : vector<16xf32>, vector<16xi1> -> vector<16xf32>
      %get3A_953 = arith.constant 160 : index
      %get3A_954 = tpu.vector_load %arg11[%get3A_953] {strides = array<i32>} : memref<256xf32, #tpu.memory_space<vmem>>, vector<16xf32>,
      %min3A_955 = arith.constant 4.000000e+00 : f32
      %min3A_956 = vector.broadcast %min3A_955 : f32 to vector<16xf32>
      %min3A_957 = arith.minimumf %get3A_954, %min3A_956 : vector<16xf32>
      %broadcast_in_dim3A_958 = arith.constant true
      %broadcast_in_dim3A_959 = vector.broadcast %broadcast_in_dim3A_958 : i1 to vector<16xi1>
      %masked_cumsum3A_960 = tpu.scan <sum>, %min3A_957 masked %broadcast_in_dim3A_959 : vector<16xf32>, vector<16xi1> -> vector<16xf32>
      %get3A_961 = arith.constant 176 : index
      %get3A_962 = tpu.vector_load %arg11[%get3A_961] {strides = array<i32>} : memref<256xf32, #tpu.memory_space<vmem>>, vector<16xf32>,
      %min3A_963 = arith.constant 4.000000e+00 : f32
      %min3A_964 = vector.broadcast %min3A_963 : f32 to vector<16xf32>
      %min3A_965 = arith.minimumf %get3A_962, %min3A_964 : vector<16xf32>
      %broadcast_in_dim3A_966 = arith.constant true
      %broadcast_in_dim3A_967 = vector.broadcast %broadcast_in_dim3A_966 : i1 to vector<16xi1>
      %masked_cumsum3A_968 = tpu.scan <sum>, %min3A_965 masked %broadcast_in_dim3A_967 : vector<16xf32>, vector<16xi1> -> vector<16xf32>
      %get3A_969 = arith.constant 192 : index
      %get3A_970 = tpu.vector_load %arg11[%get3A_969] {strides = array<i32>} : memref<256xf32, #tpu.memory_space<vmem>>, vector<16xf32>,
      %min3A_971 = arith.constant 4.000000e+00 : f32
      %min3A_972 = vector.broadcast %min3A_971 : f32 to vector<16xf32>
      %min3A_973 = arith.minimumf %get3A_970, %min3A_972 : vector<16xf32>
      %broadcast_in_dim3A_974 = arith.constant true
      %broadcast_in_dim3A_975 = vector.broadcast %broadcast_in_dim3A_974 : i1 to vector<16xi1>
      %masked_cumsum3A_976 = tpu.scan <sum>, %min3A_973 masked %broadcast_in_dim3A_975 : vector<16xf32>, vector<16xi1> -> vector<16xf32>
      %get3A_977 = arith.constant 208 : index
      %get3A_978 = tpu.vector_load %arg11[%get3A_977] {strides = array<i32>} : memref<256xf32, #tpu.memory_space<vmem>>, vector<16xf32>,
      %min3A_979 = arith.constant 4.000000e+00 : f32
      %min3A_980 = vector.broadcast %min3A_979 : f32 to vector<16xf32>
      %min3A_981 = arith.minimumf %get3A_978, %min3A_980 : vector<16xf32>
      %broadcast_in_dim3A_982 = arith.constant true
      %broadcast_in_dim3A_983 = vector.broadcast %broadcast_in_dim3A_982 : i1 to vector<16xi1>
      %masked_cumsum3A_984 = tpu.scan <sum>, %min3A_981 masked %broadcast_in_dim3A_983 : vector<16xf32>, vector<16xi1> -> vector<16xf32>
      %get3A_985 = arith.constant 224 : index
      %get3A_986 = tpu.vector_load %arg11[%get3A_985] {strides = array<i32>} : memref<256xf32, #tpu.memory_space<vmem>>, vector<16xf32>,
      %min3A_987 = arith.constant 4.000000e+00 : f32
      %min3A_988 = vector.broadcast %min3A_987 : f32 to vector<16xf32>
      %min3A_989 = arith.minimumf %get3A_986, %min3A_988 : vector<16xf32>
      %broadcast_in_dim3A_990 = arith.constant true
      %broadcast_in_dim3A_991 = vector.broadcast %broadcast_in_dim3A_990 : i1 to vector<16xi1>
      %masked_cumsum3A_992 = tpu.scan <sum>, %min3A_989 masked %broadcast_in_dim3A_991 : vector<16xf32>, vector<16xi1> -> vector<16xf32>
      %get3A_993 = arith.constant 240 : index
      %get3A_994 = tpu.vector_load %arg11[%get3A_993] {strides = array<i32>} : memref<256xf32, #tpu.memory_space<vmem>>, vector<16xf32>,
      %min3A_995 = arith.constant 4.000000e+00 : f32
      %min3A_996 = vector.broadcast %min3A_995 : f32 to vector<16xf32>
      %min3A_997 = arith.minimumf %get3A_994, %min3A_996 : vector<16xf32>
      %broadcast_in_dim3A_998 = arith.constant true
      %broadcast_in_dim3A_999 = vector.broadcast %broadcast_in_dim3A_998 : i1 to vector<16xi1>
      %masked_cumsum3A_1000 = tpu.scan <sum>, %min3A_997 masked %broadcast_in_dim3A_999 : vector<16xf32>, vector<16xi1> -> vector<16xf32>
      %slice3A_1001 = vector.extract_strided_slice %masked_cumsum3A_880 {offsets = [15], sizes = [1], strides = [1]} : vector<16xf32> to vector<1xf32>
      %squeeze3A_1002 = vector.extract %slice3A_1001[0] : f32 from vector<1xf32>
      %add3A_1003 = arith.constant 0.000000e+00 : f32
      %add3A_1004 = arith.addf %add3A_1003, %squeeze3A_1002 : f32
      %slice3A_1005 = vector.extract_strided_slice %masked_cumsum3A_888 {offsets = [15], sizes = [1], strides = [1]} : vector<16xf32> to vector<1xf32>
      %squeeze3A_1006 = vector.extract %slice3A_1005[0] : f32 from vector<1xf32>
      %add3A_1007 = arith.addf %add3A_1004, %squeeze3A_1006 : f32
      %slice3A_1008 = vector.extract_strided_slice %masked_cumsum3A_896 {offsets = [15], sizes = [1], strides = [1]} : vector<16xf32> to vector<1xf32>
      %squeeze3A_1009 = vector.extract %slice3A_1008[0] : f32 from vector<1xf32>
      %add3A_1010 = arith.addf %add3A_1007, %squeeze3A_1009 : f32
      %slice3A_1011 = vector.extract_strided_slice %masked_cumsum3A_904 {offsets = [15], sizes = [1], strides = [1]} : vector<16xf32> to vector<1xf32>
      %squeeze3A_1012 = vector.extract %slice3A_1011[0] : f32 from vector<1xf32>
      %add3A_1013 = arith.addf %add3A_1010, %squeeze3A_1012 : f32
      %slice3A_1014 = vector.extract_strided_slice %masked_cumsum3A_912 {offsets = [15], sizes = [1], strides = [1]} : vector<16xf32> to vector<1xf32>
      %squeeze3A_1015 = vector.extract %slice3A_1014[0] : f32 from vector<1xf32>
      %add3A_1016 = arith.addf %add3A_1013, %squeeze3A_1015 : f32
      %slice3A_1017 = vector.extract_strided_slice %masked_cumsum3A_920 {offsets = [15], sizes = [1], strides = [1]} : vector<16xf32> to vector<1xf32>
      %squeeze3A_1018 = vector.extract %slice3A_1017[0] : f32 from vector<1xf32>
      %add3A_1019 = arith.addf %add3A_1016, %squeeze3A_1018 : f32
      %slice3A_1020 = vector.extract_strided_slice %masked_cumsum3A_928 {offsets = [15], sizes = [1], strides = [1]} : vector<16xf32> to vector<1xf32>
      %squeeze3A_1021 = vector.extract %slice3A_1020[0] : f32 from vector<1xf32>
      %add3A_1022 = arith.addf %add3A_1019, %squeeze3A_1021 : f32
      %slice3A_1023 = vector.extract_strided_slice %masked_cumsum3A_936 {offsets = [15], sizes = [1], strides = [1]} : vector<16xf32> to vector<1xf32>
      %squeeze3A_1024 = vector.extract %slice3A_1023[0] : f32 from vector<1xf32>
      %add3A_1025 = arith.addf %add3A_1022, %squeeze3A_1024 : f32
      %slice3A_1026 = vector.extract_strided_slice %masked_cumsum3A_944 {offsets = [15], sizes = [1], strides = [1]} : vector<16xf32> to vector<1xf32>
      %squeeze3A_1027 = vector.extract %slice3A_1026[0] : f32 from vector<1xf32>
      %add3A_1028 = arith.addf %add3A_1025, %squeeze3A_1027 : f32
      %slice3A_1029 = vector.extract_strided_slice %masked_cumsum3A_952 {offsets = [15], sizes = [1], strides = [1]} : vector<16xf32> to vector<1xf32>
      %squeeze3A_1030 = vector.extract %slice3A_1029[0] : f32 from vector<1xf32>
      %add3A_1031 = arith.addf %add3A_1028, %squeeze3A_1030 : f32
      %slice3A_1032 = vector.extract_strided_slice %masked_cumsum3A_960 {offsets = [15], sizes = [1], strides = [1]} : vector<16xf32> to vector<1xf32>
      %squeeze3A_1033 = vector.extract %slice3A_1032[0] : f32 from vector<1xf32>
      %add3A_1034 = arith.addf %add3A_1031, %squeeze3A_1033 : f32
      %slice3A_1035 = vector.extract_strided_slice %masked_cumsum3A_968 {offsets = [15], sizes = [1], strides = [1]} : vector<16xf32> to vector<1xf32>
      %squeeze3A_1036 = vector.extract %slice3A_1035[0] : f32 from vector<1xf32>
      %add3A_1037 = arith.addf %add3A_1034, %squeeze3A_1036 : f32
      %slice3A_1038 = vector.extract_strided_slice %masked_cumsum3A_976 {offsets = [15], sizes = [1], strides = [1]} : vector<16xf32> to vector<1xf32>
      %squeeze3A_1039 = vector.extract %slice3A_1038[0] : f32 from vector<1xf32>
      %add3A_1040 = arith.addf %add3A_1037, %squeeze3A_1039 : f32
      %slice3A_1041 = vector.extract_strided_slice %masked_cumsum3A_984 {offsets = [15], sizes = [1], strides = [1]} : vector<16xf32> to vector<1xf32>
      %squeeze3A_1042 = vector.extract %slice3A_1041[0] : f32 from vector<1xf32>
      %add3A_1043 = arith.addf %add3A_1040, %squeeze3A_1042 : f32
      %slice3A_1044 = vector.extract_strided_slice %masked_cumsum3A_992 {offsets = [15], sizes = [1], strides = [1]} : vector<16xf32> to vector<1xf32>
      %squeeze3A_1045 = vector.extract %slice3A_1044[0] : f32 from vector<1xf32>
      %add3A_1046 = arith.addf %add3A_1043, %squeeze3A_1045 : f32
      %slice3A_1047 = vector.extract_strided_slice %masked_cumsum3A_1000 {offsets = [15], sizes = [1], strides = [1]} : vector<16xf32> to vector<1xf32>
      %squeeze3A_1048 = vector.extract %slice3A_1047[0] : f32 from vector<1xf32>
      %add3A_1049 = arith.addf %add3A_1046, %squeeze3A_1048 : f32
      %slice3A_1050 = vector.extract_strided_slice %masked_cumsum3A_880 {offsets = [0], sizes = [1], strides = [1]} : vector<16xf32> to vector<1xf32>
      %squeeze3A_1051 = vector.extract %slice3A_1050[0] : f32 from vector<1xf32>
      %sub3A_1052 = arith.constant 2.560000e+02 : f32
      %sub3A_1053 = arith.subf %sub3A_1052, %add3A_1049 : f32
      %mul3A_1054 = arith.constant 3.906250e-03 : f32
      %mul3A_1055 = arith.mulf %sub3A_1053, %mul3A_1054 : f32
      %add3A_1056 = arith.addf %squeeze3A_1051, %mul3A_1055 : f32
      %sub3A_1057 = arith.constant 2.560000e+02 : f32
      %sub3A_1058 = arith.subf %sub3A_1057, %add3A_1056 : f32
      %max3A_1059 = arith.constant 1.000000e-07 : f32
      %max3A_1060 = arith.maximumf %sub3A_1058, %max3A_1059 : f32
      %broadcast_in_dim3A_1061 = vector.broadcast %max3A_1060 : f32 to vector<16xf32>
      %div3A_1062 = arith.constant 2.550000e+02 : f32
      %div3A_1063 = vector.broadcast %div3A_1062 : f32 to vector<16xf32>
      %div3A_1064 = arith.divf %div3A_1063, %broadcast_in_dim3A_1061 : vector<16xf32>
      %mul3A_1065 = vector.broadcast %mul3A_1055 : f32 to vector<16xf32>
      %mul3A_1066 = arith.mulf %convert_element_type3A, %mul3A_1065 : vector<16xf32>
      %mul3A_1067 = arith.constant 1.000000e+00 : f32
      %mul3A_1068 = arith.mulf %mul3A_1067, %mul3A_1055 : f32
      %sub3A_1069 = arith.constant 0.000000e+00 : f32
      %sub3A_1070 = arith.subf %sub3A_1069, %add3A_1056 : f32
      %add3A_1071 = arith.addf %mul3A_1068, %sub3A_1070 : f32
      %add3A_1072 = arith.addf %masked_cumsum3A_880, %mul3A_1066 : vector<16xf32>
      %add3A_1073 = vector.broadcast %add3A_1071 : f32 to vector<16xf32>
      %add3A_1074 = arith.addf %add3A_1072, %add3A_1073 : vector<16xf32>
      %mul3A_1075 = arith.mulf %add3A_1074, %div3A_1064 : vector<16xf32>
      %mul3A_1076 = arith.mulf %mul3A_1075, %div3A_11 : vector<16xf32>
      %swap3A_1077 = arith.constant 0 : index
      %swap3A_1078 = tpu.vector_load %arg10[%swap3A_1077] {strides = array<i32>} : memref<256xf32, #tpu.memory_space<vmem>>, vector<16xf32>,
      tpu.vector_store %arg10[%swap3A_1077], %mul3A_1076 {strides = array<i32>} : memref<256xf32, #tpu.memory_space<vmem>>, vector<16xf32>,
      %mul3A_1079 = arith.constant 1.700000e+01 : f32
      %mul3A_1080 = arith.mulf %mul3A_1079, %mul3A_1055 : f32
      %sub3A_1081 = arith.subf %add3A_1004, %add3A_1056 : f32
      %add3A_1082 = arith.addf %mul3A_1080, %sub3A_1081 : f32
      %add3A_1083 = arith.addf %masked_cumsum3A_888, %mul3A_1066 : vector<16xf32>
      %add3A_1084 = vector.broadcast %add3A_1082 : f32 to vector<16xf32>
      %add3A_1085 = arith.addf %add3A_1083, %add3A_1084 : vector<16xf32>
      %mul3A_1086 = arith.mulf %add3A_1085, %div3A_1064 : vector<16xf32>
      %mul3A_1087 = arith.mulf %mul3A_1086, %div3A_23 : vector<16xf32>
      %swap3A_1088 = arith.constant 16 : index
      %swap3A_1089 = tpu.vector_load %arg10[%swap3A_1088] {strides = array<i32>} : memref<256xf32, #tpu.memory_space<vmem>>, vector<16xf32>,
      tpu.vector_store %arg10[%swap3A_1088], %mul3A_1087 {strides = array<i32>} : memref<256xf32, #tpu.memory_space<vmem>>, vector<16xf32>,
      %mul3A_1090 = arith.constant 3.300000e+01 : f32
      %mul3A_1091 = arith.mulf %mul3A_1090, %mul3A_1055 : f32
      %sub3A_1092 = arith.subf %add3A_1007, %add3A_1056 : f32
      %add3A_1093 = arith.addf %mul3A_1091, %sub3A_1092 : f32
      %add3A_1094 = arith.addf %masked_cumsum3A_896, %mul3A_1066 : vector<16xf32>
      %add3A_1095 = vector.broadcast %add3A_1093 : f32 to vector<16xf32>
      %add3A_1096 = arith.addf %add3A_1094, %add3A_1095 : vector<16xf32>
      %mul3A_1097 = arith.mulf %add3A_1096, %div3A_1064 : vector<16xf32>
      %mul3A_1098 = arith.mulf %mul3A_1097, %div3A_35 : vector<16xf32>
      %swap3A_1099 = arith.constant 32 : index
      %swap3A_1100 = tpu.vector_load %arg10[%swap3A_1099] {strides = array<i32>} : memref<256xf32, #tpu.memory_space<vmem>>, vector<16xf32>,
      tpu.vector_store %arg10[%swap3A_1099], %mul3A_1098 {strides = array<i32>} : memref<256xf32, #tpu.memory_space<vmem>>, vector<16xf32>,
      %mul3A_1101 = arith.constant 4.900000e+01 : f32
      %mul3A_1102 = arith.mulf %mul3A_1101, %mul3A_1055 : f32
      %sub3A_1103 = arith.subf %add3A_1010, %add3A_1056 : f32
      %add3A_1104 = arith.addf %mul3A_1102, %sub3A_1103 : f32
      %add3A_1105 = arith.addf %masked_cumsum3A_904, %mul3A_1066 : vector<16xf32>
      %add3A_1106 = vector.broadcast %add3A_1104 : f32 to vector<16xf32>
      %add3A_1107 = arith.addf %add3A_1105, %add3A_1106 : vector<16xf32>
      %mul3A_1108 = arith.mulf %add3A_1107, %div3A_1064 : vector<16xf32>
      %mul3A_1109 = arith.mulf %mul3A_1108, %div3A_47 : vector<16xf32>
      %swap3A_1110 = arith.constant 48 : index
      %swap3A_1111 = tpu.vector_load %arg10[%swap3A_1110] {strides = array<i32>} : memref<256xf32, #tpu.memory_space<vmem>>, vector<16xf32>,
      tpu.vector_store %arg10[%swap3A_1110], %mul3A_1109 {strides = array<i32>} : memref<256xf32, #tpu.memory_space<vmem>>, vector<16xf32>,
      %mul3A_1112 = arith.constant 6.500000e+01 : f32
      %mul3A_1113 = arith.mulf %mul3A_1112, %mul3A_1055 : f32
      %sub3A_1114 = arith.subf %add3A_1013, %add3A_1056 : f32
      %add3A_1115 = arith.addf %mul3A_1113, %sub3A_1114 : f32
      %add3A_1116 = arith.addf %masked_cumsum3A_912, %mul3A_1066 : vector<16xf32>
      %add3A_1117 = vector.broadcast %add3A_1115 : f32 to vector<16xf32>
      %add3A_1118 = arith.addf %add3A_1116, %add3A_1117 : vector<16xf32>
      %mul3A_1119 = arith.mulf %add3A_1118, %div3A_1064 : vector<16xf32>
      %mul3A_1120 = arith.mulf %mul3A_1119, %div3A_59 : vector<16xf32>
      %swap3A_1121 = arith.constant 64 : index
      %swap3A_1122 = tpu.vector_load %arg10[%swap3A_1121] {strides = array<i32>} : memref<256xf32, #tpu.memory_space<vmem>>, vector<16xf32>,
      tpu.vector_store %arg10[%swap3A_1121], %mul3A_1120 {strides = array<i32>} : memref<256xf32, #tpu.memory_space<vmem>>, vector<16xf32>,
      %mul3A_1123 = arith.constant 8.100000e+01 : f32
      %mul3A_1124 = arith.mulf %mul3A_1123, %mul3A_1055 : f32
      %sub3A_1125 = arith.subf %add3A_1016, %add3A_1056 : f32
      %add3A_1126 = arith.addf %mul3A_1124, %sub3A_1125 : f32
      %add3A_1127 = arith.addf %masked_cumsum3A_920, %mul3A_1066 : vector<16xf32>
      %add3A_1128 = vector.broadcast %add3A_1126 : f32 to vector<16xf32>
      %add3A_1129 = arith.addf %add3A_1127, %add3A_1128 : vector<16xf32>
      %mul3A_1130 = arith.mulf %add3A_1129, %div3A_1064 : vector<16xf32>
      %mul3A_1131 = arith.mulf %mul3A_1130, %div3A_71 : vector<16xf32>
      %swap3A_1132 = arith.constant 80 : index
      %swap3A_1133 = tpu.vector_load %arg10[%swap3A_1132] {strides = array<i32>} : memref<256xf32, #tpu.memory_space<vmem>>, vector<16xf32>,
      tpu.vector_store %arg10[%swap3A_1132], %mul3A_1131 {strides = array<i32>} : memref<256xf32, #tpu.memory_space<vmem>>, vector<16xf32>,
      %mul3A_1134 = arith.constant 9.700000e+01 : f32
      %mul3A_1135 = arith.mulf %mul3A_1134, %mul3A_1055 : f32
      %sub3A_1136 = arith.subf %add3A_1019, %add3A_1056 : f32
      %add3A_1137 = arith.addf %mul3A_1135, %sub3A_1136 : f32
      %add3A_1138 = arith.addf %masked_cumsum3A_928, %mul3A_1066 : vector<16xf32>
      %add3A_1139 = vector.broadcast %add3A_1137 : f32 to vector<16xf32>
      %add3A_1140 = arith.addf %add3A_1138, %add3A_1139 : vector<16xf32>
      %mul3A_1141 = arith.mulf %add3A_1140, %div3A_1064 : vector<16xf32>
      %mul3A_1142 = arith.mulf %mul3A_1141, %div3A_83 : vector<16xf32>
      %swap3A_1143 = arith.constant 96 : index
      %swap3A_1144 = tpu.vector_load %arg10[%swap3A_1143] {strides = array<i32>} : memref<256xf32, #tpu.memory_space<vmem>>, vector<16xf32>,
      tpu.vector_store %arg10[%swap3A_1143], %mul3A_1142 {strides = array<i32>} : memref<256xf32, #tpu.memory_space<vmem>>, vector<16xf32>,
      %mul3A_1145 = arith.constant 1.130000e+02 : f32
      %mul3A_1146 = arith.mulf %mul3A_1145, %mul3A_1055 : f32
      %sub3A_1147 = arith.subf %add3A_1022, %add3A_1056 : f32
      %add3A_1148 = arith.addf %mul3A_1146, %sub3A_1147 : f32
      %add3A_1149 = arith.addf %masked_cumsum3A_936, %mul3A_1066 : vector<16xf32>
      %add3A_1150 = vector.broadcast %add3A_1148 : f32 to vector<16xf32>
      %add3A_1151 = arith.addf %add3A_1149, %add3A_1150 : vector<16xf32>
      %mul3A_1152 = arith.mulf %add3A_1151, %div3A_1064 : vector<16xf32>
      %mul3A_1153 = arith.mulf %mul3A_1152, %div3A_95 : vector<16xf32>
      %swap3A_1154 = arith.constant 112 : index
      %swap3A_1155 = tpu.vector_load %arg10[%swap3A_1154] {strides = array<i32>} : memref<256xf32, #tpu.memory_space<vmem>>, vector<16xf32>,
      tpu.vector_store %arg10[%swap3A_1154], %mul3A_1153 {strides = array<i32>} : memref<256xf32, #tpu.memory_space<vmem>>, vector<16xf32>,
      %mul3A_1156 = arith.constant 1.290000e+02 : f32
      %mul3A_1157 = arith.mulf %mul3A_1156, %mul3A_1055 : f32
      %sub3A_1158 = arith.subf %add3A_1025, %add3A_1056 : f32
      %add3A_1159 = arith.addf %mul3A_1157, %sub3A_1158 : f32
      %add3A_1160 = arith.addf %masked_cumsum3A_944, %mul3A_1066 : vector<16xf32>
      %add3A_1161 = vector.broadcast %add3A_1159 : f32 to vector<16xf32>
      %add3A_1162 = arith.addf %add3A_1160, %add3A_1161 : vector<16xf32>
      %mul3A_1163 = arith.mulf %add3A_1162, %div3A_1064 : vector<16xf32>
      %mul3A_1164 = arith.mulf %mul3A_1163, %div3A_107 : vector<16xf32>
      %swap3A_1165 = arith.constant 128 : index
      %swap3A_1166 = tpu.vector_load %arg10[%swap3A_1165] {strides = array<i32>} : memref<256xf32, #tpu.memory_space<vmem>>, vector<16xf32>,
      tpu.vector_store %arg10[%swap3A_1165], %mul3A_1164 {strides = array<i32>} : memref<256xf32, #tpu.memory_space<vmem>>, vector<16xf32>,
      %mul3A_1167 = arith.constant 1.450000e+02 : f32
      %mul3A_1168 = arith.mulf %mul3A_1167, %mul3A_1055 : f32
      %sub3A_1169 = arith.subf %add3A_1028, %add3A_1056 : f32
      %add3A_1170 = arith.addf %mul3A_1168, %sub3A_1169 : f32
      %add3A_1171 = arith.addf %masked_cumsum3A_952, %mul3A_1066 : vector<16xf32>
      %add3A_1172 = vector.broadcast %add3A_1170 : f32 to vector<16xf32>
      %add3A_1173 = arith.addf %add3A_1171, %add3A_1172 : vector<16xf32>
      %mul3A_1174 = arith.mulf %add3A_1173, %div3A_1064 : vector<16xf32>
      %mul3A_1175 = arith.mulf %mul3A_1174, %div3A_119 : vector<16xf32>
      %swap3A_1176 = arith.constant 144 : index
      %swap3A_1177 = tpu.vector_load %arg10[%swap3A_1176] {strides = array<i32>} : memref<256xf32, #tpu.memory_space<vmem>>, vector<16xf32>,
      tpu.vector_store %arg10[%swap3A_1176], %mul3A_1175 {strides = array<i32>} : memref<256xf32, #tpu.memory_space<vmem>>, vector<16xf32>,
      %mul3A_1178 = arith.constant 1.610000e+02 : f32
      %mul3A_1179 = arith.mulf %mul3A_1178, %mul3A_1055 : f32
      %sub3A_1180 = arith.subf %add3A_1031, %add3A_1056 : f32
      %add3A_1181 = arith.addf %mul3A_1179, %sub3A_1180 : f32
      %add3A_1182 = arith.addf %masked_cumsum3A_960, %mul3A_1066 : vector<16xf32>
      %add3A_1183 = vector.broadcast %add3A_1181 : f32 to vector<16xf32>
      %add3A_1184 = arith.addf %add3A_1182, %add3A_1183 : vector<16xf32>
      %mul3A_1185 = arith.mulf %add3A_1184, %div3A_1064 : vector<16xf32>
      %mul3A_1186 = arith.mulf %mul3A_1185, %div3A_131 : vector<16xf32>
      %swap3A_1187 = arith.constant 160 : index
      %swap3A_1188 = tpu.vector_load %arg10[%swap3A_1187] {strides = array<i32>} : memref<256xf32, #tpu.memory_space<vmem>>, vector<16xf32>,
      tpu.vector_store %arg10[%swap3A_1187], %mul3A_1186 {strides = array<i32>} : memref<256xf32, #tpu.memory_space<vmem>>, vector<16xf32>,
      %mul3A_1189 = arith.constant 1.770000e+02 : f32
      %mul3A_1190 = arith.mulf %mul3A_1189, %mul3A_1055 : f32
      %sub3A_1191 = arith.subf %add3A_1034, %add3A_1056 : f32
      %add3A_1192 = arith.addf %mul3A_1190, %sub3A_1191 : f32
      %add3A_1193 = arith.addf %masked_cumsum3A_968, %mul3A_1066 : vector<16xf32>
      %add3A_1194 = vector.broadcast %add3A_1192 : f32 to vector<16xf32>
      %add3A_1195 = arith.addf %add3A_1193, %add3A_1194 : vector<16xf32>
      %mul3A_1196 = arith.mulf %add3A_1195, %div3A_1064 : vector<16xf32>
      %mul3A_1197 = arith.mulf %mul3A_1196, %div3A_143 : vector<16xf32>
      %swap3A_1198 = arith.constant 176 : index
      %swap3A_1199 = tpu.vector_load %arg10[%swap3A_1198] {strides = array<i32>} : memref<256xf32, #tpu.memory_space<vmem>>, vector<16xf32>,
      tpu.vector_store %arg10[%swap3A_1198], %mul3A_1197 {strides = array<i32>} : memref<256xf32, #tpu.memory_space<vmem>>, vector<16xf32>,
      %mul3A_1200 = arith.constant 1.930000e+02 : f32
      %mul3A_1201 = arith.mulf %mul3A_1200, %mul3A_1055 : f32
      %sub3A_1202 = arith.subf %add3A_1037, %add3A_1056 : f32
      %add3A_1203 = arith.addf %mul3A_1201, %sub3A_1202 : f32
      %add3A_1204 = arith.addf %masked_cumsum3A_976, %mul3A_1066 : vector<16xf32>
      %add3A_1205 = vector.broadcast %add3A_1203 : f32 to vector<16xf32>
      %add3A_1206 = arith.addf %add3A_1204, %add3A_1205 : vector<16xf32>
      %mul3A_1207 = arith.mulf %add3A_1206, %div3A_1064 : vector<16xf32>
      %mul3A_1208 = arith.mulf %mul3A_1207, %div3A_155 : vector<16xf32>
      %swap3A_1209 = arith.constant 192 : index
      %swap3A_1210 = tpu.vector_load %arg10[%swap3A_1209] {strides = array<i32>} : memref<256xf32, #tpu.memory_space<vmem>>, vector<16xf32>,
      tpu.vector_store %arg10[%swap3A_1209], %mul3A_1208 {strides = array<i32>} : memref<256xf32, #tpu.memory_space<vmem>>, vector<16xf32>,
      %mul3A_1211 = arith.constant 2.090000e+02 : f32
      %mul3A_1212 = arith.mulf %mul3A_1211, %mul3A_1055 : f32
      %sub3A_1213 = arith.subf %add3A_1040, %add3A_1056 : f32
      %add3A_1214 = arith.addf %mul3A_1212, %sub3A_1213 : f32
      %add3A_1215 = arith.addf %masked_cumsum3A_984, %mul3A_1066 : vector<16xf32>
      %add3A_1216 = vector.broadcast %add3A_1214 : f32 to vector<16xf32>
      %add3A_1217 = arith.addf %add3A_1215, %add3A_1216 : vector<16xf32>
      %mul3A_1218 = arith.mulf %add3A_1217, %div3A_1064 : vector<16xf32>
      %mul3A_1219 = arith.mulf %mul3A_1218, %div3A_167 : vector<16xf32>
      %swap3A_1220 = arith.constant 208 : index
      %swap3A_1221 = tpu.vector_load %arg10[%swap3A_1220] {strides = array<i32>} : memref<256xf32, #tpu.memory_space<vmem>>, vector<16xf32>,
      tpu.vector_store %arg10[%swap3A_1220], %mul3A_1219 {strides = array<i32>} : memref<256xf32, #tpu.memory_space<vmem>>, vector<16xf32>,
      %mul3A_1222 = arith.constant 2.250000e+02 : f32
      %mul3A_1223 = arith.mulf %mul3A_1222, %mul3A_1055 : f32
      %sub3A_1224 = arith.subf %add3A_1043, %add3A_1056 : f32
      %add3A_1225 = arith.addf %mul3A_1223, %sub3A_1224 : f32
      %add3A_1226 = arith.addf %masked_cumsum3A_992, %mul3A_1066 : vector<16xf32>
      %add3A_1227 = vector.broadcast %add3A_1225 : f32 to vector<16xf32>
      %add3A_1228 = arith.addf %add3A_1226, %add3A_1227 : vector<16xf32>
      %mul3A_1229 = arith.mulf %add3A_1228, %div3A_1064 : vector<16xf32>
      %mul3A_1230 = arith.mulf %mul3A_1229, %div3A_179 : vector<16xf32>
      %swap3A_1231 = arith.constant 224 : index
      %swap3A_1232 = tpu.vector_load %arg10[%swap3A_1231] {strides = array<i32>} : memref<256xf32, #tpu.memory_space<vmem>>, vector<16xf32>,
      tpu.vector_store %arg10[%swap3A_1231], %mul3A_1230 {strides = array<i32>} : memref<256xf32, #tpu.memory_space<vmem>>, vector<16xf32>,
      %mul3A_1233 = arith.constant 2.410000e+02 : f32
      %mul3A_1234 = arith.mulf %mul3A_1233, %mul3A_1055 : f32
      %sub3A_1235 = arith.subf %add3A_1046, %add3A_1056 : f32
      %add3A_1236 = arith.addf %mul3A_1234, %sub3A_1235 : f32
      %add3A_1237 = arith.addf %masked_cumsum3A_1000, %mul3A_1066 : vector<16xf32>
      %add3A_1238 = vector.broadcast %add3A_1236 : f32 to vector<16xf32>
      %add3A_1239 = arith.addf %add3A_1237, %add3A_1238 : vector<16xf32>
      %mul3A_1240 = arith.mulf %add3A_1239, %div3A_1064 : vector<16xf32>
      %mul3A_1241 = arith.mulf %mul3A_1240, %div3A_191 : vector<16xf32>
      %swap3A_1242 = arith.constant 240 : index
      %swap3A_1243 = tpu.vector_load %arg10[%swap3A_1242] {strides = array<i32>} : memref<256xf32, #tpu.memory_space<vmem>>, vector<16xf32>,
      tpu.vector_store %arg10[%swap3A_1242], %mul3A_1241 {strides = array<i32>} : memref<256xf32, #tpu.memory_space<vmem>>, vector<16xf32>,
      %gather3A_1244 = tpu.vector_load_idx %arg10[%convert_element_type3A_797] : memref<256xf32, #tpu.memory_space<vmem>>[vector<16xi32>], vector<16xf32>,
      %add3A_1245 = arith.constant 0 : i32
      %add3A_1246 = arith.addi %add3A_1245, %add3A_760 : i32
      %swap3A_1247 = arith.index_cast %add3A_1246 : i32 to index
      %swap3A_1248 = tpu.vector_load %arg6[%swap3A_1247] {strides = array<i32>} : memref<8192xf32, #tpu.memory_space<vmem>>, vector<16xf32>,
      tpu.vector_store %arg6[%swap3A_1247], %gather3A_1244 {strides = array<i32>} : memref<8192xf32, #tpu.memory_space<vmem>>, vector<16xf32>,
      %gather3A_1249 = tpu.vector_load_idx %arg10[%convert_element_type3A_802] : memref<256xf32, #tpu.memory_space<vmem>>[vector<16xi32>], vector<16xf32>,
      %add3A_1250 = arith.constant 512 : i32
      %add3A_1251 = arith.addi %add3A_1250, %add3A_760 : i32
      %swap3A_1252 = arith.index_cast %add3A_1251 : i32 to index
      %swap3A_1253 = tpu.vector_load %arg6[%swap3A_1252] {strides = array<i32>} : memref<8192xf32, #tpu.memory_space<vmem>>, vector<16xf32>,
      tpu.vector_store %arg6[%swap3A_1252], %gather3A_1249 {strides = array<i32>} : memref<8192xf32, #tpu.memory_space<vmem>>, vector<16xf32>,
      %gather3A_1254 = tpu.vector_load_idx %arg10[%convert_element_type3A_807] : memref<256xf32, #tpu.memory_space<vmem>>[vector<16xi32>], vector<16xf32>,
      %add3A_1255 = arith.constant 1024 : i32
      %add3A_1256 = arith.addi %add3A_1255, %add3A_760 : i32
      %swap3A_1257 = arith.index_cast %add3A_1256 : i32 to index
      %swap3A_1258 = tpu.vector_load %arg6[%swap3A_1257] {strides = array<i32>} : memref<8192xf32, #tpu.memory_space<vmem>>, vector<16xf32>,
      tpu.vector_store %arg6[%swap3A_1257], %gather3A_1254 {strides = array<i32>} : memref<8192xf32, #tpu.memory_space<vmem>>, vector<16xf32>,
      %gather3A_1259 = tpu.vector_load_idx %arg10[%convert_element_type3A_812] : memref<256xf32, #tpu.memory_space<vmem>>[vector<16xi32>], vector<16xf32>,
      %add3A_1260 = arith.constant 1536 : i32
      %add3A_1261 = arith.addi %add3A_1260, %add3A_760 : i32
      %swap3A_1262 = arith.index_cast %add3A_1261 : i32 to index
      %swap3A_1263 = tpu.vector_load %arg6[%swap3A_1262] {strides = array<i32>} : memref<8192xf32, #tpu.memory_space<vmem>>, vector<16xf32>,
      tpu.vector_store %arg6[%swap3A_1262], %gather3A_1259 {strides = array<i32>} : memref<8192xf32, #tpu.memory_space<vmem>>, vector<16xf32>,
      %gather3A_1264 = tpu.vector_load_idx %arg10[%convert_element_type3A_817] : memref<256xf32, #tpu.memory_space<vmem>>[vector<16xi32>], vector<16xf32>,
      %add3A_1265 = arith.constant 2048 : i32
      %add3A_1266 = arith.addi %add3A_1265, %add3A_760 : i32
      %swap3A_1267 = arith.index_cast %add3A_1266 : i32 to index
      %swap3A_1268 = tpu.vector_load %arg6[%swap3A_1267] {strides = array<i32>} : memref<8192xf32, #tpu.memory_space<vmem>>, vector<16xf32>,
      tpu.vector_store %arg6[%swap3A_1267], %gather3A_1264 {strides = array<i32>} : memref<8192xf32, #tpu.memory_space<vmem>>, vector<16xf32>,
      %gather3A_1269 = tpu.vector_load_idx %arg10[%convert_element_type3A_822] : memref<256xf32, #tpu.memory_space<vmem>>[vector<16xi32>], vector<16xf32>,
      %add3A_1270 = arith.constant 2560 : i32
      %add3A_1271 = arith.addi %add3A_1270, %add3A_760 : i32
      %swap3A_1272 = arith.index_cast %add3A_1271 : i32 to index
      %swap3A_1273 = tpu.vector_load %arg6[%swap3A_1272] {strides = array<i32>} : memref<8192xf32, #tpu.memory_space<vmem>>, vector<16xf32>,
      tpu.vector_store %arg6[%swap3A_1272], %gather3A_1269 {strides = array<i32>} : memref<8192xf32, #tpu.memory_space<vmem>>, vector<16xf32>,
      %gather3A_1274 = tpu.vector_load_idx %arg10[%convert_element_type3A_827] : memref<256xf32, #tpu.memory_space<vmem>>[vector<16xi32>], vector<16xf32>,
      %add3A_1275 = arith.constant 3072 : i32
      %add3A_1276 = arith.addi %add3A_1275, %add3A_760 : i32
      %swap3A_1277 = arith.index_cast %add3A_1276 : i32 to index
      %swap3A_1278 = tpu.vector_load %arg6[%swap3A_1277] {strides = array<i32>} : memref<8192xf32, #tpu.memory_space<vmem>>, vector<16xf32>,
      tpu.vector_store %arg6[%swap3A_1277], %gather3A_1274 {strides = array<i32>} : memref<8192xf32, #tpu.memory_space<vmem>>, vector<16xf32>,
      %gather3A_1279 = tpu.vector_load_idx %arg10[%convert_element_type3A_832] : memref<256xf32, #tpu.memory_space<vmem>>[vector<16xi32>], vector<16xf32>,
      %add3A_1280 = arith.constant 3584 : i32
      %add3A_1281 = arith.addi %add3A_1280, %add3A_760 : i32
      %swap3A_1282 = arith.index_cast %add3A_1281 : i32 to index
      %swap3A_1283 = tpu.vector_load %arg6[%swap3A_1282] {strides = array<i32>} : memref<8192xf32, #tpu.memory_space<vmem>>, vector<16xf32>,
      tpu.vector_store %arg6[%swap3A_1282], %gather3A_1279 {strides = array<i32>} : memref<8192xf32, #tpu.memory_space<vmem>>, vector<16xf32>,
      %gather3A_1284 = tpu.vector_load_idx %arg10[%convert_element_type3A_837] : memref<256xf32, #tpu.memory_space<vmem>>[vector<16xi32>], vector<16xf32>,
      %add3A_1285 = arith.constant 4096 : i32
      %add3A_1286 = arith.addi %add3A_1285, %add3A_760 : i32
      %swap3A_1287 = arith.index_cast %add3A_1286 : i32 to index
      %swap3A_1288 = tpu.vector_load %arg6[%swap3A_1287] {strides = array<i32>} : memref<8192xf32, #tpu.memory_space<vmem>>, vector<16xf32>,
      tpu.vector_store %arg6[%swap3A_1287], %gather3A_1284 {strides = array<i32>} : memref<8192xf32, #tpu.memory_space<vmem>>, vector<16xf32>,
      %gather3A_1289 = tpu.vector_load_idx %arg10[%convert_element_type3A_842] : memref<256xf32, #tpu.memory_space<vmem>>[vector<16xi32>], vector<16xf32>,
      %add3A_1290 = arith.constant 4608 : i32
      %add3A_1291 = arith.addi %add3A_1290, %add3A_760 : i32
      %swap3A_1292 = arith.index_cast %add3A_1291 : i32 to index
      %swap3A_1293 = tpu.vector_load %arg6[%swap3A_1292] {strides = array<i32>} : memref<8192xf32, #tpu.memory_space<vmem>>, vector<16xf32>,
      tpu.vector_store %arg6[%swap3A_1292], %gather3A_1289 {strides = array<i32>} : memref<8192xf32, #tpu.memory_space<vmem>>, vector<16xf32>,
      %gather3A_1294 = tpu.vector_load_idx %arg10[%convert_element_type3A_847] : memref<256xf32, #tpu.memory_space<vmem>>[vector<16xi32>], vector<16xf32>,
      %add3A_1295 = arith.constant 5120 : i32
      %add3A_1296 = arith.addi %add3A_1295, %add3A_760 : i32
      %swap3A_1297 = arith.index_cast %add3A_1296 : i32 to index
      %swap3A_1298 = tpu.vector_load %arg6[%swap3A_1297] {strides = array<i32>} : memref<8192xf32, #tpu.memory_space<vmem>>, vector<16xf32>,
      tpu.vector_store %arg6[%swap3A_1297], %gather3A_1294 {strides = array<i32>} : memref<8192xf32, #tpu.memory_space<vmem>>, vector<16xf32>,
      %gather3A_1299 = tpu.vector_load_idx %arg10[%convert_element_type3A_852] : memref<256xf32, #tpu.memory_space<vmem>>[vector<16xi32>], vector<16xf32>,
      %add3A_1300 = arith.constant 5632 : i32
      %add3A_1301 = arith.addi %add3A_1300, %add3A_760 : i32
      %swap3A_1302 = arith.index_cast %add3A_1301 : i32 to index
      %swap3A_1303 = tpu.vector_load %arg6[%swap3A_1302] {strides = array<i32>} : memref<8192xf32, #tpu.memory_space<vmem>>, vector<16xf32>,
      tpu.vector_store %arg6[%swap3A_1302], %gather3A_1299 {strides = array<i32>} : memref<8192xf32, #tpu.memory_space<vmem>>, vector<16xf32>,
      %gather3A_1304 = tpu.vector_load_idx %arg10[%convert_element_type3A_857] : memref<256xf32, #tpu.memory_space<vmem>>[vector<16xi32>], vector<16xf32>,
      %add3A_1305 = arith.constant 6144 : i32
      %add3A_1306 = arith.addi %add3A_1305, %add3A_760 : i32
      %swap3A_1307 = arith.index_cast %add3A_1306 : i32 to index
      %swap3A_1308 = tpu.vector_load %arg6[%swap3A_1307] {strides = array<i32>} : memref<8192xf32, #tpu.memory_space<vmem>>, vector<16xf32>,
      tpu.vector_store %arg6[%swap3A_1307], %gather3A_1304 {strides = array<i32>} : memref<8192xf32, #tpu.memory_space<vmem>>, vector<16xf32>,
      %gather3A_1309 = tpu.vector_load_idx %arg10[%convert_element_type3A_862] : memref<256xf32, #tpu.memory_space<vmem>>[vector<16xi32>], vector<16xf32>,
      %add3A_1310 = arith.constant 6656 : i32
      %add3A_1311 = arith.addi %add3A_1310, %add3A_760 : i32
      %swap3A_1312 = arith.index_cast %add3A_1311 : i32 to index
      %swap3A_1313 = tpu.vector_load %arg6[%swap3A_1312] {strides = array<i32>} : memref<8192xf32, #tpu.memory_space<vmem>>, vector<16xf32>,
      tpu.vector_store %arg6[%swap3A_1312], %gather3A_1309 {strides = array<i32>} : memref<8192xf32, #tpu.memory_space<vmem>>, vector<16xf32>,
      %gather3A_1314 = tpu.vector_load_idx %arg10[%convert_element_type3A_867] : memref<256xf32, #tpu.memory_space<vmem>>[vector<16xi32>], vector<16xf32>,
      %add3A_1315 = arith.constant 7168 : i32
      %add3A_1316 = arith.addi %add3A_1315, %add3A_760 : i32
      %swap3A_1317 = arith.index_cast %add3A_1316 : i32 to index
      %swap3A_1318 = tpu.vector_load %arg6[%swap3A_1317] {strides = array<i32>} : memref<8192xf32, #tpu.memory_space<vmem>>, vector<16xf32>,
      tpu.vector_store %arg6[%swap3A_1317], %gather3A_1314 {strides = array<i32>} : memref<8192xf32, #tpu.memory_space<vmem>>, vector<16xf32>,
      %gather3A_1319 = tpu.vector_load_idx %arg10[%convert_element_type3A_872] : memref<256xf32, #tpu.memory_space<vmem>>[vector<16xi32>], vector<16xf32>,
      %add3A_1320 = arith.constant 7680 : i32
      %add3A_1321 = arith.addi %add3A_1320, %add3A_760 : i32
      %swap3A_1322 = arith.index_cast %add3A_1321 : i32 to index
      %swap3A_1323 = tpu.vector_load %arg6[%swap3A_1322] {strides = array<i32>} : memref<8192xf32, #tpu.memory_space<vmem>>, vector<16xf32>,
      tpu.vector_store %arg6[%swap3A_1322], %gather3A_1319 {strides = array<i32>} : memref<8192xf32, #tpu.memory_space<vmem>>, vector<16xf32>,
      %add3A_1324 = arith.constant 32 : i32
      %add3A_1325 = arith.addi %mul3A_203, %add3A_1324 : i32
      %swap3A_1326 = arith.constant 0 : index
      %swap3A_1327 = tpu.vector_load %arg13[%swap3A_1326] {strides = array<i32>} : memref<256xf32, #tpu.memory_space<vmem>>, vector<16xf32>,
      tpu.vector_store %arg13[%swap3A_1326], %broadcast_in_dim3A_194 {strides = array<i32>} : memref<256xf32, #tpu.memory_space<vmem>>, vector<16xf32>,
      %swap3A_1328 = arith.constant 16 : index
      %swap3A_1329 = tpu.vector_load %arg13[%swap3A_1328] {strides = array<i32>} : memref<256xf32, #tpu.memory_space<vmem>>, vector<16xf32>,
      tpu.vector_store %arg13[%swap3A_1328], %broadcast_in_dim3A_194 {strides = array<i32>} : memref<256xf32, #tpu.memory_space<vmem>>, vector<16xf32>,
      %swap3A_1330 = arith.constant 32 : index
      %swap3A_1331 = tpu.vector_load %arg13[%swap3A_1330] {strides = array<i32>} : memref<256xf32, #tpu.memory_space<vmem>>, vector<16xf32>,
      tpu.vector_store %arg13[%swap3A_1330], %broadcast_in_dim3A_194 {strides = array<i32>} : memref<256xf32, #tpu.memory_space<vmem>>, vector<16xf32>,
      %swap3A_1332 = arith.constant 48 : index
      %swap3A_1333 = tpu.vector_load %arg13[%swap3A_1332] {strides = array<i32>} : memref<256xf32, #tpu.memory_space<vmem>>, vector<16xf32>,
      tpu.vector_store %arg13[%swap3A_1332], %broadcast_in_dim3A_194 {strides = array<i32>} : memref<256xf32, #tpu.memory_space<vmem>>, vector<16xf32>,
      %swap3A_1334 = arith.constant 64 : index
      %swap3A_1335 = tpu.vector_load %arg13[%swap3A_1334] {strides = array<i32>} : memref<256xf32, #tpu.memory_space<vmem>>, vector<16xf32>,
      tpu.vector_store %arg13[%swap3A_1334], %broadcast_in_dim3A_194 {strides = array<i32>} : memref<256xf32, #tpu.memory_space<vmem>>, vector<16xf32>,
      %swap3A_1336 = arith.constant 80 : index
      %swap3A_1337 = tpu.vector_load %arg13[%swap3A_1336] {strides = array<i32>} : memref<256xf32, #tpu.memory_space<vmem>>, vector<16xf32>,
      tpu.vector_store %arg13[%swap3A_1336], %broadcast_in_dim3A_194 {strides = array<i32>} : memref<256xf32, #tpu.memory_space<vmem>>, vector<16xf32>,
      %swap3A_1338 = arith.constant 96 : index
      %swap3A_1339 = tpu.vector_load %arg13[%swap3A_1338] {strides = array<i32>} : memref<256xf32, #tpu.memory_space<vmem>>, vector<16xf32>,
      tpu.vector_store %arg13[%swap3A_1338], %broadcast_in_dim3A_194 {strides = array<i32>} : memref<256xf32, #tpu.memory_space<vmem>>, vector<16xf32>,
      %swap3A_1340 = arith.constant 112 : index
      %swap3A_1341 = tpu.vector_load %arg13[%swap3A_1340] {strides = array<i32>} : memref<256xf32, #tpu.memory_space<vmem>>, vector<16xf32>,
      tpu.vector_store %arg13[%swap3A_1340], %broadcast_in_dim3A_194 {strides = array<i32>} : memref<256xf32, #tpu.memory_space<vmem>>, vector<16xf32>,
      %swap3A_1342 = arith.constant 128 : index
      %swap3A_1343 = tpu.vector_load %arg13[%swap3A_1342] {strides = array<i32>} : memref<256xf32, #tpu.memory_space<vmem>>, vector<16xf32>,
      tpu.vector_store %arg13[%swap3A_1342], %broadcast_in_dim3A_194 {strides = array<i32>} : memref<256xf32, #tpu.memory_space<vmem>>, vector<16xf32>,
      %swap3A_1344 = arith.constant 144 : index
      %swap3A_1345 = tpu.vector_load %arg13[%swap3A_1344] {strides = array<i32>} : memref<256xf32, #tpu.memory_space<vmem>>, vector<16xf32>,
      tpu.vector_store %arg13[%swap3A_1344], %broadcast_in_dim3A_194 {strides = array<i32>} : memref<256xf32, #tpu.memory_space<vmem>>, vector<16xf32>,
      %swap3A_1346 = arith.constant 160 : index
      %swap3A_1347 = tpu.vector_load %arg13[%swap3A_1346] {strides = array<i32>} : memref<256xf32, #tpu.memory_space<vmem>>, vector<16xf32>,
      tpu.vector_store %arg13[%swap3A_1346], %broadcast_in_dim3A_194 {strides = array<i32>} : memref<256xf32, #tpu.memory_space<vmem>>, vector<16xf32>,
      %swap3A_1348 = arith.constant 176 : index
      %swap3A_1349 = tpu.vector_load %arg13[%swap3A_1348] {strides = array<i32>} : memref<256xf32, #tpu.memory_space<vmem>>, vector<16xf32>,
      tpu.vector_store %arg13[%swap3A_1348], %broadcast_in_dim3A_194 {strides = array<i32>} : memref<256xf32, #tpu.memory_space<vmem>>, vector<16xf32>,
      %swap3A_1350 = arith.constant 192 : index
      %swap3A_1351 = tpu.vector_load %arg13[%swap3A_1350] {strides = array<i32>} : memref<256xf32, #tpu.memory_space<vmem>>, vector<16xf32>,
      tpu.vector_store %arg13[%swap3A_1350], %broadcast_in_dim3A_194 {strides = array<i32>} : memref<256xf32, #tpu.memory_space<vmem>>, vector<16xf32>,
      %swap3A_1352 = arith.constant 208 : index
      %swap3A_1353 = tpu.vector_load %arg13[%swap3A_1352] {strides = array<i32>} : memref<256xf32, #tpu.memory_space<vmem>>, vector<16xf32>,
      tpu.vector_store %arg13[%swap3A_1352], %broadcast_in_dim3A_194 {strides = array<i32>} : memref<256xf32, #tpu.memory_space<vmem>>, vector<16xf32>,
      %swap3A_1354 = arith.constant 224 : index
      %swap3A_1355 = tpu.vector_load %arg13[%swap3A_1354] {strides = array<i32>} : memref<256xf32, #tpu.memory_space<vmem>>, vector<16xf32>,
      tpu.vector_store %arg13[%swap3A_1354], %broadcast_in_dim3A_194 {strides = array<i32>} : memref<256xf32, #tpu.memory_space<vmem>>, vector<16xf32>,
      %swap3A_1356 = arith.constant 240 : index
      %swap3A_1357 = tpu.vector_load %arg13[%swap3A_1356] {strides = array<i32>} : memref<256xf32, #tpu.memory_space<vmem>>, vector<16xf32>,
      tpu.vector_store %arg13[%swap3A_1356], %broadcast_in_dim3A_194 {strides = array<i32>} : memref<256xf32, #tpu.memory_space<vmem>>, vector<16xf32>,
      %add3A_1358 = arith.constant 0 : i32
      %add3A_1359 = arith.addi %add3A_1358, %add3A_1325 : i32
      %get3A_1360 = arith.index_cast %add3A_1359 : i32 to index
      %get3A_1361 = tpu.vector_load %arg5[%get3A_1360] {strides = array<i32>} : memref<8192xf32, #tpu.memory_space<vmem>>, vector<16xf32>,
      %convert_element_type3A_1362 = arith.fptosi %get3A_1361 : vector<16xf32> to vector<16xi32>
      tpu.vector_store_idx %arg13[%convert_element_type3A_1362], %broadcast_in_dim3A_192 {add = true} : memref<256xf32, #tpu.memory_space<vmem>>[vector<16xi32>], vector<16xf32>,
      %add3A_1363 = arith.constant 512 : i32
      %add3A_1364 = arith.addi %add3A_1363, %add3A_1325 : i32
      %get3A_1365 = arith.index_cast %add3A_1364 : i32 to index
      %get3A_1366 = tpu.vector_load %arg5[%get3A_1365] {strides = array<i32>} : memref<8192xf32, #tpu.memory_space<vmem>>, vector<16xf32>,
      %convert_element_type3A_1367 = arith.fptosi %get3A_1366 : vector<16xf32> to vector<16xi32>
      tpu.vector_store_idx %arg13[%convert_element_type3A_1367], %broadcast_in_dim3A_192 {add = true} : memref<256xf32, #tpu.memory_space<vmem>>[vector<16xi32>], vector<16xf32>,
      %add3A_1368 = arith.constant 1024 : i32
      %add3A_1369 = arith.addi %add3A_1368, %add3A_1325 : i32
      %get3A_1370 = arith.index_cast %add3A_1369 : i32 to index
      %get3A_1371 = tpu.vector_load %arg5[%get3A_1370] {strides = array<i32>} : memref<8192xf32, #tpu.memory_space<vmem>>, vector<16xf32>,
      %convert_element_type3A_1372 = arith.fptosi %get3A_1371 : vector<16xf32> to vector<16xi32>
      tpu.vector_store_idx %arg13[%convert_element_type3A_1372], %broadcast_in_dim3A_192 {add = true} : memref<256xf32, #tpu.memory_space<vmem>>[vector<16xi32>], vector<16xf32>,
      %add3A_1373 = arith.constant 1536 : i32
      %add3A_1374 = arith.addi %add3A_1373, %add3A_1325 : i32
      %get3A_1375 = arith.index_cast %add3A_1374 : i32 to index
      %get3A_1376 = tpu.vector_load %arg5[%get3A_1375] {strides = array<i32>} : memref<8192xf32, #tpu.memory_space<vmem>>, vector<16xf32>,
      %convert_element_type3A_1377 = arith.fptosi %get3A_1376 : vector<16xf32> to vector<16xi32>
      tpu.vector_store_idx %arg13[%convert_element_type3A_1377], %broadcast_in_dim3A_192 {add = true} : memref<256xf32, #tpu.memory_space<vmem>>[vector<16xi32>], vector<16xf32>,
      %add3A_1378 = arith.constant 2048 : i32
      %add3A_1379 = arith.addi %add3A_1378, %add3A_1325 : i32
      %get3A_1380 = arith.index_cast %add3A_1379 : i32 to index
      %get3A_1381 = tpu.vector_load %arg5[%get3A_1380] {strides = array<i32>} : memref<8192xf32, #tpu.memory_space<vmem>>, vector<16xf32>,
      %convert_element_type3A_1382 = arith.fptosi %get3A_1381 : vector<16xf32> to vector<16xi32>
      tpu.vector_store_idx %arg13[%convert_element_type3A_1382], %broadcast_in_dim3A_192 {add = true} : memref<256xf32, #tpu.memory_space<vmem>>[vector<16xi32>], vector<16xf32>,
      %add3A_1383 = arith.constant 2560 : i32
      %add3A_1384 = arith.addi %add3A_1383, %add3A_1325 : i32
      %get3A_1385 = arith.index_cast %add3A_1384 : i32 to index
      %get3A_1386 = tpu.vector_load %arg5[%get3A_1385] {strides = array<i32>} : memref<8192xf32, #tpu.memory_space<vmem>>, vector<16xf32>,
      %convert_element_type3A_1387 = arith.fptosi %get3A_1386 : vector<16xf32> to vector<16xi32>
      tpu.vector_store_idx %arg13[%convert_element_type3A_1387], %broadcast_in_dim3A_192 {add = true} : memref<256xf32, #tpu.memory_space<vmem>>[vector<16xi32>], vector<16xf32>,
      %add3A_1388 = arith.constant 3072 : i32
      %add3A_1389 = arith.addi %add3A_1388, %add3A_1325 : i32
      %get3A_1390 = arith.index_cast %add3A_1389 : i32 to index
      %get3A_1391 = tpu.vector_load %arg5[%get3A_1390] {strides = array<i32>} : memref<8192xf32, #tpu.memory_space<vmem>>, vector<16xf32>,
      %convert_element_type3A_1392 = arith.fptosi %get3A_1391 : vector<16xf32> to vector<16xi32>
      tpu.vector_store_idx %arg13[%convert_element_type3A_1392], %broadcast_in_dim3A_192 {add = true} : memref<256xf32, #tpu.memory_space<vmem>>[vector<16xi32>], vector<16xf32>,
      %add3A_1393 = arith.constant 3584 : i32
      %add3A_1394 = arith.addi %add3A_1393, %add3A_1325 : i32
      %get3A_1395 = arith.index_cast %add3A_1394 : i32 to index
      %get3A_1396 = tpu.vector_load %arg5[%get3A_1395] {strides = array<i32>} : memref<8192xf32, #tpu.memory_space<vmem>>, vector<16xf32>,
      %convert_element_type3A_1397 = arith.fptosi %get3A_1396 : vector<16xf32> to vector<16xi32>
      tpu.vector_store_idx %arg13[%convert_element_type3A_1397], %broadcast_in_dim3A_192 {add = true} : memref<256xf32, #tpu.memory_space<vmem>>[vector<16xi32>], vector<16xf32>,
      %add3A_1398 = arith.constant 4096 : i32
      %add3A_1399 = arith.addi %add3A_1398, %add3A_1325 : i32
      %get3A_1400 = arith.index_cast %add3A_1399 : i32 to index
      %get3A_1401 = tpu.vector_load %arg5[%get3A_1400] {strides = array<i32>} : memref<8192xf32, #tpu.memory_space<vmem>>, vector<16xf32>,
      %convert_element_type3A_1402 = arith.fptosi %get3A_1401 : vector<16xf32> to vector<16xi32>
      tpu.vector_store_idx %arg13[%convert_element_type3A_1402], %broadcast_in_dim3A_192 {add = true} : memref<256xf32, #tpu.memory_space<vmem>>[vector<16xi32>], vector<16xf32>,
      %add3A_1403 = arith.constant 4608 : i32
      %add3A_1404 = arith.addi %add3A_1403, %add3A_1325 : i32
      %get3A_1405 = arith.index_cast %add3A_1404 : i32 to index
      %get3A_1406 = tpu.vector_load %arg5[%get3A_1405] {strides = array<i32>} : memref<8192xf32, #tpu.memory_space<vmem>>, vector<16xf32>,
      %convert_element_type3A_1407 = arith.fptosi %get3A_1406 : vector<16xf32> to vector<16xi32>
      tpu.vector_store_idx %arg13[%convert_element_type3A_1407], %broadcast_in_dim3A_192 {add = true} : memref<256xf32, #tpu.memory_space<vmem>>[vector<16xi32>], vector<16xf32>,
      %add3A_1408 = arith.constant 5120 : i32
      %add3A_1409 = arith.addi %add3A_1408, %add3A_1325 : i32
      %get3A_1410 = arith.index_cast %add3A_1409 : i32 to index
      %get3A_1411 = tpu.vector_load %arg5[%get3A_1410] {strides = array<i32>} : memref<8192xf32, #tpu.memory_space<vmem>>, vector<16xf32>,
      %convert_element_type3A_1412 = arith.fptosi %get3A_1411 : vector<16xf32> to vector<16xi32>
      tpu.vector_store_idx %arg13[%convert_element_type3A_1412], %broadcast_in_dim3A_192 {add = true} : memref<256xf32, #tpu.memory_space<vmem>>[vector<16xi32>], vector<16xf32>,
      %add3A_1413 = arith.constant 5632 : i32
      %add3A_1414 = arith.addi %add3A_1413, %add3A_1325 : i32
      %get3A_1415 = arith.index_cast %add3A_1414 : i32 to index
      %get3A_1416 = tpu.vector_load %arg5[%get3A_1415] {strides = array<i32>} : memref<8192xf32, #tpu.memory_space<vmem>>, vector<16xf32>,
      %convert_element_type3A_1417 = arith.fptosi %get3A_1416 : vector<16xf32> to vector<16xi32>
      tpu.vector_store_idx %arg13[%convert_element_type3A_1417], %broadcast_in_dim3A_192 {add = true} : memref<256xf32, #tpu.memory_space<vmem>>[vector<16xi32>], vector<16xf32>,
      %add3A_1418 = arith.constant 6144 : i32
      %add3A_1419 = arith.addi %add3A_1418, %add3A_1325 : i32
      %get3A_1420 = arith.index_cast %add3A_1419 : i32 to index
      %get3A_1421 = tpu.vector_load %arg5[%get3A_1420] {strides = array<i32>} : memref<8192xf32, #tpu.memory_space<vmem>>, vector<16xf32>,
      %convert_element_type3A_1422 = arith.fptosi %get3A_1421 : vector<16xf32> to vector<16xi32>
      tpu.vector_store_idx %arg13[%convert_element_type3A_1422], %broadcast_in_dim3A_192 {add = true} : memref<256xf32, #tpu.memory_space<vmem>>[vector<16xi32>], vector<16xf32>,
      %add3A_1423 = arith.constant 6656 : i32
      %add3A_1424 = arith.addi %add3A_1423, %add3A_1325 : i32
      %get3A_1425 = arith.index_cast %add3A_1424 : i32 to index
      %get3A_1426 = tpu.vector_load %arg5[%get3A_1425] {strides = array<i32>} : memref<8192xf32, #tpu.memory_space<vmem>>, vector<16xf32>,
      %convert_element_type3A_1427 = arith.fptosi %get3A_1426 : vector<16xf32> to vector<16xi32>
      tpu.vector_store_idx %arg13[%convert_element_type3A_1427], %broadcast_in_dim3A_192 {add = true} : memref<256xf32, #tpu.memory_space<vmem>>[vector<16xi32>], vector<16xf32>,
      %add3A_1428 = arith.constant 7168 : i32
      %add3A_1429 = arith.addi %add3A_1428, %add3A_1325 : i32
      %get3A_1430 = arith.index_cast %add3A_1429 : i32 to index
      %get3A_1431 = tpu.vector_load %arg5[%get3A_1430] {strides = array<i32>} : memref<8192xf32, #tpu.memory_space<vmem>>, vector<16xf32>,
      %convert_element_type3A_1432 = arith.fptosi %get3A_1431 : vector<16xf32> to vector<16xi32>
      tpu.vector_store_idx %arg13[%convert_element_type3A_1432], %broadcast_in_dim3A_192 {add = true} : memref<256xf32, #tpu.memory_space<vmem>>[vector<16xi32>], vector<16xf32>,
      %add3A_1433 = arith.constant 7680 : i32
      %add3A_1434 = arith.addi %add3A_1433, %add3A_1325 : i32
      %get3A_1435 = arith.index_cast %add3A_1434 : i32 to index
      %get3A_1436 = tpu.vector_load %arg5[%get3A_1435] {strides = array<i32>} : memref<8192xf32, #tpu.memory_space<vmem>>, vector<16xf32>,
      %convert_element_type3A_1437 = arith.fptosi %get3A_1436 : vector<16xf32> to vector<16xi32>
      tpu.vector_store_idx %arg13[%convert_element_type3A_1437], %broadcast_in_dim3A_192 {add = true} : memref<256xf32, #tpu.memory_space<vmem>>[vector<16xi32>], vector<16xf32>,
      %get3A_1438 = arith.constant 0 : index
      %get3A_1439 = tpu.vector_load %arg13[%get3A_1438] {strides = array<i32>} : memref<256xf32, #tpu.memory_space<vmem>>, vector<16xf32>,
      %min3A_1440 = arith.constant 4.000000e+00 : f32
      %min3A_1441 = vector.broadcast %min3A_1440 : f32 to vector<16xf32>
      %min3A_1442 = arith.minimumf %get3A_1439, %min3A_1441 : vector<16xf32>
      %broadcast_in_dim3A_1443 = arith.constant true
      %broadcast_in_dim3A_1444 = vector.broadcast %broadcast_in_dim3A_1443 : i1 to vector<16xi1>
      %masked_cumsum3A_1445 = tpu.scan <sum>, %min3A_1442 masked %broadcast_in_dim3A_1444 : vector<16xf32>, vector<16xi1> -> vector<16xf32>
      %get3A_1446 = arith.constant 16 : index
      %get3A_1447 = tpu.vector_load %arg13[%get3A_1446] {strides = array<i32>} : memref<256xf32, #tpu.memory_space<vmem>>, vector<16xf32>,
      %min3A_1448 = arith.constant 4.000000e+00 : f32
      %min3A_1449 = vector.broadcast %min3A_1448 : f32 to vector<16xf32>
      %min3A_1450 = arith.minimumf %get3A_1447, %min3A_1449 : vector<16xf32>
      %broadcast_in_dim3A_1451 = arith.constant true
      %broadcast_in_dim3A_1452 = vector.broadcast %broadcast_in_dim3A_1451 : i1 to vector<16xi1>
      %masked_cumsum3A_1453 = tpu.scan <sum>, %min3A_1450 masked %broadcast_in_dim3A_1452 : vector<16xf32>, vector<16xi1> -> vector<16xf32>
      %get3A_1454 = arith.constant 32 : index
      %get3A_1455 = tpu.vector_load %arg13[%get3A_1454] {strides = array<i32>} : memref<256xf32, #tpu.memory_space<vmem>>, vector<16xf32>,
      %min3A_1456 = arith.constant 4.000000e+00 : f32
      %min3A_1457 = vector.broadcast %min3A_1456 : f32 to vector<16xf32>
      %min3A_1458 = arith.minimumf %get3A_1455, %min3A_1457 : vector<16xf32>
      %broadcast_in_dim3A_1459 = arith.constant true
      %broadcast_in_dim3A_1460 = vector.broadcast %broadcast_in_dim3A_1459 : i1 to vector<16xi1>
      %masked_cumsum3A_1461 = tpu.scan <sum>, %min3A_1458 masked %broadcast_in_dim3A_1460 : vector<16xf32>, vector<16xi1> -> vector<16xf32>
      %get3A_1462 = arith.constant 48 : index
      %get3A_1463 = tpu.vector_load %arg13[%get3A_1462] {strides = array<i32>} : memref<256xf32, #tpu.memory_space<vmem>>, vector<16xf32>,
      %min3A_1464 = arith.constant 4.000000e+00 : f32
      %min3A_1465 = vector.broadcast %min3A_1464 : f32 to vector<16xf32>
      %min3A_1466 = arith.minimumf %get3A_1463, %min3A_1465 : vector<16xf32>
      %broadcast_in_dim3A_1467 = arith.constant true
      %broadcast_in_dim3A_1468 = vector.broadcast %broadcast_in_dim3A_1467 : i1 to vector<16xi1>
      %masked_cumsum3A_1469 = tpu.scan <sum>, %min3A_1466 masked %broadcast_in_dim3A_1468 : vector<16xf32>, vector<16xi1> -> vector<16xf32>
      %get3A_1470 = arith.constant 64 : index
      %get3A_1471 = tpu.vector_load %arg13[%get3A_1470] {strides = array<i32>} : memref<256xf32, #tpu.memory_space<vmem>>, vector<16xf32>,
      %min3A_1472 = arith.constant 4.000000e+00 : f32
      %min3A_1473 = vector.broadcast %min3A_1472 : f32 to vector<16xf32>
      %min3A_1474 = arith.minimumf %get3A_1471, %min3A_1473 : vector<16xf32>
      %broadcast_in_dim3A_1475 = arith.constant true
      %broadcast_in_dim3A_1476 = vector.broadcast %broadcast_in_dim3A_1475 : i1 to vector<16xi1>
      %masked_cumsum3A_1477 = tpu.scan <sum>, %min3A_1474 masked %broadcast_in_dim3A_1476 : vector<16xf32>, vector<16xi1> -> vector<16xf32>
      %get3A_1478 = arith.constant 80 : index
      %get3A_1479 = tpu.vector_load %arg13[%get3A_1478] {strides = array<i32>} : memref<256xf32, #tpu.memory_space<vmem>>, vector<16xf32>,
      %min3A_1480 = arith.constant 4.000000e+00 : f32
      %min3A_1481 = vector.broadcast %min3A_1480 : f32 to vector<16xf32>
      %min3A_1482 = arith.minimumf %get3A_1479, %min3A_1481 : vector<16xf32>
      %broadcast_in_dim3A_1483 = arith.constant true
      %broadcast_in_dim3A_1484 = vector.broadcast %broadcast_in_dim3A_1483 : i1 to vector<16xi1>
      %masked_cumsum3A_1485 = tpu.scan <sum>, %min3A_1482 masked %broadcast_in_dim3A_1484 : vector<16xf32>, vector<16xi1> -> vector<16xf32>
      %get3A_1486 = arith.constant 96 : index
      %get3A_1487 = tpu.vector_load %arg13[%get3A_1486] {strides = array<i32>} : memref<256xf32, #tpu.memory_space<vmem>>, vector<16xf32>,
      %min3A_1488 = arith.constant 4.000000e+00 : f32
      %min3A_1489 = vector.broadcast %min3A_1488 : f32 to vector<16xf32>
      %min3A_1490 = arith.minimumf %get3A_1487, %min3A_1489 : vector<16xf32>
      %broadcast_in_dim3A_1491 = arith.constant true
      %broadcast_in_dim3A_1492 = vector.broadcast %broadcast_in_dim3A_1491 : i1 to vector<16xi1>
      %masked_cumsum3A_1493 = tpu.scan <sum>, %min3A_1490 masked %broadcast_in_dim3A_1492 : vector<16xf32>, vector<16xi1> -> vector<16xf32>
      %get3A_1494 = arith.constant 112 : index
      %get3A_1495 = tpu.vector_load %arg13[%get3A_1494] {strides = array<i32>} : memref<256xf32, #tpu.memory_space<vmem>>, vector<16xf32>,
      %min3A_1496 = arith.constant 4.000000e+00 : f32
      %min3A_1497 = vector.broadcast %min3A_1496 : f32 to vector<16xf32>
      %min3A_1498 = arith.minimumf %get3A_1495, %min3A_1497 : vector<16xf32>
      %broadcast_in_dim3A_1499 = arith.constant true
      %broadcast_in_dim3A_1500 = vector.broadcast %broadcast_in_dim3A_1499 : i1 to vector<16xi1>
      %masked_cumsum3A_1501 = tpu.scan <sum>, %min3A_1498 masked %broadcast_in_dim3A_1500 : vector<16xf32>, vector<16xi1> -> vector<16xf32>
      %get3A_1502 = arith.constant 128 : index
      %get3A_1503 = tpu.vector_load %arg13[%get3A_1502] {strides = array<i32>} : memref<256xf32, #tpu.memory_space<vmem>>, vector<16xf32>,
      %min3A_1504 = arith.constant 4.000000e+00 : f32
      %min3A_1505 = vector.broadcast %min3A_1504 : f32 to vector<16xf32>
      %min3A_1506 = arith.minimumf %get3A_1503, %min3A_1505 : vector<16xf32>
      %broadcast_in_dim3A_1507 = arith.constant true
      %broadcast_in_dim3A_1508 = vector.broadcast %broadcast_in_dim3A_1507 : i1 to vector<16xi1>
      %masked_cumsum3A_1509 = tpu.scan <sum>, %min3A_1506 masked %broadcast_in_dim3A_1508 : vector<16xf32>, vector<16xi1> -> vector<16xf32>
      %get3A_1510 = arith.constant 144 : index
      %get3A_1511 = tpu.vector_load %arg13[%get3A_1510] {strides = array<i32>} : memref<256xf32, #tpu.memory_space<vmem>>, vector<16xf32>,
      %min3A_1512 = arith.constant 4.000000e+00 : f32
      %min3A_1513 = vector.broadcast %min3A_1512 : f32 to vector<16xf32>
      %min3A_1514 = arith.minimumf %get3A_1511, %min3A_1513 : vector<16xf32>
      %broadcast_in_dim3A_1515 = arith.constant true
      %broadcast_in_dim3A_1516 = vector.broadcast %broadcast_in_dim3A_1515 : i1 to vector<16xi1>
      %masked_cumsum3A_1517 = tpu.scan <sum>, %min3A_1514 masked %broadcast_in_dim3A_1516 : vector<16xf32>, vector<16xi1> -> vector<16xf32>
      %get3A_1518 = arith.constant 160 : index
      %get3A_1519 = tpu.vector_load %arg13[%get3A_1518] {strides = array<i32>} : memref<256xf32, #tpu.memory_space<vmem>>, vector<16xf32>,
      %min3A_1520 = arith.constant 4.000000e+00 : f32
      %min3A_1521 = vector.broadcast %min3A_1520 : f32 to vector<16xf32>
      %min3A_1522 = arith.minimumf %get3A_1519, %min3A_1521 : vector<16xf32>
      %broadcast_in_dim3A_1523 = arith.constant true
      %broadcast_in_dim3A_1524 = vector.broadcast %broadcast_in_dim3A_1523 : i1 to vector<16xi1>
      %masked_cumsum3A_1525 = tpu.scan <sum>, %min3A_1522 masked %broadcast_in_dim3A_1524 : vector<16xf32>, vector<16xi1> -> vector<16xf32>
      %get3A_1526 = arith.constant 176 : index
      %get3A_1527 = tpu.vector_load %arg13[%get3A_1526] {strides = array<i32>} : memref<256xf32, #tpu.memory_space<vmem>>, vector<16xf32>,
      %min3A_1528 = arith.constant 4.000000e+00 : f32
      %min3A_1529 = vector.broadcast %min3A_1528 : f32 to vector<16xf32>
      %min3A_1530 = arith.minimumf %get3A_1527, %min3A_1529 : vector<16xf32>
      %broadcast_in_dim3A_1531 = arith.constant true
      %broadcast_in_dim3A_1532 = vector.broadcast %broadcast_in_dim3A_1531 : i1 to vector<16xi1>
      %masked_cumsum3A_1533 = tpu.scan <sum>, %min3A_1530 masked %broadcast_in_dim3A_1532 : vector<16xf32>, vector<16xi1> -> vector<16xf32>
      %get3A_1534 = arith.constant 192 : index
      %get3A_1535 = tpu.vector_load %arg13[%get3A_1534] {strides = array<i32>} : memref<256xf32, #tpu.memory_space<vmem>>, vector<16xf32>,
      %min3A_1536 = arith.constant 4.000000e+00 : f32
      %min3A_1537 = vector.broadcast %min3A_1536 : f32 to vector<16xf32>
      %min3A_1538 = arith.minimumf %get3A_1535, %min3A_1537 : vector<16xf32>
      %broadcast_in_dim3A_1539 = arith.constant true
      %broadcast_in_dim3A_1540 = vector.broadcast %broadcast_in_dim3A_1539 : i1 to vector<16xi1>
      %masked_cumsum3A_1541 = tpu.scan <sum>, %min3A_1538 masked %broadcast_in_dim3A_1540 : vector<16xf32>, vector<16xi1> -> vector<16xf32>
      %get3A_1542 = arith.constant 208 : index
      %get3A_1543 = tpu.vector_load %arg13[%get3A_1542] {strides = array<i32>} : memref<256xf32, #tpu.memory_space<vmem>>, vector<16xf32>,
      %min3A_1544 = arith.constant 4.000000e+00 : f32
      %min3A_1545 = vector.broadcast %min3A_1544 : f32 to vector<16xf32>
      %min3A_1546 = arith.minimumf %get3A_1543, %min3A_1545 : vector<16xf32>
      %broadcast_in_dim3A_1547 = arith.constant true
      %broadcast_in_dim3A_1548 = vector.broadcast %broadcast_in_dim3A_1547 : i1 to vector<16xi1>
      %masked_cumsum3A_1549 = tpu.scan <sum>, %min3A_1546 masked %broadcast_in_dim3A_1548 : vector<16xf32>, vector<16xi1> -> vector<16xf32>
      %get3A_1550 = arith.constant 224 : index
      %get3A_1551 = tpu.vector_load %arg13[%get3A_1550] {strides = array<i32>} : memref<256xf32, #tpu.memory_space<vmem>>, vector<16xf32>,
      %min3A_1552 = arith.constant 4.000000e+00 : f32
      %min3A_1553 = vector.broadcast %min3A_1552 : f32 to vector<16xf32>
      %min3A_1554 = arith.minimumf %get3A_1551, %min3A_1553 : vector<16xf32>
      %broadcast_in_dim3A_1555 = arith.constant true
      %broadcast_in_dim3A_1556 = vector.broadcast %broadcast_in_dim3A_1555 : i1 to vector<16xi1>
      %masked_cumsum3A_1557 = tpu.scan <sum>, %min3A_1554 masked %broadcast_in_dim3A_1556 : vector<16xf32>, vector<16xi1> -> vector<16xf32>
      %get3A_1558 = arith.constant 240 : index
      %get3A_1559 = tpu.vector_load %arg13[%get3A_1558] {strides = array<i32>} : memref<256xf32, #tpu.memory_space<vmem>>, vector<16xf32>,
      %min3A_1560 = arith.constant 4.000000e+00 : f32
      %min3A_1561 = vector.broadcast %min3A_1560 : f32 to vector<16xf32>
      %min3A_1562 = arith.minimumf %get3A_1559, %min3A_1561 : vector<16xf32>
      %broadcast_in_dim3A_1563 = arith.constant true
      %broadcast_in_dim3A_1564 = vector.broadcast %broadcast_in_dim3A_1563 : i1 to vector<16xi1>
      %masked_cumsum3A_1565 = tpu.scan <sum>, %min3A_1562 masked %broadcast_in_dim3A_1564 : vector<16xf32>, vector<16xi1> -> vector<16xf32>
      %slice3A_1566 = vector.extract_strided_slice %masked_cumsum3A_1445 {offsets = [15], sizes = [1], strides = [1]} : vector<16xf32> to vector<1xf32>
      %squeeze3A_1567 = vector.extract %slice3A_1566[0] : f32 from vector<1xf32>
      %add3A_1568 = arith.constant 0.000000e+00 : f32
      %add3A_1569 = arith.addf %add3A_1568, %squeeze3A_1567 : f32
      %slice3A_1570 = vector.extract_strided_slice %masked_cumsum3A_1453 {offsets = [15], sizes = [1], strides = [1]} : vector<16xf32> to vector<1xf32>
      %squeeze3A_1571 = vector.extract %slice3A_1570[0] : f32 from vector<1xf32>
      %add3A_1572 = arith.addf %add3A_1569, %squeeze3A_1571 : f32
      %slice3A_1573 = vector.extract_strided_slice %masked_cumsum3A_1461 {offsets = [15], sizes = [1], strides = [1]} : vector<16xf32> to vector<1xf32>
      %squeeze3A_1574 = vector.extract %slice3A_1573[0] : f32 from vector<1xf32>
      %add3A_1575 = arith.addf %add3A_1572, %squeeze3A_1574 : f32
      %slice3A_1576 = vector.extract_strided_slice %masked_cumsum3A_1469 {offsets = [15], sizes = [1], strides = [1]} : vector<16xf32> to vector<1xf32>
      %squeeze3A_1577 = vector.extract %slice3A_1576[0] : f32 from vector<1xf32>
      %add3A_1578 = arith.addf %add3A_1575, %squeeze3A_1577 : f32
      %slice3A_1579 = vector.extract_strided_slice %masked_cumsum3A_1477 {offsets = [15], sizes = [1], strides = [1]} : vector<16xf32> to vector<1xf32>
      %squeeze3A_1580 = vector.extract %slice3A_1579[0] : f32 from vector<1xf32>
      %add3A_1581 = arith.addf %add3A_1578, %squeeze3A_1580 : f32
      %slice3A_1582 = vector.extract_strided_slice %masked_cumsum3A_1485 {offsets = [15], sizes = [1], strides = [1]} : vector<16xf32> to vector<1xf32>
      %squeeze3A_1583 = vector.extract %slice3A_1582[0] : f32 from vector<1xf32>
      %add3A_1584 = arith.addf %add3A_1581, %squeeze3A_1583 : f32
      %slice3A_1585 = vector.extract_strided_slice %masked_cumsum3A_1493 {offsets = [15], sizes = [1], strides = [1]} : vector<16xf32> to vector<1xf32>
      %squeeze3A_1586 = vector.extract %slice3A_1585[0] : f32 from vector<1xf32>
      %add3A_1587 = arith.addf %add3A_1584, %squeeze3A_1586 : f32
      %slice3A_1588 = vector.extract_strided_slice %masked_cumsum3A_1501 {offsets = [15], sizes = [1], strides = [1]} : vector<16xf32> to vector<1xf32>
      %squeeze3A_1589 = vector.extract %slice3A_1588[0] : f32 from vector<1xf32>
      %add3A_1590 = arith.addf %add3A_1587, %squeeze3A_1589 : f32
      %slice3A_1591 = vector.extract_strided_slice %masked_cumsum3A_1509 {offsets = [15], sizes = [1], strides = [1]} : vector<16xf32> to vector<1xf32>
      %squeeze3A_1592 = vector.extract %slice3A_1591[0] : f32 from vector<1xf32>
      %add3A_1593 = arith.addf %add3A_1590, %squeeze3A_1592 : f32
      %slice3A_1594 = vector.extract_strided_slice %masked_cumsum3A_1517 {offsets = [15], sizes = [1], strides = [1]} : vector<16xf32> to vector<1xf32>
      %squeeze3A_1595 = vector.extract %slice3A_1594[0] : f32 from vector<1xf32>
      %add3A_1596 = arith.addf %add3A_1593, %squeeze3A_1595 : f32
      %slice3A_1597 = vector.extract_strided_slice %masked_cumsum3A_1525 {offsets = [15], sizes = [1], strides = [1]} : vector<16xf32> to vector<1xf32>
      %squeeze3A_1598 = vector.extract %slice3A_1597[0] : f32 from vector<1xf32>
      %add3A_1599 = arith.addf %add3A_1596, %squeeze3A_1598 : f32
      %slice3A_1600 = vector.extract_strided_slice %masked_cumsum3A_1533 {offsets = [15], sizes = [1], strides = [1]} : vector<16xf32> to vector<1xf32>
      %squeeze3A_1601 = vector.extract %slice3A_1600[0] : f32 from vector<1xf32>
      %add3A_1602 = arith.addf %add3A_1599, %squeeze3A_1601 : f32
      %slice3A_1603 = vector.extract_strided_slice %masked_cumsum3A_1541 {offsets = [15], sizes = [1], strides = [1]} : vector<16xf32> to vector<1xf32>
      %squeeze3A_1604 = vector.extract %slice3A_1603[0] : f32 from vector<1xf32>
      %add3A_1605 = arith.addf %add3A_1602, %squeeze3A_1604 : f32
      %slice3A_1606 = vector.extract_strided_slice %masked_cumsum3A_1549 {offsets = [15], sizes = [1], strides = [1]} : vector<16xf32> to vector<1xf32>
      %squeeze3A_1607 = vector.extract %slice3A_1606[0] : f32 from vector<1xf32>
      %add3A_1608 = arith.addf %add3A_1605, %squeeze3A_1607 : f32
      %slice3A_1609 = vector.extract_strided_slice %masked_cumsum3A_1557 {offsets = [15], sizes = [1], strides = [1]} : vector<16xf32> to vector<1xf32>
      %squeeze3A_1610 = vector.extract %slice3A_1609[0] : f32 from vector<1xf32>
      %add3A_1611 = arith.addf %add3A_1608, %squeeze3A_1610 : f32
      %slice3A_1612 = vector.extract_strided_slice %masked_cumsum3A_1565 {offsets = [15], sizes = [1], strides = [1]} : vector<16xf32> to vector<1xf32>
      %squeeze3A_1613 = vector.extract %slice3A_1612[0] : f32 from vector<1xf32>
      %add3A_1614 = arith.addf %add3A_1611, %squeeze3A_1613 : f32
      %slice3A_1615 = vector.extract_strided_slice %masked_cumsum3A_1445 {offsets = [0], sizes = [1], strides = [1]} : vector<16xf32> to vector<1xf32>
      %squeeze3A_1616 = vector.extract %slice3A_1615[0] : f32 from vector<1xf32>
      %sub3A_1617 = arith.constant 2.560000e+02 : f32
      %sub3A_1618 = arith.subf %sub3A_1617, %add3A_1614 : f32
      %mul3A_1619 = arith.constant 3.906250e-03 : f32
      %mul3A_1620 = arith.mulf %sub3A_1618, %mul3A_1619 : f32
      %add3A_1621 = arith.addf %squeeze3A_1616, %mul3A_1620 : f32
      %sub3A_1622 = arith.constant 2.560000e+02 : f32
      %sub3A_1623 = arith.subf %sub3A_1622, %add3A_1621 : f32
      %max3A_1624 = arith.constant 1.000000e-07 : f32
      %max3A_1625 = arith.maximumf %sub3A_1623, %max3A_1624 : f32
      %broadcast_in_dim3A_1626 = vector.broadcast %max3A_1625 : f32 to vector<16xf32>
      %div3A_1627 = arith.constant 2.550000e+02 : f32
      %div3A_1628 = vector.broadcast %div3A_1627 : f32 to vector<16xf32>
      %div3A_1629 = arith.divf %div3A_1628, %broadcast_in_dim3A_1626 : vector<16xf32>
      %mul3A_1630 = vector.broadcast %mul3A_1620 : f32 to vector<16xf32>
      %mul3A_1631 = arith.mulf %convert_element_type3A, %mul3A_1630 : vector<16xf32>
      %mul3A_1632 = arith.constant 1.000000e+00 : f32
      %mul3A_1633 = arith.mulf %mul3A_1632, %mul3A_1620 : f32
      %sub3A_1634 = arith.constant 0.000000e+00 : f32
      %sub3A_1635 = arith.subf %sub3A_1634, %add3A_1621 : f32
      %add3A_1636 = arith.addf %mul3A_1633, %sub3A_1635 : f32
      %add3A_1637 = arith.addf %masked_cumsum3A_1445, %mul3A_1631 : vector<16xf32>
      %add3A_1638 = vector.broadcast %add3A_1636 : f32 to vector<16xf32>
      %add3A_1639 = arith.addf %add3A_1637, %add3A_1638 : vector<16xf32>
      %mul3A_1640 = arith.mulf %add3A_1639, %div3A_1629 : vector<16xf32>
      %mul3A_1641 = arith.mulf %mul3A_1640, %div3A_11 : vector<16xf32>
      %swap3A_1642 = arith.constant 0 : index
      %swap3A_1643 = tpu.vector_load %arg12[%swap3A_1642] {strides = array<i32>} : memref<256xf32, #tpu.memory_space<vmem>>, vector<16xf32>,
      tpu.vector_store %arg12[%swap3A_1642], %mul3A_1641 {strides = array<i32>} : memref<256xf32, #tpu.memory_space<vmem>>, vector<16xf32>,
      %mul3A_1644 = arith.constant 1.700000e+01 : f32
      %mul3A_1645 = arith.mulf %mul3A_1644, %mul3A_1620 : f32
      %sub3A_1646 = arith.subf %add3A_1569, %add3A_1621 : f32
      %add3A_1647 = arith.addf %mul3A_1645, %sub3A_1646 : f32
      %add3A_1648 = arith.addf %masked_cumsum3A_1453, %mul3A_1631 : vector<16xf32>
      %add3A_1649 = vector.broadcast %add3A_1647 : f32 to vector<16xf32>
      %add3A_1650 = arith.addf %add3A_1648, %add3A_1649 : vector<16xf32>
      %mul3A_1651 = arith.mulf %add3A_1650, %div3A_1629 : vector<16xf32>
      %mul3A_1652 = arith.mulf %mul3A_1651, %div3A_23 : vector<16xf32>
      %swap3A_1653 = arith.constant 16 : index
      %swap3A_1654 = tpu.vector_load %arg12[%swap3A_1653] {strides = array<i32>} : memref<256xf32, #tpu.memory_space<vmem>>, vector<16xf32>,
      tpu.vector_store %arg12[%swap3A_1653], %mul3A_1652 {strides = array<i32>} : memref<256xf32, #tpu.memory_space<vmem>>, vector<16xf32>,
      %mul3A_1655 = arith.constant 3.300000e+01 : f32
      %mul3A_1656 = arith.mulf %mul3A_1655, %mul3A_1620 : f32
      %sub3A_1657 = arith.subf %add3A_1572, %add3A_1621 : f32
      %add3A_1658 = arith.addf %mul3A_1656, %sub3A_1657 : f32
      %add3A_1659 = arith.addf %masked_cumsum3A_1461, %mul3A_1631 : vector<16xf32>
      %add3A_1660 = vector.broadcast %add3A_1658 : f32 to vector<16xf32>
      %add3A_1661 = arith.addf %add3A_1659, %add3A_1660 : vector<16xf32>
      %mul3A_1662 = arith.mulf %add3A_1661, %div3A_1629 : vector<16xf32>
      %mul3A_1663 = arith.mulf %mul3A_1662, %div3A_35 : vector<16xf32>
      %swap3A_1664 = arith.constant 32 : index
      %swap3A_1665 = tpu.vector_load %arg12[%swap3A_1664] {strides = array<i32>} : memref<256xf32, #tpu.memory_space<vmem>>, vector<16xf32>,
      tpu.vector_store %arg12[%swap3A_1664], %mul3A_1663 {strides = array<i32>} : memref<256xf32, #tpu.memory_space<vmem>>, vector<16xf32>,
      %mul3A_1666 = arith.constant 4.900000e+01 : f32
      %mul3A_1667 = arith.mulf %mul3A_1666, %mul3A_1620 : f32
      %sub3A_1668 = arith.subf %add3A_1575, %add3A_1621 : f32
      %add3A_1669 = arith.addf %mul3A_1667, %sub3A_1668 : f32
      %add3A_1670 = arith.addf %masked_cumsum3A_1469, %mul3A_1631 : vector<16xf32>
      %add3A_1671 = vector.broadcast %add3A_1669 : f32 to vector<16xf32>
      %add3A_1672 = arith.addf %add3A_1670, %add3A_1671 : vector<16xf32>
      %mul3A_1673 = arith.mulf %add3A_1672, %div3A_1629 : vector<16xf32>
      %mul3A_1674 = arith.mulf %mul3A_1673, %div3A_47 : vector<16xf32>
      %swap3A_1675 = arith.constant 48 : index
      %swap3A_1676 = tpu.vector_load %arg12[%swap3A_1675] {strides = array<i32>} : memref<256xf32, #tpu.memory_space<vmem>>, vector<16xf32>,
      tpu.vector_store %arg12[%swap3A_1675], %mul3A_1674 {strides = array<i32>} : memref<256xf32, #tpu.memory_space<vmem>>, vector<16xf32>,
      %mul3A_1677 = arith.constant 6.500000e+01 : f32
      %mul3A_1678 = arith.mulf %mul3A_1677, %mul3A_1620 : f32
      %sub3A_1679 = arith.subf %add3A_1578, %add3A_1621 : f32
      %add3A_1680 = arith.addf %mul3A_1678, %sub3A_1679 : f32
      %add3A_1681 = arith.addf %masked_cumsum3A_1477, %mul3A_1631 : vector<16xf32>
      %add3A_1682 = vector.broadcast %add3A_1680 : f32 to vector<16xf32>
      %add3A_1683 = arith.addf %add3A_1681, %add3A_1682 : vector<16xf32>
      %mul3A_1684 = arith.mulf %add3A_1683, %div3A_1629 : vector<16xf32>
      %mul3A_1685 = arith.mulf %mul3A_1684, %div3A_59 : vector<16xf32>
      %swap3A_1686 = arith.constant 64 : index
      %swap3A_1687 = tpu.vector_load %arg12[%swap3A_1686] {strides = array<i32>} : memref<256xf32, #tpu.memory_space<vmem>>, vector<16xf32>,
      tpu.vector_store %arg12[%swap3A_1686], %mul3A_1685 {strides = array<i32>} : memref<256xf32, #tpu.memory_space<vmem>>, vector<16xf32>,
      %mul3A_1688 = arith.constant 8.100000e+01 : f32
      %mul3A_1689 = arith.mulf %mul3A_1688, %mul3A_1620 : f32
      %sub3A_1690 = arith.subf %add3A_1581, %add3A_1621 : f32
      %add3A_1691 = arith.addf %mul3A_1689, %sub3A_1690 : f32
      %add3A_1692 = arith.addf %masked_cumsum3A_1485, %mul3A_1631 : vector<16xf32>
      %add3A_1693 = vector.broadcast %add3A_1691 : f32 to vector<16xf32>
      %add3A_1694 = arith.addf %add3A_1692, %add3A_1693 : vector<16xf32>
      %mul3A_1695 = arith.mulf %add3A_1694, %div3A_1629 : vector<16xf32>
      %mul3A_1696 = arith.mulf %mul3A_1695, %div3A_71 : vector<16xf32>
      %swap3A_1697 = arith.constant 80 : index
      %swap3A_1698 = tpu.vector_load %arg12[%swap3A_1697] {strides = array<i32>} : memref<256xf32, #tpu.memory_space<vmem>>, vector<16xf32>,
      tpu.vector_store %arg12[%swap3A_1697], %mul3A_1696 {strides = array<i32>} : memref<256xf32, #tpu.memory_space<vmem>>, vector<16xf32>,
      %mul3A_1699 = arith.constant 9.700000e+01 : f32
      %mul3A_1700 = arith.mulf %mul3A_1699, %mul3A_1620 : f32
      %sub3A_1701 = arith.subf %add3A_1584, %add3A_1621 : f32
      %add3A_1702 = arith.addf %mul3A_1700, %sub3A_1701 : f32
      %add3A_1703 = arith.addf %masked_cumsum3A_1493, %mul3A_1631 : vector<16xf32>
      %add3A_1704 = vector.broadcast %add3A_1702 : f32 to vector<16xf32>
      %add3A_1705 = arith.addf %add3A_1703, %add3A_1704 : vector<16xf32>
      %mul3A_1706 = arith.mulf %add3A_1705, %div3A_1629 : vector<16xf32>
      %mul3A_1707 = arith.mulf %mul3A_1706, %div3A_83 : vector<16xf32>
      %swap3A_1708 = arith.constant 96 : index
      %swap3A_1709 = tpu.vector_load %arg12[%swap3A_1708] {strides = array<i32>} : memref<256xf32, #tpu.memory_space<vmem>>, vector<16xf32>,
      tpu.vector_store %arg12[%swap3A_1708], %mul3A_1707 {strides = array<i32>} : memref<256xf32, #tpu.memory_space<vmem>>, vector<16xf32>,
      %mul3A_1710 = arith.constant 1.130000e+02 : f32
      %mul3A_1711 = arith.mulf %mul3A_1710, %mul3A_1620 : f32
      %sub3A_1712 = arith.subf %add3A_1587, %add3A_1621 : f32
      %add3A_1713 = arith.addf %mul3A_1711, %sub3A_1712 : f32
      %add3A_1714 = arith.addf %masked_cumsum3A_1501, %mul3A_1631 : vector<16xf32>
      %add3A_1715 = vector.broadcast %add3A_1713 : f32 to vector<16xf32>
      %add3A_1716 = arith.addf %add3A_1714, %add3A_1715 : vector<16xf32>
      %mul3A_1717 = arith.mulf %add3A_1716, %div3A_1629 : vector<16xf32>
      %mul3A_1718 = arith.mulf %mul3A_1717, %div3A_95 : vector<16xf32>
      %swap3A_1719 = arith.constant 112 : index
      %swap3A_1720 = tpu.vector_load %arg12[%swap3A_1719] {strides = array<i32>} : memref<256xf32, #tpu.memory_space<vmem>>, vector<16xf32>,
      tpu.vector_store %arg12[%swap3A_1719], %mul3A_1718 {strides = array<i32>} : memref<256xf32, #tpu.memory_space<vmem>>, vector<16xf32>,
      %mul3A_1721 = arith.constant 1.290000e+02 : f32
      %mul3A_1722 = arith.mulf %mul3A_1721, %mul3A_1620 : f32
      %sub3A_1723 = arith.subf %add3A_1590, %add3A_1621 : f32
      %add3A_1724 = arith.addf %mul3A_1722, %sub3A_1723 : f32
      %add3A_1725 = arith.addf %masked_cumsum3A_1509, %mul3A_1631 : vector<16xf32>
      %add3A_1726 = vector.broadcast %add3A_1724 : f32 to vector<16xf32>
      %add3A_1727 = arith.addf %add3A_1725, %add3A_1726 : vector<16xf32>
      %mul3A_1728 = arith.mulf %add3A_1727, %div3A_1629 : vector<16xf32>
      %mul3A_1729 = arith.mulf %mul3A_1728, %div3A_107 : vector<16xf32>
      %swap3A_1730 = arith.constant 128 : index
      %swap3A_1731 = tpu.vector_load %arg12[%swap3A_1730] {strides = array<i32>} : memref<256xf32, #tpu.memory_space<vmem>>, vector<16xf32>,
      tpu.vector_store %arg12[%swap3A_1730], %mul3A_1729 {strides = array<i32>} : memref<256xf32, #tpu.memory_space<vmem>>, vector<16xf32>,
      %mul3A_1732 = arith.constant 1.450000e+02 : f32
      %mul3A_1733 = arith.mulf %mul3A_1732, %mul3A_1620 : f32
      %sub3A_1734 = arith.subf %add3A_1593, %add3A_1621 : f32
      %add3A_1735 = arith.addf %mul3A_1733, %sub3A_1734 : f32
      %add3A_1736 = arith.addf %masked_cumsum3A_1517, %mul3A_1631 : vector<16xf32>
      %add3A_1737 = vector.broadcast %add3A_1735 : f32 to vector<16xf32>
      %add3A_1738 = arith.addf %add3A_1736, %add3A_1737 : vector<16xf32>
      %mul3A_1739 = arith.mulf %add3A_1738, %div3A_1629 : vector<16xf32>
      %mul3A_1740 = arith.mulf %mul3A_1739, %div3A_119 : vector<16xf32>
      %swap3A_1741 = arith.constant 144 : index
      %swap3A_1742 = tpu.vector_load %arg12[%swap3A_1741] {strides = array<i32>} : memref<256xf32, #tpu.memory_space<vmem>>, vector<16xf32>,
      tpu.vector_store %arg12[%swap3A_1741], %mul3A_1740 {strides = array<i32>} : memref<256xf32, #tpu.memory_space<vmem>>, vector<16xf32>,
      %mul3A_1743 = arith.constant 1.610000e+02 : f32
      %mul3A_1744 = arith.mulf %mul3A_1743, %mul3A_1620 : f32
      %sub3A_1745 = arith.subf %add3A_1596, %add3A_1621 : f32
      %add3A_1746 = arith.addf %mul3A_1744, %sub3A_1745 : f32
      %add3A_1747 = arith.addf %masked_cumsum3A_1525, %mul3A_1631 : vector<16xf32>
      %add3A_1748 = vector.broadcast %add3A_1746 : f32 to vector<16xf32>
      %add3A_1749 = arith.addf %add3A_1747, %add3A_1748 : vector<16xf32>
      %mul3A_1750 = arith.mulf %add3A_1749, %div3A_1629 : vector<16xf32>
      %mul3A_1751 = arith.mulf %mul3A_1750, %div3A_131 : vector<16xf32>
      %swap3A_1752 = arith.constant 160 : index
      %swap3A_1753 = tpu.vector_load %arg12[%swap3A_1752] {strides = array<i32>} : memref<256xf32, #tpu.memory_space<vmem>>, vector<16xf32>,
      tpu.vector_store %arg12[%swap3A_1752], %mul3A_1751 {strides = array<i32>} : memref<256xf32, #tpu.memory_space<vmem>>, vector<16xf32>,
      %mul3A_1754 = arith.constant 1.770000e+02 : f32
      %mul3A_1755 = arith.mulf %mul3A_1754, %mul3A_1620 : f32
      %sub3A_1756 = arith.subf %add3A_1599, %add3A_1621 : f32
      %add3A_1757 = arith.addf %mul3A_1755, %sub3A_1756 : f32
      %add3A_1758 = arith.addf %masked_cumsum3A_1533, %mul3A_1631 : vector<16xf32>
      %add3A_1759 = vector.broadcast %add3A_1757 : f32 to vector<16xf32>
      %add3A_1760 = arith.addf %add3A_1758, %add3A_1759 : vector<16xf32>
      %mul3A_1761 = arith.mulf %add3A_1760, %div3A_1629 : vector<16xf32>
      %mul3A_1762 = arith.mulf %mul3A_1761, %div3A_143 : vector<16xf32>
      %swap3A_1763 = arith.constant 176 : index
      %swap3A_1764 = tpu.vector_load %arg12[%swap3A_1763] {strides = array<i32>} : memref<256xf32, #tpu.memory_space<vmem>>, vector<16xf32>,
      tpu.vector_store %arg12[%swap3A_1763], %mul3A_1762 {strides = array<i32>} : memref<256xf32, #tpu.memory_space<vmem>>, vector<16xf32>,
      %mul3A_1765 = arith.constant 1.930000e+02 : f32
      %mul3A_1766 = arith.mulf %mul3A_1765, %mul3A_1620 : f32
      %sub3A_1767 = arith.subf %add3A_1602, %add3A_1621 : f32
      %add3A_1768 = arith.addf %mul3A_1766, %sub3A_1767 : f32
      %add3A_1769 = arith.addf %masked_cumsum3A_1541, %mul3A_1631 : vector<16xf32>
      %add3A_1770 = vector.broadcast %add3A_1768 : f32 to vector<16xf32>
      %add3A_1771 = arith.addf %add3A_1769, %add3A_1770 : vector<16xf32>
      %mul3A_1772 = arith.mulf %add3A_1771, %div3A_1629 : vector<16xf32>
      %mul3A_1773 = arith.mulf %mul3A_1772, %div3A_155 : vector<16xf32>
      %swap3A_1774 = arith.constant 192 : index
      %swap3A_1775 = tpu.vector_load %arg12[%swap3A_1774] {strides = array<i32>} : memref<256xf32, #tpu.memory_space<vmem>>, vector<16xf32>,
      tpu.vector_store %arg12[%swap3A_1774], %mul3A_1773 {strides = array<i32>} : memref<256xf32, #tpu.memory_space<vmem>>, vector<16xf32>,
      %mul3A_1776 = arith.constant 2.090000e+02 : f32
      %mul3A_1777 = arith.mulf %mul3A_1776, %mul3A_1620 : f32
      %sub3A_1778 = arith.subf %add3A_1605, %add3A_1621 : f32
      %add3A_1779 = arith.addf %mul3A_1777, %sub3A_1778 : f32
      %add3A_1780 = arith.addf %masked_cumsum3A_1549, %mul3A_1631 : vector<16xf32>
      %add3A_1781 = vector.broadcast %add3A_1779 : f32 to vector<16xf32>
      %add3A_1782 = arith.addf %add3A_1780, %add3A_1781 : vector<16xf32>
      %mul3A_1783 = arith.mulf %add3A_1782, %div3A_1629 : vector<16xf32>
      %mul3A_1784 = arith.mulf %mul3A_1783, %div3A_167 : vector<16xf32>
      %swap3A_1785 = arith.constant 208 : index
      %swap3A_1786 = tpu.vector_load %arg12[%swap3A_1785] {strides = array<i32>} : memref<256xf32, #tpu.memory_space<vmem>>, vector<16xf32>,
      tpu.vector_store %arg12[%swap3A_1785], %mul3A_1784 {strides = array<i32>} : memref<256xf32, #tpu.memory_space<vmem>>, vector<16xf32>,
      %mul3A_1787 = arith.constant 2.250000e+02 : f32
      %mul3A_1788 = arith.mulf %mul3A_1787, %mul3A_1620 : f32
      %sub3A_1789 = arith.subf %add3A_1608, %add3A_1621 : f32
      %add3A_1790 = arith.addf %mul3A_1788, %sub3A_1789 : f32
      %add3A_1791 = arith.addf %masked_cumsum3A_1557, %mul3A_1631 : vector<16xf32>
      %add3A_1792 = vector.broadcast %add3A_1790 : f32 to vector<16xf32>
      %add3A_1793 = arith.addf %add3A_1791, %add3A_1792 : vector<16xf32>
      %mul3A_1794 = arith.mulf %add3A_1793, %div3A_1629 : vector<16xf32>
      %mul3A_1795 = arith.mulf %mul3A_1794, %div3A_179 : vector<16xf32>
      %swap3A_1796 = arith.constant 224 : index
      %swap3A_1797 = tpu.vector_load %arg12[%swap3A_1796] {strides = array<i32>} : memref<256xf32, #tpu.memory_space<vmem>>, vector<16xf32>,
      tpu.vector_store %arg12[%swap3A_1796], %mul3A_1795 {strides = array<i32>} : memref<256xf32, #tpu.memory_space<vmem>>, vector<16xf32>,
      %mul3A_1798 = arith.constant 2.410000e+02 : f32
      %mul3A_1799 = arith.mulf %mul3A_1798, %mul3A_1620 : f32
      %sub3A_1800 = arith.subf %add3A_1611, %add3A_1621 : f32
      %add3A_1801 = arith.addf %mul3A_1799, %sub3A_1800 : f32
      %add3A_1802 = arith.addf %masked_cumsum3A_1565, %mul3A_1631 : vector<16xf32>
      %add3A_1803 = vector.broadcast %add3A_1801 : f32 to vector<16xf32>
      %add3A_1804 = arith.addf %add3A_1802, %add3A_1803 : vector<16xf32>
      %mul3A_1805 = arith.mulf %add3A_1804, %div3A_1629 : vector<16xf32>
      %mul3A_1806 = arith.mulf %mul3A_1805, %div3A_191 : vector<16xf32>
      %swap3A_1807 = arith.constant 240 : index
      %swap3A_1808 = tpu.vector_load %arg12[%swap3A_1807] {strides = array<i32>} : memref<256xf32, #tpu.memory_space<vmem>>, vector<16xf32>,
      tpu.vector_store %arg12[%swap3A_1807], %mul3A_1806 {strides = array<i32>} : memref<256xf32, #tpu.memory_space<vmem>>, vector<16xf32>,
      %gather3A_1809 = tpu.vector_load_idx %arg12[%convert_element_type3A_1362] : memref<256xf32, #tpu.memory_space<vmem>>[vector<16xi32>], vector<16xf32>,
      %add3A_1810 = arith.constant 0 : i32
      %add3A_1811 = arith.addi %add3A_1810, %add3A_1325 : i32
      %swap3A_1812 = arith.index_cast %add3A_1811 : i32 to index
      %swap3A_1813 = tpu.vector_load %arg6[%swap3A_1812] {strides = array<i32>} : memref<8192xf32, #tpu.memory_space<vmem>>, vector<16xf32>,
      tpu.vector_store %arg6[%swap3A_1812], %gather3A_1809 {strides = array<i32>} : memref<8192xf32, #tpu.memory_space<vmem>>, vector<16xf32>,
      %gather3A_1814 = tpu.vector_load_idx %arg12[%convert_element_type3A_1367] : memref<256xf32, #tpu.memory_space<vmem>>[vector<16xi32>], vector<16xf32>,
      %add3A_1815 = arith.constant 512 : i32
      %add3A_1816 = arith.addi %add3A_1815, %add3A_1325 : i32
      %swap3A_1817 = arith.index_cast %add3A_1816 : i32 to index
      %swap3A_1818 = tpu.vector_load %arg6[%swap3A_1817] {strides = array<i32>} : memref<8192xf32, #tpu.memory_space<vmem>>, vector<16xf32>,
      tpu.vector_store %arg6[%swap3A_1817], %gather3A_1814 {strides = array<i32>} : memref<8192xf32, #tpu.memory_space<vmem>>, vector<16xf32>,
      %gather3A_1819 = tpu.vector_load_idx %arg12[%convert_element_type3A_1372] : memref<256xf32, #tpu.memory_space<vmem>>[vector<16xi32>], vector<16xf32>,
      %add3A_1820 = arith.constant 1024 : i32
      %add3A_1821 = arith.addi %add3A_1820, %add3A_1325 : i32
      %swap3A_1822 = arith.index_cast %add3A_1821 : i32 to index
      %swap3A_1823 = tpu.vector_load %arg6[%swap3A_1822] {strides = array<i32>} : memref<8192xf32, #tpu.memory_space<vmem>>, vector<16xf32>,
      tpu.vector_store %arg6[%swap3A_1822], %gather3A_1819 {strides = array<i32>} : memref<8192xf32, #tpu.memory_space<vmem>>, vector<16xf32>,
      %gather3A_1824 = tpu.vector_load_idx %arg12[%convert_element_type3A_1377] : memref<256xf32, #tpu.memory_space<vmem>>[vector<16xi32>], vector<16xf32>,
      %add3A_1825 = arith.constant 1536 : i32
      %add3A_1826 = arith.addi %add3A_1825, %add3A_1325 : i32
      %swap3A_1827 = arith.index_cast %add3A_1826 : i32 to index
      %swap3A_1828 = tpu.vector_load %arg6[%swap3A_1827] {strides = array<i32>} : memref<8192xf32, #tpu.memory_space<vmem>>, vector<16xf32>,
      tpu.vector_store %arg6[%swap3A_1827], %gather3A_1824 {strides = array<i32>} : memref<8192xf32, #tpu.memory_space<vmem>>, vector<16xf32>,
      %gather3A_1829 = tpu.vector_load_idx %arg12[%convert_element_type3A_1382] : memref<256xf32, #tpu.memory_space<vmem>>[vector<16xi32>], vector<16xf32>,
      %add3A_1830 = arith.constant 2048 : i32
      %add3A_1831 = arith.addi %add3A_1830, %add3A_1325 : i32
      %swap3A_1832 = arith.index_cast %add3A_1831 : i32 to index
      %swap3A_1833 = tpu.vector_load %arg6[%swap3A_1832] {strides = array<i32>} : memref<8192xf32, #tpu.memory_space<vmem>>, vector<16xf32>,
      tpu.vector_store %arg6[%swap3A_1832], %gather3A_1829 {strides = array<i32>} : memref<8192xf32, #tpu.memory_space<vmem>>, vector<16xf32>,
      %gather3A_1834 = tpu.vector_load_idx %arg12[%convert_element_type3A_1387] : memref<256xf32, #tpu.memory_space<vmem>>[vector<16xi32>], vector<16xf32>,
      %add3A_1835 = arith.constant 2560 : i32
      %add3A_1836 = arith.addi %add3A_1835, %add3A_1325 : i32
      %swap3A_1837 = arith.index_cast %add3A_1836 : i32 to index
      %swap3A_1838 = tpu.vector_load %arg6[%swap3A_1837] {strides = array<i32>} : memref<8192xf32, #tpu.memory_space<vmem>>, vector<16xf32>,
      tpu.vector_store %arg6[%swap3A_1837], %gather3A_1834 {strides = array<i32>} : memref<8192xf32, #tpu.memory_space<vmem>>, vector<16xf32>,
      %gather3A_1839 = tpu.vector_load_idx %arg12[%convert_element_type3A_1392] : memref<256xf32, #tpu.memory_space<vmem>>[vector<16xi32>], vector<16xf32>,
      %add3A_1840 = arith.constant 3072 : i32
      %add3A_1841 = arith.addi %add3A_1840, %add3A_1325 : i32
      %swap3A_1842 = arith.index_cast %add3A_1841 : i32 to index
      %swap3A_1843 = tpu.vector_load %arg6[%swap3A_1842] {strides = array<i32>} : memref<8192xf32, #tpu.memory_space<vmem>>, vector<16xf32>,
      tpu.vector_store %arg6[%swap3A_1842], %gather3A_1839 {strides = array<i32>} : memref<8192xf32, #tpu.memory_space<vmem>>, vector<16xf32>,
      %gather3A_1844 = tpu.vector_load_idx %arg12[%convert_element_type3A_1397] : memref<256xf32, #tpu.memory_space<vmem>>[vector<16xi32>], vector<16xf32>,
      %add3A_1845 = arith.constant 3584 : i32
      %add3A_1846 = arith.addi %add3A_1845, %add3A_1325 : i32
      %swap3A_1847 = arith.index_cast %add3A_1846 : i32 to index
      %swap3A_1848 = tpu.vector_load %arg6[%swap3A_1847] {strides = array<i32>} : memref<8192xf32, #tpu.memory_space<vmem>>, vector<16xf32>,
      tpu.vector_store %arg6[%swap3A_1847], %gather3A_1844 {strides = array<i32>} : memref<8192xf32, #tpu.memory_space<vmem>>, vector<16xf32>,
      %gather3A_1849 = tpu.vector_load_idx %arg12[%convert_element_type3A_1402] : memref<256xf32, #tpu.memory_space<vmem>>[vector<16xi32>], vector<16xf32>,
      %add3A_1850 = arith.constant 4096 : i32
      %add3A_1851 = arith.addi %add3A_1850, %add3A_1325 : i32
      %swap3A_1852 = arith.index_cast %add3A_1851 : i32 to index
      %swap3A_1853 = tpu.vector_load %arg6[%swap3A_1852] {strides = array<i32>} : memref<8192xf32, #tpu.memory_space<vmem>>, vector<16xf32>,
      tpu.vector_store %arg6[%swap3A_1852], %gather3A_1849 {strides = array<i32>} : memref<8192xf32, #tpu.memory_space<vmem>>, vector<16xf32>,
      %gather3A_1854 = tpu.vector_load_idx %arg12[%convert_element_type3A_1407] : memref<256xf32, #tpu.memory_space<vmem>>[vector<16xi32>], vector<16xf32>,
      %add3A_1855 = arith.constant 4608 : i32
      %add3A_1856 = arith.addi %add3A_1855, %add3A_1325 : i32
      %swap3A_1857 = arith.index_cast %add3A_1856 : i32 to index
      %swap3A_1858 = tpu.vector_load %arg6[%swap3A_1857] {strides = array<i32>} : memref<8192xf32, #tpu.memory_space<vmem>>, vector<16xf32>,
      tpu.vector_store %arg6[%swap3A_1857], %gather3A_1854 {strides = array<i32>} : memref<8192xf32, #tpu.memory_space<vmem>>, vector<16xf32>,
      %gather3A_1859 = tpu.vector_load_idx %arg12[%convert_element_type3A_1412] : memref<256xf32, #tpu.memory_space<vmem>>[vector<16xi32>], vector<16xf32>,
      %add3A_1860 = arith.constant 5120 : i32
      %add3A_1861 = arith.addi %add3A_1860, %add3A_1325 : i32
      %swap3A_1862 = arith.index_cast %add3A_1861 : i32 to index
      %swap3A_1863 = tpu.vector_load %arg6[%swap3A_1862] {strides = array<i32>} : memref<8192xf32, #tpu.memory_space<vmem>>, vector<16xf32>,
      tpu.vector_store %arg6[%swap3A_1862], %gather3A_1859 {strides = array<i32>} : memref<8192xf32, #tpu.memory_space<vmem>>, vector<16xf32>,
      %gather3A_1864 = tpu.vector_load_idx %arg12[%convert_element_type3A_1417] : memref<256xf32, #tpu.memory_space<vmem>>[vector<16xi32>], vector<16xf32>,
      %add3A_1865 = arith.constant 5632 : i32
      %add3A_1866 = arith.addi %add3A_1865, %add3A_1325 : i32
      %swap3A_1867 = arith.index_cast %add3A_1866 : i32 to index
      %swap3A_1868 = tpu.vector_load %arg6[%swap3A_1867] {strides = array<i32>} : memref<8192xf32, #tpu.memory_space<vmem>>, vector<16xf32>,
      tpu.vector_store %arg6[%swap3A_1867], %gather3A_1864 {strides = array<i32>} : memref<8192xf32, #tpu.memory_space<vmem>>, vector<16xf32>,
      %gather3A_1869 = tpu.vector_load_idx %arg12[%convert_element_type3A_1422] : memref<256xf32, #tpu.memory_space<vmem>>[vector<16xi32>], vector<16xf32>,
      %add3A_1870 = arith.constant 6144 : i32
      %add3A_1871 = arith.addi %add3A_1870, %add3A_1325 : i32
      %swap3A_1872 = arith.index_cast %add3A_1871 : i32 to index
      %swap3A_1873 = tpu.vector_load %arg6[%swap3A_1872] {strides = array<i32>} : memref<8192xf32, #tpu.memory_space<vmem>>, vector<16xf32>,
      tpu.vector_store %arg6[%swap3A_1872], %gather3A_1869 {strides = array<i32>} : memref<8192xf32, #tpu.memory_space<vmem>>, vector<16xf32>,
      %gather3A_1874 = tpu.vector_load_idx %arg12[%convert_element_type3A_1427] : memref<256xf32, #tpu.memory_space<vmem>>[vector<16xi32>], vector<16xf32>,
      %add3A_1875 = arith.constant 6656 : i32
      %add3A_1876 = arith.addi %add3A_1875, %add3A_1325 : i32
      %swap3A_1877 = arith.index_cast %add3A_1876 : i32 to index
      %swap3A_1878 = tpu.vector_load %arg6[%swap3A_1877] {strides = array<i32>} : memref<8192xf32, #tpu.memory_space<vmem>>, vector<16xf32>,
      tpu.vector_store %arg6[%swap3A_1877], %gather3A_1874 {strides = array<i32>} : memref<8192xf32, #tpu.memory_space<vmem>>, vector<16xf32>,
      %gather3A_1879 = tpu.vector_load_idx %arg12[%convert_element_type3A_1432] : memref<256xf32, #tpu.memory_space<vmem>>[vector<16xi32>], vector<16xf32>,
      %add3A_1880 = arith.constant 7168 : i32
      %add3A_1881 = arith.addi %add3A_1880, %add3A_1325 : i32
      %swap3A_1882 = arith.index_cast %add3A_1881 : i32 to index
      %swap3A_1883 = tpu.vector_load %arg6[%swap3A_1882] {strides = array<i32>} : memref<8192xf32, #tpu.memory_space<vmem>>, vector<16xf32>,
      tpu.vector_store %arg6[%swap3A_1882], %gather3A_1879 {strides = array<i32>} : memref<8192xf32, #tpu.memory_space<vmem>>, vector<16xf32>,
      %gather3A_1884 = tpu.vector_load_idx %arg12[%convert_element_type3A_1437] : memref<256xf32, #tpu.memory_space<vmem>>[vector<16xi32>], vector<16xf32>,
      %add3A_1885 = arith.constant 7680 : i32
      %add3A_1886 = arith.addi %add3A_1885, %add3A_1325 : i32
      %swap3A_1887 = arith.index_cast %add3A_1886 : i32 to index
      %swap3A_1888 = tpu.vector_load %arg6[%swap3A_1887] {strides = array<i32>} : memref<8192xf32, #tpu.memory_space<vmem>>, vector<16xf32>,
      tpu.vector_store %arg6[%swap3A_1887], %gather3A_1884 {strides = array<i32>} : memref<8192xf32, #tpu.memory_space<vmem>>, vector<16xf32>,
      %add3A_1889 = arith.constant 48 : i32
      %add3A_1890 = arith.addi %mul3A_203, %add3A_1889 : i32
      %swap3A_1891 = arith.constant 0 : index
      %swap3A_1892 = tpu.vector_load %arg15[%swap3A_1891] {strides = array<i32>} : memref<256xf32, #tpu.memory_space<vmem>>, vector<16xf32>,
      tpu.vector_store %arg15[%swap3A_1891], %broadcast_in_dim3A_194 {strides = array<i32>} : memref<256xf32, #tpu.memory_space<vmem>>, vector<16xf32>,
      %swap3A_1893 = arith.constant 16 : index
      %swap3A_1894 = tpu.vector_load %arg15[%swap3A_1893] {strides = array<i32>} : memref<256xf32, #tpu.memory_space<vmem>>, vector<16xf32>,
      tpu.vector_store %arg15[%swap3A_1893], %broadcast_in_dim3A_194 {strides = array<i32>} : memref<256xf32, #tpu.memory_space<vmem>>, vector<16xf32>,
      %swap3A_1895 = arith.constant 32 : index
      %swap3A_1896 = tpu.vector_load %arg15[%swap3A_1895] {strides = array<i32>} : memref<256xf32, #tpu.memory_space<vmem>>, vector<16xf32>,
      tpu.vector_store %arg15[%swap3A_1895], %broadcast_in_dim3A_194 {strides = array<i32>} : memref<256xf32, #tpu.memory_space<vmem>>, vector<16xf32>,
      %swap3A_1897 = arith.constant 48 : index
      %swap3A_1898 = tpu.vector_load %arg15[%swap3A_1897] {strides = array<i32>} : memref<256xf32, #tpu.memory_space<vmem>>, vector<16xf32>,
      tpu.vector_store %arg15[%swap3A_1897], %broadcast_in_dim3A_194 {strides = array<i32>} : memref<256xf32, #tpu.memory_space<vmem>>, vector<16xf32>,
      %swap3A_1899 = arith.constant 64 : index
      %swap3A_1900 = tpu.vector_load %arg15[%swap3A_1899] {strides = array<i32>} : memref<256xf32, #tpu.memory_space<vmem>>, vector<16xf32>,
      tpu.vector_store %arg15[%swap3A_1899], %broadcast_in_dim3A_194 {strides = array<i32>} : memref<256xf32, #tpu.memory_space<vmem>>, vector<16xf32>,
      %swap3A_1901 = arith.constant 80 : index
      %swap3A_1902 = tpu.vector_load %arg15[%swap3A_1901] {strides = array<i32>} : memref<256xf32, #tpu.memory_space<vmem>>, vector<16xf32>,
      tpu.vector_store %arg15[%swap3A_1901], %broadcast_in_dim3A_194 {strides = array<i32>} : memref<256xf32, #tpu.memory_space<vmem>>, vector<16xf32>,
      %swap3A_1903 = arith.constant 96 : index
      %swap3A_1904 = tpu.vector_load %arg15[%swap3A_1903] {strides = array<i32>} : memref<256xf32, #tpu.memory_space<vmem>>, vector<16xf32>,
      tpu.vector_store %arg15[%swap3A_1903], %broadcast_in_dim3A_194 {strides = array<i32>} : memref<256xf32, #tpu.memory_space<vmem>>, vector<16xf32>,
      %swap3A_1905 = arith.constant 112 : index
      %swap3A_1906 = tpu.vector_load %arg15[%swap3A_1905] {strides = array<i32>} : memref<256xf32, #tpu.memory_space<vmem>>, vector<16xf32>,
      tpu.vector_store %arg15[%swap3A_1905], %broadcast_in_dim3A_194 {strides = array<i32>} : memref<256xf32, #tpu.memory_space<vmem>>, vector<16xf32>,
      %swap3A_1907 = arith.constant 128 : index
      %swap3A_1908 = tpu.vector_load %arg15[%swap3A_1907] {strides = array<i32>} : memref<256xf32, #tpu.memory_space<vmem>>, vector<16xf32>,
      tpu.vector_store %arg15[%swap3A_1907], %broadcast_in_dim3A_194 {strides = array<i32>} : memref<256xf32, #tpu.memory_space<vmem>>, vector<16xf32>,
      %swap3A_1909 = arith.constant 144 : index
      %swap3A_1910 = tpu.vector_load %arg15[%swap3A_1909] {strides = array<i32>} : memref<256xf32, #tpu.memory_space<vmem>>, vector<16xf32>,
      tpu.vector_store %arg15[%swap3A_1909], %broadcast_in_dim3A_194 {strides = array<i32>} : memref<256xf32, #tpu.memory_space<vmem>>, vector<16xf32>,
      %swap3A_1911 = arith.constant 160 : index
      %swap3A_1912 = tpu.vector_load %arg15[%swap3A_1911] {strides = array<i32>} : memref<256xf32, #tpu.memory_space<vmem>>, vector<16xf32>,
      tpu.vector_store %arg15[%swap3A_1911], %broadcast_in_dim3A_194 {strides = array<i32>} : memref<256xf32, #tpu.memory_space<vmem>>, vector<16xf32>,
      %swap3A_1913 = arith.constant 176 : index
      %swap3A_1914 = tpu.vector_load %arg15[%swap3A_1913] {strides = array<i32>} : memref<256xf32, #tpu.memory_space<vmem>>, vector<16xf32>,
      tpu.vector_store %arg15[%swap3A_1913], %broadcast_in_dim3A_194 {strides = array<i32>} : memref<256xf32, #tpu.memory_space<vmem>>, vector<16xf32>,
      %swap3A_1915 = arith.constant 192 : index
      %swap3A_1916 = tpu.vector_load %arg15[%swap3A_1915] {strides = array<i32>} : memref<256xf32, #tpu.memory_space<vmem>>, vector<16xf32>,
      tpu.vector_store %arg15[%swap3A_1915], %broadcast_in_dim3A_194 {strides = array<i32>} : memref<256xf32, #tpu.memory_space<vmem>>, vector<16xf32>,
      %swap3A_1917 = arith.constant 208 : index
      %swap3A_1918 = tpu.vector_load %arg15[%swap3A_1917] {strides = array<i32>} : memref<256xf32, #tpu.memory_space<vmem>>, vector<16xf32>,
      tpu.vector_store %arg15[%swap3A_1917], %broadcast_in_dim3A_194 {strides = array<i32>} : memref<256xf32, #tpu.memory_space<vmem>>, vector<16xf32>,
      %swap3A_1919 = arith.constant 224 : index
      %swap3A_1920 = tpu.vector_load %arg15[%swap3A_1919] {strides = array<i32>} : memref<256xf32, #tpu.memory_space<vmem>>, vector<16xf32>,
      tpu.vector_store %arg15[%swap3A_1919], %broadcast_in_dim3A_194 {strides = array<i32>} : memref<256xf32, #tpu.memory_space<vmem>>, vector<16xf32>,
      %swap3A_1921 = arith.constant 240 : index
      %swap3A_1922 = tpu.vector_load %arg15[%swap3A_1921] {strides = array<i32>} : memref<256xf32, #tpu.memory_space<vmem>>, vector<16xf32>,
      tpu.vector_store %arg15[%swap3A_1921], %broadcast_in_dim3A_194 {strides = array<i32>} : memref<256xf32, #tpu.memory_space<vmem>>, vector<16xf32>,
      %add3A_1923 = arith.constant 0 : i32
      %add3A_1924 = arith.addi %add3A_1923, %add3A_1890 : i32
      %get3A_1925 = arith.index_cast %add3A_1924 : i32 to index
      %get3A_1926 = tpu.vector_load %arg5[%get3A_1925] {strides = array<i32>} : memref<8192xf32, #tpu.memory_space<vmem>>, vector<16xf32>,
      %convert_element_type3A_1927 = arith.fptosi %get3A_1926 : vector<16xf32> to vector<16xi32>
      tpu.vector_store_idx %arg15[%convert_element_type3A_1927], %broadcast_in_dim3A_192 {add = true} : memref<256xf32, #tpu.memory_space<vmem>>[vector<16xi32>], vector<16xf32>,
      %add3A_1928 = arith.constant 512 : i32
      %add3A_1929 = arith.addi %add3A_1928, %add3A_1890 : i32
      %get3A_1930 = arith.index_cast %add3A_1929 : i32 to index
      %get3A_1931 = tpu.vector_load %arg5[%get3A_1930] {strides = array<i32>} : memref<8192xf32, #tpu.memory_space<vmem>>, vector<16xf32>,
      %convert_element_type3A_1932 = arith.fptosi %get3A_1931 : vector<16xf32> to vector<16xi32>
      tpu.vector_store_idx %arg15[%convert_element_type3A_1932], %broadcast_in_dim3A_192 {add = true} : memref<256xf32, #tpu.memory_space<vmem>>[vector<16xi32>], vector<16xf32>,
      %add3A_1933 = arith.constant 1024 : i32
      %add3A_1934 = arith.addi %add3A_1933, %add3A_1890 : i32
      %get3A_1935 = arith.index_cast %add3A_1934 : i32 to index
      %get3A_1936 = tpu.vector_load %arg5[%get3A_1935] {strides = array<i32>} : memref<8192xf32, #tpu.memory_space<vmem>>, vector<16xf32>,
      %convert_element_type3A_1937 = arith.fptosi %get3A_1936 : vector<16xf32> to vector<16xi32>
      tpu.vector_store_idx %arg15[%convert_element_type3A_1937], %broadcast_in_dim3A_192 {add = true} : memref<256xf32, #tpu.memory_space<vmem>>[vector<16xi32>], vector<16xf32>,
      %add3A_1938 = arith.constant 1536 : i32
      %add3A_1939 = arith.addi %add3A_1938, %add3A_1890 : i32
      %get3A_1940 = arith.index_cast %add3A_1939 : i32 to index
      %get3A_1941 = tpu.vector_load %arg5[%get3A_1940] {strides = array<i32>} : memref<8192xf32, #tpu.memory_space<vmem>>, vector<16xf32>,
      %convert_element_type3A_1942 = arith.fptosi %get3A_1941 : vector<16xf32> to vector<16xi32>
      tpu.vector_store_idx %arg15[%convert_element_type3A_1942], %broadcast_in_dim3A_192 {add = true} : memref<256xf32, #tpu.memory_space<vmem>>[vector<16xi32>], vector<16xf32>,
      %add3A_1943 = arith.constant 2048 : i32
      %add3A_1944 = arith.addi %add3A_1943, %add3A_1890 : i32
      %get3A_1945 = arith.index_cast %add3A_1944 : i32 to index
      %get3A_1946 = tpu.vector_load %arg5[%get3A_1945] {strides = array<i32>} : memref<8192xf32, #tpu.memory_space<vmem>>, vector<16xf32>,
      %convert_element_type3A_1947 = arith.fptosi %get3A_1946 : vector<16xf32> to vector<16xi32>
      tpu.vector_store_idx %arg15[%convert_element_type3A_1947], %broadcast_in_dim3A_192 {add = true} : memref<256xf32, #tpu.memory_space<vmem>>[vector<16xi32>], vector<16xf32>,
      %add3A_1948 = arith.constant 2560 : i32
      %add3A_1949 = arith.addi %add3A_1948, %add3A_1890 : i32
      %get3A_1950 = arith.index_cast %add3A_1949 : i32 to index
      %get3A_1951 = tpu.vector_load %arg5[%get3A_1950] {strides = array<i32>} : memref<8192xf32, #tpu.memory_space<vmem>>, vector<16xf32>,
      %convert_element_type3A_1952 = arith.fptosi %get3A_1951 : vector<16xf32> to vector<16xi32>
      tpu.vector_store_idx %arg15[%convert_element_type3A_1952], %broadcast_in_dim3A_192 {add = true} : memref<256xf32, #tpu.memory_space<vmem>>[vector<16xi32>], vector<16xf32>,
      %add3A_1953 = arith.constant 3072 : i32
      %add3A_1954 = arith.addi %add3A_1953, %add3A_1890 : i32
      %get3A_1955 = arith.index_cast %add3A_1954 : i32 to index
      %get3A_1956 = tpu.vector_load %arg5[%get3A_1955] {strides = array<i32>} : memref<8192xf32, #tpu.memory_space<vmem>>, vector<16xf32>,
      %convert_element_type3A_1957 = arith.fptosi %get3A_1956 : vector<16xf32> to vector<16xi32>
      tpu.vector_store_idx %arg15[%convert_element_type3A_1957], %broadcast_in_dim3A_192 {add = true} : memref<256xf32, #tpu.memory_space<vmem>>[vector<16xi32>], vector<16xf32>,
      %add3A_1958 = arith.constant 3584 : i32
      %add3A_1959 = arith.addi %add3A_1958, %add3A_1890 : i32
      %get3A_1960 = arith.index_cast %add3A_1959 : i32 to index
      %get3A_1961 = tpu.vector_load %arg5[%get3A_1960] {strides = array<i32>} : memref<8192xf32, #tpu.memory_space<vmem>>, vector<16xf32>,
      %convert_element_type3A_1962 = arith.fptosi %get3A_1961 : vector<16xf32> to vector<16xi32>
      tpu.vector_store_idx %arg15[%convert_element_type3A_1962], %broadcast_in_dim3A_192 {add = true} : memref<256xf32, #tpu.memory_space<vmem>>[vector<16xi32>], vector<16xf32>,
      %add3A_1963 = arith.constant 4096 : i32
      %add3A_1964 = arith.addi %add3A_1963, %add3A_1890 : i32
      %get3A_1965 = arith.index_cast %add3A_1964 : i32 to index
      %get3A_1966 = tpu.vector_load %arg5[%get3A_1965] {strides = array<i32>} : memref<8192xf32, #tpu.memory_space<vmem>>, vector<16xf32>,
      %convert_element_type3A_1967 = arith.fptosi %get3A_1966 : vector<16xf32> to vector<16xi32>
      tpu.vector_store_idx %arg15[%convert_element_type3A_1967], %broadcast_in_dim3A_192 {add = true} : memref<256xf32, #tpu.memory_space<vmem>>[vector<16xi32>], vector<16xf32>,
      %add3A_1968 = arith.constant 4608 : i32
      %add3A_1969 = arith.addi %add3A_1968, %add3A_1890 : i32
      %get3A_1970 = arith.index_cast %add3A_1969 : i32 to index
      %get3A_1971 = tpu.vector_load %arg5[%get3A_1970] {strides = array<i32>} : memref<8192xf32, #tpu.memory_space<vmem>>, vector<16xf32>,
      %convert_element_type3A_1972 = arith.fptosi %get3A_1971 : vector<16xf32> to vector<16xi32>
      tpu.vector_store_idx %arg15[%convert_element_type3A_1972], %broadcast_in_dim3A_192 {add = true} : memref<256xf32, #tpu.memory_space<vmem>>[vector<16xi32>], vector<16xf32>,
      %add3A_1973 = arith.constant 5120 : i32
      %add3A_1974 = arith.addi %add3A_1973, %add3A_1890 : i32
      %get3A_1975 = arith.index_cast %add3A_1974 : i32 to index
      %get3A_1976 = tpu.vector_load %arg5[%get3A_1975] {strides = array<i32>} : memref<8192xf32, #tpu.memory_space<vmem>>, vector<16xf32>,
      %convert_element_type3A_1977 = arith.fptosi %get3A_1976 : vector<16xf32> to vector<16xi32>
      tpu.vector_store_idx %arg15[%convert_element_type3A_1977], %broadcast_in_dim3A_192 {add = true} : memref<256xf32, #tpu.memory_space<vmem>>[vector<16xi32>], vector<16xf32>,
      %add3A_1978 = arith.constant 5632 : i32
      %add3A_1979 = arith.addi %add3A_1978, %add3A_1890 : i32
      %get3A_1980 = arith.index_cast %add3A_1979 : i32 to index
      %get3A_1981 = tpu.vector_load %arg5[%get3A_1980] {strides = array<i32>} : memref<8192xf32, #tpu.memory_space<vmem>>, vector<16xf32>,
      %convert_element_type3A_1982 = arith.fptosi %get3A_1981 : vector<16xf32> to vector<16xi32>
      tpu.vector_store_idx %arg15[%convert_element_type3A_1982], %broadcast_in_dim3A_192 {add = true} : memref<256xf32, #tpu.memory_space<vmem>>[vector<16xi32>], vector<16xf32>,
      %add3A_1983 = arith.constant 6144 : i32
      %add3A_1984 = arith.addi %add3A_1983, %add3A_1890 : i32
      %get3A_1985 = arith.index_cast %add3A_1984 : i32 to index
      %get3A_1986 = tpu.vector_load %arg5[%get3A_1985] {strides = array<i32>} : memref<8192xf32, #tpu.memory_space<vmem>>, vector<16xf32>,
      %convert_element_type3A_1987 = arith.fptosi %get3A_1986 : vector<16xf32> to vector<16xi32>
      tpu.vector_store_idx %arg15[%convert_element_type3A_1987], %broadcast_in_dim3A_192 {add = true} : memref<256xf32, #tpu.memory_space<vmem>>[vector<16xi32>], vector<16xf32>,
      %add3A_1988 = arith.constant 6656 : i32
      %add3A_1989 = arith.addi %add3A_1988, %add3A_1890 : i32
      %get3A_1990 = arith.index_cast %add3A_1989 : i32 to index
      %get3A_1991 = tpu.vector_load %arg5[%get3A_1990] {strides = array<i32>} : memref<8192xf32, #tpu.memory_space<vmem>>, vector<16xf32>,
      %convert_element_type3A_1992 = arith.fptosi %get3A_1991 : vector<16xf32> to vector<16xi32>
      tpu.vector_store_idx %arg15[%convert_element_type3A_1992], %broadcast_in_dim3A_192 {add = true} : memref<256xf32, #tpu.memory_space<vmem>>[vector<16xi32>], vector<16xf32>,
      %add3A_1993 = arith.constant 7168 : i32
      %add3A_1994 = arith.addi %add3A_1993, %add3A_1890 : i32
      %get3A_1995 = arith.index_cast %add3A_1994 : i32 to index
      %get3A_1996 = tpu.vector_load %arg5[%get3A_1995] {strides = array<i32>} : memref<8192xf32, #tpu.memory_space<vmem>>, vector<16xf32>,
      %convert_element_type3A_1997 = arith.fptosi %get3A_1996 : vector<16xf32> to vector<16xi32>
      tpu.vector_store_idx %arg15[%convert_element_type3A_1997], %broadcast_in_dim3A_192 {add = true} : memref<256xf32, #tpu.memory_space<vmem>>[vector<16xi32>], vector<16xf32>,
      %add3A_1998 = arith.constant 7680 : i32
      %add3A_1999 = arith.addi %add3A_1998, %add3A_1890 : i32
      %get3A_2000 = arith.index_cast %add3A_1999 : i32 to index
      %get3A_2001 = tpu.vector_load %arg5[%get3A_2000] {strides = array<i32>} : memref<8192xf32, #tpu.memory_space<vmem>>, vector<16xf32>,
      %convert_element_type3A_2002 = arith.fptosi %get3A_2001 : vector<16xf32> to vector<16xi32>
      tpu.vector_store_idx %arg15[%convert_element_type3A_2002], %broadcast_in_dim3A_192 {add = true} : memref<256xf32, #tpu.memory_space<vmem>>[vector<16xi32>], vector<16xf32>,
      %get3A_2003 = arith.constant 0 : index
      %get3A_2004 = tpu.vector_load %arg15[%get3A_2003] {strides = array<i32>} : memref<256xf32, #tpu.memory_space<vmem>>, vector<16xf32>,
      %min3A_2005 = arith.constant 4.000000e+00 : f32
      %min3A_2006 = vector.broadcast %min3A_2005 : f32 to vector<16xf32>
      %min3A_2007 = arith.minimumf %get3A_2004, %min3A_2006 : vector<16xf32>
      %broadcast_in_dim3A_2008 = arith.constant true
      %broadcast_in_dim3A_2009 = vector.broadcast %broadcast_in_dim3A_2008 : i1 to vector<16xi1>
      %masked_cumsum3A_2010 = tpu.scan <sum>, %min3A_2007 masked %broadcast_in_dim3A_2009 : vector<16xf32>, vector<16xi1> -> vector<16xf32>
      %get3A_2011 = arith.constant 16 : index
      %get3A_2012 = tpu.vector_load %arg15[%get3A_2011] {strides = array<i32>} : memref<256xf32, #tpu.memory_space<vmem>>, vector<16xf32>,
      %min3A_2013 = arith.constant 4.000000e+00 : f32
      %min3A_2014 = vector.broadcast %min3A_2013 : f32 to vector<16xf32>
      %min3A_2015 = arith.minimumf %get3A_2012, %min3A_2014 : vector<16xf32>
      %broadcast_in_dim3A_2016 = arith.constant true
      %broadcast_in_dim3A_2017 = vector.broadcast %broadcast_in_dim3A_2016 : i1 to vector<16xi1>
      %masked_cumsum3A_2018 = tpu.scan <sum>, %min3A_2015 masked %broadcast_in_dim3A_2017 : vector<16xf32>, vector<16xi1> -> vector<16xf32>
      %get3A_2019 = arith.constant 32 : index
      %get3A_2020 = tpu.vector_load %arg15[%get3A_2019] {strides = array<i32>} : memref<256xf32, #tpu.memory_space<vmem>>, vector<16xf32>,
      %min3A_2021 = arith.constant 4.000000e+00 : f32
      %min3A_2022 = vector.broadcast %min3A_2021 : f32 to vector<16xf32>
      %min3A_2023 = arith.minimumf %get3A_2020, %min3A_2022 : vector<16xf32>
      %broadcast_in_dim3A_2024 = arith.constant true
      %broadcast_in_dim3A_2025 = vector.broadcast %broadcast_in_dim3A_2024 : i1 to vector<16xi1>
      %masked_cumsum3A_2026 = tpu.scan <sum>, %min3A_2023 masked %broadcast_in_dim3A_2025 : vector<16xf32>, vector<16xi1> -> vector<16xf32>
      %get3A_2027 = arith.constant 48 : index
      %get3A_2028 = tpu.vector_load %arg15[%get3A_2027] {strides = array<i32>} : memref<256xf32, #tpu.memory_space<vmem>>, vector<16xf32>,
      %min3A_2029 = arith.constant 4.000000e+00 : f32
      %min3A_2030 = vector.broadcast %min3A_2029 : f32 to vector<16xf32>
      %min3A_2031 = arith.minimumf %get3A_2028, %min3A_2030 : vector<16xf32>
      %broadcast_in_dim3A_2032 = arith.constant true
      %broadcast_in_dim3A_2033 = vector.broadcast %broadcast_in_dim3A_2032 : i1 to vector<16xi1>
      %masked_cumsum3A_2034 = tpu.scan <sum>, %min3A_2031 masked %broadcast_in_dim3A_2033 : vector<16xf32>, vector<16xi1> -> vector<16xf32>
      %get3A_2035 = arith.constant 64 : index
      %get3A_2036 = tpu.vector_load %arg15[%get3A_2035] {strides = array<i32>} : memref<256xf32, #tpu.memory_space<vmem>>, vector<16xf32>,
      %min3A_2037 = arith.constant 4.000000e+00 : f32
      %min3A_2038 = vector.broadcast %min3A_2037 : f32 to vector<16xf32>
      %min3A_2039 = arith.minimumf %get3A_2036, %min3A_2038 : vector<16xf32>
      %broadcast_in_dim3A_2040 = arith.constant true
      %broadcast_in_dim3A_2041 = vector.broadcast %broadcast_in_dim3A_2040 : i1 to vector<16xi1>
      %masked_cumsum3A_2042 = tpu.scan <sum>, %min3A_2039 masked %broadcast_in_dim3A_2041 : vector<16xf32>, vector<16xi1> -> vector<16xf32>
      %get3A_2043 = arith.constant 80 : index
      %get3A_2044 = tpu.vector_load %arg15[%get3A_2043] {strides = array<i32>} : memref<256xf32, #tpu.memory_space<vmem>>, vector<16xf32>,
      %min3A_2045 = arith.constant 4.000000e+00 : f32
      %min3A_2046 = vector.broadcast %min3A_2045 : f32 to vector<16xf32>
      %min3A_2047 = arith.minimumf %get3A_2044, %min3A_2046 : vector<16xf32>
      %broadcast_in_dim3A_2048 = arith.constant true
      %broadcast_in_dim3A_2049 = vector.broadcast %broadcast_in_dim3A_2048 : i1 to vector<16xi1>
      %masked_cumsum3A_2050 = tpu.scan <sum>, %min3A_2047 masked %broadcast_in_dim3A_2049 : vector<16xf32>, vector<16xi1> -> vector<16xf32>
      %get3A_2051 = arith.constant 96 : index
      %get3A_2052 = tpu.vector_load %arg15[%get3A_2051] {strides = array<i32>} : memref<256xf32, #tpu.memory_space<vmem>>, vector<16xf32>,
      %min3A_2053 = arith.constant 4.000000e+00 : f32
      %min3A_2054 = vector.broadcast %min3A_2053 : f32 to vector<16xf32>
      %min3A_2055 = arith.minimumf %get3A_2052, %min3A_2054 : vector<16xf32>
      %broadcast_in_dim3A_2056 = arith.constant true
      %broadcast_in_dim3A_2057 = vector.broadcast %broadcast_in_dim3A_2056 : i1 to vector<16xi1>
      %masked_cumsum3A_2058 = tpu.scan <sum>, %min3A_2055 masked %broadcast_in_dim3A_2057 : vector<16xf32>, vector<16xi1> -> vector<16xf32>
      %get3A_2059 = arith.constant 112 : index
      %get3A_2060 = tpu.vector_load %arg15[%get3A_2059] {strides = array<i32>} : memref<256xf32, #tpu.memory_space<vmem>>, vector<16xf32>,
      %min3A_2061 = arith.constant 4.000000e+00 : f32
      %min3A_2062 = vector.broadcast %min3A_2061 : f32 to vector<16xf32>
      %min3A_2063 = arith.minimumf %get3A_2060, %min3A_2062 : vector<16xf32>
      %broadcast_in_dim3A_2064 = arith.constant true
      %broadcast_in_dim3A_2065 = vector.broadcast %broadcast_in_dim3A_2064 : i1 to vector<16xi1>
      %masked_cumsum3A_2066 = tpu.scan <sum>, %min3A_2063 masked %broadcast_in_dim3A_2065 : vector<16xf32>, vector<16xi1> -> vector<16xf32>
      %get3A_2067 = arith.constant 128 : index
      %get3A_2068 = tpu.vector_load %arg15[%get3A_2067] {strides = array<i32>} : memref<256xf32, #tpu.memory_space<vmem>>, vector<16xf32>,
      %min3A_2069 = arith.constant 4.000000e+00 : f32
      %min3A_2070 = vector.broadcast %min3A_2069 : f32 to vector<16xf32>
      %min3A_2071 = arith.minimumf %get3A_2068, %min3A_2070 : vector<16xf32>
      %broadcast_in_dim3A_2072 = arith.constant true
      %broadcast_in_dim3A_2073 = vector.broadcast %broadcast_in_dim3A_2072 : i1 to vector<16xi1>
      %masked_cumsum3A_2074 = tpu.scan <sum>, %min3A_2071 masked %broadcast_in_dim3A_2073 : vector<16xf32>, vector<16xi1> -> vector<16xf32>
      %get3A_2075 = arith.constant 144 : index
      %get3A_2076 = tpu.vector_load %arg15[%get3A_2075] {strides = array<i32>} : memref<256xf32, #tpu.memory_space<vmem>>, vector<16xf32>,
      %min3A_2077 = arith.constant 4.000000e+00 : f32
      %min3A_2078 = vector.broadcast %min3A_2077 : f32 to vector<16xf32>
      %min3A_2079 = arith.minimumf %get3A_2076, %min3A_2078 : vector<16xf32>
      %broadcast_in_dim3A_2080 = arith.constant true
      %broadcast_in_dim3A_2081 = vector.broadcast %broadcast_in_dim3A_2080 : i1 to vector<16xi1>
      %masked_cumsum3A_2082 = tpu.scan <sum>, %min3A_2079 masked %broadcast_in_dim3A_2081 : vector<16xf32>, vector<16xi1> -> vector<16xf32>
      %get3A_2083 = arith.constant 160 : index
      %get3A_2084 = tpu.vector_load %arg15[%get3A_2083] {strides = array<i32>} : memref<256xf32, #tpu.memory_space<vmem>>, vector<16xf32>,
      %min3A_2085 = arith.constant 4.000000e+00 : f32
      %min3A_2086 = vector.broadcast %min3A_2085 : f32 to vector<16xf32>
      %min3A_2087 = arith.minimumf %get3A_2084, %min3A_2086 : vector<16xf32>
      %broadcast_in_dim3A_2088 = arith.constant true
      %broadcast_in_dim3A_2089 = vector.broadcast %broadcast_in_dim3A_2088 : i1 to vector<16xi1>
      %masked_cumsum3A_2090 = tpu.scan <sum>, %min3A_2087 masked %broadcast_in_dim3A_2089 : vector<16xf32>, vector<16xi1> -> vector<16xf32>
      %get3A_2091 = arith.constant 176 : index
      %get3A_2092 = tpu.vector_load %arg15[%get3A_2091] {strides = array<i32>} : memref<256xf32, #tpu.memory_space<vmem>>, vector<16xf32>,
      %min3A_2093 = arith.constant 4.000000e+00 : f32
      %min3A_2094 = vector.broadcast %min3A_2093 : f32 to vector<16xf32>
      %min3A_2095 = arith.minimumf %get3A_2092, %min3A_2094 : vector<16xf32>
      %broadcast_in_dim3A_2096 = arith.constant true
      %broadcast_in_dim3A_2097 = vector.broadcast %broadcast_in_dim3A_2096 : i1 to vector<16xi1>
      %masked_cumsum3A_2098 = tpu.scan <sum>, %min3A_2095 masked %broadcast_in_dim3A_2097 : vector<16xf32>, vector<16xi1> -> vector<16xf32>
      %get3A_2099 = arith.constant 192 : index
      %get3A_2100 = tpu.vector_load %arg15[%get3A_2099] {strides = array<i32>} : memref<256xf32, #tpu.memory_space<vmem>>, vector<16xf32>,
      %min3A_2101 = arith.constant 4.000000e+00 : f32
      %min3A_2102 = vector.broadcast %min3A_2101 : f32 to vector<16xf32>
      %min3A_2103 = arith.minimumf %get3A_2100, %min3A_2102 : vector<16xf32>
      %broadcast_in_dim3A_2104 = arith.constant true
      %broadcast_in_dim3A_2105 = vector.broadcast %broadcast_in_dim3A_2104 : i1 to vector<16xi1>
      %masked_cumsum3A_2106 = tpu.scan <sum>, %min3A_2103 masked %broadcast_in_dim3A_2105 : vector<16xf32>, vector<16xi1> -> vector<16xf32>
      %get3A_2107 = arith.constant 208 : index
      %get3A_2108 = tpu.vector_load %arg15[%get3A_2107] {strides = array<i32>} : memref<256xf32, #tpu.memory_space<vmem>>, vector<16xf32>,
      %min3A_2109 = arith.constant 4.000000e+00 : f32
      %min3A_2110 = vector.broadcast %min3A_2109 : f32 to vector<16xf32>
      %min3A_2111 = arith.minimumf %get3A_2108, %min3A_2110 : vector<16xf32>
      %broadcast_in_dim3A_2112 = arith.constant true
      %broadcast_in_dim3A_2113 = vector.broadcast %broadcast_in_dim3A_2112 : i1 to vector<16xi1>
      %masked_cumsum3A_2114 = tpu.scan <sum>, %min3A_2111 masked %broadcast_in_dim3A_2113 : vector<16xf32>, vector<16xi1> -> vector<16xf32>
      %get3A_2115 = arith.constant 224 : index
      %get3A_2116 = tpu.vector_load %arg15[%get3A_2115] {strides = array<i32>} : memref<256xf32, #tpu.memory_space<vmem>>, vector<16xf32>,
      %min3A_2117 = arith.constant 4.000000e+00 : f32
      %min3A_2118 = vector.broadcast %min3A_2117 : f32 to vector<16xf32>
      %min3A_2119 = arith.minimumf %get3A_2116, %min3A_2118 : vector<16xf32>
      %broadcast_in_dim3A_2120 = arith.constant true
      %broadcast_in_dim3A_2121 = vector.broadcast %broadcast_in_dim3A_2120 : i1 to vector<16xi1>
      %masked_cumsum3A_2122 = tpu.scan <sum>, %min3A_2119 masked %broadcast_in_dim3A_2121 : vector<16xf32>, vector<16xi1> -> vector<16xf32>
      %get3A_2123 = arith.constant 240 : index
      %get3A_2124 = tpu.vector_load %arg15[%get3A_2123] {strides = array<i32>} : memref<256xf32, #tpu.memory_space<vmem>>, vector<16xf32>,
      %min3A_2125 = arith.constant 4.000000e+00 : f32
      %min3A_2126 = vector.broadcast %min3A_2125 : f32 to vector<16xf32>
      %min3A_2127 = arith.minimumf %get3A_2124, %min3A_2126 : vector<16xf32>
      %broadcast_in_dim3A_2128 = arith.constant true
      %broadcast_in_dim3A_2129 = vector.broadcast %broadcast_in_dim3A_2128 : i1 to vector<16xi1>
      %masked_cumsum3A_2130 = tpu.scan <sum>, %min3A_2127 masked %broadcast_in_dim3A_2129 : vector<16xf32>, vector<16xi1> -> vector<16xf32>
      %slice3A_2131 = vector.extract_strided_slice %masked_cumsum3A_2010 {offsets = [15], sizes = [1], strides = [1]} : vector<16xf32> to vector<1xf32>
      %squeeze3A_2132 = vector.extract %slice3A_2131[0] : f32 from vector<1xf32>
      %add3A_2133 = arith.constant 0.000000e+00 : f32
      %add3A_2134 = arith.addf %add3A_2133, %squeeze3A_2132 : f32
      %slice3A_2135 = vector.extract_strided_slice %masked_cumsum3A_2018 {offsets = [15], sizes = [1], strides = [1]} : vector<16xf32> to vector<1xf32>
      %squeeze3A_2136 = vector.extract %slice3A_2135[0] : f32 from vector<1xf32>
      %add3A_2137 = arith.addf %add3A_2134, %squeeze3A_2136 : f32
      %slice3A_2138 = vector.extract_strided_slice %masked_cumsum3A_2026 {offsets = [15], sizes = [1], strides = [1]} : vector<16xf32> to vector<1xf32>
      %squeeze3A_2139 = vector.extract %slice3A_2138[0] : f32 from vector<1xf32>
      %add3A_2140 = arith.addf %add3A_2137, %squeeze3A_2139 : f32
      %slice3A_2141 = vector.extract_strided_slice %masked_cumsum3A_2034 {offsets = [15], sizes = [1], strides = [1]} : vector<16xf32> to vector<1xf32>
      %squeeze3A_2142 = vector.extract %slice3A_2141[0] : f32 from vector<1xf32>
      %add3A_2143 = arith.addf %add3A_2140, %squeeze3A_2142 : f32
      %slice3A_2144 = vector.extract_strided_slice %masked_cumsum3A_2042 {offsets = [15], sizes = [1], strides = [1]} : vector<16xf32> to vector<1xf32>
      %squeeze3A_2145 = vector.extract %slice3A_2144[0] : f32 from vector<1xf32>
      %add3A_2146 = arith.addf %add3A_2143, %squeeze3A_2145 : f32
      %slice3A_2147 = vector.extract_strided_slice %masked_cumsum3A_2050 {offsets = [15], sizes = [1], strides = [1]} : vector<16xf32> to vector<1xf32>
      %squeeze3A_2148 = vector.extract %slice3A_2147[0] : f32 from vector<1xf32>
      %add3A_2149 = arith.addf %add3A_2146, %squeeze3A_2148 : f32
      %slice3A_2150 = vector.extract_strided_slice %masked_cumsum3A_2058 {offsets = [15], sizes = [1], strides = [1]} : vector<16xf32> to vector<1xf32>
      %squeeze3A_2151 = vector.extract %slice3A_2150[0] : f32 from vector<1xf32>
      %add3A_2152 = arith.addf %add3A_2149, %squeeze3A_2151 : f32
      %slice3A_2153 = vector.extract_strided_slice %masked_cumsum3A_2066 {offsets = [15], sizes = [1], strides = [1]} : vector<16xf32> to vector<1xf32>
      %squeeze3A_2154 = vector.extract %slice3A_2153[0] : f32 from vector<1xf32>
      %add3A_2155 = arith.addf %add3A_2152, %squeeze3A_2154 : f32
      %slice3A_2156 = vector.extract_strided_slice %masked_cumsum3A_2074 {offsets = [15], sizes = [1], strides = [1]} : vector<16xf32> to vector<1xf32>
      %squeeze3A_2157 = vector.extract %slice3A_2156[0] : f32 from vector<1xf32>
      %add3A_2158 = arith.addf %add3A_2155, %squeeze3A_2157 : f32
      %slice3A_2159 = vector.extract_strided_slice %masked_cumsum3A_2082 {offsets = [15], sizes = [1], strides = [1]} : vector<16xf32> to vector<1xf32>
      %squeeze3A_2160 = vector.extract %slice3A_2159[0] : f32 from vector<1xf32>
      %add3A_2161 = arith.addf %add3A_2158, %squeeze3A_2160 : f32
      %slice3A_2162 = vector.extract_strided_slice %masked_cumsum3A_2090 {offsets = [15], sizes = [1], strides = [1]} : vector<16xf32> to vector<1xf32>
      %squeeze3A_2163 = vector.extract %slice3A_2162[0] : f32 from vector<1xf32>
      %add3A_2164 = arith.addf %add3A_2161, %squeeze3A_2163 : f32
      %slice3A_2165 = vector.extract_strided_slice %masked_cumsum3A_2098 {offsets = [15], sizes = [1], strides = [1]} : vector<16xf32> to vector<1xf32>
      %squeeze3A_2166 = vector.extract %slice3A_2165[0] : f32 from vector<1xf32>
      %add3A_2167 = arith.addf %add3A_2164, %squeeze3A_2166 : f32
      %slice3A_2168 = vector.extract_strided_slice %masked_cumsum3A_2106 {offsets = [15], sizes = [1], strides = [1]} : vector<16xf32> to vector<1xf32>
      %squeeze3A_2169 = vector.extract %slice3A_2168[0] : f32 from vector<1xf32>
      %add3A_2170 = arith.addf %add3A_2167, %squeeze3A_2169 : f32
      %slice3A_2171 = vector.extract_strided_slice %masked_cumsum3A_2114 {offsets = [15], sizes = [1], strides = [1]} : vector<16xf32> to vector<1xf32>
      %squeeze3A_2172 = vector.extract %slice3A_2171[0] : f32 from vector<1xf32>
      %add3A_2173 = arith.addf %add3A_2170, %squeeze3A_2172 : f32
      %slice3A_2174 = vector.extract_strided_slice %masked_cumsum3A_2122 {offsets = [15], sizes = [1], strides = [1]} : vector<16xf32> to vector<1xf32>
      %squeeze3A_2175 = vector.extract %slice3A_2174[0] : f32 from vector<1xf32>
      %add3A_2176 = arith.addf %add3A_2173, %squeeze3A_2175 : f32
      %slice3A_2177 = vector.extract_strided_slice %masked_cumsum3A_2130 {offsets = [15], sizes = [1], strides = [1]} : vector<16xf32> to vector<1xf32>
      %squeeze3A_2178 = vector.extract %slice3A_2177[0] : f32 from vector<1xf32>
      %add3A_2179 = arith.addf %add3A_2176, %squeeze3A_2178 : f32
      %slice3A_2180 = vector.extract_strided_slice %masked_cumsum3A_2010 {offsets = [0], sizes = [1], strides = [1]} : vector<16xf32> to vector<1xf32>
      %squeeze3A_2181 = vector.extract %slice3A_2180[0] : f32 from vector<1xf32>
      %sub3A_2182 = arith.constant 2.560000e+02 : f32
      %sub3A_2183 = arith.subf %sub3A_2182, %add3A_2179 : f32
      %mul3A_2184 = arith.constant 3.906250e-03 : f32
      %mul3A_2185 = arith.mulf %sub3A_2183, %mul3A_2184 : f32
      %add3A_2186 = arith.addf %squeeze3A_2181, %mul3A_2185 : f32
      %sub3A_2187 = arith.constant 2.560000e+02 : f32
      %sub3A_2188 = arith.subf %sub3A_2187, %add3A_2186 : f32
      %max3A_2189 = arith.constant 1.000000e-07 : f32
      %max3A_2190 = arith.maximumf %sub3A_2188, %max3A_2189 : f32
      %broadcast_in_dim3A_2191 = vector.broadcast %max3A_2190 : f32 to vector<16xf32>
      %div3A_2192 = arith.constant 2.550000e+02 : f32
      %div3A_2193 = vector.broadcast %div3A_2192 : f32 to vector<16xf32>
      %div3A_2194 = arith.divf %div3A_2193, %broadcast_in_dim3A_2191 : vector<16xf32>
      %mul3A_2195 = vector.broadcast %mul3A_2185 : f32 to vector<16xf32>
      %mul3A_2196 = arith.mulf %convert_element_type3A, %mul3A_2195 : vector<16xf32>
      %mul3A_2197 = arith.constant 1.000000e+00 : f32
      %mul3A_2198 = arith.mulf %mul3A_2197, %mul3A_2185 : f32
      %sub3A_2199 = arith.constant 0.000000e+00 : f32
      %sub3A_2200 = arith.subf %sub3A_2199, %add3A_2186 : f32
      %add3A_2201 = arith.addf %mul3A_2198, %sub3A_2200 : f32
      %add3A_2202 = arith.addf %masked_cumsum3A_2010, %mul3A_2196 : vector<16xf32>
      %add3A_2203 = vector.broadcast %add3A_2201 : f32 to vector<16xf32>
      %add3A_2204 = arith.addf %add3A_2202, %add3A_2203 : vector<16xf32>
      %mul3A_2205 = arith.mulf %add3A_2204, %div3A_2194 : vector<16xf32>
      %mul3A_2206 = arith.mulf %mul3A_2205, %div3A_11 : vector<16xf32>
      %swap3A_2207 = arith.constant 0 : index
      %swap3A_2208 = tpu.vector_load %arg14[%swap3A_2207] {strides = array<i32>} : memref<256xf32, #tpu.memory_space<vmem>>, vector<16xf32>,
      tpu.vector_store %arg14[%swap3A_2207], %mul3A_2206 {strides = array<i32>} : memref<256xf32, #tpu.memory_space<vmem>>, vector<16xf32>,
      %mul3A_2209 = arith.constant 1.700000e+01 : f32
      %mul3A_2210 = arith.mulf %mul3A_2209, %mul3A_2185 : f32
      %sub3A_2211 = arith.subf %add3A_2134, %add3A_2186 : f32
      %add3A_2212 = arith.addf %mul3A_2210, %sub3A_2211 : f32
      %add3A_2213 = arith.addf %masked_cumsum3A_2018, %mul3A_2196 : vector<16xf32>
      %add3A_2214 = vector.broadcast %add3A_2212 : f32 to vector<16xf32>
      %add3A_2215 = arith.addf %add3A_2213, %add3A_2214 : vector<16xf32>
      %mul3A_2216 = arith.mulf %add3A_2215, %div3A_2194 : vector<16xf32>
      %mul3A_2217 = arith.mulf %mul3A_2216, %div3A_23 : vector<16xf32>
      %swap3A_2218 = arith.constant 16 : index
      %swap3A_2219 = tpu.vector_load %arg14[%swap3A_2218] {strides = array<i32>} : memref<256xf32, #tpu.memory_space<vmem>>, vector<16xf32>,
      tpu.vector_store %arg14[%swap3A_2218], %mul3A_2217 {strides = array<i32>} : memref<256xf32, #tpu.memory_space<vmem>>, vector<16xf32>,
      %mul3A_2220 = arith.constant 3.300000e+01 : f32
      %mul3A_2221 = arith.mulf %mul3A_2220, %mul3A_2185 : f32
      %sub3A_2222 = arith.subf %add3A_2137, %add3A_2186 : f32
      %add3A_2223 = arith.addf %mul3A_2221, %sub3A_2222 : f32
      %add3A_2224 = arith.addf %masked_cumsum3A_2026, %mul3A_2196 : vector<16xf32>
      %add3A_2225 = vector.broadcast %add3A_2223 : f32 to vector<16xf32>
      %add3A_2226 = arith.addf %add3A_2224, %add3A_2225 : vector<16xf32>
      %mul3A_2227 = arith.mulf %add3A_2226, %div3A_2194 : vector<16xf32>
      %mul3A_2228 = arith.mulf %mul3A_2227, %div3A_35 : vector<16xf32>
      %swap3A_2229 = arith.constant 32 : index
      %swap3A_2230 = tpu.vector_load %arg14[%swap3A_2229] {strides = array<i32>} : memref<256xf32, #tpu.memory_space<vmem>>, vector<16xf32>,
      tpu.vector_store %arg14[%swap3A_2229], %mul3A_2228 {strides = array<i32>} : memref<256xf32, #tpu.memory_space<vmem>>, vector<16xf32>,
      %mul3A_2231 = arith.constant 4.900000e+01 : f32
      %mul3A_2232 = arith.mulf %mul3A_2231, %mul3A_2185 : f32
      %sub3A_2233 = arith.subf %add3A_2140, %add3A_2186 : f32
      %add3A_2234 = arith.addf %mul3A_2232, %sub3A_2233 : f32
      %add3A_2235 = arith.addf %masked_cumsum3A_2034, %mul3A_2196 : vector<16xf32>
      %add3A_2236 = vector.broadcast %add3A_2234 : f32 to vector<16xf32>
      %add3A_2237 = arith.addf %add3A_2235, %add3A_2236 : vector<16xf32>
      %mul3A_2238 = arith.mulf %add3A_2237, %div3A_2194 : vector<16xf32>
      %mul3A_2239 = arith.mulf %mul3A_2238, %div3A_47 : vector<16xf32>
      %swap3A_2240 = arith.constant 48 : index
      %swap3A_2241 = tpu.vector_load %arg14[%swap3A_2240] {strides = array<i32>} : memref<256xf32, #tpu.memory_space<vmem>>, vector<16xf32>,
      tpu.vector_store %arg14[%swap3A_2240], %mul3A_2239 {strides = array<i32>} : memref<256xf32, #tpu.memory_space<vmem>>, vector<16xf32>,
      %mul3A_2242 = arith.constant 6.500000e+01 : f32
      %mul3A_2243 = arith.mulf %mul3A_2242, %mul3A_2185 : f32
      %sub3A_2244 = arith.subf %add3A_2143, %add3A_2186 : f32
      %add3A_2245 = arith.addf %mul3A_2243, %sub3A_2244 : f32
      %add3A_2246 = arith.addf %masked_cumsum3A_2042, %mul3A_2196 : vector<16xf32>
      %add3A_2247 = vector.broadcast %add3A_2245 : f32 to vector<16xf32>
      %add3A_2248 = arith.addf %add3A_2246, %add3A_2247 : vector<16xf32>
      %mul3A_2249 = arith.mulf %add3A_2248, %div3A_2194 : vector<16xf32>
      %mul3A_2250 = arith.mulf %mul3A_2249, %div3A_59 : vector<16xf32>
      %swap3A_2251 = arith.constant 64 : index
      %swap3A_2252 = tpu.vector_load %arg14[%swap3A_2251] {strides = array<i32>} : memref<256xf32, #tpu.memory_space<vmem>>, vector<16xf32>,
      tpu.vector_store %arg14[%swap3A_2251], %mul3A_2250 {strides = array<i32>} : memref<256xf32, #tpu.memory_space<vmem>>, vector<16xf32>,
      %mul3A_2253 = arith.constant 8.100000e+01 : f32
      %mul3A_2254 = arith.mulf %mul3A_2253, %mul3A_2185 : f32
      %sub3A_2255 = arith.subf %add3A_2146, %add3A_2186 : f32
      %add3A_2256 = arith.addf %mul3A_2254, %sub3A_2255 : f32
      %add3A_2257 = arith.addf %masked_cumsum3A_2050, %mul3A_2196 : vector<16xf32>
      %add3A_2258 = vector.broadcast %add3A_2256 : f32 to vector<16xf32>
      %add3A_2259 = arith.addf %add3A_2257, %add3A_2258 : vector<16xf32>
      %mul3A_2260 = arith.mulf %add3A_2259, %div3A_2194 : vector<16xf32>
      %mul3A_2261 = arith.mulf %mul3A_2260, %div3A_71 : vector<16xf32>
      %swap3A_2262 = arith.constant 80 : index
      %swap3A_2263 = tpu.vector_load %arg14[%swap3A_2262] {strides = array<i32>} : memref<256xf32, #tpu.memory_space<vmem>>, vector<16xf32>,
      tpu.vector_store %arg14[%swap3A_2262], %mul3A_2261 {strides = array<i32>} : memref<256xf32, #tpu.memory_space<vmem>>, vector<16xf32>,
      %mul3A_2264 = arith.constant 9.700000e+01 : f32
      %mul3A_2265 = arith.mulf %mul3A_2264, %mul3A_2185 : f32
      %sub3A_2266 = arith.subf %add3A_2149, %add3A_2186 : f32
      %add3A_2267 = arith.addf %mul3A_2265, %sub3A_2266 : f32
      %add3A_2268 = arith.addf %masked_cumsum3A_2058, %mul3A_2196 : vector<16xf32>
      %add3A_2269 = vector.broadcast %add3A_2267 : f32 to vector<16xf32>
      %add3A_2270 = arith.addf %add3A_2268, %add3A_2269 : vector<16xf32>
      %mul3A_2271 = arith.mulf %add3A_2270, %div3A_2194 : vector<16xf32>
      %mul3A_2272 = arith.mulf %mul3A_2271, %div3A_83 : vector<16xf32>
      %swap3A_2273 = arith.constant 96 : index
      %swap3A_2274 = tpu.vector_load %arg14[%swap3A_2273] {strides = array<i32>} : memref<256xf32, #tpu.memory_space<vmem>>, vector<16xf32>,
      tpu.vector_store %arg14[%swap3A_2273], %mul3A_2272 {strides = array<i32>} : memref<256xf32, #tpu.memory_space<vmem>>, vector<16xf32>,
      %mul3A_2275 = arith.constant 1.130000e+02 : f32
      %mul3A_2276 = arith.mulf %mul3A_2275, %mul3A_2185 : f32
      %sub3A_2277 = arith.subf %add3A_2152, %add3A_2186 : f32
      %add3A_2278 = arith.addf %mul3A_2276, %sub3A_2277 : f32
      %add3A_2279 = arith.addf %masked_cumsum3A_2066, %mul3A_2196 : vector<16xf32>
      %add3A_2280 = vector.broadcast %add3A_2278 : f32 to vector<16xf32>
      %add3A_2281 = arith.addf %add3A_2279, %add3A_2280 : vector<16xf32>
      %mul3A_2282 = arith.mulf %add3A_2281, %div3A_2194 : vector<16xf32>
      %mul3A_2283 = arith.mulf %mul3A_2282, %div3A_95 : vector<16xf32>
      %swap3A_2284 = arith.constant 112 : index
      %swap3A_2285 = tpu.vector_load %arg14[%swap3A_2284] {strides = array<i32>} : memref<256xf32, #tpu.memory_space<vmem>>, vector<16xf32>,
      tpu.vector_store %arg14[%swap3A_2284], %mul3A_2283 {strides = array<i32>} : memref<256xf32, #tpu.memory_space<vmem>>, vector<16xf32>,
      %mul3A_2286 = arith.constant 1.290000e+02 : f32
      %mul3A_2287 = arith.mulf %mul3A_2286, %mul3A_2185 : f32
      %sub3A_2288 = arith.subf %add3A_2155, %add3A_2186 : f32
      %add3A_2289 = arith.addf %mul3A_2287, %sub3A_2288 : f32
      %add3A_2290 = arith.addf %masked_cumsum3A_2074, %mul3A_2196 : vector<16xf32>
      %add3A_2291 = vector.broadcast %add3A_2289 : f32 to vector<16xf32>
      %add3A_2292 = arith.addf %add3A_2290, %add3A_2291 : vector<16xf32>
      %mul3A_2293 = arith.mulf %add3A_2292, %div3A_2194 : vector<16xf32>
      %mul3A_2294 = arith.mulf %mul3A_2293, %div3A_107 : vector<16xf32>
      %swap3A_2295 = arith.constant 128 : index
      %swap3A_2296 = tpu.vector_load %arg14[%swap3A_2295] {strides = array<i32>} : memref<256xf32, #tpu.memory_space<vmem>>, vector<16xf32>,
      tpu.vector_store %arg14[%swap3A_2295], %mul3A_2294 {strides = array<i32>} : memref<256xf32, #tpu.memory_space<vmem>>, vector<16xf32>,
      %mul3A_2297 = arith.constant 1.450000e+02 : f32
      %mul3A_2298 = arith.mulf %mul3A_2297, %mul3A_2185 : f32
      %sub3A_2299 = arith.subf %add3A_2158, %add3A_2186 : f32
      %add3A_2300 = arith.addf %mul3A_2298, %sub3A_2299 : f32
      %add3A_2301 = arith.addf %masked_cumsum3A_2082, %mul3A_2196 : vector<16xf32>
      %add3A_2302 = vector.broadcast %add3A_2300 : f32 to vector<16xf32>
      %add3A_2303 = arith.addf %add3A_2301, %add3A_2302 : vector<16xf32>
      %mul3A_2304 = arith.mulf %add3A_2303, %div3A_2194 : vector<16xf32>
      %mul3A_2305 = arith.mulf %mul3A_2304, %div3A_119 : vector<16xf32>
      %swap3A_2306 = arith.constant 144 : index
      %swap3A_2307 = tpu.vector_load %arg14[%swap3A_2306] {strides = array<i32>} : memref<256xf32, #tpu.memory_space<vmem>>, vector<16xf32>,
      tpu.vector_store %arg14[%swap3A_2306], %mul3A_2305 {strides = array<i32>} : memref<256xf32, #tpu.memory_space<vmem>>, vector<16xf32>,
      %mul3A_2308 = arith.constant 1.610000e+02 : f32
      %mul3A_2309 = arith.mulf %mul3A_2308, %mul3A_2185 : f32
      %sub3A_2310 = arith.subf %add3A_2161, %add3A_2186 : f32
      %add3A_2311 = arith.addf %mul3A_2309, %sub3A_2310 : f32
      %add3A_2312 = arith.addf %masked_cumsum3A_2090, %mul3A_2196 : vector<16xf32>
      %add3A_2313 = vector.broadcast %add3A_2311 : f32 to vector<16xf32>
      %add3A_2314 = arith.addf %add3A_2312, %add3A_2313 : vector<16xf32>
      %mul3A_2315 = arith.mulf %add3A_2314, %div3A_2194 : vector<16xf32>
      %mul3A_2316 = arith.mulf %mul3A_2315, %div3A_131 : vector<16xf32>
      %swap3A_2317 = arith.constant 160 : index
      %swap3A_2318 = tpu.vector_load %arg14[%swap3A_2317] {strides = array<i32>} : memref<256xf32, #tpu.memory_space<vmem>>, vector<16xf32>,
      tpu.vector_store %arg14[%swap3A_2317], %mul3A_2316 {strides = array<i32>} : memref<256xf32, #tpu.memory_space<vmem>>, vector<16xf32>,
      %mul3A_2319 = arith.constant 1.770000e+02 : f32
      %mul3A_2320 = arith.mulf %mul3A_2319, %mul3A_2185 : f32
      %sub3A_2321 = arith.subf %add3A_2164, %add3A_2186 : f32
      %add3A_2322 = arith.addf %mul3A_2320, %sub3A_2321 : f32
      %add3A_2323 = arith.addf %masked_cumsum3A_2098, %mul3A_2196 : vector<16xf32>
      %add3A_2324 = vector.broadcast %add3A_2322 : f32 to vector<16xf32>
      %add3A_2325 = arith.addf %add3A_2323, %add3A_2324 : vector<16xf32>
      %mul3A_2326 = arith.mulf %add3A_2325, %div3A_2194 : vector<16xf32>
      %mul3A_2327 = arith.mulf %mul3A_2326, %div3A_143 : vector<16xf32>
      %swap3A_2328 = arith.constant 176 : index
      %swap3A_2329 = tpu.vector_load %arg14[%swap3A_2328] {strides = array<i32>} : memref<256xf32, #tpu.memory_space<vmem>>, vector<16xf32>,
      tpu.vector_store %arg14[%swap3A_2328], %mul3A_2327 {strides = array<i32>} : memref<256xf32, #tpu.memory_space<vmem>>, vector<16xf32>,
      %mul3A_2330 = arith.constant 1.930000e+02 : f32
      %mul3A_2331 = arith.mulf %mul3A_2330, %mul3A_2185 : f32
      %sub3A_2332 = arith.subf %add3A_2167, %add3A_2186 : f32
      %add3A_2333 = arith.addf %mul3A_2331, %sub3A_2332 : f32
      %add3A_2334 = arith.addf %masked_cumsum3A_2106, %mul3A_2196 : vector<16xf32>
      %add3A_2335 = vector.broadcast %add3A_2333 : f32 to vector<16xf32>
      %add3A_2336 = arith.addf %add3A_2334, %add3A_2335 : vector<16xf32>
      %mul3A_2337 = arith.mulf %add3A_2336, %div3A_2194 : vector<16xf32>
      %mul3A_2338 = arith.mulf %mul3A_2337, %div3A_155 : vector<16xf32>
      %swap3A_2339 = arith.constant 192 : index
      %swap3A_2340 = tpu.vector_load %arg14[%swap3A_2339] {strides = array<i32>} : memref<256xf32, #tpu.memory_space<vmem>>, vector<16xf32>,
      tpu.vector_store %arg14[%swap3A_2339], %mul3A_2338 {strides = array<i32>} : memref<256xf32, #tpu.memory_space<vmem>>, vector<16xf32>,
      %mul3A_2341 = arith.constant 2.090000e+02 : f32
      %mul3A_2342 = arith.mulf %mul3A_2341, %mul3A_2185 : f32
      %sub3A_2343 = arith.subf %add3A_2170, %add3A_2186 : f32
      %add3A_2344 = arith.addf %mul3A_2342, %sub3A_2343 : f32
      %add3A_2345 = arith.addf %masked_cumsum3A_2114, %mul3A_2196 : vector<16xf32>
      %add3A_2346 = vector.broadcast %add3A_2344 : f32 to vector<16xf32>
      %add3A_2347 = arith.addf %add3A_2345, %add3A_2346 : vector<16xf32>
      %mul3A_2348 = arith.mulf %add3A_2347, %div3A_2194 : vector<16xf32>
      %mul3A_2349 = arith.mulf %mul3A_2348, %div3A_167 : vector<16xf32>
      %swap3A_2350 = arith.constant 208 : index
      %swap3A_2351 = tpu.vector_load %arg14[%swap3A_2350] {strides = array<i32>} : memref<256xf32, #tpu.memory_space<vmem>>, vector<16xf32>,
      tpu.vector_store %arg14[%swap3A_2350], %mul3A_2349 {strides = array<i32>} : memref<256xf32, #tpu.memory_space<vmem>>, vector<16xf32>,
      %mul3A_2352 = arith.constant 2.250000e+02 : f32
      %mul3A_2353 = arith.mulf %mul3A_2352, %mul3A_2185 : f32
      %sub3A_2354 = arith.subf %add3A_2173, %add3A_2186 : f32
      %add3A_2355 = arith.addf %mul3A_2353, %sub3A_2354 : f32
      %add3A_2356 = arith.addf %masked_cumsum3A_2122, %mul3A_2196 : vector<16xf32>
      %add3A_2357 = vector.broadcast %add3A_2355 : f32 to vector<16xf32>
      %add3A_2358 = arith.addf %add3A_2356, %add3A_2357 : vector<16xf32>
      %mul3A_2359 = arith.mulf %add3A_2358, %div3A_2194 : vector<16xf32>
      %mul3A_2360 = arith.mulf %mul3A_2359, %div3A_179 : vector<16xf32>
      %swap3A_2361 = arith.constant 224 : index
      %swap3A_2362 = tpu.vector_load %arg14[%swap3A_2361] {strides = array<i32>} : memref<256xf32, #tpu.memory_space<vmem>>, vector<16xf32>,
      tpu.vector_store %arg14[%swap3A_2361], %mul3A_2360 {strides = array<i32>} : memref<256xf32, #tpu.memory_space<vmem>>, vector<16xf32>,
      %mul3A_2363 = arith.constant 2.410000e+02 : f32
      %mul3A_2364 = arith.mulf %mul3A_2363, %mul3A_2185 : f32
      %sub3A_2365 = arith.subf %add3A_2176, %add3A_2186 : f32
      %add3A_2366 = arith.addf %mul3A_2364, %sub3A_2365 : f32
      %add3A_2367 = arith.addf %masked_cumsum3A_2130, %mul3A_2196 : vector<16xf32>
      %add3A_2368 = vector.broadcast %add3A_2366 : f32 to vector<16xf32>
      %add3A_2369 = arith.addf %add3A_2367, %add3A_2368 : vector<16xf32>
      %mul3A_2370 = arith.mulf %add3A_2369, %div3A_2194 : vector<16xf32>
      %mul3A_2371 = arith.mulf %mul3A_2370, %div3A_191 : vector<16xf32>
      %swap3A_2372 = arith.constant 240 : index
      %swap3A_2373 = tpu.vector_load %arg14[%swap3A_2372] {strides = array<i32>} : memref<256xf32, #tpu.memory_space<vmem>>, vector<16xf32>,
      tpu.vector_store %arg14[%swap3A_2372], %mul3A_2371 {strides = array<i32>} : memref<256xf32, #tpu.memory_space<vmem>>, vector<16xf32>,
      %gather3A_2374 = tpu.vector_load_idx %arg14[%convert_element_type3A_1927] : memref<256xf32, #tpu.memory_space<vmem>>[vector<16xi32>], vector<16xf32>,
      %add3A_2375 = arith.constant 0 : i32
      %add3A_2376 = arith.addi %add3A_2375, %add3A_1890 : i32
      %swap3A_2377 = arith.index_cast %add3A_2376 : i32 to index
      %swap3A_2378 = tpu.vector_load %arg6[%swap3A_2377] {strides = array<i32>} : memref<8192xf32, #tpu.memory_space<vmem>>, vector<16xf32>,
      tpu.vector_store %arg6[%swap3A_2377], %gather3A_2374 {strides = array<i32>} : memref<8192xf32, #tpu.memory_space<vmem>>, vector<16xf32>,
      %gather3A_2379 = tpu.vector_load_idx %arg14[%convert_element_type3A_1932] : memref<256xf32, #tpu.memory_space<vmem>>[vector<16xi32>], vector<16xf32>,
      %add3A_2380 = arith.constant 512 : i32
      %add3A_2381 = arith.addi %add3A_2380, %add3A_1890 : i32
      %swap3A_2382 = arith.index_cast %add3A_2381 : i32 to index
      %swap3A_2383 = tpu.vector_load %arg6[%swap3A_2382] {strides = array<i32>} : memref<8192xf32, #tpu.memory_space<vmem>>, vector<16xf32>,
      tpu.vector_store %arg6[%swap3A_2382], %gather3A_2379 {strides = array<i32>} : memref<8192xf32, #tpu.memory_space<vmem>>, vector<16xf32>,
      %gather3A_2384 = tpu.vector_load_idx %arg14[%convert_element_type3A_1937] : memref<256xf32, #tpu.memory_space<vmem>>[vector<16xi32>], vector<16xf32>,
      %add3A_2385 = arith.constant 1024 : i32
      %add3A_2386 = arith.addi %add3A_2385, %add3A_1890 : i32
      %swap3A_2387 = arith.index_cast %add3A_2386 : i32 to index
      %swap3A_2388 = tpu.vector_load %arg6[%swap3A_2387] {strides = array<i32>} : memref<8192xf32, #tpu.memory_space<vmem>>, vector<16xf32>,
      tpu.vector_store %arg6[%swap3A_2387], %gather3A_2384 {strides = array<i32>} : memref<8192xf32, #tpu.memory_space<vmem>>, vector<16xf32>,
      %gather3A_2389 = tpu.vector_load_idx %arg14[%convert_element_type3A_1942] : memref<256xf32, #tpu.memory_space<vmem>>[vector<16xi32>], vector<16xf32>,
      %add3A_2390 = arith.constant 1536 : i32
      %add3A_2391 = arith.addi %add3A_2390, %add3A_1890 : i32
      %swap3A_2392 = arith.index_cast %add3A_2391 : i32 to index
      %swap3A_2393 = tpu.vector_load %arg6[%swap3A_2392] {strides = array<i32>} : memref<8192xf32, #tpu.memory_space<vmem>>, vector<16xf32>,
      tpu.vector_store %arg6[%swap3A_2392], %gather3A_2389 {strides = array<i32>} : memref<8192xf32, #tpu.memory_space<vmem>>, vector<16xf32>,
      %gather3A_2394 = tpu.vector_load_idx %arg14[%convert_element_type3A_1947] : memref<256xf32, #tpu.memory_space<vmem>>[vector<16xi32>], vector<16xf32>,
      %add3A_2395 = arith.constant 2048 : i32
      %add3A_2396 = arith.addi %add3A_2395, %add3A_1890 : i32
      %swap3A_2397 = arith.index_cast %add3A_2396 : i32 to index
      %swap3A_2398 = tpu.vector_load %arg6[%swap3A_2397] {strides = array<i32>} : memref<8192xf32, #tpu.memory_space<vmem>>, vector<16xf32>,
      tpu.vector_store %arg6[%swap3A_2397], %gather3A_2394 {strides = array<i32>} : memref<8192xf32, #tpu.memory_space<vmem>>, vector<16xf32>,
      %gather3A_2399 = tpu.vector_load_idx %arg14[%convert_element_type3A_1952] : memref<256xf32, #tpu.memory_space<vmem>>[vector<16xi32>], vector<16xf32>,
      %add3A_2400 = arith.constant 2560 : i32
      %add3A_2401 = arith.addi %add3A_2400, %add3A_1890 : i32
      %swap3A_2402 = arith.index_cast %add3A_2401 : i32 to index
      %swap3A_2403 = tpu.vector_load %arg6[%swap3A_2402] {strides = array<i32>} : memref<8192xf32, #tpu.memory_space<vmem>>, vector<16xf32>,
      tpu.vector_store %arg6[%swap3A_2402], %gather3A_2399 {strides = array<i32>} : memref<8192xf32, #tpu.memory_space<vmem>>, vector<16xf32>,
      %gather3A_2404 = tpu.vector_load_idx %arg14[%convert_element_type3A_1957] : memref<256xf32, #tpu.memory_space<vmem>>[vector<16xi32>], vector<16xf32>,
      %add3A_2405 = arith.constant 3072 : i32
      %add3A_2406 = arith.addi %add3A_2405, %add3A_1890 : i32
      %swap3A_2407 = arith.index_cast %add3A_2406 : i32 to index
      %swap3A_2408 = tpu.vector_load %arg6[%swap3A_2407] {strides = array<i32>} : memref<8192xf32, #tpu.memory_space<vmem>>, vector<16xf32>,
      tpu.vector_store %arg6[%swap3A_2407], %gather3A_2404 {strides = array<i32>} : memref<8192xf32, #tpu.memory_space<vmem>>, vector<16xf32>,
      %gather3A_2409 = tpu.vector_load_idx %arg14[%convert_element_type3A_1962] : memref<256xf32, #tpu.memory_space<vmem>>[vector<16xi32>], vector<16xf32>,
      %add3A_2410 = arith.constant 3584 : i32
      %add3A_2411 = arith.addi %add3A_2410, %add3A_1890 : i32
      %swap3A_2412 = arith.index_cast %add3A_2411 : i32 to index
      %swap3A_2413 = tpu.vector_load %arg6[%swap3A_2412] {strides = array<i32>} : memref<8192xf32, #tpu.memory_space<vmem>>, vector<16xf32>,
      tpu.vector_store %arg6[%swap3A_2412], %gather3A_2409 {strides = array<i32>} : memref<8192xf32, #tpu.memory_space<vmem>>, vector<16xf32>,
      %gather3A_2414 = tpu.vector_load_idx %arg14[%convert_element_type3A_1967] : memref<256xf32, #tpu.memory_space<vmem>>[vector<16xi32>], vector<16xf32>,
      %add3A_2415 = arith.constant 4096 : i32
      %add3A_2416 = arith.addi %add3A_2415, %add3A_1890 : i32
      %swap3A_2417 = arith.index_cast %add3A_2416 : i32 to index
      %swap3A_2418 = tpu.vector_load %arg6[%swap3A_2417] {strides = array<i32>} : memref<8192xf32, #tpu.memory_space<vmem>>, vector<16xf32>,
      tpu.vector_store %arg6[%swap3A_2417], %gather3A_2414 {strides = array<i32>} : memref<8192xf32, #tpu.memory_space<vmem>>, vector<16xf32>,
      %gather3A_2419 = tpu.vector_load_idx %arg14[%convert_element_type3A_1972] : memref<256xf32, #tpu.memory_space<vmem>>[vector<16xi32>], vector<16xf32>,
      %add3A_2420 = arith.constant 4608 : i32
      %add3A_2421 = arith.addi %add3A_2420, %add3A_1890 : i32
      %swap3A_2422 = arith.index_cast %add3A_2421 : i32 to index
      %swap3A_2423 = tpu.vector_load %arg6[%swap3A_2422] {strides = array<i32>} : memref<8192xf32, #tpu.memory_space<vmem>>, vector<16xf32>,
      tpu.vector_store %arg6[%swap3A_2422], %gather3A_2419 {strides = array<i32>} : memref<8192xf32, #tpu.memory_space<vmem>>, vector<16xf32>,
      %gather3A_2424 = tpu.vector_load_idx %arg14[%convert_element_type3A_1977] : memref<256xf32, #tpu.memory_space<vmem>>[vector<16xi32>], vector<16xf32>,
      %add3A_2425 = arith.constant 5120 : i32
      %add3A_2426 = arith.addi %add3A_2425, %add3A_1890 : i32
      %swap3A_2427 = arith.index_cast %add3A_2426 : i32 to index
      %swap3A_2428 = tpu.vector_load %arg6[%swap3A_2427] {strides = array<i32>} : memref<8192xf32, #tpu.memory_space<vmem>>, vector<16xf32>,
      tpu.vector_store %arg6[%swap3A_2427], %gather3A_2424 {strides = array<i32>} : memref<8192xf32, #tpu.memory_space<vmem>>, vector<16xf32>,
      %gather3A_2429 = tpu.vector_load_idx %arg14[%convert_element_type3A_1982] : memref<256xf32, #tpu.memory_space<vmem>>[vector<16xi32>], vector<16xf32>,
      %add3A_2430 = arith.constant 5632 : i32
      %add3A_2431 = arith.addi %add3A_2430, %add3A_1890 : i32
      %swap3A_2432 = arith.index_cast %add3A_2431 : i32 to index
      %swap3A_2433 = tpu.vector_load %arg6[%swap3A_2432] {strides = array<i32>} : memref<8192xf32, #tpu.memory_space<vmem>>, vector<16xf32>,
      tpu.vector_store %arg6[%swap3A_2432], %gather3A_2429 {strides = array<i32>} : memref<8192xf32, #tpu.memory_space<vmem>>, vector<16xf32>,
      %gather3A_2434 = tpu.vector_load_idx %arg14[%convert_element_type3A_1987] : memref<256xf32, #tpu.memory_space<vmem>>[vector<16xi32>], vector<16xf32>,
      %add3A_2435 = arith.constant 6144 : i32
      %add3A_2436 = arith.addi %add3A_2435, %add3A_1890 : i32
      %swap3A_2437 = arith.index_cast %add3A_2436 : i32 to index
      %swap3A_2438 = tpu.vector_load %arg6[%swap3A_2437] {strides = array<i32>} : memref<8192xf32, #tpu.memory_space<vmem>>, vector<16xf32>,
      tpu.vector_store %arg6[%swap3A_2437], %gather3A_2434 {strides = array<i32>} : memref<8192xf32, #tpu.memory_space<vmem>>, vector<16xf32>,
      %gather3A_2439 = tpu.vector_load_idx %arg14[%convert_element_type3A_1992] : memref<256xf32, #tpu.memory_space<vmem>>[vector<16xi32>], vector<16xf32>,
      %add3A_2440 = arith.constant 6656 : i32
      %add3A_2441 = arith.addi %add3A_2440, %add3A_1890 : i32
      %swap3A_2442 = arith.index_cast %add3A_2441 : i32 to index
      %swap3A_2443 = tpu.vector_load %arg6[%swap3A_2442] {strides = array<i32>} : memref<8192xf32, #tpu.memory_space<vmem>>, vector<16xf32>,
      tpu.vector_store %arg6[%swap3A_2442], %gather3A_2439 {strides = array<i32>} : memref<8192xf32, #tpu.memory_space<vmem>>, vector<16xf32>,
      %gather3A_2444 = tpu.vector_load_idx %arg14[%convert_element_type3A_1997] : memref<256xf32, #tpu.memory_space<vmem>>[vector<16xi32>], vector<16xf32>,
      %add3A_2445 = arith.constant 7168 : i32
      %add3A_2446 = arith.addi %add3A_2445, %add3A_1890 : i32
      %swap3A_2447 = arith.index_cast %add3A_2446 : i32 to index
      %swap3A_2448 = tpu.vector_load %arg6[%swap3A_2447] {strides = array<i32>} : memref<8192xf32, #tpu.memory_space<vmem>>, vector<16xf32>,
      tpu.vector_store %arg6[%swap3A_2447], %gather3A_2444 {strides = array<i32>} : memref<8192xf32, #tpu.memory_space<vmem>>, vector<16xf32>,
      %gather3A_2449 = tpu.vector_load_idx %arg14[%convert_element_type3A_2002] : memref<256xf32, #tpu.memory_space<vmem>>[vector<16xi32>], vector<16xf32>,
      %add3A_2450 = arith.constant 7680 : i32
      %add3A_2451 = arith.addi %add3A_2450, %add3A_1890 : i32
      %swap3A_2452 = arith.index_cast %add3A_2451 : i32 to index
      %swap3A_2453 = tpu.vector_load %arg6[%swap3A_2452] {strides = array<i32>} : memref<8192xf32, #tpu.memory_space<vmem>>, vector<16xf32>,
      tpu.vector_store %arg6[%swap3A_2452], %gather3A_2449 {strides = array<i32>} : memref<8192xf32, #tpu.memory_space<vmem>>, vector<16xf32>,
    }
    %scan3A_200 = arith.constant 8 : i32
    "tpu.region"() ({
      %run_scoped3A = tpu.sem_alloc : memref<!tpu.dma_semaphore, #tpu.memory_space<semaphore_mem>>
      %dma_start3A_201 = tpu.memref_slice %arg4[%mul3A_2] : memref<262144xf32, #tpu.memory_space<hbm>> -> memref<8192xf32, #tpu.memory_space<hbm>>
      %dma_start3A_202 = tpu.memref_slice %arg4[%mul3A_2] : memref<262144xf32, #tpu.memory_space<hbm>> -> memref<8192xf32, #tpu.memory_space<hbm>>
      tpu.enqueue_dma source(%arg6 : memref<8192xf32, #tpu.memory_space<vmem>>) target(%dma_start3A_202 : memref<8192xf32, #tpu.memory_space<hbm>>) target_semaphore(%run_scoped3A : memref<!tpu.dma_semaphore, #tpu.memory_space<semaphore_mem>>)
      %dma_wait3A_203 = tpu.memref_slice %arg4[%mul3A_2] : memref<262144xf32, #tpu.memory_space<hbm>> -> memref<8192xf32, #tpu.memory_space<hbm>>
      %dma_wait3A_204 = tpu.memref_slice %arg4[%mul3A_2] : memref<262144xf32, #tpu.memory_space<hbm>> -> memref<8192xf32, #tpu.memory_space<hbm>>
      tpu.wait_dma2 semaphore(%run_scoped3A : memref<!tpu.dma_semaphore, #tpu.memory_space<semaphore_mem>>) src(%arg6 : memref<8192xf32, #tpu.memory_space<vmem>>) dst(%dma_wait3A_204 : memref<8192xf32, #tpu.memory_space<hbm>>)
      tpu.yield
    }) : () -> ()
    return
  }
}

</mosaic_0001>

<sc_bundles>
// kernel: kernel.3.cloned.1.call-start
scs
__scs_entry_jumppad:
0x0: {  	(pc) =	sbr.rel $0x88, $3  }
0x1: {  	(tag) =	ssettag $0x0;
	lr =	simm.s32 $0x1  }
0x2: {  	[smem:$0x3F9F] =	sst lr;
	_ =	strace $0xD0000000  }
0x3: {  	_ = 	snop  }
0x4: {  	_ = 	snop  }
0x5: {  	_ = 	snop  }
0x6: {  	_ = 	snop  }
0x7: {  	_ = 	snop  }
__scs_overlays_trampoline_lowered:
0x8: {  	[smem:$0x3FAE] =	sst s0  }
0x9: {  	[smem:$0x3FAF] =	sst s1  }
0xa: {  	[smem:$0x3FB0] =	sst s2  }
0xb: {  	[smem:$0x3FB1] =	sst s3  }
0xc: {  	[smem:$0x3FB2] =	sst s4  }
0xd: {  	[smem:$0x3FB3] =	sst s5  }
0xe: {  	[smem:$0x3FB4] =	sst s6  }
0xf: {  	[smem:$0x3FB5] =	sst s7  }
0x10: {  	[smem:$0x3FB6] =	sst s8  }
0x11: {  	[smem:$0x3FB7] =	sst s9;
	s0 =	simm.s32 @!p0 $0x0  }
0x12: {  	s1 =	sld [smem:$0x3F9D];
	s0 =	simm.s32 @p0 $0x1  }
0x13: {  	[smem:$0x3FB8] =	sst s0;
	s0 =	simm.s32 @!p1 $0x0  }
0x14: {  	s2 =	sld [smem:$0x3F9C];
	s0 =	simm.s32 @p1 $0x1  }
0x15: {  	[smem:$0x3FB9] =	sst s0;
	s0 =	simm.s32 @!p2 $0x0  }
0x16: {  	s3 =	sld [smem:$0x3FDB];
	s0 =	simm.s32 @p2 $0x1  }
0x17: {  	s4 =	simm.s32 $0x1BF5;
	[smem:$0x3FBB] =	sst s0  }
0x18: {  	s0 =	sld [smem:$0x3F9E];
	_ =	swait.ge [sflag:s4], $0x0  }
0x19: {  	s7 =	sld [smem:$0x3F9F]  }
0x1a: {  	s8 =	sadd.s32 $0xFFFFE003, lr  }
0x1b: {  	s9 =	sadd.s32 $0xFFFFFEF7, lr;
	s5 =	simm.s32 $0xFFFFFFFF;
	p2 =	slt.u32 s8, $0xFFFFF086  }
0x1c: {  	p1 =	slt.u32 s9, $0xF7A;
	s5 =	simm.s32 @!p2 $0x0  }
0x1d: {  	s5 =	simm.s32 @p1 $0x1;
	p0 =	seq.s32 s7, s2  }
0x1e: {  	s7 =	smul.u32 @!p0 $0xF7A, s2;
	p2 =	seq.s32 @!p0 s5, $0x0  }
0x1f: {  	s9 =	smul.u32 $0xF7A, s1;
	s8 =	simm.s32 @!p0 $0x1BF5;
	p2 =	por !p2, p0  }
0x20: {  	[sflag:s8] =	ssyncset.s32 @!p0 $0xFFFFF086;
	s6 =	sadd.s32 @!p0 s3, s7;
	s7 =	simm.s32 @!p0 $0x108  }
0x21: {  	s3 =	sadd.s32 s3, s9;
	s6 =	sadd.s32 @!p0 $0x88, s6;
	s7 =	simm.s32 @p2 $0x1082  }
0x22: {  	[simem:s7], [sflag:s8] =	dma.local @!p0 [hbm:s6], $0xF7A  }
0x23: {  	s9 =	sor.u32 $0xD0000000, s2;
	s6 =	simm.s32 $0x108;
	_ =	swait.ge @!p0 [sflag:s8], $0x0  }
0x24: {  	s3 =	sadd.s32 $0x88, s3;
	s6 =	simm.s32 @!p1 $0x1082;
	[sflag:s4] =	ssyncset.s32 $0xFFFFF086  }
0x25: {  	[simem:s6], [sflag:s4] =	dma.local [hbm:s3], $0xF7A  }
0x26: {  	[smem:$0x3F9F] =	sst s1;
	(tag) =	ssettag s2;
	_ =	strace s9  }
0x27: {  	s1 =	sld [smem:$0x3FAF]  }
0x28: {  	s2 =	sld [smem:$0x3FB0]  }
0x29: {  	s4 =	sld [smem:$0x3FB2]  }
0x2a: {  	p0 =	seq.s32 s5, $0x0;
	s5 =	sld [smem:$0x3FB3]  }
0x2b: {  	s6 =	sld [smem:$0x3FB4]  }
0x2c: {  	s7 =	sld [smem:$0x3FB5]  }
0x2d: {  	s3 =	simm.s32 $0x108;
	s8 =	sld [smem:$0x3FB6]  }
0x2e: {  	s3 =	simm.s32 @!p0 $0x1082;
	s9 =	sld [smem:$0x3FB7]  }
0x2f: {  	lr =	sadd.s32 s0, s3;
	s0 =	sld [smem:$0x3FAE]  }
0x30: {  	s3 =	sld [smem:$0x3FB1]  }
0x31: {  	[smem:$0x3FBA] =	sst s10  }
0x32: {  	s10 =	sld [smem:$0x3FB8];
	_ =	sdelay $0x3  }
0x33: {  	p0 =	seq.s32 s10, $0x1;
	s10 =	sld [smem:$0x3FBA];
	_ =	sdelay $0x3  }
0x34: {  	[smem:$0x3FBA] =	sst s10  }
0x35: {  	s10 =	sld [smem:$0x3FB9];
	_ =	sdelay $0x3  }
0x36: {  	p1 =	seq.s32 s10, $0x1;
	s10 =	sld [smem:$0x3FBA];
	_ =	sdelay $0x3  }
0x37: {  	[smem:$0x3FBA] =	sst s10  }
0x38: {  	s10 =	sld [smem:$0x3FBB]  }
0x39: {  	_ = 	snop;
	(pc) =	sbr.ind lr, $3  }
0x3a: {  	_ = 	snop  }
0x3b: {  	_ = 	snop  }
0x3c: {  	p2 =	seq.s32 s10, $0x1;
	s10 =	sld [smem:$0x3FBA]  }
0x3d: {  	_ =	shalt  }
0x3e: {  	_ =	shalt  }
0x3f: {  	_ =	shalt  }
0x40: {  	_ =	shalt  }
0x41: {  	_ =	shalt  }
0x42: {  	_ =	shalt  }
0x43: {  	_ =	shalt  }
0x44: {  	_ =	shalt  }
0x45: {  	_ =	shalt  }
0x46: {  	_ =	shalt  }
0x47: {  	_ =	shalt  }
0x48: {  	_ =	shalt  }
0x49: {  	_ =	shalt  }
0x4a: {  	_ =	shalt  }
0x4b: {  	_ =	shalt  }
0x4c: {  	_ =	shalt  }
0x4d: {  	_ =	shalt  }
0x4e: {  	_ =	shalt  }
0x4f: {  	_ =	shalt  }
0x50: {  	_ =	shalt  }
0x51: {  	_ =	shalt  }
0x52: {  	_ =	shalt  }
0x53: {  	_ =	shalt  }
0x54: {  	_ =	shalt  }
0x55: {  	_ =	shalt  }
0x56: {  	_ =	shalt  }
0x57: {  	_ =	shalt  }
0x58: {  	_ =	shalt  }
0x59: {  	_ =	shalt  }
0x5a: {  	_ =	shalt  }
0x5b: {  	_ =	shalt  }
0x5c: {  	_ =	shalt  }
0x5d: {  	_ =	shalt  }
0x5e: {  	_ =	shalt  }
0x5f: {  	_ =	shalt  }
0x60: {  	_ =	shalt  }
0x61: {  	_ =	shalt  }
0x62: {  	_ =	shalt  }
0x63: {  	_ =	shalt  }
0x64: {  	_ =	shalt  }
0x65: {  	_ =	shalt  }
0x66: {  	_ =	shalt  }
0x67: {  	_ =	shalt  }
0x68: {  	_ =	shalt  }
0x69: {  	_ =	shalt  }
0x6a: {  	_ =	shalt  }
0x6b: {  	_ =	shalt  }
0x6c: {  	_ =	shalt  }
0x6d: {  	_ =	shalt  }
0x6e: {  	_ =	shalt  }
0x6f: {  	_ =	shalt  }
0x70: {  	_ =	shalt  }
0x71: {  	_ =	shalt  }
0x72: {  	_ =	shalt  }
0x73: {  	_ =	shalt  }
0x74: {  	_ =	shalt  }
0x75: {  	_ =	shalt  }
0x76: {  	_ =	shalt  }
0x77: {  	_ =	shalt  }
0x78: {  	_ =	shalt  }
0x79: {  	_ =	shalt  }
0x7a: {  	_ =	shalt  }
0x7b: {  	_ =	shalt  }
0x7c: {  	_ =	shalt  }
0x7d: {  	_ =	shalt  }
0x7e: {  	_ =	shalt  }
0x7f: {  	_ =	shalt  }
0x80: {  	_ =	shalt  }
0x81: {  	_ =	shalt  }
0x82: {  	_ =	shalt  }
0x83: {  	_ =	shalt  }
0x84: {  	_ =	shalt  }
0x85: {  	_ =	shalt  }
0x86: {  	_ =	shalt  }
0x87: {  	_ =	shalt  }
.Lfunc_end0:
.L_simem_size_0:
called_computation_lowered:
.L_overlay_start_0:
0x88: {  	s2 =	sld [smem:$0x3FD9]  }
0x89: {  	s3 =	sld [smem:$0x3FFE];
	_ =	sdelay $0x1  }
0x8a: {  	s1 =	srdreg.scid  }
0x8b: {  	s0 =	sand.u32 $0x1, s1  }
0x8c: {  	s18 =	sshll.u32 s0, $0xA;
	s2 =	sadd.s32 s3, s2  }
0x8d: {  	s2 =	sadd.s32 s2, s18  }
0x8e: {  	[smem:$0x3FC6] =	sst s2  }
0x8f: {  	_ = 	snop  }
0x90: {  	s2 =	sld [smem:$0x3FC9]  }
0x91: {  	s19 =	sld [smem:$0x3FC8]  }
0x92: {  	s4 =	sld [smem:$0x3FD0];
	(tm) =	ssettm $0x1  }
0x93: {  	s5 =	sld [smem:$0x3FFB];
	_ =	sdelay $0x3  }
0x94: {  	_ =	strace s5  }
0x95: {  	s5 =	sld [smem:$0x3FFC];
	_ =	sdelay $0x3  }
0x96: {  	_ =	strace s5  }
0x97: {  	s5 =	sld [smem:$0x3FFD];
	_ =	sdelay $0x3  }
0x98: {  	_ =	strace s5  }
0x99: {  	_ =	strace $0x8FFFFFFF  }
0x9a: {  	s20 =	sld [smem:$0x3FDB];
	_ =	sdelay $0x1  }
0x9b: {  	s6 =	simm.s32 $_scs_section_size  }
0x9c: {  	s7 =	simm.s32 $_size__tile_overlayer_lowered;
	s8 =	simm.s32 $_tile_overlayer_lowered  }
0x9d: {  	s23 =	simm.s32 $0x1BFF;
	s22 =	sshll.u32 s8, $0x1;
	s5 =	sadd.s32 s6, s20  }
0x9e: {  	s9 =	simm.s32 $0x0;
	s21 =	sshll.u32 s7, $0x1;
	s7 =	sadd.s32 s22, s5  }
0x9f: {  	[timem:s9], [sflag:s23] =	dma.local [hbm:s7], s21  }
0xa0: {  	_ =	swait.ge [sflag:s23], s21  }
0xa1: {  	s6 =	ssub.s32 $0x0, s21;
	[sflag:s23] =	ssyncset.done $0x0  }
0xa2: {  	[sflag:s23] =	ssyncadd.s32 s6;
	_ =	sdelay $0x1  }
0xa3: {  	s24 =	simm.s32 $0x1B8B  }
0xa4: {  	_ =	swait.ge [sflag:s24], $0x1  }
0xa5: {  	[sflag:s24] =	ssyncset.done $0x0  }
0xa6: {  	s25 =	simm.s32 $0x1B8E;
	[sflag:s24] =	ssyncadd.s32 $0xFFFFFFFF  }
0xa7: {  	s26 =	simm.s32 $execute0_lowered;
	[smem:$0x3FD2] =	sst s25  }
0xa8: {  	s6 =	sshll.u32 s26, $0x1;
	_ =	strace $0x80000046;
	[dreg:$0x1] =	wrdreg $0xFFFFFFFF  }
0xa9: {  	s28 =	simm.s32 $_size_execute0_lowered;
	s5 =	sadd.s32 s5, s6;
	[dreg:$0x0] =	wrdreg $0x0  }
0xaa: {  	s6 =	sshll.u32 s28, $0x1;
	[dreg:$0x2] =	wrdreg s5  }
0xab: {  	[dreg:$0x3] =	wrdreg s6  }
0xac: {  	[dreg:$0x4] =	wrdreg $0xC0  }
0xad: {  	_ =	task [dreg:s9], $0x5FFFF  }
0xae: {  	[dreg:$0x1] =	wrdreg $0xFFFFFFFF  }
0xaf: {  	[dreg:$0x0] =	wrdreg $0x60  }
0xb0: {  	[dreg:$0x2] =	wrdreg s2  }
0xb1: {  	[dreg:$0x3] =	wrdreg s19  }
0xb2: {  	[dreg:$0x4] =	wrdreg s4  }
0xb3: {  	[dreg:$0x5] =	wrdreg $0x9  }
0xb4: {  	_ =	task.clear_ibuf [dreg:s9], $0x6FFFF;
	_ =	strace $0x90000046  }
0xb5: {  	s29 =	simm.s32 $0x9;
	_ =	strace $0x80000048  }
0xb6: {  	_ =	swait.ge [sflag:s29], $0x1  }
0xb7: {  	[sflag:s29] =	ssyncadd.s32 $0xFFFFFFFF  }
0xb8: {  	_ =	strace $0x90000048  }
0xb9: {  	_ =	sfence  }
0xba: {  	s30 =	sld [smem:$0x0];
	_ =	sdelay $0x2  }
0xbb: {  	s31 =	sshll.u32 s1, $0xD;
	s1 =	sshrl.u32 s1, $0x2  }
0xbc: {  	s3 =	sand.u32 $0x4000, s31;
	s1 =	sadd.s32 s1, s30  }
0xbd: {  	s0 =	sor.u32 s3, s0;
	s1 =	sshll.u32 s1, $0x11  }
0xbe: {  	s0 =	sor.u32 s1, s0  }
0xbf: {  	s0 =	sadd.s32 $0x8F2B, s0  }
0xc0: {  	[sflag:s0] =	ssyncadd.remote.s32 $0x1  }
0xc1: {  	_ =	sfence.sel $0xFFFF  }
0xc2: {  	[dreg:$0x0] =	wrdreg $0xFFFFFFFF;
	(pc) =	sbr.abs _section_cstart, $3  }
0xc3: {  	[dreg:$0x1] =	wrdreg $0xFFFFFFFF  }
0xc4: {  	_ =	task.clear_ibuf [dreg:s9], $0x2FFFF;
	_ =	strace $0x9FFFFFFF  }
0xc5: {  	(tm) =	ssettm $0x7FFFFFFF  }
tec
execute0_lowered:
.L_overlay_start_1:
0x0: {  	(tag) =	ssettag $0x1  }
0x1: {  	v0 =	vimm.f32 $1.500000000e+01;
	vm0 =	vcmask $0x300  }
0x2: {  	vm14 =	vcmask $0x704;
	v0 =	vsel vm0, $0x0, v0  }
0x3: {  	vm15 =	vcmask $0xB08;
	v0 =	vsel vm14, $0x3F800000, v0  }
0x4: {  	vm4 =	vcmask $0xF0C;
	v0 =	vsel vm15, $0x40000000, v0  }
0x5: {  	vm5 =	vcmask $0x1310;
	v0 =	vsel vm4, $0x40400000, v0  }
0x6: {  	s4 =	rddreg [dreg:$0x0];
	vm6 =	vcmask $0x1714;
	v0 =	vsel vm5, $0x40800000, v0  }
0x7: {  	s5 =	rddreg [dreg:$0x2];
	s6 =	srdreg.scid;
	vm7 =	vcmask $0x1B18;
	v0 =	vsel vm6, $0x40A00000, v0  }
0x8: {  	s1 =	simm.s32 $0x0;
	s0 =	stileid.u32;
	vm8 =	vcmask $0x1F1C;
	s3 =	simm.s32 $0x2;
	v0 =	vsel vm7, $0x40C00000, v0  }
0x9: {  	vm9 =	vcmask $0x2320;
	s10 =	simm.s32 $0x4200;
	s11 =	simm.s32 $0x4100;
	s12 =	simm.s32 $0x4400;
	v0 =	vsel vm8, $0x40E00000, v0  }
0xa: {  	vm10 =	vcmask $0x2724;
	s13 =	simm.s32 $0x4300;
	s14 =	simm.s32 $0x4600;
	s6 =	sand.u32 $0x1, s6;
	v0 =	vsel vm9, $0x41000000, v0  }
0xb: {  	vm11 =	vcmask $0x2B28;
	s8 =	sshll.u32 s0, $0xB;
	s7 =	ssub.s32 $0x2, s6;
	s6 =	sshll.u32 s6, $0xA;
	v0 =	vsel vm10, $0x41100000, v0  }
0xc: {  	vm12 =	vcmask $0x2F2C;
	s15 =	simm.s32 $0x4500;
	[smem:$0x7FF] =	sst s1;
	s6 =	sor.u32 s6, s8;
	v0 =	vsel vm11, $0x41200000, v0  }
0xd: {  	vm13 =	vcmask $0x3330;
	_ =	strace $0x80000047;
	s9 =	sshrl.u32 s7, $0x1;
	s29 =	sadd.s32 s4, s6;
	v0 =	vsel vm12, $0x41300000, v0  }
0xe: {  	vm14 =	vcmask $0x3734;
	s7 =	ssub.s32 s7, s9;
	s30 =	sadd.s32 s5, s6;
	[dreg:$0x4] =	wrdreg s29;
	v0 =	vsel vm13, $0x41400000, v0  }
0xf: {  	s16 =	simm.s32 $0x4800;
	vm15 =	vcmask $0x3B38;
	[dreg:$0x5] =	wrdreg s30;
	s31 =	smax.u32 s7, $0x1;
	v2 =	vsel vm14, $0x41500000, v0  }
0x10: {  	v1 =	vimm.f32 $1.000000000e+00;
	s17 =	simm.s32 $0x4700;
	s19 =	simm.s32 $0x0;
	[dreg:$0x6] =	wrdreg s31;
	v0 =	vimm.f32 $0.0e+00;
	v2 =	vsel vm15, $0x41600000, v2  }
.LBB2_1:
0x11: {  	s0 =	rddreg [dreg:$0x4]  }
0x12: {  	[tilespmem:s1], [sflag:$0x1] =	stream.linear.gather [hbm4b:s0+s1], $0x2000, $0x38;
	[tilespmem:$0x4900] =	vst v63  }
0x13: {  	s30 =	rddreg [dreg:$0x1];
	s2 =	simm.s32 $0x4000  }
0x14: {  	[tilespmem:s2], [sflag:$0x2] =	stream.linear.gather [hbm4b:s30+s1], $0x100, $0x38;
	[tilespmem:$0x4900] =	vst v63  }
0x15: {  	_ =	swait.ge [sflag:s3], $0x100  }
0x16: {  	[sflag:s3] =	ssyncset.done $0x0  }
0x17: {  	[sflag:s3] =	ssyncadd.s32 $0xFFFFFF00  }
0x18: {  	v3 =	vld [tilespmem:$0x4000];
	_ =	sdelay $0x4  }
0x19: {  	v3 =	vsub.f32 $0.0e+00, v3;
	_ =	sdelay $0x1  }
0x1a: {  	v3 =	vmul.f32 $1.442695020e+00, v3;
	_ =	sdelay $0x1  }
0x1b: {  	(erf) = vpow2.f32 v3;
	_ =	sdelay $0x3  }
0x1c: {  	v3 =	vld [tilespmem:$0x4010];
	_ =	sdelay $0x4  }
0x1d: {  	v3 =	vsub.f32 $0.0e+00, v3;
	v4 =	vpop (erf)  }
0x1e: {  	v4 =	vadd.f32 $1.000000000e+00, v4  }
0x1f: {  	v3 =	vmul.f32 $1.442695020e+00, v3  }
0x20: {  	(erf) = vrcp.f32 v4  }
0x21: {  	(erf) = vpow2.f32 v3;
	_ =	sdelay $0x3  }
0x22: {  	v4 =	vld [tilespmem:$0x4020];
	_ =	sdelay $0x3  }
0x23: {  	v3 =	vpop (erf)  }
0x24: {  	v4 =	vsub.f32 $0.0e+00, v4;
	v5 =	vpop (erf)  }
0x25: {  	v5 =	vadd.f32 $1.000000000e+00, v5  }
0x26: {  	v4 =	vmul.f32 $1.442695020e+00, v4  }
0x27: {  	(erf) = vrcp.f32 v5  }
0x28: {  	(erf) = vpow2.f32 v4;
	_ =	sdelay $0x3  }
0x29: {  	v5 =	vld [tilespmem:$0x4030];
	_ =	sdelay $0x3  }
0x2a: {  	v4 =	vpop (erf)  }
0x2b: {  	v5 =	vsub.f32 $0.0e+00, v5;
	v6 =	vpop (erf)  }
0x2c: {  	v6 =	vadd.f32 $1.000000000e+00, v6  }
0x2d: {  	v5 =	vmul.f32 $1.442695020e+00, v5  }
0x2e: {  	(erf) = vrcp.f32 v6  }
0x2f: {  	(erf) = vpow2.f32 v5;
	_ =	sdelay $0x3  }
0x30: {  	v6 =	vld [tilespmem:$0x4040];
	_ =	sdelay $0x3  }
0x31: {  	v5 =	vpop (erf)  }
0x32: {  	v6 =	vsub.f32 $0.0e+00, v6;
	v7 =	vpop (erf)  }
0x33: {  	v7 =	vadd.f32 $1.000000000e+00, v7  }
0x34: {  	v6 =	vmul.f32 $1.442695020e+00, v6  }
0x35: {  	(erf) = vrcp.f32 v7  }
0x36: {  	(erf) = vpow2.f32 v6;
	_ =	sdelay $0x3  }
0x37: {  	v7 =	vld [tilespmem:$0x4050];
	_ =	sdelay $0x3  }
0x38: {  	v6 =	vpop (erf)  }
0x39: {  	v7 =	vsub.f32 $0.0e+00, v7;
	v8 =	vpop (erf)  }
0x3a: {  	v8 =	vadd.f32 $1.000000000e+00, v8  }
0x3b: {  	v7 =	vmul.f32 $1.442695020e+00, v7  }
0x3c: {  	(erf) = vrcp.f32 v8  }
0x3d: {  	(erf) = vpow2.f32 v7;
	_ =	sdelay $0x3  }
0x3e: {  	v8 =	vld [tilespmem:$0x4060];
	_ =	sdelay $0x3  }
0x3f: {  	v7 =	vpop (erf)  }
0x40: {  	v8 =	vsub.f32 $0.0e+00, v8;
	v9 =	vpop (erf)  }
0x41: {  	v9 =	vadd.f32 $1.000000000e+00, v9  }
0x42: {  	v8 =	vmul.f32 $1.442695020e+00, v8  }
0x43: {  	(erf) = vrcp.f32 v9  }
0x44: {  	(erf) = vpow2.f32 v8;
	_ =	sdelay $0x3  }
0x45: {  	v9 =	vld [tilespmem:$0x4070];
	_ =	sdelay $0x3  }
0x46: {  	v8 =	vpop (erf)  }
0x47: {  	v9 =	vsub.f32 $0.0e+00, v9;
	v10 =	vpop (erf)  }
0x48: {  	v10 =	vadd.f32 $1.000000000e+00, v10  }
0x49: {  	v9 =	vmul.f32 $1.442695020e+00, v9  }
0x4a: {  	(erf) = vrcp.f32 v10  }
0x4b: {  	(erf) = vpow2.f32 v9;
	_ =	sdelay $0x3  }
0x4c: {  	v10 =	vld [tilespmem:$0x4080];
	_ =	sdelay $0x3  }
0x4d: {  	v9 =	vpop (erf)  }
0x4e: {  	v10 =	vsub.f32 $0.0e+00, v10;
	v11 =	vpop (erf)  }
0x4f: {  	v11 =	vadd.f32 $1.000000000e+00, v11  }
0x50: {  	v10 =	vmul.f32 $1.442695020e+00, v10  }
0x51: {  	(erf) = vrcp.f32 v11  }
0x52: {  	(erf) = vpow2.f32 v10;
	_ =	sdelay $0x3  }
0x53: {  	v11 =	vld [tilespmem:$0x4090];
	_ =	sdelay $0x3  }
0x54: {  	v10 =	vpop (erf)  }
0x55: {  	v11 =	vsub.f32 $0.0e+00, v11;
	v12 =	vpop (erf)  }
0x56: {  	v12 =	vadd.f32 $1.000000000e+00, v12  }
0x57: {  	v11 =	vmul.f32 $1.442695020e+00, v11  }
0x58: {  	(erf) = vrcp.f32 v12  }
0x59: {  	(erf) = vpow2.f32 v11;
	_ =	sdelay $0x3  }
0x5a: {  	v12 =	vld [tilespmem:$0x40A0];
	_ =	sdelay $0x3  }
0x5b: {  	v11 =	vpop (erf)  }
0x5c: {  	v12 =	vsub.f32 $0.0e+00, v12;
	v13 =	vpop (erf)  }
0x5d: {  	v13 =	vadd.f32 $1.000000000e+00, v13  }
0x5e: {  	v12 =	vmul.f32 $1.442695020e+00, v12  }
0x5f: {  	(erf) = vrcp.f32 v13  }
0x60: {  	(erf) = vpow2.f32 v12;
	_ =	sdelay $0x3  }
0x61: {  	v13 =	vld [tilespmem:$0x40B0];
	_ =	sdelay $0x3  }
0x62: {  	v12 =	vpop (erf)  }
0x63: {  	v13 =	vsub.f32 $0.0e+00, v13;
	v14 =	vpop (erf)  }
0x64: {  	v14 =	vadd.f32 $1.000000000e+00, v14  }
0x65: {  	v13 =	vmul.f32 $1.442695020e+00, v13  }
0x66: {  	(erf) = vrcp.f32 v14  }
0x67: {  	(erf) = vpow2.f32 v13;
	_ =	sdelay $0x3  }
0x68: {  	v14 =	vld [tilespmem:$0x40C0];
	_ =	sdelay $0x3  }
0x69: {  	v13 =	vpop (erf)  }
0x6a: {  	v14 =	vsub.f32 $0.0e+00, v14;
	v15 =	vpop (erf)  }
0x6b: {  	v15 =	vadd.f32 $1.000000000e+00, v15  }
0x6c: {  	v14 =	vmul.f32 $1.442695020e+00, v14  }
0x6d: {  	(erf) = vrcp.f32 v15  }
0x6e: {  	(erf) = vpow2.f32 v14;
	_ =	sdelay $0x3  }
0x6f: {  	v15 =	vld [tilespmem:$0x40D0];
	_ =	sdelay $0x3  }
0x70: {  	v14 =	vpop (erf)  }
0x71: {  	v15 =	vsub.f32 $0.0e+00, v15;
	v16 =	vpop (erf)  }
0x72: {  	v16 =	vadd.f32 $1.000000000e+00, v16  }
0x73: {  	v15 =	vmul.f32 $1.442695020e+00, v15  }
0x74: {  	(erf) = vrcp.f32 v16  }
0x75: {  	(erf) = vpow2.f32 v15;
	_ =	sdelay $0x3  }
0x76: {  	v16 =	vld [tilespmem:$0x40E0];
	_ =	sdelay $0x3  }
0x77: {  	v15 =	vpop (erf)  }
0x78: {  	v16 =	vsub.f32 $0.0e+00, v16;
	v17 =	vpop (erf)  }
0x79: {  	v17 =	vadd.f32 $1.000000000e+00, v17  }
0x7a: {  	v16 =	vmul.f32 $1.442695020e+00, v16  }
0x7b: {  	(erf) = vrcp.f32 v17  }
0x7c: {  	(erf) = vpow2.f32 v16;
	_ =	sdelay $0x3  }
0x7d: {  	v17 =	vld [tilespmem:$0x40F0];
	_ =	sdelay $0x3  }
0x7e: {  	v16 =	vpop (erf)  }
0x7f: {  	v17 =	vsub.f32 $0.0e+00, v17;
	v18 =	vpop (erf)  }
0x80: {  	v18 =	vadd.f32 $1.000000000e+00, v18  }
0x81: {  	v17 =	vmul.f32 $1.442695020e+00, v17  }
0x82: {  	(erf) = vrcp.f32 v18  }
0x83: {  	(erf) = vpow2.f32 v17;
	_ =	sdelay $0x7  }
0x84: {  	v17 =	vpop (erf)  }
0x85: {  	v18 =	vpop (erf)  }
0x86: {  	v18 =	vadd.f32 $1.000000000e+00, v18;
	_ =	sdelay $0x1  }
0x87: {  	(erf) = vrcp.f32 v18;
	_ =	sdelay $0x8  }
0x88: {  	s31 =	simm.s32 $0x1;
	v18 =	vpop (erf)  }
0x89: {  	_ =	swait.ge [sflag:s31], $0x2000  }
0x8a: {  	[sflag:s31] =	ssyncset.done $0x0  }
0x8b: {  	s20 =	simm.s32 $0xFFFFF800;
	[sflag:s31] =	ssyncadd.s32 $0xFFFFE000  }
.LBB2_2:
0x8c: {  	[tilespmem:$0x4200] =	vst v0  }
0x8d: {  	[tilespmem:$0x4210] =	vst v0  }
0x8e: {  	[tilespmem:$0x4220] =	vst v0  }
0x8f: {  	[tilespmem:$0x4230] =	vst v0  }
0x90: {  	[tilespmem:$0x4240] =	vst v0  }
0x91: {  	[tilespmem:$0x4250] =	vst v0  }
0x92: {  	[tilespmem:$0x4260] =	vst v0  }
0x93: {  	[tilespmem:$0x4270] =	vst v0  }
0x94: {  	[tilespmem:$0x4280] =	vst v0  }
0x95: {  	[tilespmem:$0x4290] =	vst v0  }
0x96: {  	[tilespmem:$0x42A0] =	vst v0  }
0x97: {  	[tilespmem:$0x42B0] =	vst v0  }
0x98: {  	[tilespmem:$0x42C0] =	vst v0  }
0x99: {  	[tilespmem:$0x42D0] =	vst v0  }
0x9a: {  	[tilespmem:$0x42E0] =	vst v0  }
0x9b: {  	[tilespmem:$0x42F0] =	vst v0;
	s21 =	sshra.s32 s20, $0x2  }
0x9c: {  	v19 =	vld [tilespmem:s21+$0x200];
	_ =	sdelay $0x4  }
0x9d: {  	v19 =	vtrunc.f32 v19  }
0x9e: {  	v19 =	vcvt.f32.s32 v19;
	_ =	sdelay $0x5  }
0x9f: {  	[tilespmem:v19+s10+$0x0] =	vst.idx.add.f32.msk $0xffff, v1  }
0xa0: {  	v20 =	vld [tilespmem:s21+$0x400];
	_ =	sdelay $0x4  }
0xa1: {  	v20 =	vtrunc.f32 v20  }
0xa2: {  	v20 =	vcvt.f32.s32 v20;
	_ =	sdelay $0x5  }
0xa3: {  	[tilespmem:v20+s10+$0x0] =	vst.idx.add.f32.msk $0xffff, v1  }
0xa4: {  	v21 =	vld [tilespmem:s21+$0x600];
	_ =	sdelay $0x4  }
0xa5: {  	v21 =	vtrunc.f32 v21  }
0xa6: {  	v21 =	vcvt.f32.s32 v21;
	_ =	sdelay $0x5  }
0xa7: {  	[tilespmem:v21+s10+$0x0] =	vst.idx.add.f32.msk $0xffff, v1  }
0xa8: {  	v22 =	vld [tilespmem:s21+$0x800];
	_ =	sdelay $0x4  }
0xa9: {  	v22 =	vtrunc.f32 v22  }
0xaa: {  	v22 =	vcvt.f32.s32 v22;
	_ =	sdelay $0x5  }
0xab: {  	[tilespmem:v22+s10+$0x0] =	vst.idx.add.f32.msk $0xffff, v1  }
0xac: {  	v23 =	vld [tilespmem:s21+$0xA00];
	_ =	sdelay $0x4  }
0xad: {  	v23 =	vtrunc.f32 v23  }
0xae: {  	v23 =	vcvt.f32.s32 v23;
	_ =	sdelay $0x5  }
0xaf: {  	[tilespmem:v23+s10+$0x0] =	vst.idx.add.f32.msk $0xffff, v1  }
0xb0: {  	v24 =	vld [tilespmem:s21+$0xC00];
	_ =	sdelay $0x4  }
0xb1: {  	v24 =	vtrunc.f32 v24  }
0xb2: {  	v24 =	vcvt.f32.s32 v24;
	_ =	sdelay $0x5  }
0xb3: {  	[tilespmem:v24+s10+$0x0] =	vst.idx.add.f32.msk $0xffff, v1  }
0xb4: {  	v25 =	vld [tilespmem:s21+$0xE00];
	_ =	sdelay $0x4  }
0xb5: {  	v25 =	vtrunc.f32 v25  }
0xb6: {  	v25 =	vcvt.f32.s32 v25;
	_ =	sdelay $0x5  }
0xb7: {  	[tilespmem:v25+s10+$0x0] =	vst.idx.add.f32.msk $0xffff, v1  }
0xb8: {  	v26 =	vld [tilespmem:s21+$0x1000];
	_ =	sdelay $0x4  }
0xb9: {  	v26 =	vtrunc.f32 v26  }
0xba: {  	v26 =	vcvt.f32.s32 v26;
	_ =	sdelay $0x5  }
0xbb: {  	[tilespmem:v26+s10+$0x0] =	vst.idx.add.f32.msk $0xffff, v1  }
0xbc: {  	v27 =	vld [tilespmem:s21+$0x1200];
	_ =	sdelay $0x4  }
0xbd: {  	v27 =	vtrunc.f32 v27  }
0xbe: {  	v27 =	vcvt.f32.s32 v27;
	_ =	sdelay $0x5  }
0xbf: {  	[tilespmem:v27+s10+$0x0] =	vst.idx.add.f32.msk $0xffff, v1  }
0xc0: {  	v28 =	vld [tilespmem:s21+$0x1400];
	_ =	sdelay $0x4  }
0xc1: {  	v28 =	vtrunc.f32 v28  }
0xc2: {  	v28 =	vcvt.f32.s32 v28;
	_ =	sdelay $0x5  }
0xc3: {  	[tilespmem:v28+s10+$0x0] =	vst.idx.add.f32.msk $0xffff, v1  }
0xc4: {  	v29 =	vld [tilespmem:s21+$0x1600];
	_ =	sdelay $0x4  }
0xc5: {  	v29 =	vtrunc.f32 v29  }
0xc6: {  	v29 =	vcvt.f32.s32 v29;
	_ =	sdelay $0x5  }
0xc7: {  	[tilespmem:v29+s10+$0x0] =	vst.idx.add.f32.msk $0xffff, v1  }
0xc8: {  	v30 =	vld [tilespmem:s21+$0x1800];
	_ =	sdelay $0x4  }
0xc9: {  	v30 =	vtrunc.f32 v30  }
0xca: {  	v30 =	vcvt.f32.s32 v30;
	_ =	sdelay $0x5  }
0xcb: {  	[tilespmem:v30+s10+$0x0] =	vst.idx.add.f32.msk $0xffff, v1  }
0xcc: {  	v31 =	vld [tilespmem:s21+$0x1A00];
	_ =	sdelay $0x4  }
0xcd: {  	v31 =	vtrunc.f32 v31  }
0xce: {  	v31 =	vcvt.f32.s32 v31;
	_ =	sdelay $0x5  }
0xcf: {  	[tilespmem:v31+s10+$0x0] =	vst.idx.add.f32.msk $0xffff, v1  }
0xd0: {  	v32 =	vld [tilespmem:s21+$0x1C00];
	_ =	sdelay $0x4  }
0xd1: {  	v32 =	vtrunc.f32 v32  }
0xd2: {  	v32 =	vcvt.f32.s32 v32;
	_ =	sdelay $0x5  }
0xd3: {  	[tilespmem:v32+s10+$0x0] =	vst.idx.add.f32.msk $0xffff, v1  }
0xd4: {  	v33 =	vld [tilespmem:s21+$0x1E00];
	_ =	sdelay $0x4  }
0xd5: {  	v33 =	vtrunc.f32 v33  }
0xd6: {  	v33 =	vcvt.f32.s32 v33;
	_ =	sdelay $0x5  }
0xd7: {  	[tilespmem:v33+s10+$0x0] =	vst.idx.add.f32.msk $0xffff, v1  }
0xd8: {  	v34 =	vld [tilespmem:s21+$0x2000];
	_ =	sdelay $0x4  }
0xd9: {  	v34 =	vtrunc.f32 v34  }
0xda: {  	v34 =	vcvt.f32.s32 v34;
	_ =	sdelay $0x5  }
0xdb: {  	[tilespmem:v34+s10+$0x0] =	vst.idx.add.f32.msk $0xffff, v1  }
0xdc: {  	v35 =	vld [tilespmem:$0x4200];
	_ =	sdelay $0x1  }
0xdd: {  	v36 =	vld [tilespmem:$0x4210];
	_ =	sdelay $0x1  }
0xde: {  	v37 =	vld [tilespmem:$0x4220]  }
0xdf: {  	v35 =	vmin.f32 v35, $4.000000000e+00  }
0xe0: {  	v49 =	vld [tilespmem:$0x4230];
	(xrf2) =	vadd.scan.msk.f32 $0xffff, v35  }
0xe1: {  	v36 =	vmin.f32 v36, $4.000000000e+00  }
0xe2: {  	v50 =	vld [tilespmem:$0x4240];
	(xrf2) =	vadd.scan.msk.f32 $0xffff, v36  }
0xe3: {  	v37 =	vmin.f32 v37, $4.000000000e+00  }
0xe4: {  	v51 =	vld [tilespmem:$0x4250];
	(xrf2) =	vadd.scan.msk.f32 $0xffff, v37  }
0xe5: {  	v35 =	vmin.f32 v49, $4.000000000e+00  }
0xe6: {  	v52 =	vld [tilespmem:$0x4260];
	(xrf2) =	vadd.scan.msk.f32 $0xffff, v35  }
0xe7: {  	v36 =	vmin.f32 v50, $4.000000000e+00  }
0xe8: {  	v53 =	vld [tilespmem:$0x4270];
	(xrf2) =	vadd.scan.msk.f32 $0xffff, v36  }
0xe9: {  	v37 =	vmin.f32 v51, $4.000000000e+00  }
0xea: {  	v54 =	vld [tilespmem:$0x4280];
	v41, _, _ =	vpop (xrf2);
	(xrf2) =	vadd.scan.msk.f32 $0xffff, v37  }
0xeb: {  	v35 =	vmin.f32 v52, $4.000000000e+00;
	(v2sf) =	vpush v41, $0xF  }
0xec: {  	v55 =	vld [tilespmem:$0x4290];
	v42, _, _ =	vpop (xrf2);
	(xrf2) =	vadd.scan.msk.f32 $0xffff, v35  }
0xed: {  	v36 =	vmin.f32 v53, $4.000000000e+00;
	(v2sf) =	vpush v42, $0xF  }
0xee: {  	v56 =	vld [tilespmem:$0x42A0];
	v43, _, _ =	vpop (xrf2);
	(xrf2) =	vadd.scan.msk.f32 $0xffff, v36  }
0xef: {  	v37 =	vmin.f32 v54, $4.000000000e+00;
	(v2sf) =	vpush v43, $0xF  }
0xf0: {  	v57 =	vld [tilespmem:$0x42B0];
	v44, _, _ =	vpop (xrf2);
	(xrf2) =	vadd.scan.msk.f32 $0xffff, v37  }
0xf1: {  	v35 =	vmin.f32 v55, $4.000000000e+00;
	(v2sf) =	vpush v44, $0xF  }
0xf2: {  	v58 =	vld [tilespmem:$0x42C0];
	v45, _, _ =	vpop (xrf2);
	(xrf2) =	vadd.scan.msk.f32 $0xffff, v35  }
0xf3: {  	v36 =	vmin.f32 v56, $4.000000000e+00;
	(v2sf) =	vpush v45, $0xF  }
0xf4: {  	v59 =	vld [tilespmem:$0x42D0];
	v46, _, _ =	vpop (xrf2);
	(xrf2) =	vadd.scan.msk.f32 $0xffff, v36  }
0xf5: {  	v37 =	vmin.f32 v57, $4.000000000e+00;
	(v2sf) =	vpush v46, $0xF  }
0xf6: {  	v60 =	vld [tilespmem:$0x42E0];
	v47, _, _ =	vpop (xrf2);
	(xrf2) =	vadd.scan.msk.f32 $0xffff, v37  }
0xf7: {  	v35 =	vmin.f32 v58, $4.000000000e+00;
	(v2sf) =	vpush v47, $0xF  }
0xf8: {  	v61 =	vld [tilespmem:$0x42F0];
	v48, _, _ =	vpop (xrf2);
	(xrf2) =	vadd.scan.msk.f32 $0xffff, v35  }
0xf9: {  	v36 =	vmin.f32 v59, $4.000000000e+00;
	(v2sf) =	vpush v48, $0xF  }
0xfa: {  	v49, _, _ =	vpop (xrf2);
	(xrf2) =	vadd.scan.msk.f32 $0xffff, v36;
	s22 =	spop (v2sf)  }
0xfb: {  	v62 =	vmin.f32 v60, $4.000000000e+00;
	(v2sf) =	vpush v49, $0xF;
	s0 =	sadd.f32 $0.0e+00, s22  }
0xfc: {  	v50, _, _ =	vpop (xrf2);
	(xrf2) =	vadd.scan.msk.f32 $0xffff, v62;
	s31 =	spop (v2sf)  }
0xfd: {  	v35 =	vmin.f32 v61, $4.000000000e+00;
	(v2sf) =	vpush v50, $0xF;
	s2 =	sadd.f32 s31, s0  }
0xfe: {  	s1 =	spop (v2sf);
	v39, _, _ =	vpop (xrf2);
	(xrf2) =	vadd.scan.msk.f32 $0xffff, v35  }
0xff: {  	s1 =	sadd.f32 s1, s2;
	(v2sf) =	vpush v39, $0xF  }
0x100: {  	s3 =	spop (v2sf);
	v40, _, _ =	vpop (xrf2)  }
0x101: {  	(v2sf) =	vpush v40, $0xF;
	s7 =	sadd.f32 s3, s1  }
0x102: {  	s4 =	spop (v2sf);
	v38, _, _ =	vpop (xrf2)  }
0x103: {  	(v2sf) =	vpush v38, $0xF;
	s18 =	sadd.f32 s4, s7  }
0x104: {  	v37, _, _ =	vpop (xrf2);
	s5 =	spop (v2sf)  }
0x105: {  	(v2sf) =	vpush v37, $0xF;
	s4 =	sadd.f32 s5, s18  }
0x106: {  	v36, _, _ =	vpop (xrf2);
	s6 =	spop (v2sf)  }
0x107: {  	(v2sf) =	vpush v36, $0xF;
	s5 =	sadd.f32 s6, s4  }
0x108: {  	s8 =	spop (v2sf);
	v35, _, _ =	vpop (xrf2)  }
0x109: {  	s6 =	sadd.f32 s8, s5;
	(v2sf) =	vpush v35, $0xF  }
0x10a: {  	s9 =	spop (v2sf)  }
0x10b: {  	s31 =	sadd.f32 s9, s6  }
0x10c: {  	s23 =	spop (v2sf)  }
0x10d: {  	s30 =	sadd.f32 s23, s31  }
0x10e: {  	s24 =	spop (v2sf)  }
0x10f: {  	(v2sf) =	vpush v41, $0x0;
	s29 =	sadd.f32 s24, s30  }
0x110: {  	s25 =	spop (v2sf)  }
0x111: {  	s28 =	sadd.f32 s25, s29  }
0x112: {  	s26 =	spop (v2sf)  }
0x113: {  	s26 =	sadd.f32 s26, s28  }
0x114: {  	s3 =	spop (v2sf)  }
0x115: {  	s23 =	sadd.f32 s3, s26  }
0x116: {  	s8 =	spop (v2sf)  }
0x117: {  	s22 =	sadd.f32 s8, s23  }
0x118: {  	s24 =	spop (v2sf)  }
0x119: {  	s24 =	sadd.f32 s24, s22;
	_ =	sdelay $0x1  }
0x11a: {  	s24 =	ssub.f32 $2.560000000e+02, s24;
	_ =	sdelay $0x1  }
0x11b: {  	s24 =	smul.f32 $3.906250000e-03, s24  }
0x11c: {  	s25 =	spop (v2sf)  }
0x11d: {  	s25 =	sadd.f32 s24, s25;
	_ =	sdelay $0x1  }
0x11e: {  	s3 =	ssub.f32 $2.560000000e+02, s25  }
0x11f: {  	s9 =	ssub.f32 $0.0e+00, s25  }
0x120: {  	s0 =	ssub.f32 s0, s25  }
0x121: {  	s2 =	ssub.f32 s2, s25  }
0x122: {  	s1 =	ssub.f32 s1, s25  }
0x123: {  	s7 =	ssub.f32 s7, s25  }
0x124: {  	s18 =	ssub.f32 s18, s25  }
0x125: {  	s4 =	ssub.f32 s4, s25;
	s3 =	smax.f32 s3, $1.000000010e-07  }
0x126: {  	s8 =	smul.f32 $1.700000000e+01, s24;
	s5 =	ssub.f32 s5, s25;
	v51 =	vmov s3  }
0x127: {  	s26 =	ssub.f32 s26, s25;
	s3 =	smul.f32 $3.300000000e+01, s24;
	(erf) = vrcp.f32 v51  }
0x128: {  	s0 =	sadd.f32 s0, s8;
	s8 =	smul.f32 $4.900000000e+01, s24  }
0x129: {  	v51 =	vmul.f32 s24, v2;
	s2 =	sadd.f32 s2, s3;
	s3 =	smul.f32 $6.500000000e+01, s24  }
0x12a: {  	s1 =	sadd.f32 s1, s8;
	s8 =	smul.f32 $8.100000000e+01, s24  }
0x12b: {  	v41 =	vadd.f32 v51, v41;
	v42 =	vadd.f32 v51, v42;
	s3 =	sadd.f32 s7, s3  }
0x12c: {  	v43 =	vadd.f32 v51, v43;
	v44 =	vadd.f32 v51, v44;
	s7 =	sadd.f32 s18, s8;
	s8 =	smul.f32 $9.700000000e+01, s24  }
0x12d: {  	s9 =	sadd.f32 s9, s24;
	v45 =	vadd.f32 v51, v45;
	v46 =	vadd.f32 v51, v46;
	s18 =	smul.f32 $1.130000000e+02, s24  }
0x12e: {  	v47 =	vadd.f32 v51, v47;
	v48 =	vadd.f32 v51, v48;
	s4 =	sadd.f32 s4, s8  }
0x12f: {  	v49 =	vadd.f32 v51, v49;
	v42 =	vadd.f32 s0, v42;
	s0 =	sadd.f32 s5, s18  }
0x130: {  	v50 =	vadd.f32 v51, v50;
	v39 =	vadd.f32 v51, v39;
	s18 =	ssub.f32 s6, s25;
	v52 =	vpop (erf)  }
0x131: {  	v40 =	vadd.f32 v51, v40;
	v41 =	vadd.f32 s9, v41;
	s8 =	ssub.f32 s31, s25;
	v52 =	vmul.f32 $2.550000000e+02, v52  }
0x132: {  	v38 =	vadd.f32 v51, v38;
	v37 =	vadd.f32 v51, v37;
	s9 =	smul.f32 $1.290000000e+02, s24;
	s31 =	ssub.f32 s29, s25  }
0x133: {  	v36 =	vadd.f32 v51, v36;
	v43 =	vadd.f32 s2, v43;
	s29 =	ssub.f32 s23, s25;
	v41 =	vmul.f32 v52, v41  }
0x134: {  	v35 =	vadd.f32 v51, v35;
	v44 =	vadd.f32 s1, v44;
	s6 =	smul.f32 $1.450000000e+02, s24;
	s2 =	sadd.f32 s18, s9;
	v42 =	vmul.f32 v52, v42  }
0x135: {  	v45 =	vadd.f32 s3, v45;
	s9 =	smul.f32 $1.610000000e+02, s24;
	s18 =	ssub.f32 s30, s25;
	v43 =	vmul.f32 v52, v43;
	v41 =	vmul.f32 v41, v3  }
0x136: {  	v46 =	vadd.f32 s7, v46;
	s1 =	sadd.f32 s8, s6;
	s30 =	smul.f32 $1.770000000e+02, s24;
	v44 =	vmul.f32 v52, v44;
	v42 =	vmul.f32 v42, v4  }
0x137: {  	v47 =	vadd.f32 s4, v47;
	s3 =	sadd.f32 s18, s9;
	v45 =	vmul.f32 v52, v45;
	v43 =	vmul.f32 v43, v5;
	[tilespmem:$0x4100] =	vst v41  }
0x138: {  	v48 =	vadd.f32 s0, v48;
	s7 =	sadd.f32 s31, s30;
	v46 =	vmul.f32 v52, v46;
	v44 =	vmul.f32 v44, v6;
	[tilespmem:$0x4110] =	vst v42  }
0x139: {  	s8 =	smul.f32 $1.930000000e+02, s24;
	v54 =	vadd.f32 s2, v49;
	s9 =	ssub.f32 s28, s25;
	v53 =	vmul.f32 v52, v47;
	v63 =	vmul.f32 v45, v7;
	[tilespmem:$0x4120] =	vst v43  }
0x13a: {  	s18 =	smul.f32 $2.090000000e+02, s24;
	s31 =	ssub.f32 s22, s25;
	v39 =	vadd.f32 s3, v39;
	v56 =	vmul.f32 v52, v48;
	v55 =	vmul.f32 v46, v8;
	[tilespmem:$0x4130] =	vst v44  }
0x13b: {  	s28 =	smul.f32 $2.250000000e+02, s24;
	s2 =	sadd.f32 s9, s8;
	v40 =	vadd.f32 s7, v40;
	v59 =	vmul.f32 v52, v54;
	v58 =	vmul.f32 v53, v9;
	[tilespmem:$0x4140] =	vst v63  }
0x13c: {  	v57 =	vadd.f32 s1, v50;
	s30 =	smul.f32 $2.410000000e+02, s24;
	s1 =	sadd.f32 s26, s18;
	v39 =	vmul.f32 v52, v39;
	v60 =	vmul.f32 v56, v10;
	[tilespmem:$0x4150] =	vst v55  }
0x13d: {  	s4 =	sadd.f32 s29, s28;
	v38 =	vadd.f32 s2, v38;
	v40 =	vmul.f32 v52, v40;
	v62 =	vmul.f32 v59, v11;
	[tilespmem:$0x4160] =	vst v58  }
0x13e: {  	s0 =	sadd.f32 s31, s30;
	v61 =	vmul.f32 v52, v57;
	v37 =	vadd.f32 s1, v37;
	v39 =	vmul.f32 v39, v13;
	[tilespmem:$0x4170] =	vst v60  }
0x13f: {  	v36 =	vadd.f32 s4, v36;
	v38 =	vmul.f32 v52, v38;
	v40 =	vmul.f32 v40, v14;
	[tilespmem:$0x4180] =	vst v62  }
0x140: {  	v35 =	vadd.f32 s0, v35;
	v37 =	vmul.f32 v52, v37;
	v63 =	vmul.f32 v61, v12;
	[tilespmem:$0x41A0] =	vst v39  }
0x141: {  	v36 =	vmul.f32 v52, v36;
	v38 =	vmul.f32 v38, v15;
	[tilespmem:$0x41B0] =	vst v40  }
0x142: {  	v35 =	vmul.f32 v52, v35;
	v37 =	vmul.f32 v37, v16;
	[tilespmem:$0x4190] =	vst v63  }
0x143: {  	v36 =	vmul.f32 v36, v17;
	[tilespmem:$0x41C0] =	vst v38  }
0x144: {  	v35 =	vmul.f32 v35, v18;
	[tilespmem:$0x41D0] =	vst v37  }
0x145: {  	[tilespmem:$0x41E0] =	vst v36  }
0x146: {  	[tilespmem:$0x41F0] =	vst v35  }
0x147: {  	v19 =	vld.idx.msk [tilespmem:v19+s11+$0x0], $0xffff;
	_ =	sdelay $0x4  }
0x148: {  	[tilespmem:s21+$0x2200] =	vst v19  }
0x149: {  	v19 =	vld.idx.msk [tilespmem:v20+s11+$0x0], $0xffff;
	_ =	sdelay $0x4  }
0x14a: {  	[tilespmem:s21+$0x2400] =	vst v19  }
0x14b: {  	v19 =	vld.idx.msk [tilespmem:v21+s11+$0x0], $0xffff;
	_ =	sdelay $0x4  }
0x14c: {  	[tilespmem:s21+$0x2600] =	vst v19  }
0x14d: {  	v19 =	vld.idx.msk [tilespmem:v22+s11+$0x0], $0xffff;
	_ =	sdelay $0x4  }
0x14e: {  	[tilespmem:s21+$0x2800] =	vst v19  }
0x14f: {  	v19 =	vld.idx.msk [tilespmem:v23+s11+$0x0], $0xffff;
	_ =	sdelay $0x4  }
0x150: {  	[tilespmem:s21+$0x2A00] =	vst v19  }
0x151: {  	v19 =	vld.idx.msk [tilespmem:v24+s11+$0x0], $0xffff;
	_ =	sdelay $0x4  }
0x152: {  	[tilespmem:s21+$0x2C00] =	vst v19  }
0x153: {  	v19 =	vld.idx.msk [tilespmem:v25+s11+$0x0], $0xffff;
	_ =	sdelay $0x4  }
0x154: {  	[tilespmem:s21+$0x2E00] =	vst v19  }
0x155: {  	v19 =	vld.idx.msk [tilespmem:v26+s11+$0x0], $0xffff;
	_ =	sdelay $0x4  }
0x156: {  	[tilespmem:s21+$0x3000] =	vst v19  }
0x157: {  	v19 =	vld.idx.msk [tilespmem:v27+s11+$0x0], $0xffff;
	_ =	sdelay $0x4  }
0x158: {  	[tilespmem:s21+$0x3200] =	vst v19  }
0x159: {  	v19 =	vld.idx.msk [tilespmem:v28+s11+$0x0], $0xffff;
	_ =	sdelay $0x4  }
0x15a: {  	[tilespmem:s21+$0x3400] =	vst v19  }
0x15b: {  	v19 =	vld.idx.msk [tilespmem:v29+s11+$0x0], $0xffff;
	_ =	sdelay $0x4  }
0x15c: {  	[tilespmem:s21+$0x3600] =	vst v19  }
0x15d: {  	v19 =	vld.idx.msk [tilespmem:v30+s11+$0x0], $0xffff;
	_ =	sdelay $0x4  }
0x15e: {  	[tilespmem:s21+$0x3800] =	vst v19  }
0x15f: {  	v19 =	vld.idx.msk [tilespmem:v31+s11+$0x0], $0xffff;
	_ =	sdelay $0x4  }
0x160: {  	[tilespmem:s21+$0x3A00] =	vst v19  }
0x161: {  	v19 =	vld.idx.msk [tilespmem:v32+s11+$0x0], $0xffff;
	_ =	sdelay $0x4  }
0x162: {  	[tilespmem:s21+$0x3C00] =	vst v19  }
0x163: {  	v19 =	vld.idx.msk [tilespmem:v33+s11+$0x0], $0xffff;
	_ =	sdelay $0x4  }
0x164: {  	[tilespmem:s21+$0x3E00] =	vst v19  }
0x165: {  	v19 =	vld.idx.msk [tilespmem:v34+s11+$0x0], $0xffff;
	_ =	sdelay $0x4  }
0x166: {  	[tilespmem:s21+$0x4000] =	vst v19  }
0x167: {  	[tilespmem:$0x4400] =	vst v0  }
0x168: {  	[tilespmem:$0x4410] =	vst v0  }
0x169: {  	[tilespmem:$0x4420] =	vst v0  }
0x16a: {  	[tilespmem:$0x4430] =	vst v0  }
0x16b: {  	[tilespmem:$0x4440] =	vst v0  }
0x16c: {  	[tilespmem:$0x4450] =	vst v0  }
0x16d: {  	[tilespmem:$0x4460] =	vst v0  }
0x16e: {  	[tilespmem:$0x4470] =	vst v0  }
0x16f: {  	[tilespmem:$0x4480] =	vst v0  }
0x170: {  	[tilespmem:$0x4490] =	vst v0  }
0x171: {  	[tilespmem:$0x44A0] =	vst v0  }
0x172: {  	[tilespmem:$0x44B0] =	vst v0  }
0x173: {  	[tilespmem:$0x44C0] =	vst v0  }
0x174: {  	[tilespmem:$0x44D0] =	vst v0  }
0x175: {  	[tilespmem:$0x44E0] =	vst v0  }
0x176: {  	[tilespmem:$0x44F0] =	vst v0  }
0x177: {  	v19 =	vld [tilespmem:s21+$0x210];
	_ =	sdelay $0x4  }
0x178: {  	v19 =	vtrunc.f32 v19  }
0x179: {  	v19 =	vcvt.f32.s32 v19;
	_ =	sdelay $0x5  }
0x17a: {  	[tilespmem:v19+s12+$0x0] =	vst.idx.add.f32.msk $0xffff, v1  }
0x17b: {  	v20 =	vld [tilespmem:s21+$0x410];
	_ =	sdelay $0x4  }
0x17c: {  	v20 =	vtrunc.f32 v20  }
0x17d: {  	v20 =	vcvt.f32.s32 v20;
	_ =	sdelay $0x5  }
0x17e: {  	[tilespmem:v20+s12+$0x0] =	vst.idx.add.f32.msk $0xffff, v1  }
0x17f: {  	v34 =	vld [tilespmem:s21+$0x610];
	_ =	sdelay $0x4  }
0x180: {  	v21 =	vtrunc.f32 v34  }
0x181: {  	v21 =	vcvt.f32.s32 v21;
	_ =	sdelay $0x5  }
0x182: {  	[tilespmem:v21+s12+$0x0] =	vst.idx.add.f32.msk $0xffff, v1  }
0x183: {  	v35 =	vld [tilespmem:s21+$0x810];
	_ =	sdelay $0x4  }
0x184: {  	v22 =	vtrunc.f32 v35  }
0x185: {  	v22 =	vcvt.f32.s32 v22;
	_ =	sdelay $0x5  }
0x186: {  	[tilespmem:v22+s12+$0x0] =	vst.idx.add.f32.msk $0xffff, v1  }
0x187: {  	v36 =	vld [tilespmem:s21+$0xA10];
	_ =	sdelay $0x4  }
0x188: {  	v23 =	vtrunc.f32 v36  }
0x189: {  	v23 =	vcvt.f32.s32 v23;
	_ =	sdelay $0x5  }
0x18a: {  	[tilespmem:v23+s12+$0x0] =	vst.idx.add.f32.msk $0xffff, v1  }
0x18b: {  	v37 =	vld [tilespmem:s21+$0xC10];
	_ =	sdelay $0x4  }
0x18c: {  	v24 =	vtrunc.f32 v37  }
0x18d: {  	v24 =	vcvt.f32.s32 v24;
	_ =	sdelay $0x5  }
0x18e: {  	[tilespmem:v24+s12+$0x0] =	vst.idx.add.f32.msk $0xffff, v1  }
0x18f: {  	v38 =	vld [tilespmem:s21+$0xE10];
	_ =	sdelay $0x4  }
0x190: {  	v25 =	vtrunc.f32 v38  }
0x191: {  	v25 =	vcvt.f32.s32 v25;
	_ =	sdelay $0x5  }
0x192: {  	[tilespmem:v25+s12+$0x0] =	vst.idx.add.f32.msk $0xffff, v1  }
0x193: {  	v39 =	vld [tilespmem:s21+$0x1010];
	_ =	sdelay $0x4  }
0x194: {  	v26 =	vtrunc.f32 v39  }
0x195: {  	v26 =	vcvt.f32.s32 v26;
	_ =	sdelay $0x5  }
0x196: {  	[tilespmem:v26+s12+$0x0] =	vst.idx.add.f32.msk $0xffff, v1  }
0x197: {  	v40 =	vld [tilespmem:s21+$0x1210];
	_ =	sdelay $0x4  }
0x198: {  	v27 =	vtrunc.f32 v40  }
0x199: {  	v27 =	vcvt.f32.s32 v27;
	_ =	sdelay $0x5  }
0x19a: {  	[tilespmem:v27+s12+$0x0] =	vst.idx.add.f32.msk $0xffff, v1  }
0x19b: {  	v41 =	vld [tilespmem:s21+$0x1410];
	_ =	sdelay $0x4  }
0x19c: {  	v28 =	vtrunc.f32 v41  }
0x19d: {  	v28 =	vcvt.f32.s32 v28;
	_ =	sdelay $0x5  }
0x19e: {  	[tilespmem:v28+s12+$0x0] =	vst.idx.add.f32.msk $0xffff, v1  }
0x19f: {  	v42 =	vld [tilespmem:s21+$0x1610];
	_ =	sdelay $0x4  }
0x1a0: {  	v29 =	vtrunc.f32 v42  }
0x1a1: {  	v29 =	vcvt.f32.s32 v29;
	_ =	sdelay $0x5  }
0x1a2: {  	[tilespmem:v29+s12+$0x0] =	vst.idx.add.f32.msk $0xffff, v1  }
0x1a3: {  	v43 =	vld [tilespmem:s21+$0x1810];
	_ =	sdelay $0x4  }
0x1a4: {  	v30 =	vtrunc.f32 v43  }
0x1a5: {  	v30 =	vcvt.f32.s32 v30;
	_ =	sdelay $0x5  }
0x1a6: {  	[tilespmem:v30+s12+$0x0] =	vst.idx.add.f32.msk $0xffff, v1  }
0x1a7: {  	v31 =	vld [tilespmem:s21+$0x1A10];
	_ =	sdelay $0x4  }
0x1a8: {  	v31 =	vtrunc.f32 v31  }
0x1a9: {  	v31 =	vcvt.f32.s32 v31;
	_ =	sdelay $0x5  }
0x1aa: {  	[tilespmem:v31+s12+$0x0] =	vst.idx.add.f32.msk $0xffff, v1  }
0x1ab: {  	v44 =	vld [tilespmem:s21+$0x1C10];
	_ =	sdelay $0x4  }
0x1ac: {  	v32 =	vtrunc.f32 v44  }
0x1ad: {  	v32 =	vcvt.f32.s32 v32;
	_ =	sdelay $0x5  }
0x1ae: {  	[tilespmem:v32+s12+$0x0] =	vst.idx.add.f32.msk $0xffff, v1  }
0x1af: {  	v45 =	vld [tilespmem:s21+$0x1E10];
	_ =	sdelay $0x4  }
0x1b0: {  	v33 =	vtrunc.f32 v45  }
0x1b1: {  	v33 =	vcvt.f32.s32 v33;
	_ =	sdelay $0x5  }
0x1b2: {  	[tilespmem:v33+s12+$0x0] =	vst.idx.add.f32.msk $0xffff, v1  }
0x1b3: {  	v46 =	vld [tilespmem:s21+$0x2010];
	_ =	sdelay $0x4  }
0x1b4: {  	v34 =	vtrunc.f32 v46  }
0x1b5: {  	v34 =	vcvt.f32.s32 v34;
	_ =	sdelay $0x5  }
0x1b6: {  	[tilespmem:v34+s12+$0x0] =	vst.idx.add.f32.msk $0xffff, v1  }
0x1b7: {  	v47 =	vld [tilespmem:$0x4400];
	_ =	sdelay $0x1  }
0x1b8: {  	v48 =	vld [tilespmem:$0x4410];
	_ =	sdelay $0x1  }
0x1b9: {  	v49 =	vld [tilespmem:$0x4420]  }
0x1ba: {  	v35 =	vmin.f32 v47, $4.000000000e+00  }
0x1bb: {  	v50 =	vld [tilespmem:$0x4430];
	(xrf2) =	vadd.scan.msk.f32 $0xffff, v35  }
0x1bc: {  	v36 =	vmin.f32 v48, $4.000000000e+00  }
0x1bd: {  	v51 =	vld [tilespmem:$0x4440];
	(xrf2) =	vadd.scan.msk.f32 $0xffff, v36  }
0x1be: {  	v37 =	vmin.f32 v49, $4.000000000e+00  }
0x1bf: {  	v52 =	vld [tilespmem:$0x4450];
	(xrf2) =	vadd.scan.msk.f32 $0xffff, v37  }
0x1c0: {  	v35 =	vmin.f32 v50, $4.000000000e+00  }
0x1c1: {  	v53 =	vld [tilespmem:$0x4460];
	(xrf2) =	vadd.scan.msk.f32 $0xffff, v35  }
0x1c2: {  	v36 =	vmin.f32 v51, $4.000000000e+00  }
0x1c3: {  	v54 =	vld [tilespmem:$0x4470];
	(xrf2) =	vadd.scan.msk.f32 $0xffff, v36  }
0x1c4: {  	v37 =	vmin.f32 v52, $4.000000000e+00  }
0x1c5: {  	v56 =	vld [tilespmem:$0x4480];
	v55, _, _ =	vpop (xrf2);
	(xrf2) =	vadd.scan.msk.f32 $0xffff, v37  }
0x1c6: {  	v35 =	vmin.f32 v53, $4.000000000e+00;
	(v2sf) =	vpush v55, $0xF  }
0x1c7: {  	v57 =	vld [tilespmem:$0x4490];
	v42, _, _ =	vpop (xrf2);
	(xrf2) =	vadd.scan.msk.f32 $0xffff, v35  }
0x1c8: {  	v36 =	vmin.f32 v54, $4.000000000e+00;
	(v2sf) =	vpush v42, $0xF  }
0x1c9: {  	v58 =	vld [tilespmem:$0x44A0];
	v43, _, _ =	vpop (xrf2);
	(xrf2) =	vadd.scan.msk.f32 $0xffff, v36  }
0x1ca: {  	v37 =	vmin.f32 v56, $4.000000000e+00;
	(v2sf) =	vpush v43, $0xF  }
0x1cb: {  	v59 =	vld [tilespmem:$0x44B0];
	v44, _, _ =	vpop (xrf2);
	(xrf2) =	vadd.scan.msk.f32 $0xffff, v37  }
0x1cc: {  	v35 =	vmin.f32 v57, $4.000000000e+00;
	(v2sf) =	vpush v44, $0xF  }
0x1cd: {  	v60 =	vld [tilespmem:$0x44C0];
	v45, _, _ =	vpop (xrf2);
	(xrf2) =	vadd.scan.msk.f32 $0xffff, v35  }
0x1ce: {  	v36 =	vmin.f32 v58, $4.000000000e+00;
	(v2sf) =	vpush v45, $0xF  }
0x1cf: {  	v61 =	vld [tilespmem:$0x44D0];
	v46, _, _ =	vpop (xrf2);
	(xrf2) =	vadd.scan.msk.f32 $0xffff, v36  }
0x1d0: {  	v37 =	vmin.f32 v59, $4.000000000e+00;
	(v2sf) =	vpush v46, $0xF  }
0x1d1: {  	v62 =	vld [tilespmem:$0x44E0];
	v47, _, _ =	vpop (xrf2);
	(xrf2) =	vadd.scan.msk.f32 $0xffff, v37  }
0x1d2: {  	v35 =	vmin.f32 v60, $4.000000000e+00;
	(v2sf) =	vpush v47, $0xF  }
0x1d3: {  	v56 =	vld [tilespmem:$0x44F0];
	v63, _, _ =	vpop (xrf2);
	(xrf2) =	vadd.scan.msk.f32 $0xffff, v35  }
0x1d4: {  	v36 =	vmin.f32 v61, $4.000000000e+00;
	(v2sf) =	vpush v63, $0xF  }
0x1d5: {  	v57, _, _ =	vpop (xrf2);
	(xrf2) =	vadd.scan.msk.f32 $0xffff, v36;
	s5 =	spop (v2sf)  }
0x1d6: {  	v58 =	vmin.f32 v62, $4.000000000e+00;
	(v2sf) =	vpush v57, $0xF;
	s0 =	sadd.f32 $0.0e+00, s5  }
0x1d7: {  	v59, _, _ =	vpop (xrf2);
	(xrf2) =	vadd.scan.msk.f32 $0xffff, v58;
	s6 =	spop (v2sf)  }
0x1d8: {  	v35 =	vmin.f32 v56, $4.000000000e+00;
	(v2sf) =	vpush v59, $0xF;
	s1 =	sadd.f32 s6, s0  }
0x1d9: {  	s7 =	spop (v2sf);
	v60, _, _ =	vpop (xrf2);
	(xrf2) =	vadd.scan.msk.f32 $0xffff, v35  }
0x1da: {  	s2 =	sadd.f32 s7, s1;
	(v2sf) =	vpush v60, $0xF  }
0x1db: {  	s8 =	spop (v2sf);
	v40, _, _ =	vpop (xrf2)  }
0x1dc: {  	(v2sf) =	vpush v40, $0xF;
	s3 =	sadd.f32 s8, s2  }
0x1dd: {  	s9 =	spop (v2sf);
	v38, _, _ =	vpop (xrf2)  }
0x1de: {  	(v2sf) =	vpush v38, $0xF;
	s4 =	sadd.f32 s9, s3  }
0x1df: {  	v37, _, _ =	vpop (xrf2);
	s18 =	spop (v2sf)  }
0x1e0: {  	(v2sf) =	vpush v37, $0xF;
	s5 =	sadd.f32 s18, s4  }
0x1e1: {  	v36, _, _ =	vpop (xrf2);
	s22 =	spop (v2sf)  }
0x1e2: {  	(v2sf) =	vpush v36, $0xF;
	s6 =	sadd.f32 s22, s5  }
0x1e3: {  	s23 =	spop (v2sf);
	v35, _, _ =	vpop (xrf2)  }
0x1e4: {  	s7 =	sadd.f32 s23, s6;
	(v2sf) =	vpush v35, $0xF  }
0x1e5: {  	s24 =	spop (v2sf)  }
0x1e6: {  	s31 =	sadd.f32 s24, s7  }
0x1e7: {  	s25 =	spop (v2sf)  }
0x1e8: {  	s30 =	sadd.f32 s25, s31  }
0x1e9: {  	s26 =	spop (v2sf)  }
0x1ea: {  	(v2sf) =	vpush v55, $0x0;
	s29 =	sadd.f32 s26, s30  }
0x1eb: {  	s28 =	spop (v2sf)  }
0x1ec: {  	s28 =	sadd.f32 s28, s29  }
0x1ed: {  	s9 =	spop (v2sf)  }
0x1ee: {  	s26 =	sadd.f32 s9, s28  }
0x1ef: {  	s18 =	spop (v2sf)  }
0x1f0: {  	s23 =	sadd.f32 s18, s26  }
0x1f1: {  	s22 =	spop (v2sf)  }
0x1f2: {  	s22 =	sadd.f32 s22, s23  }
0x1f3: {  	s24 =	spop (v2sf)  }
0x1f4: {  	s8 =	sadd.f32 s24, s22;
	_ =	sdelay $0x1  }
0x1f5: {  	s8 =	ssub.f32 $2.560000000e+02, s8;
	_ =	sdelay $0x1  }
0x1f6: {  	s24 =	smul.f32 $3.906250000e-03, s8  }
0x1f7: {  	s25 =	spop (v2sf)  }
0x1f8: {  	s25 =	sadd.f32 s24, s25;
	_ =	sdelay $0x1  }
0x1f9: {  	s8 =	ssub.f32 $2.560000000e+02, s25  }
0x1fa: {  	s9 =	ssub.f32 $0.0e+00, s25  }
0x1fb: {  	s0 =	ssub.f32 s0, s25  }
0x1fc: {  	s1 =	ssub.f32 s1, s25  }
0x1fd: {  	s2 =	ssub.f32 s2, s25  }
0x1fe: {  	s3 =	ssub.f32 s3, s25  }
0x1ff: {  	s4 =	ssub.f32 s4, s25  }
0x200: {  	s5 =	ssub.f32 s5, s25;
	s8 =	smax.f32 s8, $1.000000010e-07  }
0x201: {  	s18 =	smul.f32 $1.700000000e+01, s24;
	s6 =	ssub.f32 s6, s25;
	v61 =	vmov s8  }
0x202: {  	s26 =	ssub.f32 s26, s25;
	(erf) = vrcp.f32 v61  }
0x203: {  	s0 =	sadd.f32 s0, s18;
	s18 =	smul.f32 $4.900000000e+01, s24  }
0x204: {  	v51 =	vmul.f32 s24, v2;
	s9 =	sadd.f32 s9, s24;
	s8 =	smul.f32 $3.300000000e+01, s24  }
0x205: {  	s2 =	sadd.f32 s2, s18;
	s18 =	smul.f32 $8.100000000e+01, s24  }
0x206: {  	v41 =	vadd.f32 v51, v55;
	v42 =	vadd.f32 v51, v42;
	s1 =	sadd.f32 s1, s8;
	s8 =	smul.f32 $6.500000000e+01, s24  }
0x207: {  	v43 =	vadd.f32 v51, v43;
	v44 =	vadd.f32 v51, v44;
	s4 =	sadd.f32 s4, s18;
	s18 =	smul.f32 $1.130000000e+02, s24  }
0x208: {  	v45 =	vadd.f32 v51, v45;
	v46 =	vadd.f32 v51, v46;
	s3 =	sadd.f32 s3, s8  }
0x209: {  	v47 =	vadd.f32 v51, v47;
	v42 =	vadd.f32 s0, v42;
	s8 =	smul.f32 $9.700000000e+01, s24;
	s0 =	sadd.f32 s6, s18  }
0x20a: {  	v48 =	vadd.f32 v51, v63;
	v49 =	vadd.f32 v51, v57;
	s18 =	ssub.f32 s7, s25  }
0x20b: {  	v50 =	vadd.f32 v51, v59;
	v39 =	vadd.f32 v51, v60;
	s5 =	sadd.f32 s5, s8;
	v62 =	vpop (erf)  }
0x20c: {  	v40 =	vadd.f32 v51, v40;
	v41 =	vadd.f32 s9, v41;
	s8 =	ssub.f32 s31, s25;
	v52 =	vmul.f32 $2.550000000e+02, v62  }
0x20d: {  	v38 =	vadd.f32 v51, v38;
	v37 =	vadd.f32 v51, v37;
	s9 =	smul.f32 $1.290000000e+02, s24;
	s31 =	ssub.f32 s29, s25  }
0x20e: {  	v36 =	vadd.f32 v51, v36;
	v43 =	vadd.f32 s1, v43;
	s29 =	ssub.f32 s23, s25;
	v41 =	vmul.f32 v52, v41  }
0x20f: {  	v35 =	vadd.f32 v51, v35;
	v44 =	vadd.f32 s2, v44;
	s7 =	smul.f32 $1.450000000e+02, s24;
	s1 =	sadd.f32 s18, s9;
	v42 =	vmul.f32 v52, v42  }
0x210: {  	v45 =	vadd.f32 s3, v45;
	s9 =	smul.f32 $1.610000000e+02, s24;
	s18 =	ssub.f32 s30, s25;
	v43 =	vmul.f32 v52, v43;
	v41 =	vmul.f32 v41, v3  }
0x211: {  	v46 =	vadd.f32 s4, v46;
	s30 =	smul.f32 $1.770000000e+02, s24;
	s2 =	sadd.f32 s8, s7;
	v44 =	vmul.f32 v52, v44;
	v42 =	vmul.f32 v42, v4  }
0x212: {  	v47 =	vadd.f32 s5, v47;
	s3 =	sadd.f32 s18, s9;
	v45 =	vmul.f32 v52, v45;
	v43 =	vmul.f32 v43, v5;
	[tilespmem:$0x4300] =	vst v41  }
0x213: {  	v48 =	vadd.f32 s0, v48;
	s7 =	sadd.f32 s31, s30;
	v46 =	vmul.f32 v52, v46;
	v44 =	vmul.f32 v44, v6;
	[tilespmem:$0x4310] =	vst v42  }
0x214: {  	s8 =	smul.f32 $1.930000000e+02, s24;
	v54 =	vadd.f32 s1, v49;
	s9 =	ssub.f32 s28, s25;
	v53 =	vmul.f32 v52, v47;
	v63 =	vmul.f32 v45, v7;
	[tilespmem:$0x4320] =	vst v43  }
0x215: {  	s18 =	smul.f32 $2.090000000e+02, s24;
	s31 =	ssub.f32 s22, s25;
	v39 =	vadd.f32 s3, v39;
	v56 =	vmul.f32 v52, v48;
	v55 =	vmul.f32 v46, v8;
	[tilespmem:$0x4330] =	vst v44  }
0x216: {  	s28 =	smul.f32 $2.250000000e+02, s24;
	s1 =	sadd.f32 s9, s8;
	v40 =	vadd.f32 s7, v40;
	v59 =	vmul.f32 v52, v54;
	v58 =	vmul.f32 v53, v9;
	[tilespmem:$0x4340] =	vst v63  }
0x217: {  	s30 =	smul.f32 $2.410000000e+02, s24;
	v57 =	vadd.f32 s2, v50;
	s2 =	sadd.f32 s26, s18;
	v39 =	vmul.f32 v52, v39;
	v60 =	vmul.f32 v56, v10;
	[tilespmem:$0x4350] =	vst v55  }
0x218: {  	s4 =	sadd.f32 s29, s28;
	v38 =	vadd.f32 s1, v38;
	v40 =	vmul.f32 v52, v40;
	v62 =	vmul.f32 v59, v11;
	[tilespmem:$0x4360] =	vst v58  }
0x219: {  	s0 =	sadd.f32 s31, s30;
	v61 =	vmul.f32 v52, v57;
	v37 =	vadd.f32 s2, v37;
	v39 =	vmul.f32 v39, v13;
	[tilespmem:$0x4370] =	vst v60  }
0x21a: {  	v36 =	vadd.f32 s4, v36;
	v38 =	vmul.f32 v52, v38;
	v40 =	vmul.f32 v40, v14;
	[tilespmem:$0x4380] =	vst v62  }
0x21b: {  	v35 =	vadd.f32 s0, v35;
	v37 =	vmul.f32 v52, v37;
	v63 =	vmul.f32 v61, v12;
	[tilespmem:$0x43A0] =	vst v39  }
0x21c: {  	v36 =	vmul.f32 v52, v36;
	v38 =	vmul.f32 v38, v15;
	[tilespmem:$0x43B0] =	vst v40  }
0x21d: {  	v35 =	vmul.f32 v52, v35;
	v37 =	vmul.f32 v37, v16;
	[tilespmem:$0x4390] =	vst v63  }
0x21e: {  	v36 =	vmul.f32 v36, v17;
	[tilespmem:$0x43C0] =	vst v38  }
0x21f: {  	v35 =	vmul.f32 v35, v18;
	[tilespmem:$0x43D0] =	vst v37  }
0x220: {  	[tilespmem:$0x43E0] =	vst v36  }
0x221: {  	[tilespmem:$0x43F0] =	vst v35  }
0x222: {  	v19 =	vld.idx.msk [tilespmem:v19+s13+$0x0], $0xffff;
	_ =	sdelay $0x4  }
0x223: {  	[tilespmem:s21+$0x2210] =	vst v19  }
0x224: {  	v19 =	vld.idx.msk [tilespmem:v20+s13+$0x0], $0xffff;
	_ =	sdelay $0x4  }
0x225: {  	[tilespmem:s21+$0x2410] =	vst v19  }
0x226: {  	v19 =	vld.idx.msk [tilespmem:v21+s13+$0x0], $0xffff;
	_ =	sdelay $0x4  }
0x227: {  	[tilespmem:s21+$0x2610] =	vst v19  }
0x228: {  	v19 =	vld.idx.msk [tilespmem:v22+s13+$0x0], $0xffff;
	_ =	sdelay $0x4  }
0x229: {  	[tilespmem:s21+$0x2810] =	vst v19  }
0x22a: {  	v19 =	vld.idx.msk [tilespmem:v23+s13+$0x0], $0xffff;
	_ =	sdelay $0x4  }
0x22b: {  	[tilespmem:s21+$0x2A10] =	vst v19  }
0x22c: {  	v19 =	vld.idx.msk [tilespmem:v24+s13+$0x0], $0xffff;
	_ =	sdelay $0x4  }
0x22d: {  	[tilespmem:s21+$0x2C10] =	vst v19  }
0x22e: {  	v19 =	vld.idx.msk [tilespmem:v25+s13+$0x0], $0xffff;
	_ =	sdelay $0x4  }
0x22f: {  	[tilespmem:s21+$0x2E10] =	vst v19  }
0x230: {  	v19 =	vld.idx.msk [tilespmem:v26+s13+$0x0], $0xffff;
	_ =	sdelay $0x4  }
0x231: {  	[tilespmem:s21+$0x3010] =	vst v19  }
0x232: {  	v19 =	vld.idx.msk [tilespmem:v27+s13+$0x0], $0xffff;
	_ =	sdelay $0x4  }
0x233: {  	[tilespmem:s21+$0x3210] =	vst v19  }
0x234: {  	v19 =	vld.idx.msk [tilespmem:v28+s13+$0x0], $0xffff;
	_ =	sdelay $0x4  }
0x235: {  	[tilespmem:s21+$0x3410] =	vst v19  }
0x236: {  	v19 =	vld.idx.msk [tilespmem:v29+s13+$0x0], $0xffff;
	_ =	sdelay $0x4  }
0x237: {  	[tilespmem:s21+$0x3610] =	vst v19  }
0x238: {  	v19 =	vld.idx.msk [tilespmem:v30+s13+$0x0], $0xffff;
	_ =	sdelay $0x4  }
0x239: {  	[tilespmem:s21+$0x3810] =	vst v19  }
0x23a: {  	v19 =	vld.idx.msk [tilespmem:v31+s13+$0x0], $0xffff;
	_ =	sdelay $0x4  }
0x23b: {  	[tilespmem:s21+$0x3A10] =	vst v19  }
0x23c: {  	v19 =	vld.idx.msk [tilespmem:v32+s13+$0x0], $0xffff;
	_ =	sdelay $0x4  }
0x23d: {  	[tilespmem:s21+$0x3C10] =	vst v19  }
0x23e: {  	v19 =	vld.idx.msk [tilespmem:v33+s13+$0x0], $0xffff;
	_ =	sdelay $0x4  }
0x23f: {  	[tilespmem:s21+$0x3E10] =	vst v19  }
0x240: {  	v19 =	vld.idx.msk [tilespmem:v34+s13+$0x0], $0xffff;
	_ =	sdelay $0x4  }
0x241: {  	[tilespmem:s21+$0x4010] =	vst v19  }
0x242: {  	[tilespmem:$0x4600] =	vst v0  }
0x243: {  	[tilespmem:$0x4610] =	vst v0  }
0x244: {  	[tilespmem:$0x4620] =	vst v0  }
0x245: {  	[tilespmem:$0x4630] =	vst v0  }
0x246: {  	[tilespmem:$0x4640] =	vst v0  }
0x247: {  	[tilespmem:$0x4650] =	vst v0  }
0x248: {  	[tilespmem:$0x4660] =	vst v0  }
0x249: {  	[tilespmem:$0x4670] =	vst v0  }
0x24a: {  	[tilespmem:$0x4680] =	vst v0  }
0x24b: {  	[tilespmem:$0x4690] =	vst v0  }
0x24c: {  	[tilespmem:$0x46A0] =	vst v0  }
0x24d: {  	[tilespmem:$0x46B0] =	vst v0  }
0x24e: {  	[tilespmem:$0x46C0] =	vst v0  }
0x24f: {  	[tilespmem:$0x46D0] =	vst v0  }
0x250: {  	[tilespmem:$0x46E0] =	vst v0  }
0x251: {  	[tilespmem:$0x46F0] =	vst v0  }
0x252: {  	v19 =	vld [tilespmem:s21+$0x220];
	_ =	sdelay $0x4  }
0x253: {  	v19 =	vtrunc.f32 v19  }
0x254: {  	v19 =	vcvt.f32.s32 v19;
	_ =	sdelay $0x5  }
0x255: {  	[tilespmem:v19+s14+$0x0] =	vst.idx.add.f32.msk $0xffff, v1  }
0x256: {  	v20 =	vld [tilespmem:s21+$0x420];
	_ =	sdelay $0x4  }
0x257: {  	v20 =	vtrunc.f32 v20  }
0x258: {  	v20 =	vcvt.f32.s32 v20;
	_ =	sdelay $0x5  }
0x259: {  	[tilespmem:v20+s14+$0x0] =	vst.idx.add.f32.msk $0xffff, v1  }
0x25a: {  	v33 =	vld [tilespmem:s21+$0x620];
	_ =	sdelay $0x4  }
0x25b: {  	v21 =	vtrunc.f32 v33  }
0x25c: {  	v21 =	vcvt.f32.s32 v21;
	_ =	sdelay $0x5  }
0x25d: {  	[tilespmem:v21+s14+$0x0] =	vst.idx.add.f32.msk $0xffff, v1  }
0x25e: {  	v34 =	vld [tilespmem:s21+$0x820];
	_ =	sdelay $0x4  }
0x25f: {  	v22 =	vtrunc.f32 v34  }
0x260: {  	v22 =	vcvt.f32.s32 v22;
	_ =	sdelay $0x5  }
0x261: {  	[tilespmem:v22+s14+$0x0] =	vst.idx.add.f32.msk $0xffff, v1  }
0x262: {  	v35 =	vld [tilespmem:s21+$0xA20];
	_ =	sdelay $0x4  }
0x263: {  	v23 =	vtrunc.f32 v35  }
0x264: {  	v23 =	vcvt.f32.s32 v23;
	_ =	sdelay $0x5  }
0x265: {  	[tilespmem:v23+s14+$0x0] =	vst.idx.add.f32.msk $0xffff, v1  }
0x266: {  	v36 =	vld [tilespmem:s21+$0xC20];
	_ =	sdelay $0x4  }
0x267: {  	v24 =	vtrunc.f32 v36  }
0x268: {  	v24 =	vcvt.f32.s32 v24;
	_ =	sdelay $0x5  }
0x269: {  	[tilespmem:v24+s14+$0x0] =	vst.idx.add.f32.msk $0xffff, v1  }
0x26a: {  	v37 =	vld [tilespmem:s21+$0xE20];
	_ =	sdelay $0x4  }
0x26b: {  	v25 =	vtrunc.f32 v37  }
0x26c: {  	v25 =	vcvt.f32.s32 v25;
	_ =	sdelay $0x5  }
0x26d: {  	[tilespmem:v25+s14+$0x0] =	vst.idx.add.f32.msk $0xffff, v1  }
0x26e: {  	v38 =	vld [tilespmem:s21+$0x1020];
	_ =	sdelay $0x4  }
0x26f: {  	v26 =	vtrunc.f32 v38  }
0x270: {  	v26 =	vcvt.f32.s32 v26;
	_ =	sdelay $0x5  }
0x271: {  	[tilespmem:v26+s14+$0x0] =	vst.idx.add.f32.msk $0xffff, v1  }
0x272: {  	v39 =	vld [tilespmem:s21+$0x1220];
	_ =	sdelay $0x4  }
0x273: {  	v27 =	vtrunc.f32 v39  }
0x274: {  	v27 =	vcvt.f32.s32 v27;
	_ =	sdelay $0x5  }
0x275: {  	[tilespmem:v27+s14+$0x0] =	vst.idx.add.f32.msk $0xffff, v1  }
0x276: {  	v40 =	vld [tilespmem:s21+$0x1420];
	_ =	sdelay $0x4  }
0x277: {  	v28 =	vtrunc.f32 v40  }
0x278: {  	v28 =	vcvt.f32.s32 v28;
	_ =	sdelay $0x5  }
0x279: {  	[tilespmem:v28+s14+$0x0] =	vst.idx.add.f32.msk $0xffff, v1  }
0x27a: {  	v41 =	vld [tilespmem:s21+$0x1620];
	_ =	sdelay $0x4  }
0x27b: {  	v29 =	vtrunc.f32 v41  }
0x27c: {  	v29 =	vcvt.f32.s32 v29;
	_ =	sdelay $0x5  }
0x27d: {  	[tilespmem:v29+s14+$0x0] =	vst.idx.add.f32.msk $0xffff, v1  }
0x27e: {  	v42 =	vld [tilespmem:s21+$0x1820];
	_ =	sdelay $0x4  }
0x27f: {  	v30 =	vtrunc.f32 v42  }
0x280: {  	v30 =	vcvt.f32.s32 v30;
	_ =	sdelay $0x5  }
0x281: {  	[tilespmem:v30+s14+$0x0] =	vst.idx.add.f32.msk $0xffff, v1  }
0x282: {  	v43 =	vld [tilespmem:s21+$0x1A20];
	_ =	sdelay $0x4  }
0x283: {  	v31 =	vtrunc.f32 v43  }
0x284: {  	v31 =	vcvt.f32.s32 v31;
	_ =	sdelay $0x5  }
0x285: {  	[tilespmem:v31+s14+$0x0] =	vst.idx.add.f32.msk $0xffff, v1  }
0x286: {  	v44 =	vld [tilespmem:s21+$0x1C20];
	_ =	sdelay $0x4  }
0x287: {  	v32 =	vtrunc.f32 v44  }
0x288: {  	v32 =	vcvt.f32.s32 v32;
	_ =	sdelay $0x5  }
0x289: {  	[tilespmem:v32+s14+$0x0] =	vst.idx.add.f32.msk $0xffff, v1  }
0x28a: {  	v45 =	vld [tilespmem:s21+$0x1E20];
	_ =	sdelay $0x4  }
0x28b: {  	v33 =	vtrunc.f32 v45  }
0x28c: {  	v33 =	vcvt.f32.s32 v33;
	_ =	sdelay $0x5  }
0x28d: {  	[tilespmem:v33+s14+$0x0] =	vst.idx.add.f32.msk $0xffff, v1  }
0x28e: {  	v46 =	vld [tilespmem:s21+$0x2020];
	_ =	sdelay $0x4  }
0x28f: {  	v34 =	vtrunc.f32 v46  }
0x290: {  	v34 =	vcvt.f32.s32 v34;
	_ =	sdelay $0x5  }
0x291: {  	[tilespmem:v34+s14+$0x0] =	vst.idx.add.f32.msk $0xffff, v1  }
0x292: {  	v47 =	vld [tilespmem:$0x4600];
	_ =	sdelay $0x1  }
0x293: {  	v48 =	vld [tilespmem:$0x4610];
	_ =	sdelay $0x1  }
0x294: {  	v49 =	vld [tilespmem:$0x4620]  }
0x295: {  	v35 =	vmin.f32 v47, $4.000000000e+00  }
0x296: {  	v50 =	vld [tilespmem:$0x4630];
	(xrf2) =	vadd.scan.msk.f32 $0xffff, v35  }
0x297: {  	v36 =	vmin.f32 v48, $4.000000000e+00  }
0x298: {  	v51 =	vld [tilespmem:$0x4640];
	(xrf2) =	vadd.scan.msk.f32 $0xffff, v36  }
0x299: {  	v37 =	vmin.f32 v49, $4.000000000e+00  }
0x29a: {  	v52 =	vld [tilespmem:$0x4650];
	(xrf2) =	vadd.scan.msk.f32 $0xffff, v37  }
0x29b: {  	v35 =	vmin.f32 v50, $4.000000000e+00  }
0x29c: {  	v53 =	vld [tilespmem:$0x4660];
	(xrf2) =	vadd.scan.msk.f32 $0xffff, v35  }
0x29d: {  	v36 =	vmin.f32 v51, $4.000000000e+00  }
0x29e: {  	v54 =	vld [tilespmem:$0x4670];
	(xrf2) =	vadd.scan.msk.f32 $0xffff, v36  }
0x29f: {  	v37 =	vmin.f32 v52, $4.000000000e+00  }
0x2a0: {  	v56 =	vld [tilespmem:$0x4680];
	v55, _, _ =	vpop (xrf2);
	(xrf2) =	vadd.scan.msk.f32 $0xffff, v37  }
0x2a1: {  	v35 =	vmin.f32 v53, $4.000000000e+00;
	(v2sf) =	vpush v55, $0xF  }
0x2a2: {  	v57 =	vld [tilespmem:$0x4690];
	v42, _, _ =	vpop (xrf2);
	(xrf2) =	vadd.scan.msk.f32 $0xffff, v35  }
0x2a3: {  	v36 =	vmin.f32 v54, $4.000000000e+00;
	(v2sf) =	vpush v42, $0xF  }
0x2a4: {  	v58 =	vld [tilespmem:$0x46A0];
	v43, _, _ =	vpop (xrf2);
	(xrf2) =	vadd.scan.msk.f32 $0xffff, v36  }
0x2a5: {  	v37 =	vmin.f32 v56, $4.000000000e+00;
	(v2sf) =	vpush v43, $0xF  }
0x2a6: {  	v59 =	vld [tilespmem:$0x46B0];
	v44, _, _ =	vpop (xrf2);
	(xrf2) =	vadd.scan.msk.f32 $0xffff, v37  }
0x2a7: {  	v35 =	vmin.f32 v57, $4.000000000e+00;
	(v2sf) =	vpush v44, $0xF  }
0x2a8: {  	v60 =	vld [tilespmem:$0x46C0];
	v45, _, _ =	vpop (xrf2);
	(xrf2) =	vadd.scan.msk.f32 $0xffff, v35  }
0x2a9: {  	v36 =	vmin.f32 v58, $4.000000000e+00;
	(v2sf) =	vpush v45, $0xF  }
0x2aa: {  	v61 =	vld [tilespmem:$0x46D0];
	v46, _, _ =	vpop (xrf2);
	(xrf2) =	vadd.scan.msk.f32 $0xffff, v36  }
0x2ab: {  	v37 =	vmin.f32 v59, $4.000000000e+00;
	(v2sf) =	vpush v46, $0xF  }
0x2ac: {  	v62 =	vld [tilespmem:$0x46E0];
	v47, _, _ =	vpop (xrf2);
	(xrf2) =	vadd.scan.msk.f32 $0xffff, v37  }
0x2ad: {  	v35 =	vmin.f32 v60, $4.000000000e+00;
	(v2sf) =	vpush v47, $0xF  }
0x2ae: {  	v56 =	vld [tilespmem:$0x46F0];
	v63, _, _ =	vpop (xrf2);
	(xrf2) =	vadd.scan.msk.f32 $0xffff, v35  }
0x2af: {  	v36 =	vmin.f32 v61, $4.000000000e+00;
	(v2sf) =	vpush v63, $0xF  }
0x2b0: {  	v57, _, _ =	vpop (xrf2);
	(xrf2) =	vadd.scan.msk.f32 $0xffff, v36;
	s5 =	spop (v2sf)  }
0x2b1: {  	v58 =	vmin.f32 v62, $4.000000000e+00;
	(v2sf) =	vpush v57, $0xF;
	s0 =	sadd.f32 $0.0e+00, s5  }
0x2b2: {  	v59, _, _ =	vpop (xrf2);
	(xrf2) =	vadd.scan.msk.f32 $0xffff, v58;
	s6 =	spop (v2sf)  }
0x2b3: {  	v35 =	vmin.f32 v56, $4.000000000e+00;
	(v2sf) =	vpush v59, $0xF;
	s1 =	sadd.f32 s6, s0  }
0x2b4: {  	s7 =	spop (v2sf);
	v60, _, _ =	vpop (xrf2);
	(xrf2) =	vadd.scan.msk.f32 $0xffff, v35  }
0x2b5: {  	s2 =	sadd.f32 s7, s1;
	(v2sf) =	vpush v60, $0xF  }
0x2b6: {  	s8 =	spop (v2sf);
	v40, _, _ =	vpop (xrf2)  }
0x2b7: {  	(v2sf) =	vpush v40, $0xF;
	s3 =	sadd.f32 s8, s2  }
0x2b8: {  	s9 =	spop (v2sf);
	v38, _, _ =	vpop (xrf2)  }
0x2b9: {  	(v2sf) =	vpush v38, $0xF;
	s4 =	sadd.f32 s9, s3  }
0x2ba: {  	v37, _, _ =	vpop (xrf2);
	s18 =	spop (v2sf)  }
0x2bb: {  	(v2sf) =	vpush v37, $0xF;
	s5 =	sadd.f32 s18, s4  }
0x2bc: {  	v36, _, _ =	vpop (xrf2);
	s22 =	spop (v2sf)  }
0x2bd: {  	(v2sf) =	vpush v36, $0xF;
	s6 =	sadd.f32 s22, s5  }
0x2be: {  	s23 =	spop (v2sf);
	v35, _, _ =	vpop (xrf2)  }
0x2bf: {  	s7 =	sadd.f32 s23, s6;
	(v2sf) =	vpush v35, $0xF  }
0x2c0: {  	s24 =	spop (v2sf)  }
0x2c1: {  	s31 =	sadd.f32 s24, s7  }
0x2c2: {  	s25 =	spop (v2sf)  }
0x2c3: {  	s30 =	sadd.f32 s25, s31  }
0x2c4: {  	s26 =	spop (v2sf)  }
0x2c5: {  	(v2sf) =	vpush v55, $0x0;
	s29 =	sadd.f32 s26, s30  }
0x2c6: {  	s28 =	spop (v2sf)  }
0x2c7: {  	s28 =	sadd.f32 s28, s29  }
0x2c8: {  	s9 =	spop (v2sf)  }
0x2c9: {  	s26 =	sadd.f32 s9, s28  }
0x2ca: {  	s18 =	spop (v2sf)  }
0x2cb: {  	s23 =	sadd.f32 s18, s26  }
0x2cc: {  	s22 =	spop (v2sf)  }
0x2cd: {  	s22 =	sadd.f32 s22, s23  }
0x2ce: {  	s24 =	spop (v2sf)  }
0x2cf: {  	s8 =	sadd.f32 s24, s22;
	_ =	sdelay $0x1  }
0x2d0: {  	s8 =	ssub.f32 $2.560000000e+02, s8;
	_ =	sdelay $0x1  }
0x2d1: {  	s24 =	smul.f32 $3.906250000e-03, s8  }
0x2d2: {  	s25 =	spop (v2sf)  }
0x2d3: {  	s25 =	sadd.f32 s24, s25;
	_ =	sdelay $0x1  }
0x2d4: {  	s8 =	ssub.f32 $2.560000000e+02, s25  }
0x2d5: {  	s9 =	ssub.f32 $0.0e+00, s25  }
0x2d6: {  	s0 =	ssub.f32 s0, s25  }
0x2d7: {  	s1 =	ssub.f32 s1, s25  }
0x2d8: {  	s2 =	ssub.f32 s2, s25  }
0x2d9: {  	s3 =	ssub.f32 s3, s25  }
0x2da: {  	s4 =	ssub.f32 s4, s25  }
0x2db: {  	s18 =	smul.f32 $1.700000000e+01, s24;
	s5 =	ssub.f32 s5, s25  }
0x2dc: {  	s6 =	ssub.f32 s6, s25;
	s8 =	smax.f32 s8, $1.000000010e-07  }
0x2dd: {  	v51 =	vmul.f32 s24, v2;
	s7 =	ssub.f32 s7, s25;
	v61 =	vmov s8  }
0x2de: {  	s0 =	sadd.f32 s0, s18;
	s18 =	smul.f32 $4.900000000e+01, s24;
	(erf) = vrcp.f32 v61  }
0x2df: {  	v41 =	vadd.f32 v51, v55;
	s9 =	sadd.f32 s9, s24  }
0x2e0: {  	s2 =	sadd.f32 s2, s18  }
0x2e1: {  	s8 =	smul.f32 $3.300000000e+01, s24;
	v41 =	vadd.f32 s9, v41;
	s9 =	ssub.f32 s31, s25  }
0x2e2: {  	v42 =	vadd.f32 v51, v42;
	s18 =	smul.f32 $8.100000000e+01, s24;
	s31 =	ssub.f32 s30, s25  }
0x2e3: {  	v43 =	vadd.f32 v51, v43;
	v44 =	vadd.f32 v51, v44;
	s1 =	sadd.f32 s1, s8;
	s8 =	smul.f32 $6.500000000e+01, s24  }
0x2e4: {  	v45 =	vadd.f32 v51, v45;
	v46 =	vadd.f32 v51, v46;
	s4 =	sadd.f32 s4, s18;
	s18 =	smul.f32 $1.130000000e+02, s24  }
0x2e5: {  	v47 =	vadd.f32 v51, v47;
	v48 =	vadd.f32 v51, v63;
	s3 =	sadd.f32 s3, s8;
	s8 =	smul.f32 $9.700000000e+01, s24  }
0x2e6: {  	v49 =	vadd.f32 v51, v57;
	v42 =	vadd.f32 s0, v42;
	s0 =	sadd.f32 s6, s18;
	s6 =	smul.f32 $1.290000000e+02, s24  }
0x2e7: {  	v50 =	vadd.f32 v51, v59;
	v39 =	vadd.f32 v51, v60;
	s18 =	smul.f32 $1.610000000e+02, s24;
	s5 =	sadd.f32 s5, s8;
	v62 =	vpop (erf)  }
0x2e8: {  	v40 =	vadd.f32 v51, v40;
	v43 =	vadd.f32 s1, v43;
	s1 =	sadd.f32 s7, s6;
	v52 =	vmul.f32 $2.550000000e+02, v62  }
0x2e9: {  	v38 =	vadd.f32 v51, v38;
	s8 =	smul.f32 $1.450000000e+02, s24;
	v45 =	vadd.f32 s3, v45;
	s3 =	sadd.f32 s31, s18  }
0x2ea: {  	v37 =	vadd.f32 v51, v37;
	v36 =	vadd.f32 v51, v36;
	s31 =	ssub.f32 s26, s25;
	v41 =	vmul.f32 v52, v41  }
0x2eb: {  	v35 =	vadd.f32 v51, v35;
	v44 =	vadd.f32 s2, v44;
	s2 =	sadd.f32 s9, s8;
	v42 =	vmul.f32 v52, v42  }
0x2ec: {  	v46 =	vadd.f32 s4, v46;
	s8 =	ssub.f32 s29, s25;
	v43 =	vmul.f32 v52, v43;
	v41 =	vmul.f32 v41, v3  }
0x2ed: {  	s7 =	smul.f32 $1.770000000e+02, s24;
	v48 =	vadd.f32 s0, v48;
	s29 =	ssub.f32 s28, s25;
	v44 =	vmul.f32 v52, v44;
	v42 =	vmul.f32 v42, v4  }
0x2ee: {  	s18 =	smul.f32 $1.930000000e+02, s24;
	v47 =	vadd.f32 s5, v47;
	s5 =	ssub.f32 s23, s25;
	v45 =	vmul.f32 v52, v45;
	v43 =	vmul.f32 v43, v5;
	[tilespmem:$0x4500] =	vst v41  }
0x2ef: {  	s30 =	smul.f32 $2.090000000e+02, s24;
	v54 =	vadd.f32 s1, v49;
	s9 =	sadd.f32 s8, s7;
	v46 =	vmul.f32 v52, v46;
	v44 =	vmul.f32 v44, v6;
	[tilespmem:$0x4510] =	vst v42  }
0x2f0: {  	v39 =	vadd.f32 s3, v39;
	s1 =	sadd.f32 s29, s18;
	v53 =	vmul.f32 v52, v47;
	v63 =	vmul.f32 v45, v7;
	[tilespmem:$0x4520] =	vst v43  }
0x2f1: {  	s4 =	smul.f32 $2.250000000e+02, s24;
	v57 =	vadd.f32 s2, v50;
	s2 =	sadd.f32 s31, s30;
	v56 =	vmul.f32 v52, v48;
	v55 =	vmul.f32 v46, v8;
	[tilespmem:$0x4530] =	vst v44  }
0x2f2: {  	s7 =	ssub.f32 s22, s25;
	v40 =	vadd.f32 s9, v40;
	v59 =	vmul.f32 v52, v54;
	v58 =	vmul.f32 v53, v9;
	[tilespmem:$0x4540] =	vst v63  }
0x2f3: {  	s6 =	smul.f32 $2.410000000e+02, s24;
	s8 =	sadd.f32 s5, s4;
	v38 =	vadd.f32 s1, v38;
	v39 =	vmul.f32 v52, v39;
	v60 =	vmul.f32 v56, v10;
	[tilespmem:$0x4550] =	vst v55  }
0x2f4: {  	v37 =	vadd.f32 s2, v37;
	v40 =	vmul.f32 v52, v40;
	v62 =	vmul.f32 v59, v11;
	[tilespmem:$0x4560] =	vst v58  }
0x2f5: {  	s0 =	sadd.f32 s7, s6;
	v36 =	vadd.f32 s8, v36;
	v38 =	vmul.f32 v52, v38;
	v39 =	vmul.f32 v39, v13;
	[tilespmem:$0x4570] =	vst v60  }
0x2f6: {  	v37 =	vmul.f32 v52, v37;
	v40 =	vmul.f32 v40, v14;
	[tilespmem:$0x4580] =	vst v62  }
0x2f7: {  	v35 =	vadd.f32 s0, v35;
	v36 =	vmul.f32 v52, v36;
	v38 =	vmul.f32 v38, v15;
	[tilespmem:$0x45A0] =	vst v39  }
0x2f8: {  	v61 =	vmul.f32 v52, v57;
	v37 =	vmul.f32 v37, v16;
	[tilespmem:$0x45B0] =	vst v40  }
0x2f9: {  	v35 =	vmul.f32 v52, v35;
	v36 =	vmul.f32 v36, v17;
	[tilespmem:$0x45C0] =	vst v38  }
0x2fa: {  	v63 =	vmul.f32 v61, v12;
	[tilespmem:$0x45D0] =	vst v37  }
0x2fb: {  	v35 =	vmul.f32 v35, v18;
	[tilespmem:$0x45E0] =	vst v36  }
0x2fc: {  	[tilespmem:$0x4590] =	vst v63  }
0x2fd: {  	[tilespmem:$0x45F0] =	vst v35  }
0x2fe: {  	v19 =	vld.idx.msk [tilespmem:v19+s15+$0x0], $0xffff;
	_ =	sdelay $0x4  }
0x2ff: {  	[tilespmem:s21+$0x2220] =	vst v19  }
0x300: {  	v19 =	vld.idx.msk [tilespmem:v20+s15+$0x0], $0xffff;
	_ =	sdelay $0x4  }
0x301: {  	[tilespmem:s21+$0x2420] =	vst v19  }
0x302: {  	v19 =	vld.idx.msk [tilespmem:v21+s15+$0x0], $0xffff;
	_ =	sdelay $0x4  }
0x303: {  	[tilespmem:s21+$0x2620] =	vst v19  }
0x304: {  	v19 =	vld.idx.msk [tilespmem:v22+s15+$0x0], $0xffff;
	_ =	sdelay $0x4  }
0x305: {  	[tilespmem:s21+$0x2820] =	vst v19  }
0x306: {  	v19 =	vld.idx.msk [tilespmem:v23+s15+$0x0], $0xffff;
	_ =	sdelay $0x4  }
0x307: {  	[tilespmem:s21+$0x2A20] =	vst v19  }
0x308: {  	v19 =	vld.idx.msk [tilespmem:v24+s15+$0x0], $0xffff;
	_ =	sdelay $0x4  }
0x309: {  	[tilespmem:s21+$0x2C20] =	vst v19  }
0x30a: {  	v19 =	vld.idx.msk [tilespmem:v25+s15+$0x0], $0xffff;
	_ =	sdelay $0x4  }
0x30b: {  	[tilespmem:s21+$0x2E20] =	vst v19  }
0x30c: {  	v19 =	vld.idx.msk [tilespmem:v26+s15+$0x0], $0xffff;
	_ =	sdelay $0x4  }
0x30d: {  	[tilespmem:s21+$0x3020] =	vst v19  }
0x30e: {  	v19 =	vld.idx.msk [tilespmem:v27+s15+$0x0], $0xffff;
	_ =	sdelay $0x4  }
0x30f: {  	[tilespmem:s21+$0x3220] =	vst v19  }
0x310: {  	v19 =	vld.idx.msk [tilespmem:v28+s15+$0x0], $0xffff;
	_ =	sdelay $0x4  }
0x311: {  	[tilespmem:s21+$0x3420] =	vst v19  }
0x312: {  	v19 =	vld.idx.msk [tilespmem:v29+s15+$0x0], $0xffff;
	_ =	sdelay $0x4  }
0x313: {  	[tilespmem:s21+$0x3620] =	vst v19  }
0x314: {  	v19 =	vld.idx.msk [tilespmem:v30+s15+$0x0], $0xffff;
	_ =	sdelay $0x4  }
0x315: {  	[tilespmem:s21+$0x3820] =	vst v19  }
0x316: {  	v19 =	vld.idx.msk [tilespmem:v31+s15+$0x0], $0xffff;
	_ =	sdelay $0x4  }
0x317: {  	[tilespmem:s21+$0x3A20] =	vst v19  }
0x318: {  	v19 =	vld.idx.msk [tilespmem:v32+s15+$0x0], $0xffff;
	_ =	sdelay $0x4  }
0x319: {  	[tilespmem:s21+$0x3C20] =	vst v19  }
0x31a: {  	v19 =	vld.idx.msk [tilespmem:v33+s15+$0x0], $0xffff;
	_ =	sdelay $0x4  }
0x31b: {  	[tilespmem:s21+$0x3E20] =	vst v19  }
0x31c: {  	v19 =	vld.idx.msk [tilespmem:v34+s15+$0x0], $0xffff;
	_ =	sdelay $0x4  }
0x31d: {  	[tilespmem:s21+$0x4020] =	vst v19  }
0x31e: {  	[tilespmem:$0x4800] =	vst v0  }
0x31f: {  	[tilespmem:$0x4810] =	vst v0  }
0x320: {  	[tilespmem:$0x4820] =	vst v0  }
0x321: {  	[tilespmem:$0x4830] =	vst v0  }
0x322: {  	[tilespmem:$0x4840] =	vst v0  }
0x323: {  	[tilespmem:$0x4850] =	vst v0  }
0x324: {  	[tilespmem:$0x4860] =	vst v0  }
0x325: {  	[tilespmem:$0x4870] =	vst v0  }
0x326: {  	[tilespmem:$0x4880] =	vst v0  }
0x327: {  	[tilespmem:$0x4890] =	vst v0  }
0x328: {  	[tilespmem:$0x48A0] =	vst v0  }
0x329: {  	[tilespmem:$0x48B0] =	vst v0  }
0x32a: {  	[tilespmem:$0x48C0] =	vst v0  }
0x32b: {  	[tilespmem:$0x48D0] =	vst v0  }
0x32c: {  	[tilespmem:$0x48E0] =	vst v0  }
0x32d: {  	[tilespmem:$0x48F0] =	vst v0  }
0x32e: {  	v19 =	vld [tilespmem:s21+$0x230];
	_ =	sdelay $0x4  }
0x32f: {  	v19 =	vtrunc.f32 v19  }
0x330: {  	v19 =	vcvt.f32.s32 v19;
	_ =	sdelay $0x5  }
0x331: {  	[tilespmem:v19+s16+$0x0] =	vst.idx.add.f32.msk $0xffff, v1  }
0x332: {  	v20 =	vld [tilespmem:s21+$0x430];
	_ =	sdelay $0x4  }
0x333: {  	v20 =	vtrunc.f32 v20  }
0x334: {  	v20 =	vcvt.f32.s32 v20;
	_ =	sdelay $0x5  }
0x335: {  	[tilespmem:v20+s16+$0x0] =	vst.idx.add.f32.msk $0xffff, v1  }
0x336: {  	v36 =	vld [tilespmem:s21+$0x630];
	_ =	sdelay $0x4  }
0x337: {  	v21 =	vtrunc.f32 v36  }
0x338: {  	v21 =	vcvt.f32.s32 v21;
	_ =	sdelay $0x5  }
0x339: {  	[tilespmem:v21+s16+$0x0] =	vst.idx.add.f32.msk $0xffff, v1  }
0x33a: {  	v37 =	vld [tilespmem:s21+$0x830];
	_ =	sdelay $0x4  }
0x33b: {  	v22 =	vtrunc.f32 v37  }
0x33c: {  	v22 =	vcvt.f32.s32 v22;
	_ =	sdelay $0x5  }
0x33d: {  	[tilespmem:v22+s16+$0x0] =	vst.idx.add.f32.msk $0xffff, v1  }
0x33e: {  	v38 =	vld [tilespmem:s21+$0xA30];
	_ =	sdelay $0x4  }
0x33f: {  	v23 =	vtrunc.f32 v38  }
0x340: {  	v23 =	vcvt.f32.s32 v23;
	_ =	sdelay $0x5  }
0x341: {  	[tilespmem:v23+s16+$0x0] =	vst.idx.add.f32.msk $0xffff, v1  }
0x342: {  	v39 =	vld [tilespmem:s21+$0xC30];
	_ =	sdelay $0x4  }
0x343: {  	v24 =	vtrunc.f32 v39  }
0x344: {  	v24 =	vcvt.f32.s32 v24;
	_ =	sdelay $0x5  }
0x345: {  	[tilespmem:v24+s16+$0x0] =	vst.idx.add.f32.msk $0xffff, v1  }
0x346: {  	v40 =	vld [tilespmem:s21+$0xE30];
	_ =	sdelay $0x4  }
0x347: {  	v25 =	vtrunc.f32 v40  }
0x348: {  	v25 =	vcvt.f32.s32 v25;
	_ =	sdelay $0x5  }
0x349: {  	[tilespmem:v25+s16+$0x0] =	vst.idx.add.f32.msk $0xffff, v1  }
0x34a: {  	v41 =	vld [tilespmem:s21+$0x1030];
	_ =	sdelay $0x4  }
0x34b: {  	v26 =	vtrunc.f32 v41  }
0x34c: {  	v26 =	vcvt.f32.s32 v26;
	_ =	sdelay $0x5  }
0x34d: {  	[tilespmem:v26+s16+$0x0] =	vst.idx.add.f32.msk $0xffff, v1  }
0x34e: {  	v42 =	vld [tilespmem:s21+$0x1230];
	_ =	sdelay $0x4  }
0x34f: {  	v27 =	vtrunc.f32 v42  }
0x350: {  	v27 =	vcvt.f32.s32 v27;
	_ =	sdelay $0x5  }
0x351: {  	[tilespmem:v27+s16+$0x0] =	vst.idx.add.f32.msk $0xffff, v1  }
0x352: {  	v43 =	vld [tilespmem:s21+$0x1430];
	_ =	sdelay $0x4  }
0x353: {  	v28 =	vtrunc.f32 v43  }
0x354: {  	v28 =	vcvt.f32.s32 v28;
	_ =	sdelay $0x5  }
0x355: {  	[tilespmem:v28+s16+$0x0] =	vst.idx.add.f32.msk $0xffff, v1  }
0x356: {  	v44 =	vld [tilespmem:s21+$0x1630];
	_ =	sdelay $0x4  }
0x357: {  	v29 =	vtrunc.f32 v44  }
0x358: {  	v29 =	vcvt.f32.s32 v29;
	_ =	sdelay $0x5  }
0x359: {  	[tilespmem:v29+s16+$0x0] =	vst.idx.add.f32.msk $0xffff, v1  }
0x35a: {  	v45 =	vld [tilespmem:s21+$0x1830];
	_ =	sdelay $0x4  }
0x35b: {  	v30 =	vtrunc.f32 v45  }
0x35c: {  	v30 =	vcvt.f32.s32 v30;
	_ =	sdelay $0x5  }
0x35d: {  	[tilespmem:v30+s16+$0x0] =	vst.idx.add.f32.msk $0xffff, v1  }
0x35e: {  	v46 =	vld [tilespmem:s21+$0x1A30];
	_ =	sdelay $0x4  }
0x35f: {  	v31 =	vtrunc.f32 v46  }
0x360: {  	v31 =	vcvt.f32.s32 v31;
	_ =	sdelay $0x5  }
0x361: {  	[tilespmem:v31+s16+$0x0] =	vst.idx.add.f32.msk $0xffff, v1  }
0x362: {  	v47 =	vld [tilespmem:s21+$0x1C30];
	_ =	sdelay $0x4  }
0x363: {  	v32 =	vtrunc.f32 v47  }
0x364: {  	v32 =	vcvt.f32.s32 v32;
	_ =	sdelay $0x5  }
0x365: {  	[tilespmem:v32+s16+$0x0] =	vst.idx.add.f32.msk $0xffff, v1  }
0x366: {  	v48 =	vld [tilespmem:s21+$0x1E30];
	_ =	sdelay $0x4  }
0x367: {  	v33 =	vtrunc.f32 v48  }
0x368: {  	v33 =	vcvt.f32.s32 v33;
	_ =	sdelay $0x5  }
0x369: {  	[tilespmem:v33+s16+$0x0] =	vst.idx.add.f32.msk $0xffff, v1  }
0x36a: {  	v49 =	vld [tilespmem:s21+$0x2030];
	_ =	sdelay $0x4  }
0x36b: {  	v34 =	vtrunc.f32 v49  }
0x36c: {  	v34 =	vcvt.f32.s32 v34;
	_ =	sdelay $0x5  }
0x36d: {  	[tilespmem:v34+s16+$0x0] =	vst.idx.add.f32.msk $0xffff, v1  }
0x36e: {  	v50 =	vld [tilespmem:$0x4800];
	_ =	sdelay $0x1  }
0x36f: {  	v51 =	vld [tilespmem:$0x4810];
	_ =	sdelay $0x1  }
0x370: {  	v52 =	vld [tilespmem:$0x4820]  }
0x371: {  	v35 =	vmin.f32 v50, $4.000000000e+00  }
0x372: {  	v53 =	vld [tilespmem:$0x4830];
	(xrf2) =	vadd.scan.msk.f32 $0xffff, v35  }
0x373: {  	v36 =	vmin.f32 v51, $4.000000000e+00  }
0x374: {  	v54 =	vld [tilespmem:$0x4840];
	(xrf2) =	vadd.scan.msk.f32 $0xffff, v36  }
0x375: {  	v37 =	vmin.f32 v52, $4.000000000e+00  }
0x376: {  	v55 =	vld [tilespmem:$0x4850];
	(xrf2) =	vadd.scan.msk.f32 $0xffff, v37  }
0x377: {  	v35 =	vmin.f32 v53, $4.000000000e+00  }
0x378: {  	v56 =	vld [tilespmem:$0x4860];
	(xrf2) =	vadd.scan.msk.f32 $0xffff, v35  }
0x379: {  	v36 =	vmin.f32 v54, $4.000000000e+00  }
0x37a: {  	v57 =	vld [tilespmem:$0x4870];
	(xrf2) =	vadd.scan.msk.f32 $0xffff, v36  }
0x37b: {  	v37 =	vmin.f32 v55, $4.000000000e+00  }
0x37c: {  	v58 =	vld [tilespmem:$0x4880];
	v38, _, _ =	vpop (xrf2);
	(xrf2) =	vadd.scan.msk.f32 $0xffff, v37  }
0x37d: {  	v35 =	vmin.f32 v56, $4.000000000e+00;
	(v2sf) =	vpush v38, $0xF  }
0x37e: {  	v59 =	vld [tilespmem:$0x4890];
	v39, _, _ =	vpop (xrf2);
	(xrf2) =	vadd.scan.msk.f32 $0xffff, v35  }
0x37f: {  	v36 =	vmin.f32 v57, $4.000000000e+00;
	(v2sf) =	vpush v39, $0xF  }
0x380: {  	v60 =	vld [tilespmem:$0x48A0];
	v40, _, _ =	vpop (xrf2);
	(xrf2) =	vadd.scan.msk.f32 $0xffff, v36  }
0x381: {  	v37 =	vmin.f32 v58, $4.000000000e+00;
	(v2sf) =	vpush v40, $0xF  }
0x382: {  	v61 =	vld [tilespmem:$0x48B0];
	v41, _, _ =	vpop (xrf2);
	(xrf2) =	vadd.scan.msk.f32 $0xffff, v37  }
0x383: {  	v35 =	vmin.f32 v59, $4.000000000e+00;
	(v2sf) =	vpush v41, $0xF  }
0x384: {  	v62 =	vld [tilespmem:$0x48C0];
	v42, _, _ =	vpop (xrf2);
	(xrf2) =	vadd.scan.msk.f32 $0xffff, v35  }
0x385: {  	v36 =	vmin.f32 v60, $4.000000000e+00;
	(v2sf) =	vpush v42, $0xF  }
0x386: {  	v54 =	vld [tilespmem:$0x48D0];
	v63, _, _ =	vpop (xrf2);
	(xrf2) =	vadd.scan.msk.f32 $0xffff, v36  }
0x387: {  	v37 =	vmin.f32 v61, $4.000000000e+00;
	(v2sf) =	vpush v63, $0xF  }
0x388: {  	v55 =	vld [tilespmem:$0x48E0];
	v44, _, _ =	vpop (xrf2);
	(xrf2) =	vadd.scan.msk.f32 $0xffff, v37  }
0x389: {  	v35 =	vmin.f32 v62, $4.000000000e+00;
	(v2sf) =	vpush v44, $0xF  }
0x38a: {  	v56 =	vld [tilespmem:$0x48F0];
	v45, _, _ =	vpop (xrf2);
	(xrf2) =	vadd.scan.msk.f32 $0xffff, v35  }
0x38b: {  	v36 =	vmin.f32 v54, $4.000000000e+00;
	(v2sf) =	vpush v45, $0xF  }
0x38c: {  	v57, _, _ =	vpop (xrf2);
	(xrf2) =	vadd.scan.msk.f32 $0xffff, v36;
	s9 =	spop (v2sf)  }
0x38d: {  	v58 =	vmin.f32 v55, $4.000000000e+00;
	(v2sf) =	vpush v57, $0xF;
	s0 =	sadd.f32 $0.0e+00, s9  }
0x38e: {  	v59, _, _ =	vpop (xrf2);
	(xrf2) =	vadd.scan.msk.f32 $0xffff, v58;
	s18 =	spop (v2sf)  }
0x38f: {  	v35 =	vmin.f32 v56, $4.000000000e+00;
	(v2sf) =	vpush v59, $0xF;
	s1 =	sadd.f32 s18, s0  }
0x390: {  	s22 =	spop (v2sf);
	v60, _, _ =	vpop (xrf2);
	(xrf2) =	vadd.scan.msk.f32 $0xffff, v35  }
0x391: {  	s2 =	sadd.f32 s22, s1;
	(v2sf) =	vpush v60, $0xF  }
0x392: {  	s23 =	spop (v2sf);
	v61, _, _ =	vpop (xrf2)  }
0x393: {  	(v2sf) =	vpush v61, $0xF;
	s3 =	sadd.f32 s23, s2  }
0x394: {  	s24 =	spop (v2sf);
	v49, _, _ =	vpop (xrf2)  }
0x395: {  	(v2sf) =	vpush v49, $0xF;
	s4 =	sadd.f32 s24, s3  }
0x396: {  	v50, _, _ =	vpop (xrf2);
	s25 =	spop (v2sf)  }
0x397: {  	(v2sf) =	vpush v50, $0xF;
	s5 =	sadd.f32 s25, s4  }
0x398: {  	v36, _, _ =	vpop (xrf2);
	s26 =	spop (v2sf)  }
0x399: {  	(v2sf) =	vpush v36, $0xF;
	s6 =	sadd.f32 s26, s5  }
0x39a: {  	s28 =	spop (v2sf);
	v35, _, _ =	vpop (xrf2)  }
0x39b: {  	s7 =	sadd.f32 s28, s6;
	(v2sf) =	vpush v35, $0xF  }
0x39c: {  	s29 =	spop (v2sf)  }
0x39d: {  	s31 =	sadd.f32 s29, s7  }
0x39e: {  	s30 =	spop (v2sf)  }
0x39f: {  	s30 =	sadd.f32 s30, s31  }
0x3a0: {  	s9 =	spop (v2sf)  }
0x3a1: {  	(v2sf) =	vpush v38, $0x0;
	s29 =	sadd.f32 s9, s30  }
0x3a2: {  	s18 =	spop (v2sf)  }
0x3a3: {  	s28 =	sadd.f32 s18, s29  }
0x3a4: {  	s22 =	spop (v2sf)  }
0x3a5: {  	s26 =	sadd.f32 s22, s28  }
0x3a6: {  	s23 =	spop (v2sf)  }
0x3a7: {  	s22 =	sadd.f32 s23, s26  }
0x3a8: {  	s24 =	spop (v2sf)  }
0x3a9: {  	s23 =	sadd.f32 s24, s22  }
0x3aa: {  	s25 =	spop (v2sf)  }
0x3ab: {  	s8 =	sadd.f32 s25, s23;
	_ =	sdelay $0x1  }
0x3ac: {  	s8 =	ssub.f32 $2.560000000e+02, s8;
	_ =	sdelay $0x1  }
0x3ad: {  	s24 =	smul.f32 $3.906250000e-03, s8  }
0x3ae: {  	s9 =	spop (v2sf)  }
0x3af: {  	s25 =	sadd.f32 s24, s9;
	_ =	sdelay $0x1  }
0x3b0: {  	s0 =	ssub.f32 s0, s25  }
0x3b1: {  	s9 =	ssub.f32 $2.560000000e+02, s25  }
0x3b2: {  	s1 =	ssub.f32 s1, s25  }
0x3b3: {  	s2 =	ssub.f32 s2, s25  }
0x3b4: {  	s3 =	ssub.f32 s3, s25  }
0x3b5: {  	s4 =	ssub.f32 s4, s25  }
0x3b6: {  	s5 =	ssub.f32 s5, s25  }
0x3b7: {  	s6 =	ssub.f32 s6, s25;
	s9 =	smax.f32 s9, $1.000000010e-07  }
0x3b8: {  	s18 =	smul.f32 $1.700000000e+01, s24;
	s31 =	ssub.f32 s31, s25;
	v62 =	vmov s9  }
0x3b9: {  	s8 =	smul.f32 $3.300000000e+01, s24;
	s26 =	ssub.f32 s26, s25;
	(erf) = vrcp.f32 v62  }
0x3ba: {  	v51 =	vmul.f32 s24, v2;
	s0 =	sadd.f32 s0, s18  }
0x3bb: {  	s18 =	smul.f32 $4.900000000e+01, s24;
	s1 =	sadd.f32 s1, s8  }
0x3bc: {  	v38 =	vadd.f32 v51, v38;
	s8 =	ssub.f32 $0.0e+00, s25  }
0x3bd: {  	v39 =	vadd.f32 v51, v39;
	v40 =	vadd.f32 v51, v40;
	s9 =	smul.f32 $9.700000000e+01, s24;
	s2 =	sadd.f32 s2, s18  }
0x3be: {  	v41 =	vadd.f32 v51, v41;
	v42 =	vadd.f32 v51, v42;
	s8 =	sadd.f32 s8, s24  }
0x3bf: {  	v43 =	vadd.f32 v51, v63;
	v44 =	vadd.f32 v51, v44;
	s5 =	sadd.f32 s5, s9  }
0x3c0: {  	v45 =	vadd.f32 v51, v45;
	v46 =	vadd.f32 v51, v57;
	s18 =	smul.f32 $6.500000000e+01, s24;
	s9 =	ssub.f32 s7, s25  }
0x3c1: {  	v37 =	vadd.f32 v51, v59;
	v47 =	vadd.f32 v51, v60;
	s7 =	ssub.f32 s29, s25  }
0x3c2: {  	v48 =	vadd.f32 v51, v61;
	v39 =	vadd.f32 s0, v39;
	s3 =	sadd.f32 s3, s18;
	s18 =	smul.f32 $8.100000000e+01, s24;
	v63 =	vpop (erf)  }
0x3c3: {  	v40 =	vadd.f32 s1, v40;
	s29 =	ssub.f32 s22, s25;
	v38 =	vadd.f32 s8, v38;
	s8 =	smul.f32 $1.290000000e+02, s24;
	v52 =	vmul.f32 $2.550000000e+02, v63  }
0x3c4: {  	v62 =	vadd.f32 v51, v49;
	v49 =	vadd.f32 v51, v50;
	s4 =	sadd.f32 s4, s18;
	s18 =	smul.f32 $1.130000000e+02, s24  }
0x3c5: {  	v41 =	vadd.f32 s2, v41;
	v44 =	vadd.f32 s5, v44;
	s1 =	sadd.f32 s9, s8;
	v38 =	vmul.f32 v52, v38  }
0x3c6: {  	v42 =	vadd.f32 s3, v42;
	s0 =	sadd.f32 s6, s18;
	s18 =	smul.f32 $1.450000000e+02, s24;
	v39 =	vmul.f32 v52, v39;
	v40 =	vmul.f32 v52, v40  }
0x3c7: {  	s5 =	ssub.f32 s30, s25;
	v43 =	vadd.f32 s4, v43;
	s6 =	smul.f32 $1.770000000e+02, s24;
	v41 =	vmul.f32 v52, v41;
	v38 =	vmul.f32 v38, v3  }
0x3c8: {  	s4 =	smul.f32 $1.610000000e+02, s24;
	v46 =	vadd.f32 s1, v46;
	s3 =	sadd.f32 s31, s18;
	v55 =	vmul.f32 v52, v42;
	v39 =	vmul.f32 v39, v4  }
0x3c9: {  	v45 =	vadd.f32 s0, v45;
	s1 =	sadd.f32 s7, s6;
	v58 =	vmul.f32 v52, v43;
	v54 =	vmul.f32 v40, v5;
	[tilespmem:$0x4700] =	vst v38  }
0x3ca: {  	s0 =	sadd.f32 s5, s4;
	s18 =	smul.f32 $2.090000000e+02, s24;
	v37 =	vadd.f32 s3, v37;
	v61 =	vmul.f32 v52, v44;
	v57 =	vmul.f32 v41, v6;
	[tilespmem:$0x4710] =	vst v39  }
0x3cb: {  	s8 =	smul.f32 $1.930000000e+02, s24;
	s9 =	ssub.f32 s28, s25;
	v59 =	vadd.f32 s1, v48;
	v48 =	vmul.f32 v52, v45;
	v60 =	vmul.f32 v55, v7;
	[tilespmem:$0x4720] =	vst v54  }
0x3cc: {  	v56 =	vadd.f32 s0, v47;
	s1 =	sadd.f32 s26, s18;
	v53 =	vmul.f32 v52, v46;
	v63 =	vmul.f32 v58, v8;
	[tilespmem:$0x4730] =	vst v57  }
0x3cd: {  	s28 =	smul.f32 $2.250000000e+02, s24;
	s0 =	sadd.f32 s9, s8;
	v37 =	vmul.f32 v52, v37;
	v50 =	vmul.f32 v61, v9;
	[tilespmem:$0x4740] =	vst v60  }
0x3ce: {  	s30 =	ssub.f32 s23, s25;
	s31 =	smul.f32 $2.410000000e+02, s24;
	v45 =	vadd.f32 s1, v49;
	v56 =	vmul.f32 v52, v56;
	v55 =	vmul.f32 v53, v11;
	[tilespmem:$0x4750] =	vst v63  }
0x3cf: {  	v36 =	vadd.f32 v51, v36;
	v44 =	vadd.f32 s0, v62;
	s0 =	sadd.f32 s29, s28;
	v37 =	vmul.f32 v37, v12;
	[tilespmem:$0x4760] =	vst v50  }
0x3d0: {  	v35 =	vadd.f32 v51, v35;
	s1 =	sadd.f32 s30, s31;
	v58 =	vmul.f32 v56, v13;
	v61 =	vmul.f32 v52, v45;
	[tilespmem:$0x4780] =	vst v55  }
0x3d1: {  	v36 =	vadd.f32 s0, v36;
	v54 =	vmul.f32 v48, v10;
	v57 =	vmul.f32 v52, v59;
	[tilespmem:$0x4790] =	vst v37  }
0x3d2: {  	v35 =	vadd.f32 s1, v35;
	v59 =	vmul.f32 v52, v44;
	[tilespmem:$0x47A0] =	vst v58;
	v63 =	vmul.f32 v61, v16  }
0x3d3: {  	v36 =	vmul.f32 v52, v36;
	[tilespmem:$0x4770] =	vst v54;
	v60 =	vmul.f32 v57, v14  }
0x3d4: {  	v35 =	vmul.f32 v52, v35;
	v62 =	vmul.f32 v59, v15;
	[tilespmem:$0x47D0] =	vst v63  }
0x3d5: {  	v36 =	vmul.f32 v36, v17;
	[tilespmem:$0x47B0] =	vst v60  }
0x3d6: {  	v35 =	vmul.f32 v35, v18;
	[tilespmem:$0x47C0] =	vst v62  }
0x3d7: {  	[tilespmem:$0x47E0] =	vst v36  }
0x3d8: {  	[tilespmem:$0x47F0] =	vst v35  }
0x3d9: {  	v19 =	vld.idx.msk [tilespmem:v19+s17+$0x0], $0xffff;
	_ =	sdelay $0x4  }
0x3da: {  	[tilespmem:s21+$0x2230] =	vst v19  }
0x3db: {  	v19 =	vld.idx.msk [tilespmem:v20+s17+$0x0], $0xffff;
	_ =	sdelay $0x4  }
0x3dc: {  	[tilespmem:s21+$0x2430] =	vst v19  }
0x3dd: {  	v19 =	vld.idx.msk [tilespmem:v21+s17+$0x0], $0xffff;
	_ =	sdelay $0x4  }
0x3de: {  	[tilespmem:s21+$0x2630] =	vst v19  }
0x3df: {  	v19 =	vld.idx.msk [tilespmem:v22+s17+$0x0], $0xffff;
	_ =	sdelay $0x4  }
0x3e0: {  	[tilespmem:s21+$0x2830] =	vst v19  }
0x3e1: {  	v19 =	vld.idx.msk [tilespmem:v23+s17+$0x0], $0xffff;
	_ =	sdelay $0x4  }
0x3e2: {  	[tilespmem:s21+$0x2A30] =	vst v19  }
0x3e3: {  	v19 =	vld.idx.msk [tilespmem:v24+s17+$0x0], $0xffff;
	_ =	sdelay $0x4  }
0x3e4: {  	[tilespmem:s21+$0x2C30] =	vst v19  }
0x3e5: {  	v19 =	vld.idx.msk [tilespmem:v25+s17+$0x0], $0xffff;
	_ =	sdelay $0x4  }
0x3e6: {  	[tilespmem:s21+$0x2E30] =	vst v19  }
0x3e7: {  	v19 =	vld.idx.msk [tilespmem:v26+s17+$0x0], $0xffff;
	_ =	sdelay $0x4  }
0x3e8: {  	[tilespmem:s21+$0x3030] =	vst v19  }
0x3e9: {  	v19 =	vld.idx.msk [tilespmem:v27+s17+$0x0], $0xffff;
	_ =	sdelay $0x4  }
0x3ea: {  	[tilespmem:s21+$0x3230] =	vst v19  }
0x3eb: {  	v19 =	vld.idx.msk [tilespmem:v28+s17+$0x0], $0xffff;
	_ =	sdelay $0x4  }
0x3ec: {  	[tilespmem:s21+$0x3430] =	vst v19  }
0x3ed: {  	v19 =	vld.idx.msk [tilespmem:v29+s17+$0x0], $0xffff;
	_ =	sdelay $0x4  }
0x3ee: {  	[tilespmem:s21+$0x3630] =	vst v19  }
0x3ef: {  	v19 =	vld.idx.msk [tilespmem:v30+s17+$0x0], $0xffff;
	_ =	sdelay $0x4  }
0x3f0: {  	[tilespmem:s21+$0x3830] =	vst v19  }
0x3f1: {  	v19 =	vld.idx.msk [tilespmem:v31+s17+$0x0], $0xffff;
	_ =	sdelay $0x4  }
0x3f2: {  	[tilespmem:s21+$0x3A30] =	vst v19  }
0x3f3: {  	v19 =	vld.idx.msk [tilespmem:v32+s17+$0x0], $0xffff;
	_ =	sdelay $0x4  }
0x3f4: {  	[tilespmem:s21+$0x3C30] =	vst v19  }
0x3f5: {  	v19 =	vld.idx.msk [tilespmem:v33+s17+$0x0], $0xffff;
	_ =	sdelay $0x4  }
0x3f6: {  	[tilespmem:s21+$0x3E30] =	vst v19  }
0x3f7: {  	p0 =	sne.s32 s20, $0xFFFFFF00;
	v19 =	vld.idx.msk [tilespmem:v34+s17+$0x0], $0xffff  }
.Ltmp0:
0x3f8: {  	_ = 	snop;
	(pc) =	sbr.rel @p0 .LBB2_2-.Ltmp0, $2  }
0x3f9: {  	_ =	sdelay $0x2  }
0x3fa: {  	s20 =	sadd.s32 $0x100, s20;
	[tilespmem:s21+$0x4030] =	vst v19  }
0x3fb: {  	s1 =	simm.s32 $0x0  }
0x3fc: {  	s0 =	rddreg [dreg:$0x5];
	s2 =	simm.s32 $0x2000;
	s3 =	simm.s32 $0x2  }
0x3fd: {  	[hbm4b:s0+s1] =	stream.linear.scatter [tilespmem:s2], [sflag:$0x2], $0x2000, $0x38;
	[tilespmem:$0x4900] =	vst v63  }
0x3fe: {  	_ =	swait.ge [sflag:s3], $0x2000  }
0x3ff: {  	s19 =	sadd.s32 $0x1, s19;
	s31 =	rddreg [dreg:$0x6]  }
0x400: {  	p0 =	sne.s32 s19, s31  }
.Ltmp1:
0x401: {  	_ = 	snop;
	(pc) =	sbr.rel @p0 .LBB2_1-.Ltmp1, $3  }
0x402: {  	_ =	sdelay $0x1  }
0x403: {  	[sflag:s3] =	ssyncset.done $0x0  }
0x404: {  	[sflag:s3] =	ssyncadd.s32 $0xFFFFE000  }
0x405: {  	_ =	sfence.sel $0x180000  }
0x406: {  	[bflag:$0x0] =	sbarrier.arrive $0xFFFF  }
0x407: {  	_ =	strace $0x90000047  }
0x408: {  	s0 =	stileid.u32;
	[bflag:$0x2] =	sbarrier.arrive $0xFFFF  }
0x409: {  	p0 =	sne.s32 s0, $0x0;
	s0 =	rddreg [dreg:$0x3]  }
0x40a: {  	s0 =	sadd.s32 @!p0 $0x100000, s0  }
0x40b: {  	[sflag:s0] =	ssyncadd.tile.s32 @!p0 $0x1;
	_ =	shalt  }
.Lfunc_end2:
_tile_overlayer_lowered:
.L_overlay_start_2:
0x40c: {  	(tag) =	ssettag $0x2  }
0x40d: {  	s0 =	rddreg [dreg:$0x0];
	s2 =	stileid.u32  }
0x40e: {  	s1 =	rddreg [dreg:$0x1];
	p0 =	sne.s32 s2, $0x0  }
0x40f: {  	s3 =	rddreg [dreg:$0x2];
	[bflag:$0x3] =	sbarrier.arrive $0xFFFF;
	s2 =	simm.s32 @!p0 $0x1C02  }
0x410: {  	[timem:s3], [sflag:s2] =	dma.local @!p0 [hbm:s0], s1  }
0x411: {  	s0 =	simm.s32 @!p0 $0x2  }
0x412: {  	_ =	swait.ge @!p0 [sflag:s0], s1  }
0x413: {  	s1 =	ssub.s32 @!p0 $0x0, s1;
	[sflag:s0] =	ssyncset.done @!p0 $0x0  }
0x414: {  	[sflag:s0] =	ssyncadd.s32 @!p0 s1  }
0x415: {  	[bflag:$0x3] =	sbarrier.arrive $0xFFFF  }
0x416: {  	_ =	shalt  }

</sc_bundles>
